<compile_context>
chip_gen: v7x
topology: tpu7x:2x2x1
jax: 0.10.2.dev20260603
libtpu: 0.0.44.dev20260713+nightly
codegen_flags: <defaults>
</compile_context>

<pallas_src>
import functools

import jax
import jax.numpy as jnp
from jax import lax
from jax.experimental import pallas as pl
from jax.experimental.pallas import tpu as pltpu
from jax.experimental.pallas import tpu_sc as plsc

B, L, E, DIN, DM = 1024, 16, 8, 900, 768
EPS = 1e-9
TS = 32
NT = (2 * B + E * (TS - 1)) // TS + 1
P = NT * TS
A = 2 * B
OROWS = 2 * (B + 1)
CH = 8


def _routing_body(logits_ref, masks_ref, gates_ref, pos_ref, te_ref, na_ref):
    logits = logits_ref[...]
    mask = jnp.where(masks_ref[...] == 1.0, 1.0, 0.0)
    m = jnp.max(logits, axis=1, keepdims=True)
    ex = jnp.exp(logits - m)
    probs = ex / jnp.sum(ex, axis=1, keepdims=True)
    g = probs * mask
    lane = lax.broadcasted_iota(jnp.int32, (B, E), 1)
    m1 = jnp.max(g, axis=1, keepdims=True)
    i1 = jnp.min(jnp.where(g == m1, lane, E), axis=1, keepdims=True)
    g_wo = jnp.where(lane == i1, -jnp.inf, g)
    m2 = jnp.max(g_wo, axis=1, keepdims=True)
    i2 = jnp.min(jnp.where(g_wo == m2, lane, E), axis=1, keepdims=True)
    denom = m1 + m2 + EPS
    gates_ref[...] = jnp.concatenate([m1, m2], axis=1) / denom

    sel1 = lane == i1
    sel2 = lane == i2
    assign = jnp.where(sel1 | sel2, 1.0, 0.0)
    row = lax.broadcasted_iota(jnp.int32, (B, B), 0)
    col = lax.broadcasted_iota(jnp.int32, (B, B), 1)
    tlow = jnp.where(row > col, 1.0, 0.0)
    ranks = jnp.dot(tlow, assign, preferred_element_type=jnp.float32)
    counts = jnp.sum(assign, axis=0, keepdims=True)
    tiles_e = jnp.floor((counts + (TS - 1)) / TS)
    r8 = lax.broadcasted_iota(jnp.int32, (E, E), 0)
    c8 = lax.broadcasted_iota(jnp.int32, (E, E), 1)
    incl = jnp.dot(tiles_e, jnp.where(r8 <= c8, 1.0, 0.0),
                   preferred_element_type=jnp.float32)
    excl = incl - tiles_e
    pos_dense = TS * excl + ranks
    pos1 = jnp.sum(jnp.where(sel1, pos_dense, 0.0), axis=1, keepdims=True)
    pos2 = jnp.sum(jnp.where(sel2, pos_dense, 0.0), axis=1, keepdims=True)
    pos_ref[...] = jnp.concatenate([pos1, pos2], axis=1).astype(jnp.int32)

    tt = lax.broadcasted_iota(jnp.int32, (NT, E), 0).astype(jnp.float32)
    te = jnp.sum(jnp.where(jnp.broadcast_to(incl, (NT, E)) <= tt, 1.0, 0.0),
                 axis=1, keepdims=True)
    te_ref[...] = jnp.minimum(te, E - 1).astype(jnp.int32)
    na_ref[...] = incl[:, E - 1:E].astype(jnp.int32)


def _routing(logits, moe_masks):
    return pl.pallas_call(
        _routing_body,
        out_shape=(
            jax.ShapeDtypeStruct((B, 2), jnp.float32),
            jax.ShapeDtypeStruct((B, 2), jnp.int32),
            jax.ShapeDtypeStruct((NT, 1), jnp.int32),
            jax.ShapeDtypeStruct((1, 1), jnp.int32),
        ),
    )(logits, moe_masks)


def _scatter_body(pos_hbm, rs_hbm, pos_v, rs_v, sem):
    pltpu.async_copy(pos_hbm, pos_v, sem).wait()
    zero = jnp.zeros((16,), jnp.int32)
    for i in range(P // 16):
        rs_v[pl.ds(i * 16, 16)] = zero
    for i in range(A // 16):
        idx = pos_v[pl.ds(i * 16, 16)]
        a = i * 16 + lax.iota(jnp.int32, 16)
        plsc.store_scatter(rs_v, [idx], a >> 1)
    nsub = 32
    wid = lax.axis_index("s") * 2 + lax.axis_index("c")
    per = P // nsub
    base = wid * per
    pltpu.sync_copy(rs_v.at[pl.ds(base, per)], rs_hbm.at[pl.ds(base, per)])


def _scatter(pos_flat):
    mesh = plsc.VectorSubcoreMesh(core_axis_name="c", subcore_axis_name="s")
    fn = functools.partial(
        pl.kernel,
        out_type=jax.ShapeDtypeStruct((P,), jnp.int32),
        mesh=mesh,
        scratch_types=[
            pltpu.VMEM((A,), jnp.int32),
            pltpu.VMEM((P,), jnp.int32),
            pltpu.SemaphoreType.DMA,
        ],
        compiler_params=pltpu.CompilerParams(needs_layout_passes=False),
    )(_scatter_body)
    return fn(pos_flat)


def _mm_body(rs_ref, te_ref, pos_ref, na_ref, x_ref, w_ref, b_ref, g_ref,
             out_ref, xbuf, yv, stage, sems, osem):
    t = pl.program_id(0)
    na = na_ref[0]

    def issue(tile, buf):
        for j in range(TS):
            pltpu.make_async_copy(
                x_ref.at[rs_ref[tile * TS + j]],
                xbuf.at[buf, j],
                sems.at[buf],
            ).start()

    def drain(buf):
        pltpu.make_async_copy(
            x_ref.at[pl.ds(0, TS)], xbuf.at[buf], sems.at[buf]).wait()

    @pl.when(t == 0)
    def _():
        issue(0, 0)

    @pl.when(t + 1 < na)
    def _():
        issue(t + 1, (t + 1) % 2)

    @pl.when(t < na)
    def _():
        drain(t % 2)
        x = xbuf[t % 2].reshape(TS * L, DIN)
        e = te_ref[t]
        y = jnp.dot(x, w_ref[0], preferred_element_type=jnp.float32)
        yv[pl.ds(t * TS * L, TS * L), :] = (y + b_ref[e][None, :]).astype(
            jnp.bfloat16)

    @pl.when(t == NT - 1)
    def _():
        nch = B // CH

        def chunk(c, carry):
            sb = c % 2

            @pl.when(c >= 2)
            def _():
                pltpu.make_async_copy(
                    stage.at[sb],
                    out_ref.at[pl.ds((c - 2) * CH * L, CH * L)],
                    osem.at[sb],
                ).wait()

            for j in range(CH):
                s = c * CH + j
                p1 = pos_ref[2 * s]
                p2 = pos_ref[2 * s + 1]
                y1 = yv[pl.ds(p1 * L, L), :].astype(jnp.float32)
                y2 = yv[pl.ds(p2 * L, L), :].astype(jnp.float32)
                o = g_ref[s, 0] * y1 + g_ref[s, 1] * y2
                stage[sb, j * L:(j + 1) * L, :] = o.astype(jnp.bfloat16)
            pltpu.make_async_copy(
                stage.at[sb], out_ref.at[pl.ds(c * CH * L, CH * L)],
                osem.at[sb],
            ).start()
            return carry

        lax.fori_loop(0, nch, chunk, 0)
        for cc in range(nch - 2, nch):
            pltpu.make_async_copy(
                stage.at[cc % 2], out_ref.at[pl.ds(cc * CH * L, CH * L)],
                osem.at[cc % 2],
            ).wait()


def _moe(x, W, b, row_sample, tile_expert, pos_flat, nact, gates):
    grid_spec = pltpu.PrefetchScalarGridSpec(
        num_scalar_prefetch=4,
        grid=(NT,),
        in_specs=[
            pl.BlockSpec(memory_space=pl.ANY),
            pl.BlockSpec((1, DIN, DM),
                         lambda t, rs, te, pf, na: (te[t], 0, 0)),
            pl.BlockSpec((E, DM), lambda t, rs, te, pf, na: (0, 0)),
            pl.BlockSpec(memory_space=pltpu.SMEM),
        ],
        out_specs=pl.BlockSpec(memory_space=pl.ANY),
        scratch_shapes=[
            pltpu.VMEM((2, TS, L, DIN), jnp.bfloat16),
            pltpu.VMEM((NT * TS * L, DM), jnp.bfloat16),
            pltpu.VMEM((2, CH * L, DM), jnp.bfloat16),
            pltpu.SemaphoreType.DMA((2,)),
            pltpu.SemaphoreType.DMA((2,)),
        ],
    )
    out = pl.pallas_call(
        _mm_body,
        grid_spec=grid_spec,
        out_shape=jax.ShapeDtypeStruct((B * L, DM), jnp.bfloat16),
        compiler_params=pltpu.CompilerParams(
            vmem_limit_bytes=100 * 1024 * 1024),
    )(row_sample, tile_expert, pos_flat, nact, x.astype(jnp.bfloat16),
      W.astype(jnp.bfloat16), b, gates)
    return out.reshape(B, L, DM)


def kernel(cycle_curve_data, logits, moe_masks, W, b):
    gates, pos, tile_expert, nact = _routing(logits, moe_masks)
    row_sample = _scatter(pos.reshape(A))
    return _moe(cycle_curve_data, W, b, row_sample, tile_expert.reshape(NT),
                pos.reshape(A), nact.reshape(1), gates)

# --- scband reference (transcript-rebuilt; emitter-appended) ---
"""Pipeline reference for scband-model-79310866088198 (READ-ONLY COPY).

The authoritative reference and input builder live on the scoring server;
editing this copy changes nothing except your own understanding.
"""

import jax, jax.numpy as jnp
import numpy as np

B, L, E, DIN, DM = 1024, 16, 8, 900, 768
TOP_K = 2
EPS = 1e-9

def setup_inputs(seed: int = 0) -> dict:
    key = jax.random.key(seed)
    ks = jax.random.split(key, 4)
    cycle_curve_data = jax.random.normal(ks[0], (B, L, DIN), dtype=jnp.float32)
    logits = jax.random.normal(ks[1], (B, E), dtype=jnp.float32)
    moe_masks = jnp.ones((B, E), dtype=jnp.float32)
    W = jax.random.normal(ks[2], (E, DIN, DM), dtype=jnp.float32) * (1.0 / np.sqrt(DIN))
    b = jax.random.normal(ks[3], (E, DM), dtype=jnp.float32) * 0.01
    return {"cycle_curve_data": cycle_curve_data, "logits": logits, "moe_masks": moe_masks, "W": W, "b": b}

def reference(cycle_curve_data, logits, moe_masks, W, b):
    # mask = where(moe_masks == 1, 1, 0)
    mask = jnp.where(moe_masks == 1, jnp.ones_like(logits), jnp.zeros_like(logits))
    # softmax over experts
    probs = jax.nn.softmax(logits, axis=1)
    g = probs * mask
    # top-k masking (top_k > 0)
    _, topi = jax.lax.top_k(g, TOP_K)
    top_mask = jnp.sum(jax.nn.one_hot(topi, g.shape[1], dtype=g.dtype), axis=1)
    top_mask = jnp.where(top_mask > 0, jnp.ones_like(g), jnp.zeros_like(g))
    g = g * top_mask
    # renormalize gates
    de_norm = jnp.sum(g, axis=1) + EPS
    g = g / de_norm[:, None]
    # dispatch per-sample to experts, apply Linear(900 -> 768), combine weighted by gates.
    # Dense-equivalent math: gates are exactly zero outside the selected top-k experts,
    # so weighted sum over all experts equals the sparse dispatch/combine.
    y = jnp.einsum('bli,eio->eblo', cycle_curve_data, W) + b[:, None, None, :]
    out = jnp.einsum('eblo,be->blo', y, g)
    final_out = out.astype(jnp.bfloat16)
    return final_out

if __name__ == "__main__":
    import jax
    _d = setup_inputs()
    print(jax.jit(kernel)(*tuple(_d.values())))

</pallas_src>

<mosaic_0001>
#map = affine_map<(d0, d1) -> (0)>
module attributes {stable_mosaic.version = 14 : i64} {
  func.func @_scatter_body(%arg0: i32, %arg1: i32, %arg2: memref<2048xi32, #tpu.memory_space<hbm>>, %arg3: memref<2304xi32, #tpu.memory_space<hbm>>, %arg4: memref<2048xi32, #tpu.memory_space<vmem>>, %arg5: memref<2304xi32, #tpu.memory_space<vmem>>, %arg6: memref<!tpu.dma_semaphore, #tpu.memory_space<semaphore_mem>>) attributes {dimension_semantics = [#tpu.dimension_semantics<core_parallel>, #tpu.dimension_semantics<subcore_parallel>], iteration_bounds = array<i64: 2, 16>, scalar_prefetch = 0 : i64, scratch_operands = 3 : i64, tpu.core_type = #tpu.core_type<sc_vector_subcore>, window_params = [{transform_indices = #map}, {transform_indices = #map}]} {
    tpu.enqueue_dma source(%arg2 : memref<2048xi32, #tpu.memory_space<hbm>>) target(%arg4 : memref<2048xi32, #tpu.memory_space<vmem>>) target_semaphore(%arg6 : memref<!tpu.dma_semaphore, #tpu.memory_space<semaphore_mem>>)
    tpu.wait_dma2 semaphore(%arg6 : memref<!tpu.dma_semaphore, #tpu.memory_space<semaphore_mem>>) src(%arg2 : memref<2048xi32, #tpu.memory_space<hbm>>) dst(%arg4 : memref<2048xi32, #tpu.memory_space<vmem>>)
    %broadcast_in_dim3A = arith.constant 0 : i32
    %broadcast_in_dim3A_0 = vector.broadcast %broadcast_in_dim3A : i32 to vector<16xi32>
    %swap3A = arith.constant 0 : index
    %swap3A_1 = tpu.vector_load %arg5[%swap3A] {strides = array<i32>} : memref<2304xi32, #tpu.memory_space<vmem>>, vector<16xi32>,
    tpu.vector_store %arg5[%swap3A], %broadcast_in_dim3A_0 {strides = array<i32>} : memref<2304xi32, #tpu.memory_space<vmem>>, vector<16xi32>,
    %swap3A_2 = arith.constant 16 : index
    %swap3A_3 = tpu.vector_load %arg5[%swap3A_2] {strides = array<i32>} : memref<2304xi32, #tpu.memory_space<vmem>>, vector<16xi32>,
    tpu.vector_store %arg5[%swap3A_2], %broadcast_in_dim3A_0 {strides = array<i32>} : memref<2304xi32, #tpu.memory_space<vmem>>, vector<16xi32>,
    %swap3A_4 = arith.constant 32 : index
    %swap3A_5 = tpu.vector_load %arg5[%swap3A_4] {strides = array<i32>} : memref<2304xi32, #tpu.memory_space<vmem>>, vector<16xi32>,
    tpu.vector_store %arg5[%swap3A_4], %broadcast_in_dim3A_0 {strides = array<i32>} : memref<2304xi32, #tpu.memory_space<vmem>>, vector<16xi32>,
    %swap3A_6 = arith.constant 48 : index
    %swap3A_7 = tpu.vector_load %arg5[%swap3A_6] {strides = array<i32>} : memref<2304xi32, #tpu.memory_space<vmem>>, vector<16xi32>,
    tpu.vector_store %arg5[%swap3A_6], %broadcast_in_dim3A_0 {strides = array<i32>} : memref<2304xi32, #tpu.memory_space<vmem>>, vector<16xi32>,
    %swap3A_8 = arith.constant 64 : index
    %swap3A_9 = tpu.vector_load %arg5[%swap3A_8] {strides = array<i32>} : memref<2304xi32, #tpu.memory_space<vmem>>, vector<16xi32>,
    tpu.vector_store %arg5[%swap3A_8], %broadcast_in_dim3A_0 {strides = array<i32>} : memref<2304xi32, #tpu.memory_space<vmem>>, vector<16xi32>,
    %swap3A_10 = arith.constant 80 : index
    %swap3A_11 = tpu.vector_load %arg5[%swap3A_10] {strides = array<i32>} : memref<2304xi32, #tpu.memory_space<vmem>>, vector<16xi32>,
    tpu.vector_store %arg5[%swap3A_10], %broadcast_in_dim3A_0 {strides = array<i32>} : memref<2304xi32, #tpu.memory_space<vmem>>, vector<16xi32>,
    %swap3A_12 = arith.constant 96 : index
    %swap3A_13 = tpu.vector_load %arg5[%swap3A_12] {strides = array<i32>} : memref<2304xi32, #tpu.memory_space<vmem>>, vector<16xi32>,
    tpu.vector_store %arg5[%swap3A_12], %broadcast_in_dim3A_0 {strides = array<i32>} : memref<2304xi32, #tpu.memory_space<vmem>>, vector<16xi32>,
    %swap3A_14 = arith.constant 112 : index
    %swap3A_15 = tpu.vector_load %arg5[%swap3A_14] {strides = array<i32>} : memref<2304xi32, #tpu.memory_space<vmem>>, vector<16xi32>,
    tpu.vector_store %arg5[%swap3A_14], %broadcast_in_dim3A_0 {strides = array<i32>} : memref<2304xi32, #tpu.memory_space<vmem>>, vector<16xi32>,
    %swap3A_16 = arith.constant 128 : index
    %swap3A_17 = tpu.vector_load %arg5[%swap3A_16] {strides = array<i32>} : memref<2304xi32, #tpu.memory_space<vmem>>, vector<16xi32>,
    tpu.vector_store %arg5[%swap3A_16], %broadcast_in_dim3A_0 {strides = array<i32>} : memref<2304xi32, #tpu.memory_space<vmem>>, vector<16xi32>,
    %swap3A_18 = arith.constant 144 : index
    %swap3A_19 = tpu.vector_load %arg5[%swap3A_18] {strides = array<i32>} : memref<2304xi32, #tpu.memory_space<vmem>>, vector<16xi32>,
    tpu.vector_store %arg5[%swap3A_18], %broadcast_in_dim3A_0 {strides = array<i32>} : memref<2304xi32, #tpu.memory_space<vmem>>, vector<16xi32>,
    %swap3A_20 = arith.constant 160 : index
    %swap3A_21 = tpu.vector_load %arg5[%swap3A_20] {strides = array<i32>} : memref<2304xi32, #tpu.memory_space<vmem>>, vector<16xi32>,
    tpu.vector_store %arg5[%swap3A_20], %broadcast_in_dim3A_0 {strides = array<i32>} : memref<2304xi32, #tpu.memory_space<vmem>>, vector<16xi32>,
    %swap3A_22 = arith.constant 176 : index
    %swap3A_23 = tpu.vector_load %arg5[%swap3A_22] {strides = array<i32>} : memref<2304xi32, #tpu.memory_space<vmem>>, vector<16xi32>,
    tpu.vector_store %arg5[%swap3A_22], %broadcast_in_dim3A_0 {strides = array<i32>} : memref<2304xi32, #tpu.memory_space<vmem>>, vector<16xi32>,
    %swap3A_24 = arith.constant 192 : index
    %swap3A_25 = tpu.vector_load %arg5[%swap3A_24] {strides = array<i32>} : memref<2304xi32, #tpu.memory_space<vmem>>, vector<16xi32>,
    tpu.vector_store %arg5[%swap3A_24], %broadcast_in_dim3A_0 {strides = array<i32>} : memref<2304xi32, #tpu.memory_space<vmem>>, vector<16xi32>,
    %swap3A_26 = arith.constant 208 : index
    %swap3A_27 = tpu.vector_load %arg5[%swap3A_26] {strides = array<i32>} : memref<2304xi32, #tpu.memory_space<vmem>>, vector<16xi32>,
    tpu.vector_store %arg5[%swap3A_26], %broadcast_in_dim3A_0 {strides = array<i32>} : memref<2304xi32, #tpu.memory_space<vmem>>, vector<16xi32>,
    %swap3A_28 = arith.constant 224 : index
    %swap3A_29 = tpu.vector_load %arg5[%swap3A_28] {strides = array<i32>} : memref<2304xi32, #tpu.memory_space<vmem>>, vector<16xi32>,
    tpu.vector_store %arg5[%swap3A_28], %broadcast_in_dim3A_0 {strides = array<i32>} : memref<2304xi32, #tpu.memory_space<vmem>>, vector<16xi32>,
    %swap3A_30 = arith.constant 240 : index
    %swap3A_31 = tpu.vector_load %arg5[%swap3A_30] {strides = array<i32>} : memref<2304xi32, #tpu.memory_space<vmem>>, vector<16xi32>,
    tpu.vector_store %arg5[%swap3A_30], %broadcast_in_dim3A_0 {strides = array<i32>} : memref<2304xi32, #tpu.memory_space<vmem>>, vector<16xi32>,
    %swap3A_32 = arith.constant 256 : index
    %swap3A_33 = tpu.vector_load %arg5[%swap3A_32] {strides = array<i32>} : memref<2304xi32, #tpu.memory_space<vmem>>, vector<16xi32>,
    tpu.vector_store %arg5[%swap3A_32], %broadcast_in_dim3A_0 {strides = array<i32>} : memref<2304xi32, #tpu.memory_space<vmem>>, vector<16xi32>,
    %swap3A_34 = arith.constant 272 : index
    %swap3A_35 = tpu.vector_load %arg5[%swap3A_34] {strides = array<i32>} : memref<2304xi32, #tpu.memory_space<vmem>>, vector<16xi32>,
    tpu.vector_store %arg5[%swap3A_34], %broadcast_in_dim3A_0 {strides = array<i32>} : memref<2304xi32, #tpu.memory_space<vmem>>, vector<16xi32>,
    %swap3A_36 = arith.constant 288 : index
    %swap3A_37 = tpu.vector_load %arg5[%swap3A_36] {strides = array<i32>} : memref<2304xi32, #tpu.memory_space<vmem>>, vector<16xi32>,
    tpu.vector_store %arg5[%swap3A_36], %broadcast_in_dim3A_0 {strides = array<i32>} : memref<2304xi32, #tpu.memory_space<vmem>>, vector<16xi32>,
    %swap3A_38 = arith.constant 304 : index
    %swap3A_39 = tpu.vector_load %arg5[%swap3A_38] {strides = array<i32>} : memref<2304xi32, #tpu.memory_space<vmem>>, vector<16xi32>,
    tpu.vector_store %arg5[%swap3A_38], %broadcast_in_dim3A_0 {strides = array<i32>} : memref<2304xi32, #tpu.memory_space<vmem>>, vector<16xi32>,
    %swap3A_40 = arith.constant 320 : index
    %swap3A_41 = tpu.vector_load %arg5[%swap3A_40] {strides = array<i32>} : memref<2304xi32, #tpu.memory_space<vmem>>, vector<16xi32>,
    tpu.vector_store %arg5[%swap3A_40], %broadcast_in_dim3A_0 {strides = array<i32>} : memref<2304xi32, #tpu.memory_space<vmem>>, vector<16xi32>,
    %swap3A_42 = arith.constant 336 : index
    %swap3A_43 = tpu.vector_load %arg5[%swap3A_42] {strides = array<i32>} : memref<2304xi32, #tpu.memory_space<vmem>>, vector<16xi32>,
    tpu.vector_store %arg5[%swap3A_42], %broadcast_in_dim3A_0 {strides = array<i32>} : memref<2304xi32, #tpu.memory_space<vmem>>, vector<16xi32>,
    %swap3A_44 = arith.constant 352 : index
    %swap3A_45 = tpu.vector_load %arg5[%swap3A_44] {strides = array<i32>} : memref<2304xi32, #tpu.memory_space<vmem>>, vector<16xi32>,
    tpu.vector_store %arg5[%swap3A_44], %broadcast_in_dim3A_0 {strides = array<i32>} : memref<2304xi32, #tpu.memory_space<vmem>>, vector<16xi32>,
    %swap3A_46 = arith.constant 368 : index
    %swap3A_47 = tpu.vector_load %arg5[%swap3A_46] {strides = array<i32>} : memref<2304xi32, #tpu.memory_space<vmem>>, vector<16xi32>,
    tpu.vector_store %arg5[%swap3A_46], %broadcast_in_dim3A_0 {strides = array<i32>} : memref<2304xi32, #tpu.memory_space<vmem>>, vector<16xi32>,
    %swap3A_48 = arith.constant 384 : index
    %swap3A_49 = tpu.vector_load %arg5[%swap3A_48] {strides = array<i32>} : memref<2304xi32, #tpu.memory_space<vmem>>, vector<16xi32>,
    tpu.vector_store %arg5[%swap3A_48], %broadcast_in_dim3A_0 {strides = array<i32>} : memref<2304xi32, #tpu.memory_space<vmem>>, vector<16xi32>,
    %swap3A_50 = arith.constant 400 : index
    %swap3A_51 = tpu.vector_load %arg5[%swap3A_50] {strides = array<i32>} : memref<2304xi32, #tpu.memory_space<vmem>>, vector<16xi32>,
    tpu.vector_store %arg5[%swap3A_50], %broadcast_in_dim3A_0 {strides = array<i32>} : memref<2304xi32, #tpu.memory_space<vmem>>, vector<16xi32>,
    %swap3A_52 = arith.constant 416 : index
    %swap3A_53 = tpu.vector_load %arg5[%swap3A_52] {strides = array<i32>} : memref<2304xi32, #tpu.memory_space<vmem>>, vector<16xi32>,
    tpu.vector_store %arg5[%swap3A_52], %broadcast_in_dim3A_0 {strides = array<i32>} : memref<2304xi32, #tpu.memory_space<vmem>>, vector<16xi32>,
    %swap3A_54 = arith.constant 432 : index
    %swap3A_55 = tpu.vector_load %arg5[%swap3A_54] {strides = array<i32>} : memref<2304xi32, #tpu.memory_space<vmem>>, vector<16xi32>,
    tpu.vector_store %arg5[%swap3A_54], %broadcast_in_dim3A_0 {strides = array<i32>} : memref<2304xi32, #tpu.memory_space<vmem>>, vector<16xi32>,
    %swap3A_56 = arith.constant 448 : index
    %swap3A_57 = tpu.vector_load %arg5[%swap3A_56] {strides = array<i32>} : memref<2304xi32, #tpu.memory_space<vmem>>, vector<16xi32>,
    tpu.vector_store %arg5[%swap3A_56], %broadcast_in_dim3A_0 {strides = array<i32>} : memref<2304xi32, #tpu.memory_space<vmem>>, vector<16xi32>,
    %swap3A_58 = arith.constant 464 : index
    %swap3A_59 = tpu.vector_load %arg5[%swap3A_58] {strides = array<i32>} : memref<2304xi32, #tpu.memory_space<vmem>>, vector<16xi32>,
    tpu.vector_store %arg5[%swap3A_58], %broadcast_in_dim3A_0 {strides = array<i32>} : memref<2304xi32, #tpu.memory_space<vmem>>, vector<16xi32>,
    %swap3A_60 = arith.constant 480 : index
    %swap3A_61 = tpu.vector_load %arg5[%swap3A_60] {strides = array<i32>} : memref<2304xi32, #tpu.memory_space<vmem>>, vector<16xi32>,
    tpu.vector_store %arg5[%swap3A_60], %broadcast_in_dim3A_0 {strides = array<i32>} : memref<2304xi32, #tpu.memory_space<vmem>>, vector<16xi32>,
    %swap3A_62 = arith.constant 496 : index
    %swap3A_63 = tpu.vector_load %arg5[%swap3A_62] {strides = array<i32>} : memref<2304xi32, #tpu.memory_space<vmem>>, vector<16xi32>,
    tpu.vector_store %arg5[%swap3A_62], %broadcast_in_dim3A_0 {strides = array<i32>} : memref<2304xi32, #tpu.memory_space<vmem>>, vector<16xi32>,
    %swap3A_64 = arith.constant 512 : index
    %swap3A_65 = tpu.vector_load %arg5[%swap3A_64] {strides = array<i32>} : memref<2304xi32, #tpu.memory_space<vmem>>, vector<16xi32>,
    tpu.vector_store %arg5[%swap3A_64], %broadcast_in_dim3A_0 {strides = array<i32>} : memref<2304xi32, #tpu.memory_space<vmem>>, vector<16xi32>,
    %swap3A_66 = arith.constant 528 : index
    %swap3A_67 = tpu.vector_load %arg5[%swap3A_66] {strides = array<i32>} : memref<2304xi32, #tpu.memory_space<vmem>>, vector<16xi32>,
    tpu.vector_store %arg5[%swap3A_66], %broadcast_in_dim3A_0 {strides = array<i32>} : memref<2304xi32, #tpu.memory_space<vmem>>, vector<16xi32>,
    %swap3A_68 = arith.constant 544 : index
    %swap3A_69 = tpu.vector_load %arg5[%swap3A_68] {strides = array<i32>} : memref<2304xi32, #tpu.memory_space<vmem>>, vector<16xi32>,
    tpu.vector_store %arg5[%swap3A_68], %broadcast_in_dim3A_0 {strides = array<i32>} : memref<2304xi32, #tpu.memory_space<vmem>>, vector<16xi32>,
    %swap3A_70 = arith.constant 560 : index
    %swap3A_71 = tpu.vector_load %arg5[%swap3A_70] {strides = array<i32>} : memref<2304xi32, #tpu.memory_space<vmem>>, vector<16xi32>,
    tpu.vector_store %arg5[%swap3A_70], %broadcast_in_dim3A_0 {strides = array<i32>} : memref<2304xi32, #tpu.memory_space<vmem>>, vector<16xi32>,
    %swap3A_72 = arith.constant 576 : index
    %swap3A_73 = tpu.vector_load %arg5[%swap3A_72] {strides = array<i32>} : memref<2304xi32, #tpu.memory_space<vmem>>, vector<16xi32>,
    tpu.vector_store %arg5[%swap3A_72], %broadcast_in_dim3A_0 {strides = array<i32>} : memref<2304xi32, #tpu.memory_space<vmem>>, vector<16xi32>,
    %swap3A_74 = arith.constant 592 : index
    %swap3A_75 = tpu.vector_load %arg5[%swap3A_74] {strides = array<i32>} : memref<2304xi32, #tpu.memory_space<vmem>>, vector<16xi32>,
    tpu.vector_store %arg5[%swap3A_74], %broadcast_in_dim3A_0 {strides = array<i32>} : memref<2304xi32, #tpu.memory_space<vmem>>, vector<16xi32>,
    %swap3A_76 = arith.constant 608 : index
    %swap3A_77 = tpu.vector_load %arg5[%swap3A_76] {strides = array<i32>} : memref<2304xi32, #tpu.memory_space<vmem>>, vector<16xi32>,
    tpu.vector_store %arg5[%swap3A_76], %broadcast_in_dim3A_0 {strides = array<i32>} : memref<2304xi32, #tpu.memory_space<vmem>>, vector<16xi32>,
    %swap3A_78 = arith.constant 624 : index
    %swap3A_79 = tpu.vector_load %arg5[%swap3A_78] {strides = array<i32>} : memref<2304xi32, #tpu.memory_space<vmem>>, vector<16xi32>,
    tpu.vector_store %arg5[%swap3A_78], %broadcast_in_dim3A_0 {strides = array<i32>} : memref<2304xi32, #tpu.memory_space<vmem>>, vector<16xi32>,
    %swap3A_80 = arith.constant 640 : index
    %swap3A_81 = tpu.vector_load %arg5[%swap3A_80] {strides = array<i32>} : memref<2304xi32, #tpu.memory_space<vmem>>, vector<16xi32>,
    tpu.vector_store %arg5[%swap3A_80], %broadcast_in_dim3A_0 {strides = array<i32>} : memref<2304xi32, #tpu.memory_space<vmem>>, vector<16xi32>,
    %swap3A_82 = arith.constant 656 : index
    %swap3A_83 = tpu.vector_load %arg5[%swap3A_82] {strides = array<i32>} : memref<2304xi32, #tpu.memory_space<vmem>>, vector<16xi32>,
    tpu.vector_store %arg5[%swap3A_82], %broadcast_in_dim3A_0 {strides = array<i32>} : memref<2304xi32, #tpu.memory_space<vmem>>, vector<16xi32>,
    %swap3A_84 = arith.constant 672 : index
    %swap3A_85 = tpu.vector_load %arg5[%swap3A_84] {strides = array<i32>} : memref<2304xi32, #tpu.memory_space<vmem>>, vector<16xi32>,
    tpu.vector_store %arg5[%swap3A_84], %broadcast_in_dim3A_0 {strides = array<i32>} : memref<2304xi32, #tpu.memory_space<vmem>>, vector<16xi32>,
    %swap3A_86 = arith.constant 688 : index
    %swap3A_87 = tpu.vector_load %arg5[%swap3A_86] {strides = array<i32>} : memref<2304xi32, #tpu.memory_space<vmem>>, vector<16xi32>,
    tpu.vector_store %arg5[%swap3A_86], %broadcast_in_dim3A_0 {strides = array<i32>} : memref<2304xi32, #tpu.memory_space<vmem>>, vector<16xi32>,
    %swap3A_88 = arith.constant 704 : index
    %swap3A_89 = tpu.vector_load %arg5[%swap3A_88] {strides = array<i32>} : memref<2304xi32, #tpu.memory_space<vmem>>, vector<16xi32>,
    tpu.vector_store %arg5[%swap3A_88], %broadcast_in_dim3A_0 {strides = array<i32>} : memref<2304xi32, #tpu.memory_space<vmem>>, vector<16xi32>,
    %swap3A_90 = arith.constant 720 : index
    %swap3A_91 = tpu.vector_load %arg5[%swap3A_90] {strides = array<i32>} : memref<2304xi32, #tpu.memory_space<vmem>>, vector<16xi32>,
    tpu.vector_store %arg5[%swap3A_90], %broadcast_in_dim3A_0 {strides = array<i32>} : memref<2304xi32, #tpu.memory_space<vmem>>, vector<16xi32>,
    %swap3A_92 = arith.constant 736 : index
    %swap3A_93 = tpu.vector_load %arg5[%swap3A_92] {strides = array<i32>} : memref<2304xi32, #tpu.memory_space<vmem>>, vector<16xi32>,
    tpu.vector_store %arg5[%swap3A_92], %broadcast_in_dim3A_0 {strides = array<i32>} : memref<2304xi32, #tpu.memory_space<vmem>>, vector<16xi32>,
    %swap3A_94 = arith.constant 752 : index
    %swap3A_95 = tpu.vector_load %arg5[%swap3A_94] {strides = array<i32>} : memref<2304xi32, #tpu.memory_space<vmem>>, vector<16xi32>,
    tpu.vector_store %arg5[%swap3A_94], %broadcast_in_dim3A_0 {strides = array<i32>} : memref<2304xi32, #tpu.memory_space<vmem>>, vector<16xi32>,
    %swap3A_96 = arith.constant 768 : index
    %swap3A_97 = tpu.vector_load %arg5[%swap3A_96] {strides = array<i32>} : memref<2304xi32, #tpu.memory_space<vmem>>, vector<16xi32>,
    tpu.vector_store %arg5[%swap3A_96], %broadcast_in_dim3A_0 {strides = array<i32>} : memref<2304xi32, #tpu.memory_space<vmem>>, vector<16xi32>,
    %swap3A_98 = arith.constant 784 : index
    %swap3A_99 = tpu.vector_load %arg5[%swap3A_98] {strides = array<i32>} : memref<2304xi32, #tpu.memory_space<vmem>>, vector<16xi32>,
    tpu.vector_store %arg5[%swap3A_98], %broadcast_in_dim3A_0 {strides = array<i32>} : memref<2304xi32, #tpu.memory_space<vmem>>, vector<16xi32>,
    %swap3A_100 = arith.constant 800 : index
    %swap3A_101 = tpu.vector_load %arg5[%swap3A_100] {strides = array<i32>} : memref<2304xi32, #tpu.memory_space<vmem>>, vector<16xi32>,
    tpu.vector_store %arg5[%swap3A_100], %broadcast_in_dim3A_0 {strides = array<i32>} : memref<2304xi32, #tpu.memory_space<vmem>>, vector<16xi32>,
    %swap3A_102 = arith.constant 816 : index
    %swap3A_103 = tpu.vector_load %arg5[%swap3A_102] {strides = array<i32>} : memref<2304xi32, #tpu.memory_space<vmem>>, vector<16xi32>,
    tpu.vector_store %arg5[%swap3A_102], %broadcast_in_dim3A_0 {strides = array<i32>} : memref<2304xi32, #tpu.memory_space<vmem>>, vector<16xi32>,
    %swap3A_104 = arith.constant 832 : index
    %swap3A_105 = tpu.vector_load %arg5[%swap3A_104] {strides = array<i32>} : memref<2304xi32, #tpu.memory_space<vmem>>, vector<16xi32>,
    tpu.vector_store %arg5[%swap3A_104], %broadcast_in_dim3A_0 {strides = array<i32>} : memref<2304xi32, #tpu.memory_space<vmem>>, vector<16xi32>,
    %swap3A_106 = arith.constant 848 : index
    %swap3A_107 = tpu.vector_load %arg5[%swap3A_106] {strides = array<i32>} : memref<2304xi32, #tpu.memory_space<vmem>>, vector<16xi32>,
    tpu.vector_store %arg5[%swap3A_106], %broadcast_in_dim3A_0 {strides = array<i32>} : memref<2304xi32, #tpu.memory_space<vmem>>, vector<16xi32>,
    %swap3A_108 = arith.constant 864 : index
    %swap3A_109 = tpu.vector_load %arg5[%swap3A_108] {strides = array<i32>} : memref<2304xi32, #tpu.memory_space<vmem>>, vector<16xi32>,
    tpu.vector_store %arg5[%swap3A_108], %broadcast_in_dim3A_0 {strides = array<i32>} : memref<2304xi32, #tpu.memory_space<vmem>>, vector<16xi32>,
    %swap3A_110 = arith.constant 880 : index
    %swap3A_111 = tpu.vector_load %arg5[%swap3A_110] {strides = array<i32>} : memref<2304xi32, #tpu.memory_space<vmem>>, vector<16xi32>,
    tpu.vector_store %arg5[%swap3A_110], %broadcast_in_dim3A_0 {strides = array<i32>} : memref<2304xi32, #tpu.memory_space<vmem>>, vector<16xi32>,
    %swap3A_112 = arith.constant 896 : index
    %swap3A_113 = tpu.vector_load %arg5[%swap3A_112] {strides = array<i32>} : memref<2304xi32, #tpu.memory_space<vmem>>, vector<16xi32>,
    tpu.vector_store %arg5[%swap3A_112], %broadcast_in_dim3A_0 {strides = array<i32>} : memref<2304xi32, #tpu.memory_space<vmem>>, vector<16xi32>,
    %swap3A_114 = arith.constant 912 : index
    %swap3A_115 = tpu.vector_load %arg5[%swap3A_114] {strides = array<i32>} : memref<2304xi32, #tpu.memory_space<vmem>>, vector<16xi32>,
    tpu.vector_store %arg5[%swap3A_114], %broadcast_in_dim3A_0 {strides = array<i32>} : memref<2304xi32, #tpu.memory_space<vmem>>, vector<16xi32>,
    %swap3A_116 = arith.constant 928 : index
    %swap3A_117 = tpu.vector_load %arg5[%swap3A_116] {strides = array<i32>} : memref<2304xi32, #tpu.memory_space<vmem>>, vector<16xi32>,
    tpu.vector_store %arg5[%swap3A_116], %broadcast_in_dim3A_0 {strides = array<i32>} : memref<2304xi32, #tpu.memory_space<vmem>>, vector<16xi32>,
    %swap3A_118 = arith.constant 944 : index
    %swap3A_119 = tpu.vector_load %arg5[%swap3A_118] {strides = array<i32>} : memref<2304xi32, #tpu.memory_space<vmem>>, vector<16xi32>,
    tpu.vector_store %arg5[%swap3A_118], %broadcast_in_dim3A_0 {strides = array<i32>} : memref<2304xi32, #tpu.memory_space<vmem>>, vector<16xi32>,
    %swap3A_120 = arith.constant 960 : index
    %swap3A_121 = tpu.vector_load %arg5[%swap3A_120] {strides = array<i32>} : memref<2304xi32, #tpu.memory_space<vmem>>, vector<16xi32>,
    tpu.vector_store %arg5[%swap3A_120], %broadcast_in_dim3A_0 {strides = array<i32>} : memref<2304xi32, #tpu.memory_space<vmem>>, vector<16xi32>,
    %swap3A_122 = arith.constant 976 : index
    %swap3A_123 = tpu.vector_load %arg5[%swap3A_122] {strides = array<i32>} : memref<2304xi32, #tpu.memory_space<vmem>>, vector<16xi32>,
    tpu.vector_store %arg5[%swap3A_122], %broadcast_in_dim3A_0 {strides = array<i32>} : memref<2304xi32, #tpu.memory_space<vmem>>, vector<16xi32>,
    %swap3A_124 = arith.constant 992 : index
    %swap3A_125 = tpu.vector_load %arg5[%swap3A_124] {strides = array<i32>} : memref<2304xi32, #tpu.memory_space<vmem>>, vector<16xi32>,
    tpu.vector_store %arg5[%swap3A_124], %broadcast_in_dim3A_0 {strides = array<i32>} : memref<2304xi32, #tpu.memory_space<vmem>>, vector<16xi32>,
    %swap3A_126 = arith.constant 1008 : index
    %swap3A_127 = tpu.vector_load %arg5[%swap3A_126] {strides = array<i32>} : memref<2304xi32, #tpu.memory_space<vmem>>, vector<16xi32>,
    tpu.vector_store %arg5[%swap3A_126], %broadcast_in_dim3A_0 {strides = array<i32>} : memref<2304xi32, #tpu.memory_space<vmem>>, vector<16xi32>,
    %swap3A_128 = arith.constant 1024 : index
    %swap3A_129 = tpu.vector_load %arg5[%swap3A_128] {strides = array<i32>} : memref<2304xi32, #tpu.memory_space<vmem>>, vector<16xi32>,
    tpu.vector_store %arg5[%swap3A_128], %broadcast_in_dim3A_0 {strides = array<i32>} : memref<2304xi32, #tpu.memory_space<vmem>>, vector<16xi32>,
    %swap3A_130 = arith.constant 1040 : index
    %swap3A_131 = tpu.vector_load %arg5[%swap3A_130] {strides = array<i32>} : memref<2304xi32, #tpu.memory_space<vmem>>, vector<16xi32>,
    tpu.vector_store %arg5[%swap3A_130], %broadcast_in_dim3A_0 {strides = array<i32>} : memref<2304xi32, #tpu.memory_space<vmem>>, vector<16xi32>,
    %swap3A_132 = arith.constant 1056 : index
    %swap3A_133 = tpu.vector_load %arg5[%swap3A_132] {strides = array<i32>} : memref<2304xi32, #tpu.memory_space<vmem>>, vector<16xi32>,
    tpu.vector_store %arg5[%swap3A_132], %broadcast_in_dim3A_0 {strides = array<i32>} : memref<2304xi32, #tpu.memory_space<vmem>>, vector<16xi32>,
    %swap3A_134 = arith.constant 1072 : index
    %swap3A_135 = tpu.vector_load %arg5[%swap3A_134] {strides = array<i32>} : memref<2304xi32, #tpu.memory_space<vmem>>, vector<16xi32>,
    tpu.vector_store %arg5[%swap3A_134], %broadcast_in_dim3A_0 {strides = array<i32>} : memref<2304xi32, #tpu.memory_space<vmem>>, vector<16xi32>,
    %swap3A_136 = arith.constant 1088 : index
    %swap3A_137 = tpu.vector_load %arg5[%swap3A_136] {strides = array<i32>} : memref<2304xi32, #tpu.memory_space<vmem>>, vector<16xi32>,
    tpu.vector_store %arg5[%swap3A_136], %broadcast_in_dim3A_0 {strides = array<i32>} : memref<2304xi32, #tpu.memory_space<vmem>>, vector<16xi32>,
    %swap3A_138 = arith.constant 1104 : index
    %swap3A_139 = tpu.vector_load %arg5[%swap3A_138] {strides = array<i32>} : memref<2304xi32, #tpu.memory_space<vmem>>, vector<16xi32>,
    tpu.vector_store %arg5[%swap3A_138], %broadcast_in_dim3A_0 {strides = array<i32>} : memref<2304xi32, #tpu.memory_space<vmem>>, vector<16xi32>,
    %swap3A_140 = arith.constant 1120 : index
    %swap3A_141 = tpu.vector_load %arg5[%swap3A_140] {strides = array<i32>} : memref<2304xi32, #tpu.memory_space<vmem>>, vector<16xi32>,
    tpu.vector_store %arg5[%swap3A_140], %broadcast_in_dim3A_0 {strides = array<i32>} : memref<2304xi32, #tpu.memory_space<vmem>>, vector<16xi32>,
    %swap3A_142 = arith.constant 1136 : index
    %swap3A_143 = tpu.vector_load %arg5[%swap3A_142] {strides = array<i32>} : memref<2304xi32, #tpu.memory_space<vmem>>, vector<16xi32>,
    tpu.vector_store %arg5[%swap3A_142], %broadcast_in_dim3A_0 {strides = array<i32>} : memref<2304xi32, #tpu.memory_space<vmem>>, vector<16xi32>,
    %swap3A_144 = arith.constant 1152 : index
    %swap3A_145 = tpu.vector_load %arg5[%swap3A_144] {strides = array<i32>} : memref<2304xi32, #tpu.memory_space<vmem>>, vector<16xi32>,
    tpu.vector_store %arg5[%swap3A_144], %broadcast_in_dim3A_0 {strides = array<i32>} : memref<2304xi32, #tpu.memory_space<vmem>>, vector<16xi32>,
    %swap3A_146 = arith.constant 1168 : index
    %swap3A_147 = tpu.vector_load %arg5[%swap3A_146] {strides = array<i32>} : memref<2304xi32, #tpu.memory_space<vmem>>, vector<16xi32>,
    tpu.vector_store %arg5[%swap3A_146], %broadcast_in_dim3A_0 {strides = array<i32>} : memref<2304xi32, #tpu.memory_space<vmem>>, vector<16xi32>,
    %swap3A_148 = arith.constant 1184 : index
    %swap3A_149 = tpu.vector_load %arg5[%swap3A_148] {strides = array<i32>} : memref<2304xi32, #tpu.memory_space<vmem>>, vector<16xi32>,
    tpu.vector_store %arg5[%swap3A_148], %broadcast_in_dim3A_0 {strides = array<i32>} : memref<2304xi32, #tpu.memory_space<vmem>>, vector<16xi32>,
    %swap3A_150 = arith.constant 1200 : index
    %swap3A_151 = tpu.vector_load %arg5[%swap3A_150] {strides = array<i32>} : memref<2304xi32, #tpu.memory_space<vmem>>, vector<16xi32>,
    tpu.vector_store %arg5[%swap3A_150], %broadcast_in_dim3A_0 {strides = array<i32>} : memref<2304xi32, #tpu.memory_space<vmem>>, vector<16xi32>,
    %swap3A_152 = arith.constant 1216 : index
    %swap3A_153 = tpu.vector_load %arg5[%swap3A_152] {strides = array<i32>} : memref<2304xi32, #tpu.memory_space<vmem>>, vector<16xi32>,
    tpu.vector_store %arg5[%swap3A_152], %broadcast_in_dim3A_0 {strides = array<i32>} : memref<2304xi32, #tpu.memory_space<vmem>>, vector<16xi32>,
    %swap3A_154 = arith.constant 1232 : index
    %swap3A_155 = tpu.vector_load %arg5[%swap3A_154] {strides = array<i32>} : memref<2304xi32, #tpu.memory_space<vmem>>, vector<16xi32>,
    tpu.vector_store %arg5[%swap3A_154], %broadcast_in_dim3A_0 {strides = array<i32>} : memref<2304xi32, #tpu.memory_space<vmem>>, vector<16xi32>,
    %swap3A_156 = arith.constant 1248 : index
    %swap3A_157 = tpu.vector_load %arg5[%swap3A_156] {strides = array<i32>} : memref<2304xi32, #tpu.memory_space<vmem>>, vector<16xi32>,
    tpu.vector_store %arg5[%swap3A_156], %broadcast_in_dim3A_0 {strides = array<i32>} : memref<2304xi32, #tpu.memory_space<vmem>>, vector<16xi32>,
    %swap3A_158 = arith.constant 1264 : index
    %swap3A_159 = tpu.vector_load %arg5[%swap3A_158] {strides = array<i32>} : memref<2304xi32, #tpu.memory_space<vmem>>, vector<16xi32>,
    tpu.vector_store %arg5[%swap3A_158], %broadcast_in_dim3A_0 {strides = array<i32>} : memref<2304xi32, #tpu.memory_space<vmem>>, vector<16xi32>,
    %swap3A_160 = arith.constant 1280 : index
    %swap3A_161 = tpu.vector_load %arg5[%swap3A_160] {strides = array<i32>} : memref<2304xi32, #tpu.memory_space<vmem>>, vector<16xi32>,
    tpu.vector_store %arg5[%swap3A_160], %broadcast_in_dim3A_0 {strides = array<i32>} : memref<2304xi32, #tpu.memory_space<vmem>>, vector<16xi32>,
    %swap3A_162 = arith.constant 1296 : index
    %swap3A_163 = tpu.vector_load %arg5[%swap3A_162] {strides = array<i32>} : memref<2304xi32, #tpu.memory_space<vmem>>, vector<16xi32>,
    tpu.vector_store %arg5[%swap3A_162], %broadcast_in_dim3A_0 {strides = array<i32>} : memref<2304xi32, #tpu.memory_space<vmem>>, vector<16xi32>,
    %swap3A_164 = arith.constant 1312 : index
    %swap3A_165 = tpu.vector_load %arg5[%swap3A_164] {strides = array<i32>} : memref<2304xi32, #tpu.memory_space<vmem>>, vector<16xi32>,
    tpu.vector_store %arg5[%swap3A_164], %broadcast_in_dim3A_0 {strides = array<i32>} : memref<2304xi32, #tpu.memory_space<vmem>>, vector<16xi32>,
    %swap3A_166 = arith.constant 1328 : index
    %swap3A_167 = tpu.vector_load %arg5[%swap3A_166] {strides = array<i32>} : memref<2304xi32, #tpu.memory_space<vmem>>, vector<16xi32>,
    tpu.vector_store %arg5[%swap3A_166], %broadcast_in_dim3A_0 {strides = array<i32>} : memref<2304xi32, #tpu.memory_space<vmem>>, vector<16xi32>,
    %swap3A_168 = arith.constant 1344 : index
    %swap3A_169 = tpu.vector_load %arg5[%swap3A_168] {strides = array<i32>} : memref<2304xi32, #tpu.memory_space<vmem>>, vector<16xi32>,
    tpu.vector_store %arg5[%swap3A_168], %broadcast_in_dim3A_0 {strides = array<i32>} : memref<2304xi32, #tpu.memory_space<vmem>>, vector<16xi32>,
    %swap3A_170 = arith.constant 1360 : index
    %swap3A_171 = tpu.vector_load %arg5[%swap3A_170] {strides = array<i32>} : memref<2304xi32, #tpu.memory_space<vmem>>, vector<16xi32>,
    tpu.vector_store %arg5[%swap3A_170], %broadcast_in_dim3A_0 {strides = array<i32>} : memref<2304xi32, #tpu.memory_space<vmem>>, vector<16xi32>,
    %swap3A_172 = arith.constant 1376 : index
    %swap3A_173 = tpu.vector_load %arg5[%swap3A_172] {strides = array<i32>} : memref<2304xi32, #tpu.memory_space<vmem>>, vector<16xi32>,
    tpu.vector_store %arg5[%swap3A_172], %broadcast_in_dim3A_0 {strides = array<i32>} : memref<2304xi32, #tpu.memory_space<vmem>>, vector<16xi32>,
    %swap3A_174 = arith.constant 1392 : index
    %swap3A_175 = tpu.vector_load %arg5[%swap3A_174] {strides = array<i32>} : memref<2304xi32, #tpu.memory_space<vmem>>, vector<16xi32>,
    tpu.vector_store %arg5[%swap3A_174], %broadcast_in_dim3A_0 {strides = array<i32>} : memref<2304xi32, #tpu.memory_space<vmem>>, vector<16xi32>,
    %swap3A_176 = arith.constant 1408 : index
    %swap3A_177 = tpu.vector_load %arg5[%swap3A_176] {strides = array<i32>} : memref<2304xi32, #tpu.memory_space<vmem>>, vector<16xi32>,
    tpu.vector_store %arg5[%swap3A_176], %broadcast_in_dim3A_0 {strides = array<i32>} : memref<2304xi32, #tpu.memory_space<vmem>>, vector<16xi32>,
    %swap3A_178 = arith.constant 1424 : index
    %swap3A_179 = tpu.vector_load %arg5[%swap3A_178] {strides = array<i32>} : memref<2304xi32, #tpu.memory_space<vmem>>, vector<16xi32>,
    tpu.vector_store %arg5[%swap3A_178], %broadcast_in_dim3A_0 {strides = array<i32>} : memref<2304xi32, #tpu.memory_space<vmem>>, vector<16xi32>,
    %swap3A_180 = arith.constant 1440 : index
    %swap3A_181 = tpu.vector_load %arg5[%swap3A_180] {strides = array<i32>} : memref<2304xi32, #tpu.memory_space<vmem>>, vector<16xi32>,
    tpu.vector_store %arg5[%swap3A_180], %broadcast_in_dim3A_0 {strides = array<i32>} : memref<2304xi32, #tpu.memory_space<vmem>>, vector<16xi32>,
    %swap3A_182 = arith.constant 1456 : index
    %swap3A_183 = tpu.vector_load %arg5[%swap3A_182] {strides = array<i32>} : memref<2304xi32, #tpu.memory_space<vmem>>, vector<16xi32>,
    tpu.vector_store %arg5[%swap3A_182], %broadcast_in_dim3A_0 {strides = array<i32>} : memref<2304xi32, #tpu.memory_space<vmem>>, vector<16xi32>,
    %swap3A_184 = arith.constant 1472 : index
    %swap3A_185 = tpu.vector_load %arg5[%swap3A_184] {strides = array<i32>} : memref<2304xi32, #tpu.memory_space<vmem>>, vector<16xi32>,
    tpu.vector_store %arg5[%swap3A_184], %broadcast_in_dim3A_0 {strides = array<i32>} : memref<2304xi32, #tpu.memory_space<vmem>>, vector<16xi32>,
    %swap3A_186 = arith.constant 1488 : index
    %swap3A_187 = tpu.vector_load %arg5[%swap3A_186] {strides = array<i32>} : memref<2304xi32, #tpu.memory_space<vmem>>, vector<16xi32>,
    tpu.vector_store %arg5[%swap3A_186], %broadcast_in_dim3A_0 {strides = array<i32>} : memref<2304xi32, #tpu.memory_space<vmem>>, vector<16xi32>,
    %swap3A_188 = arith.constant 1504 : index
    %swap3A_189 = tpu.vector_load %arg5[%swap3A_188] {strides = array<i32>} : memref<2304xi32, #tpu.memory_space<vmem>>, vector<16xi32>,
    tpu.vector_store %arg5[%swap3A_188], %broadcast_in_dim3A_0 {strides = array<i32>} : memref<2304xi32, #tpu.memory_space<vmem>>, vector<16xi32>,
    %swap3A_190 = arith.constant 1520 : index
    %swap3A_191 = tpu.vector_load %arg5[%swap3A_190] {strides = array<i32>} : memref<2304xi32, #tpu.memory_space<vmem>>, vector<16xi32>,
    tpu.vector_store %arg5[%swap3A_190], %broadcast_in_dim3A_0 {strides = array<i32>} : memref<2304xi32, #tpu.memory_space<vmem>>, vector<16xi32>,
    %swap3A_192 = arith.constant 1536 : index
    %swap3A_193 = tpu.vector_load %arg5[%swap3A_192] {strides = array<i32>} : memref<2304xi32, #tpu.memory_space<vmem>>, vector<16xi32>,
    tpu.vector_store %arg5[%swap3A_192], %broadcast_in_dim3A_0 {strides = array<i32>} : memref<2304xi32, #tpu.memory_space<vmem>>, vector<16xi32>,
    %swap3A_194 = arith.constant 1552 : index
    %swap3A_195 = tpu.vector_load %arg5[%swap3A_194] {strides = array<i32>} : memref<2304xi32, #tpu.memory_space<vmem>>, vector<16xi32>,
    tpu.vector_store %arg5[%swap3A_194], %broadcast_in_dim3A_0 {strides = array<i32>} : memref<2304xi32, #tpu.memory_space<vmem>>, vector<16xi32>,
    %swap3A_196 = arith.constant 1568 : index
    %swap3A_197 = tpu.vector_load %arg5[%swap3A_196] {strides = array<i32>} : memref<2304xi32, #tpu.memory_space<vmem>>, vector<16xi32>,
    tpu.vector_store %arg5[%swap3A_196], %broadcast_in_dim3A_0 {strides = array<i32>} : memref<2304xi32, #tpu.memory_space<vmem>>, vector<16xi32>,
    %swap3A_198 = arith.constant 1584 : index
    %swap3A_199 = tpu.vector_load %arg5[%swap3A_198] {strides = array<i32>} : memref<2304xi32, #tpu.memory_space<vmem>>, vector<16xi32>,
    tpu.vector_store %arg5[%swap3A_198], %broadcast_in_dim3A_0 {strides = array<i32>} : memref<2304xi32, #tpu.memory_space<vmem>>, vector<16xi32>,
    %swap3A_200 = arith.constant 1600 : index
    %swap3A_201 = tpu.vector_load %arg5[%swap3A_200] {strides = array<i32>} : memref<2304xi32, #tpu.memory_space<vmem>>, vector<16xi32>,
    tpu.vector_store %arg5[%swap3A_200], %broadcast_in_dim3A_0 {strides = array<i32>} : memref<2304xi32, #tpu.memory_space<vmem>>, vector<16xi32>,
    %swap3A_202 = arith.constant 1616 : index
    %swap3A_203 = tpu.vector_load %arg5[%swap3A_202] {strides = array<i32>} : memref<2304xi32, #tpu.memory_space<vmem>>, vector<16xi32>,
    tpu.vector_store %arg5[%swap3A_202], %broadcast_in_dim3A_0 {strides = array<i32>} : memref<2304xi32, #tpu.memory_space<vmem>>, vector<16xi32>,
    %swap3A_204 = arith.constant 1632 : index
    %swap3A_205 = tpu.vector_load %arg5[%swap3A_204] {strides = array<i32>} : memref<2304xi32, #tpu.memory_space<vmem>>, vector<16xi32>,
    tpu.vector_store %arg5[%swap3A_204], %broadcast_in_dim3A_0 {strides = array<i32>} : memref<2304xi32, #tpu.memory_space<vmem>>, vector<16xi32>,
    %swap3A_206 = arith.constant 1648 : index
    %swap3A_207 = tpu.vector_load %arg5[%swap3A_206] {strides = array<i32>} : memref<2304xi32, #tpu.memory_space<vmem>>, vector<16xi32>,
    tpu.vector_store %arg5[%swap3A_206], %broadcast_in_dim3A_0 {strides = array<i32>} : memref<2304xi32, #tpu.memory_space<vmem>>, vector<16xi32>,
    %swap3A_208 = arith.constant 1664 : index
    %swap3A_209 = tpu.vector_load %arg5[%swap3A_208] {strides = array<i32>} : memref<2304xi32, #tpu.memory_space<vmem>>, vector<16xi32>,
    tpu.vector_store %arg5[%swap3A_208], %broadcast_in_dim3A_0 {strides = array<i32>} : memref<2304xi32, #tpu.memory_space<vmem>>, vector<16xi32>,
    %swap3A_210 = arith.constant 1680 : index
    %swap3A_211 = tpu.vector_load %arg5[%swap3A_210] {strides = array<i32>} : memref<2304xi32, #tpu.memory_space<vmem>>, vector<16xi32>,
    tpu.vector_store %arg5[%swap3A_210], %broadcast_in_dim3A_0 {strides = array<i32>} : memref<2304xi32, #tpu.memory_space<vmem>>, vector<16xi32>,
    %swap3A_212 = arith.constant 1696 : index
    %swap3A_213 = tpu.vector_load %arg5[%swap3A_212] {strides = array<i32>} : memref<2304xi32, #tpu.memory_space<vmem>>, vector<16xi32>,
    tpu.vector_store %arg5[%swap3A_212], %broadcast_in_dim3A_0 {strides = array<i32>} : memref<2304xi32, #tpu.memory_space<vmem>>, vector<16xi32>,
    %swap3A_214 = arith.constant 1712 : index
    %swap3A_215 = tpu.vector_load %arg5[%swap3A_214] {strides = array<i32>} : memref<2304xi32, #tpu.memory_space<vmem>>, vector<16xi32>,
    tpu.vector_store %arg5[%swap3A_214], %broadcast_in_dim3A_0 {strides = array<i32>} : memref<2304xi32, #tpu.memory_space<vmem>>, vector<16xi32>,
    %swap3A_216 = arith.constant 1728 : index
    %swap3A_217 = tpu.vector_load %arg5[%swap3A_216] {strides = array<i32>} : memref<2304xi32, #tpu.memory_space<vmem>>, vector<16xi32>,
    tpu.vector_store %arg5[%swap3A_216], %broadcast_in_dim3A_0 {strides = array<i32>} : memref<2304xi32, #tpu.memory_space<vmem>>, vector<16xi32>,
    %swap3A_218 = arith.constant 1744 : index
    %swap3A_219 = tpu.vector_load %arg5[%swap3A_218] {strides = array<i32>} : memref<2304xi32, #tpu.memory_space<vmem>>, vector<16xi32>,
    tpu.vector_store %arg5[%swap3A_218], %broadcast_in_dim3A_0 {strides = array<i32>} : memref<2304xi32, #tpu.memory_space<vmem>>, vector<16xi32>,
    %swap3A_220 = arith.constant 1760 : index
    %swap3A_221 = tpu.vector_load %arg5[%swap3A_220] {strides = array<i32>} : memref<2304xi32, #tpu.memory_space<vmem>>, vector<16xi32>,
    tpu.vector_store %arg5[%swap3A_220], %broadcast_in_dim3A_0 {strides = array<i32>} : memref<2304xi32, #tpu.memory_space<vmem>>, vector<16xi32>,
    %swap3A_222 = arith.constant 1776 : index
    %swap3A_223 = tpu.vector_load %arg5[%swap3A_222] {strides = array<i32>} : memref<2304xi32, #tpu.memory_space<vmem>>, vector<16xi32>,
    tpu.vector_store %arg5[%swap3A_222], %broadcast_in_dim3A_0 {strides = array<i32>} : memref<2304xi32, #tpu.memory_space<vmem>>, vector<16xi32>,
    %swap3A_224 = arith.constant 1792 : index
    %swap3A_225 = tpu.vector_load %arg5[%swap3A_224] {strides = array<i32>} : memref<2304xi32, #tpu.memory_space<vmem>>, vector<16xi32>,
    tpu.vector_store %arg5[%swap3A_224], %broadcast_in_dim3A_0 {strides = array<i32>} : memref<2304xi32, #tpu.memory_space<vmem>>, vector<16xi32>,
    %swap3A_226 = arith.constant 1808 : index
    %swap3A_227 = tpu.vector_load %arg5[%swap3A_226] {strides = array<i32>} : memref<2304xi32, #tpu.memory_space<vmem>>, vector<16xi32>,
    tpu.vector_store %arg5[%swap3A_226], %broadcast_in_dim3A_0 {strides = array<i32>} : memref<2304xi32, #tpu.memory_space<vmem>>, vector<16xi32>,
    %swap3A_228 = arith.constant 1824 : index
    %swap3A_229 = tpu.vector_load %arg5[%swap3A_228] {strides = array<i32>} : memref<2304xi32, #tpu.memory_space<vmem>>, vector<16xi32>,
    tpu.vector_store %arg5[%swap3A_228], %broadcast_in_dim3A_0 {strides = array<i32>} : memref<2304xi32, #tpu.memory_space<vmem>>, vector<16xi32>,
    %swap3A_230 = arith.constant 1840 : index
    %swap3A_231 = tpu.vector_load %arg5[%swap3A_230] {strides = array<i32>} : memref<2304xi32, #tpu.memory_space<vmem>>, vector<16xi32>,
    tpu.vector_store %arg5[%swap3A_230], %broadcast_in_dim3A_0 {strides = array<i32>} : memref<2304xi32, #tpu.memory_space<vmem>>, vector<16xi32>,
    %swap3A_232 = arith.constant 1856 : index
    %swap3A_233 = tpu.vector_load %arg5[%swap3A_232] {strides = array<i32>} : memref<2304xi32, #tpu.memory_space<vmem>>, vector<16xi32>,
    tpu.vector_store %arg5[%swap3A_232], %broadcast_in_dim3A_0 {strides = array<i32>} : memref<2304xi32, #tpu.memory_space<vmem>>, vector<16xi32>,
    %swap3A_234 = arith.constant 1872 : index
    %swap3A_235 = tpu.vector_load %arg5[%swap3A_234] {strides = array<i32>} : memref<2304xi32, #tpu.memory_space<vmem>>, vector<16xi32>,
    tpu.vector_store %arg5[%swap3A_234], %broadcast_in_dim3A_0 {strides = array<i32>} : memref<2304xi32, #tpu.memory_space<vmem>>, vector<16xi32>,
    %swap3A_236 = arith.constant 1888 : index
    %swap3A_237 = tpu.vector_load %arg5[%swap3A_236] {strides = array<i32>} : memref<2304xi32, #tpu.memory_space<vmem>>, vector<16xi32>,
    tpu.vector_store %arg5[%swap3A_236], %broadcast_in_dim3A_0 {strides = array<i32>} : memref<2304xi32, #tpu.memory_space<vmem>>, vector<16xi32>,
    %swap3A_238 = arith.constant 1904 : index
    %swap3A_239 = tpu.vector_load %arg5[%swap3A_238] {strides = array<i32>} : memref<2304xi32, #tpu.memory_space<vmem>>, vector<16xi32>,
    tpu.vector_store %arg5[%swap3A_238], %broadcast_in_dim3A_0 {strides = array<i32>} : memref<2304xi32, #tpu.memory_space<vmem>>, vector<16xi32>,
    %swap3A_240 = arith.constant 1920 : index
    %swap3A_241 = tpu.vector_load %arg5[%swap3A_240] {strides = array<i32>} : memref<2304xi32, #tpu.memory_space<vmem>>, vector<16xi32>,
    tpu.vector_store %arg5[%swap3A_240], %broadcast_in_dim3A_0 {strides = array<i32>} : memref<2304xi32, #tpu.memory_space<vmem>>, vector<16xi32>,
    %swap3A_242 = arith.constant 1936 : index
    %swap3A_243 = tpu.vector_load %arg5[%swap3A_242] {strides = array<i32>} : memref<2304xi32, #tpu.memory_space<vmem>>, vector<16xi32>,
    tpu.vector_store %arg5[%swap3A_242], %broadcast_in_dim3A_0 {strides = array<i32>} : memref<2304xi32, #tpu.memory_space<vmem>>, vector<16xi32>,
    %swap3A_244 = arith.constant 1952 : index
    %swap3A_245 = tpu.vector_load %arg5[%swap3A_244] {strides = array<i32>} : memref<2304xi32, #tpu.memory_space<vmem>>, vector<16xi32>,
    tpu.vector_store %arg5[%swap3A_244], %broadcast_in_dim3A_0 {strides = array<i32>} : memref<2304xi32, #tpu.memory_space<vmem>>, vector<16xi32>,
    %swap3A_246 = arith.constant 1968 : index
    %swap3A_247 = tpu.vector_load %arg5[%swap3A_246] {strides = array<i32>} : memref<2304xi32, #tpu.memory_space<vmem>>, vector<16xi32>,
    tpu.vector_store %arg5[%swap3A_246], %broadcast_in_dim3A_0 {strides = array<i32>} : memref<2304xi32, #tpu.memory_space<vmem>>, vector<16xi32>,
    %swap3A_248 = arith.constant 1984 : index
    %swap3A_249 = tpu.vector_load %arg5[%swap3A_248] {strides = array<i32>} : memref<2304xi32, #tpu.memory_space<vmem>>, vector<16xi32>,
    tpu.vector_store %arg5[%swap3A_248], %broadcast_in_dim3A_0 {strides = array<i32>} : memref<2304xi32, #tpu.memory_space<vmem>>, vector<16xi32>,
    %swap3A_250 = arith.constant 2000 : index
    %swap3A_251 = tpu.vector_load %arg5[%swap3A_250] {strides = array<i32>} : memref<2304xi32, #tpu.memory_space<vmem>>, vector<16xi32>,
    tpu.vector_store %arg5[%swap3A_250], %broadcast_in_dim3A_0 {strides = array<i32>} : memref<2304xi32, #tpu.memory_space<vmem>>, vector<16xi32>,
    %swap3A_252 = arith.constant 2016 : index
    %swap3A_253 = tpu.vector_load %arg5[%swap3A_252] {strides = array<i32>} : memref<2304xi32, #tpu.memory_space<vmem>>, vector<16xi32>,
    tpu.vector_store %arg5[%swap3A_252], %broadcast_in_dim3A_0 {strides = array<i32>} : memref<2304xi32, #tpu.memory_space<vmem>>, vector<16xi32>,
    %swap3A_254 = arith.constant 2032 : index
    %swap3A_255 = tpu.vector_load %arg5[%swap3A_254] {strides = array<i32>} : memref<2304xi32, #tpu.memory_space<vmem>>, vector<16xi32>,
    tpu.vector_store %arg5[%swap3A_254], %broadcast_in_dim3A_0 {strides = array<i32>} : memref<2304xi32, #tpu.memory_space<vmem>>, vector<16xi32>,
    %swap3A_256 = arith.constant 2048 : index
    %swap3A_257 = tpu.vector_load %arg5[%swap3A_256] {strides = array<i32>} : memref<2304xi32, #tpu.memory_space<vmem>>, vector<16xi32>,
    tpu.vector_store %arg5[%swap3A_256], %broadcast_in_dim3A_0 {strides = array<i32>} : memref<2304xi32, #tpu.memory_space<vmem>>, vector<16xi32>,
    %swap3A_258 = arith.constant 2064 : index
    %swap3A_259 = tpu.vector_load %arg5[%swap3A_258] {strides = array<i32>} : memref<2304xi32, #tpu.memory_space<vmem>>, vector<16xi32>,
    tpu.vector_store %arg5[%swap3A_258], %broadcast_in_dim3A_0 {strides = array<i32>} : memref<2304xi32, #tpu.memory_space<vmem>>, vector<16xi32>,
    %swap3A_260 = arith.constant 2080 : index
    %swap3A_261 = tpu.vector_load %arg5[%swap3A_260] {strides = array<i32>} : memref<2304xi32, #tpu.memory_space<vmem>>, vector<16xi32>,
    tpu.vector_store %arg5[%swap3A_260], %broadcast_in_dim3A_0 {strides = array<i32>} : memref<2304xi32, #tpu.memory_space<vmem>>, vector<16xi32>,
    %swap3A_262 = arith.constant 2096 : index
    %swap3A_263 = tpu.vector_load %arg5[%swap3A_262] {strides = array<i32>} : memref<2304xi32, #tpu.memory_space<vmem>>, vector<16xi32>,
    tpu.vector_store %arg5[%swap3A_262], %broadcast_in_dim3A_0 {strides = array<i32>} : memref<2304xi32, #tpu.memory_space<vmem>>, vector<16xi32>,
    %swap3A_264 = arith.constant 2112 : index
    %swap3A_265 = tpu.vector_load %arg5[%swap3A_264] {strides = array<i32>} : memref<2304xi32, #tpu.memory_space<vmem>>, vector<16xi32>,
    tpu.vector_store %arg5[%swap3A_264], %broadcast_in_dim3A_0 {strides = array<i32>} : memref<2304xi32, #tpu.memory_space<vmem>>, vector<16xi32>,
    %swap3A_266 = arith.constant 2128 : index
    %swap3A_267 = tpu.vector_load %arg5[%swap3A_266] {strides = array<i32>} : memref<2304xi32, #tpu.memory_space<vmem>>, vector<16xi32>,
    tpu.vector_store %arg5[%swap3A_266], %broadcast_in_dim3A_0 {strides = array<i32>} : memref<2304xi32, #tpu.memory_space<vmem>>, vector<16xi32>,
    %swap3A_268 = arith.constant 2144 : index
    %swap3A_269 = tpu.vector_load %arg5[%swap3A_268] {strides = array<i32>} : memref<2304xi32, #tpu.memory_space<vmem>>, vector<16xi32>,
    tpu.vector_store %arg5[%swap3A_268], %broadcast_in_dim3A_0 {strides = array<i32>} : memref<2304xi32, #tpu.memory_space<vmem>>, vector<16xi32>,
    %swap3A_270 = arith.constant 2160 : index
    %swap3A_271 = tpu.vector_load %arg5[%swap3A_270] {strides = array<i32>} : memref<2304xi32, #tpu.memory_space<vmem>>, vector<16xi32>,
    tpu.vector_store %arg5[%swap3A_270], %broadcast_in_dim3A_0 {strides = array<i32>} : memref<2304xi32, #tpu.memory_space<vmem>>, vector<16xi32>,
    %swap3A_272 = arith.constant 2176 : index
    %swap3A_273 = tpu.vector_load %arg5[%swap3A_272] {strides = array<i32>} : memref<2304xi32, #tpu.memory_space<vmem>>, vector<16xi32>,
    tpu.vector_store %arg5[%swap3A_272], %broadcast_in_dim3A_0 {strides = array<i32>} : memref<2304xi32, #tpu.memory_space<vmem>>, vector<16xi32>,
    %swap3A_274 = arith.constant 2192 : index
    %swap3A_275 = tpu.vector_load %arg5[%swap3A_274] {strides = array<i32>} : memref<2304xi32, #tpu.memory_space<vmem>>, vector<16xi32>,
    tpu.vector_store %arg5[%swap3A_274], %broadcast_in_dim3A_0 {strides = array<i32>} : memref<2304xi32, #tpu.memory_space<vmem>>, vector<16xi32>,
    %swap3A_276 = arith.constant 2208 : index
    %swap3A_277 = tpu.vector_load %arg5[%swap3A_276] {strides = array<i32>} : memref<2304xi32, #tpu.memory_space<vmem>>, vector<16xi32>,
    tpu.vector_store %arg5[%swap3A_276], %broadcast_in_dim3A_0 {strides = array<i32>} : memref<2304xi32, #tpu.memory_space<vmem>>, vector<16xi32>,
    %swap3A_278 = arith.constant 2224 : index
    %swap3A_279 = tpu.vector_load %arg5[%swap3A_278] {strides = array<i32>} : memref<2304xi32, #tpu.memory_space<vmem>>, vector<16xi32>,
    tpu.vector_store %arg5[%swap3A_278], %broadcast_in_dim3A_0 {strides = array<i32>} : memref<2304xi32, #tpu.memory_space<vmem>>, vector<16xi32>,
    %swap3A_280 = arith.constant 2240 : index
    %swap3A_281 = tpu.vector_load %arg5[%swap3A_280] {strides = array<i32>} : memref<2304xi32, #tpu.memory_space<vmem>>, vector<16xi32>,
    tpu.vector_store %arg5[%swap3A_280], %broadcast_in_dim3A_0 {strides = array<i32>} : memref<2304xi32, #tpu.memory_space<vmem>>, vector<16xi32>,
    %swap3A_282 = arith.constant 2256 : index
    %swap3A_283 = tpu.vector_load %arg5[%swap3A_282] {strides = array<i32>} : memref<2304xi32, #tpu.memory_space<vmem>>, vector<16xi32>,
    tpu.vector_store %arg5[%swap3A_282], %broadcast_in_dim3A_0 {strides = array<i32>} : memref<2304xi32, #tpu.memory_space<vmem>>, vector<16xi32>,
    %swap3A_284 = arith.constant 2272 : index
    %swap3A_285 = tpu.vector_load %arg5[%swap3A_284] {strides = array<i32>} : memref<2304xi32, #tpu.memory_space<vmem>>, vector<16xi32>,
    tpu.vector_store %arg5[%swap3A_284], %broadcast_in_dim3A_0 {strides = array<i32>} : memref<2304xi32, #tpu.memory_space<vmem>>, vector<16xi32>,
    %swap3A_286 = arith.constant 2288 : index
    %swap3A_287 = tpu.vector_load %arg5[%swap3A_286] {strides = array<i32>} : memref<2304xi32, #tpu.memory_space<vmem>>, vector<16xi32>,
    tpu.vector_store %arg5[%swap3A_286], %broadcast_in_dim3A_0 {strides = array<i32>} : memref<2304xi32, #tpu.memory_space<vmem>>, vector<16xi32>,
    %get3A = arith.constant 0 : index
    %get3A_288 = tpu.vector_load %arg4[%get3A] {strides = array<i32>} : memref<2048xi32, #tpu.memory_space<vmem>>, vector<16xi32>,
    %iota3A = tpu.iota {dimensions = array<i32: 0>} : vector<16xi32>
    %add3A = arith.constant 0 : i32
    %add3A_289 = vector.broadcast %add3A : i32 to vector<16xi32>
    %add3A_290 = arith.addi %add3A_289, %iota3A : vector<16xi32>
    %shift_right_arithmetic3A = arith.constant 1 : i32
    %shift_right_arithmetic3A_291 = vector.broadcast %shift_right_arithmetic3A : i32 to vector<16xi32>
    %shift_right_arithmetic3A_292 = arith.shrsi %add3A_290, %shift_right_arithmetic3A_291 : vector<16xi32>
    tpu.vector_store_idx %arg5[%get3A_288], %shift_right_arithmetic3A_292 : memref<2304xi32, #tpu.memory_space<vmem>>[vector<16xi32>], vector<16xi32>,
    %get3A_293 = arith.constant 16 : index
    %get3A_294 = tpu.vector_load %arg4[%get3A_293] {strides = array<i32>} : memref<2048xi32, #tpu.memory_space<vmem>>, vector<16xi32>,
    %iota3A_295 = tpu.iota {dimensions = array<i32: 0>} : vector<16xi32>
    %add3A_296 = arith.constant 16 : i32
    %add3A_297 = vector.broadcast %add3A_296 : i32 to vector<16xi32>
    %add3A_298 = arith.addi %add3A_297, %iota3A_295 : vector<16xi32>
    %shift_right_arithmetic3A_299 = arith.constant 1 : i32
    %shift_right_arithmetic3A_300 = vector.broadcast %shift_right_arithmetic3A_299 : i32 to vector<16xi32>
    %shift_right_arithmetic3A_301 = arith.shrsi %add3A_298, %shift_right_arithmetic3A_300 : vector<16xi32>
    tpu.vector_store_idx %arg5[%get3A_294], %shift_right_arithmetic3A_301 : memref<2304xi32, #tpu.memory_space<vmem>>[vector<16xi32>], vector<16xi32>,
    %get3A_302 = arith.constant 32 : index
    %get3A_303 = tpu.vector_load %arg4[%get3A_302] {strides = array<i32>} : memref<2048xi32, #tpu.memory_space<vmem>>, vector<16xi32>,
    %iota3A_304 = tpu.iota {dimensions = array<i32: 0>} : vector<16xi32>
    %add3A_305 = arith.constant 32 : i32
    %add3A_306 = vector.broadcast %add3A_305 : i32 to vector<16xi32>
    %add3A_307 = arith.addi %add3A_306, %iota3A_304 : vector<16xi32>
    %shift_right_arithmetic3A_308 = arith.constant 1 : i32
    %shift_right_arithmetic3A_309 = vector.broadcast %shift_right_arithmetic3A_308 : i32 to vector<16xi32>
    %shift_right_arithmetic3A_310 = arith.shrsi %add3A_307, %shift_right_arithmetic3A_309 : vector<16xi32>
    tpu.vector_store_idx %arg5[%get3A_303], %shift_right_arithmetic3A_310 : memref<2304xi32, #tpu.memory_space<vmem>>[vector<16xi32>], vector<16xi32>,
    %get3A_311 = arith.constant 48 : index
    %get3A_312 = tpu.vector_load %arg4[%get3A_311] {strides = array<i32>} : memref<2048xi32, #tpu.memory_space<vmem>>, vector<16xi32>,
    %iota3A_313 = tpu.iota {dimensions = array<i32: 0>} : vector<16xi32>
    %add3A_314 = arith.constant 48 : i32
    %add3A_315 = vector.broadcast %add3A_314 : i32 to vector<16xi32>
    %add3A_316 = arith.addi %add3A_315, %iota3A_313 : vector<16xi32>
    %shift_right_arithmetic3A_317 = arith.constant 1 : i32
    %shift_right_arithmetic3A_318 = vector.broadcast %shift_right_arithmetic3A_317 : i32 to vector<16xi32>
    %shift_right_arithmetic3A_319 = arith.shrsi %add3A_316, %shift_right_arithmetic3A_318 : vector<16xi32>
    tpu.vector_store_idx %arg5[%get3A_312], %shift_right_arithmetic3A_319 : memref<2304xi32, #tpu.memory_space<vmem>>[vector<16xi32>], vector<16xi32>,
    %get3A_320 = arith.constant 64 : index
    %get3A_321 = tpu.vector_load %arg4[%get3A_320] {strides = array<i32>} : memref<2048xi32, #tpu.memory_space<vmem>>, vector<16xi32>,
    %iota3A_322 = tpu.iota {dimensions = array<i32: 0>} : vector<16xi32>
    %add3A_323 = arith.constant 64 : i32
    %add3A_324 = vector.broadcast %add3A_323 : i32 to vector<16xi32>
    %add3A_325 = arith.addi %add3A_324, %iota3A_322 : vector<16xi32>
    %shift_right_arithmetic3A_326 = arith.constant 1 : i32
    %shift_right_arithmetic3A_327 = vector.broadcast %shift_right_arithmetic3A_326 : i32 to vector<16xi32>
    %shift_right_arithmetic3A_328 = arith.shrsi %add3A_325, %shift_right_arithmetic3A_327 : vector<16xi32>
    tpu.vector_store_idx %arg5[%get3A_321], %shift_right_arithmetic3A_328 : memref<2304xi32, #tpu.memory_space<vmem>>[vector<16xi32>], vector<16xi32>,
    %get3A_329 = arith.constant 80 : index
    %get3A_330 = tpu.vector_load %arg4[%get3A_329] {strides = array<i32>} : memref<2048xi32, #tpu.memory_space<vmem>>, vector<16xi32>,
    %iota3A_331 = tpu.iota {dimensions = array<i32: 0>} : vector<16xi32>
    %add3A_332 = arith.constant 80 : i32
    %add3A_333 = vector.broadcast %add3A_332 : i32 to vector<16xi32>
    %add3A_334 = arith.addi %add3A_333, %iota3A_331 : vector<16xi32>
    %shift_right_arithmetic3A_335 = arith.constant 1 : i32
    %shift_right_arithmetic3A_336 = vector.broadcast %shift_right_arithmetic3A_335 : i32 to vector<16xi32>
    %shift_right_arithmetic3A_337 = arith.shrsi %add3A_334, %shift_right_arithmetic3A_336 : vector<16xi32>
    tpu.vector_store_idx %arg5[%get3A_330], %shift_right_arithmetic3A_337 : memref<2304xi32, #tpu.memory_space<vmem>>[vector<16xi32>], vector<16xi32>,
    %get3A_338 = arith.constant 96 : index
    %get3A_339 = tpu.vector_load %arg4[%get3A_338] {strides = array<i32>} : memref<2048xi32, #tpu.memory_space<vmem>>, vector<16xi32>,
    %iota3A_340 = tpu.iota {dimensions = array<i32: 0>} : vector<16xi32>
    %add3A_341 = arith.constant 96 : i32
    %add3A_342 = vector.broadcast %add3A_341 : i32 to vector<16xi32>
    %add3A_343 = arith.addi %add3A_342, %iota3A_340 : vector<16xi32>
    %shift_right_arithmetic3A_344 = arith.constant 1 : i32
    %shift_right_arithmetic3A_345 = vector.broadcast %shift_right_arithmetic3A_344 : i32 to vector<16xi32>
    %shift_right_arithmetic3A_346 = arith.shrsi %add3A_343, %shift_right_arithmetic3A_345 : vector<16xi32>
    tpu.vector_store_idx %arg5[%get3A_339], %shift_right_arithmetic3A_346 : memref<2304xi32, #tpu.memory_space<vmem>>[vector<16xi32>], vector<16xi32>,
    %get3A_347 = arith.constant 112 : index
    %get3A_348 = tpu.vector_load %arg4[%get3A_347] {strides = array<i32>} : memref<2048xi32, #tpu.memory_space<vmem>>, vector<16xi32>,
    %iota3A_349 = tpu.iota {dimensions = array<i32: 0>} : vector<16xi32>
    %add3A_350 = arith.constant 112 : i32
    %add3A_351 = vector.broadcast %add3A_350 : i32 to vector<16xi32>
    %add3A_352 = arith.addi %add3A_351, %iota3A_349 : vector<16xi32>
    %shift_right_arithmetic3A_353 = arith.constant 1 : i32
    %shift_right_arithmetic3A_354 = vector.broadcast %shift_right_arithmetic3A_353 : i32 to vector<16xi32>
    %shift_right_arithmetic3A_355 = arith.shrsi %add3A_352, %shift_right_arithmetic3A_354 : vector<16xi32>
    tpu.vector_store_idx %arg5[%get3A_348], %shift_right_arithmetic3A_355 : memref<2304xi32, #tpu.memory_space<vmem>>[vector<16xi32>], vector<16xi32>,
    %get3A_356 = arith.constant 128 : index
    %get3A_357 = tpu.vector_load %arg4[%get3A_356] {strides = array<i32>} : memref<2048xi32, #tpu.memory_space<vmem>>, vector<16xi32>,
    %iota3A_358 = tpu.iota {dimensions = array<i32: 0>} : vector<16xi32>
    %add3A_359 = arith.constant 128 : i32
    %add3A_360 = vector.broadcast %add3A_359 : i32 to vector<16xi32>
    %add3A_361 = arith.addi %add3A_360, %iota3A_358 : vector<16xi32>
    %shift_right_arithmetic3A_362 = arith.constant 1 : i32
    %shift_right_arithmetic3A_363 = vector.broadcast %shift_right_arithmetic3A_362 : i32 to vector<16xi32>
    %shift_right_arithmetic3A_364 = arith.shrsi %add3A_361, %shift_right_arithmetic3A_363 : vector<16xi32>
    tpu.vector_store_idx %arg5[%get3A_357], %shift_right_arithmetic3A_364 : memref<2304xi32, #tpu.memory_space<vmem>>[vector<16xi32>], vector<16xi32>,
    %get3A_365 = arith.constant 144 : index
    %get3A_366 = tpu.vector_load %arg4[%get3A_365] {strides = array<i32>} : memref<2048xi32, #tpu.memory_space<vmem>>, vector<16xi32>,
    %iota3A_367 = tpu.iota {dimensions = array<i32: 0>} : vector<16xi32>
    %add3A_368 = arith.constant 144 : i32
    %add3A_369 = vector.broadcast %add3A_368 : i32 to vector<16xi32>
    %add3A_370 = arith.addi %add3A_369, %iota3A_367 : vector<16xi32>
    %shift_right_arithmetic3A_371 = arith.constant 1 : i32
    %shift_right_arithmetic3A_372 = vector.broadcast %shift_right_arithmetic3A_371 : i32 to vector<16xi32>
    %shift_right_arithmetic3A_373 = arith.shrsi %add3A_370, %shift_right_arithmetic3A_372 : vector<16xi32>
    tpu.vector_store_idx %arg5[%get3A_366], %shift_right_arithmetic3A_373 : memref<2304xi32, #tpu.memory_space<vmem>>[vector<16xi32>], vector<16xi32>,
    %get3A_374 = arith.constant 160 : index
    %get3A_375 = tpu.vector_load %arg4[%get3A_374] {strides = array<i32>} : memref<2048xi32, #tpu.memory_space<vmem>>, vector<16xi32>,
    %iota3A_376 = tpu.iota {dimensions = array<i32: 0>} : vector<16xi32>
    %add3A_377 = arith.constant 160 : i32
    %add3A_378 = vector.broadcast %add3A_377 : i32 to vector<16xi32>
    %add3A_379 = arith.addi %add3A_378, %iota3A_376 : vector<16xi32>
    %shift_right_arithmetic3A_380 = arith.constant 1 : i32
    %shift_right_arithmetic3A_381 = vector.broadcast %shift_right_arithmetic3A_380 : i32 to vector<16xi32>
    %shift_right_arithmetic3A_382 = arith.shrsi %add3A_379, %shift_right_arithmetic3A_381 : vector<16xi32>
    tpu.vector_store_idx %arg5[%get3A_375], %shift_right_arithmetic3A_382 : memref<2304xi32, #tpu.memory_space<vmem>>[vector<16xi32>], vector<16xi32>,
    %get3A_383 = arith.constant 176 : index
    %get3A_384 = tpu.vector_load %arg4[%get3A_383] {strides = array<i32>} : memref<2048xi32, #tpu.memory_space<vmem>>, vector<16xi32>,
    %iota3A_385 = tpu.iota {dimensions = array<i32: 0>} : vector<16xi32>
    %add3A_386 = arith.constant 176 : i32
    %add3A_387 = vector.broadcast %add3A_386 : i32 to vector<16xi32>
    %add3A_388 = arith.addi %add3A_387, %iota3A_385 : vector<16xi32>
    %shift_right_arithmetic3A_389 = arith.constant 1 : i32
    %shift_right_arithmetic3A_390 = vector.broadcast %shift_right_arithmetic3A_389 : i32 to vector<16xi32>
    %shift_right_arithmetic3A_391 = arith.shrsi %add3A_388, %shift_right_arithmetic3A_390 : vector<16xi32>
    tpu.vector_store_idx %arg5[%get3A_384], %shift_right_arithmetic3A_391 : memref<2304xi32, #tpu.memory_space<vmem>>[vector<16xi32>], vector<16xi32>,
    %get3A_392 = arith.constant 192 : index
    %get3A_393 = tpu.vector_load %arg4[%get3A_392] {strides = array<i32>} : memref<2048xi32, #tpu.memory_space<vmem>>, vector<16xi32>,
    %iota3A_394 = tpu.iota {dimensions = array<i32: 0>} : vector<16xi32>
    %add3A_395 = arith.constant 192 : i32
    %add3A_396 = vector.broadcast %add3A_395 : i32 to vector<16xi32>
    %add3A_397 = arith.addi %add3A_396, %iota3A_394 : vector<16xi32>
    %shift_right_arithmetic3A_398 = arith.constant 1 : i32
    %shift_right_arithmetic3A_399 = vector.broadcast %shift_right_arithmetic3A_398 : i32 to vector<16xi32>
    %shift_right_arithmetic3A_400 = arith.shrsi %add3A_397, %shift_right_arithmetic3A_399 : vector<16xi32>
    tpu.vector_store_idx %arg5[%get3A_393], %shift_right_arithmetic3A_400 : memref<2304xi32, #tpu.memory_space<vmem>>[vector<16xi32>], vector<16xi32>,
    %get3A_401 = arith.constant 208 : index
    %get3A_402 = tpu.vector_load %arg4[%get3A_401] {strides = array<i32>} : memref<2048xi32, #tpu.memory_space<vmem>>, vector<16xi32>,
    %iota3A_403 = tpu.iota {dimensions = array<i32: 0>} : vector<16xi32>
    %add3A_404 = arith.constant 208 : i32
    %add3A_405 = vector.broadcast %add3A_404 : i32 to vector<16xi32>
    %add3A_406 = arith.addi %add3A_405, %iota3A_403 : vector<16xi32>
    %shift_right_arithmetic3A_407 = arith.constant 1 : i32
    %shift_right_arithmetic3A_408 = vector.broadcast %shift_right_arithmetic3A_407 : i32 to vector<16xi32>
    %shift_right_arithmetic3A_409 = arith.shrsi %add3A_406, %shift_right_arithmetic3A_408 : vector<16xi32>
    tpu.vector_store_idx %arg5[%get3A_402], %shift_right_arithmetic3A_409 : memref<2304xi32, #tpu.memory_space<vmem>>[vector<16xi32>], vector<16xi32>,
    %get3A_410 = arith.constant 224 : index
    %get3A_411 = tpu.vector_load %arg4[%get3A_410] {strides = array<i32>} : memref<2048xi32, #tpu.memory_space<vmem>>, vector<16xi32>,
    %iota3A_412 = tpu.iota {dimensions = array<i32: 0>} : vector<16xi32>
    %add3A_413 = arith.constant 224 : i32
    %add3A_414 = vector.broadcast %add3A_413 : i32 to vector<16xi32>
    %add3A_415 = arith.addi %add3A_414, %iota3A_412 : vector<16xi32>
    %shift_right_arithmetic3A_416 = arith.constant 1 : i32
    %shift_right_arithmetic3A_417 = vector.broadcast %shift_right_arithmetic3A_416 : i32 to vector<16xi32>
    %shift_right_arithmetic3A_418 = arith.shrsi %add3A_415, %shift_right_arithmetic3A_417 : vector<16xi32>
    tpu.vector_store_idx %arg5[%get3A_411], %shift_right_arithmetic3A_418 : memref<2304xi32, #tpu.memory_space<vmem>>[vector<16xi32>], vector<16xi32>,
    %get3A_419 = arith.constant 240 : index
    %get3A_420 = tpu.vector_load %arg4[%get3A_419] {strides = array<i32>} : memref<2048xi32, #tpu.memory_space<vmem>>, vector<16xi32>,
    %iota3A_421 = tpu.iota {dimensions = array<i32: 0>} : vector<16xi32>
    %add3A_422 = arith.constant 240 : i32
    %add3A_423 = vector.broadcast %add3A_422 : i32 to vector<16xi32>
    %add3A_424 = arith.addi %add3A_423, %iota3A_421 : vector<16xi32>
    %shift_right_arithmetic3A_425 = arith.constant 1 : i32
    %shift_right_arithmetic3A_426 = vector.broadcast %shift_right_arithmetic3A_425 : i32 to vector<16xi32>
    %shift_right_arithmetic3A_427 = arith.shrsi %add3A_424, %shift_right_arithmetic3A_426 : vector<16xi32>
    tpu.vector_store_idx %arg5[%get3A_420], %shift_right_arithmetic3A_427 : memref<2304xi32, #tpu.memory_space<vmem>>[vector<16xi32>], vector<16xi32>,
    %get3A_428 = arith.constant 256 : index
    %get3A_429 = tpu.vector_load %arg4[%get3A_428] {strides = array<i32>} : memref<2048xi32, #tpu.memory_space<vmem>>, vector<16xi32>,
    %iota3A_430 = tpu.iota {dimensions = array<i32: 0>} : vector<16xi32>
    %add3A_431 = arith.constant 256 : i32
    %add3A_432 = vector.broadcast %add3A_431 : i32 to vector<16xi32>
    %add3A_433 = arith.addi %add3A_432, %iota3A_430 : vector<16xi32>
    %shift_right_arithmetic3A_434 = arith.constant 1 : i32
    %shift_right_arithmetic3A_435 = vector.broadcast %shift_right_arithmetic3A_434 : i32 to vector<16xi32>
    %shift_right_arithmetic3A_436 = arith.shrsi %add3A_433, %shift_right_arithmetic3A_435 : vector<16xi32>
    tpu.vector_store_idx %arg5[%get3A_429], %shift_right_arithmetic3A_436 : memref<2304xi32, #tpu.memory_space<vmem>>[vector<16xi32>], vector<16xi32>,
    %get3A_437 = arith.constant 272 : index
    %get3A_438 = tpu.vector_load %arg4[%get3A_437] {strides = array<i32>} : memref<2048xi32, #tpu.memory_space<vmem>>, vector<16xi32>,
    %iota3A_439 = tpu.iota {dimensions = array<i32: 0>} : vector<16xi32>
    %add3A_440 = arith.constant 272 : i32
    %add3A_441 = vector.broadcast %add3A_440 : i32 to vector<16xi32>
    %add3A_442 = arith.addi %add3A_441, %iota3A_439 : vector<16xi32>
    %shift_right_arithmetic3A_443 = arith.constant 1 : i32
    %shift_right_arithmetic3A_444 = vector.broadcast %shift_right_arithmetic3A_443 : i32 to vector<16xi32>
    %shift_right_arithmetic3A_445 = arith.shrsi %add3A_442, %shift_right_arithmetic3A_444 : vector<16xi32>
    tpu.vector_store_idx %arg5[%get3A_438], %shift_right_arithmetic3A_445 : memref<2304xi32, #tpu.memory_space<vmem>>[vector<16xi32>], vector<16xi32>,
    %get3A_446 = arith.constant 288 : index
    %get3A_447 = tpu.vector_load %arg4[%get3A_446] {strides = array<i32>} : memref<2048xi32, #tpu.memory_space<vmem>>, vector<16xi32>,
    %iota3A_448 = tpu.iota {dimensions = array<i32: 0>} : vector<16xi32>
    %add3A_449 = arith.constant 288 : i32
    %add3A_450 = vector.broadcast %add3A_449 : i32 to vector<16xi32>
    %add3A_451 = arith.addi %add3A_450, %iota3A_448 : vector<16xi32>
    %shift_right_arithmetic3A_452 = arith.constant 1 : i32
    %shift_right_arithmetic3A_453 = vector.broadcast %shift_right_arithmetic3A_452 : i32 to vector<16xi32>
    %shift_right_arithmetic3A_454 = arith.shrsi %add3A_451, %shift_right_arithmetic3A_453 : vector<16xi32>
    tpu.vector_store_idx %arg5[%get3A_447], %shift_right_arithmetic3A_454 : memref<2304xi32, #tpu.memory_space<vmem>>[vector<16xi32>], vector<16xi32>,
    %get3A_455 = arith.constant 304 : index
    %get3A_456 = tpu.vector_load %arg4[%get3A_455] {strides = array<i32>} : memref<2048xi32, #tpu.memory_space<vmem>>, vector<16xi32>,
    %iota3A_457 = tpu.iota {dimensions = array<i32: 0>} : vector<16xi32>
    %add3A_458 = arith.constant 304 : i32
    %add3A_459 = vector.broadcast %add3A_458 : i32 to vector<16xi32>
    %add3A_460 = arith.addi %add3A_459, %iota3A_457 : vector<16xi32>
    %shift_right_arithmetic3A_461 = arith.constant 1 : i32
    %shift_right_arithmetic3A_462 = vector.broadcast %shift_right_arithmetic3A_461 : i32 to vector<16xi32>
    %shift_right_arithmetic3A_463 = arith.shrsi %add3A_460, %shift_right_arithmetic3A_462 : vector<16xi32>
    tpu.vector_store_idx %arg5[%get3A_456], %shift_right_arithmetic3A_463 : memref<2304xi32, #tpu.memory_space<vmem>>[vector<16xi32>], vector<16xi32>,
    %get3A_464 = arith.constant 320 : index
    %get3A_465 = tpu.vector_load %arg4[%get3A_464] {strides = array<i32>} : memref<2048xi32, #tpu.memory_space<vmem>>, vector<16xi32>,
    %iota3A_466 = tpu.iota {dimensions = array<i32: 0>} : vector<16xi32>
    %add3A_467 = arith.constant 320 : i32
    %add3A_468 = vector.broadcast %add3A_467 : i32 to vector<16xi32>
    %add3A_469 = arith.addi %add3A_468, %iota3A_466 : vector<16xi32>
    %shift_right_arithmetic3A_470 = arith.constant 1 : i32
    %shift_right_arithmetic3A_471 = vector.broadcast %shift_right_arithmetic3A_470 : i32 to vector<16xi32>
    %shift_right_arithmetic3A_472 = arith.shrsi %add3A_469, %shift_right_arithmetic3A_471 : vector<16xi32>
    tpu.vector_store_idx %arg5[%get3A_465], %shift_right_arithmetic3A_472 : memref<2304xi32, #tpu.memory_space<vmem>>[vector<16xi32>], vector<16xi32>,
    %get3A_473 = arith.constant 336 : index
    %get3A_474 = tpu.vector_load %arg4[%get3A_473] {strides = array<i32>} : memref<2048xi32, #tpu.memory_space<vmem>>, vector<16xi32>,
    %iota3A_475 = tpu.iota {dimensions = array<i32: 0>} : vector<16xi32>
    %add3A_476 = arith.constant 336 : i32
    %add3A_477 = vector.broadcast %add3A_476 : i32 to vector<16xi32>
    %add3A_478 = arith.addi %add3A_477, %iota3A_475 : vector<16xi32>
    %shift_right_arithmetic3A_479 = arith.constant 1 : i32
    %shift_right_arithmetic3A_480 = vector.broadcast %shift_right_arithmetic3A_479 : i32 to vector<16xi32>
    %shift_right_arithmetic3A_481 = arith.shrsi %add3A_478, %shift_right_arithmetic3A_480 : vector<16xi32>
    tpu.vector_store_idx %arg5[%get3A_474], %shift_right_arithmetic3A_481 : memref<2304xi32, #tpu.memory_space<vmem>>[vector<16xi32>], vector<16xi32>,
    %get3A_482 = arith.constant 352 : index
    %get3A_483 = tpu.vector_load %arg4[%get3A_482] {strides = array<i32>} : memref<2048xi32, #tpu.memory_space<vmem>>, vector<16xi32>,
    %iota3A_484 = tpu.iota {dimensions = array<i32: 0>} : vector<16xi32>
    %add3A_485 = arith.constant 352 : i32
    %add3A_486 = vector.broadcast %add3A_485 : i32 to vector<16xi32>
    %add3A_487 = arith.addi %add3A_486, %iota3A_484 : vector<16xi32>
    %shift_right_arithmetic3A_488 = arith.constant 1 : i32
    %shift_right_arithmetic3A_489 = vector.broadcast %shift_right_arithmetic3A_488 : i32 to vector<16xi32>
    %shift_right_arithmetic3A_490 = arith.shrsi %add3A_487, %shift_right_arithmetic3A_489 : vector<16xi32>
    tpu.vector_store_idx %arg5[%get3A_483], %shift_right_arithmetic3A_490 : memref<2304xi32, #tpu.memory_space<vmem>>[vector<16xi32>], vector<16xi32>,
    %get3A_491 = arith.constant 368 : index
    %get3A_492 = tpu.vector_load %arg4[%get3A_491] {strides = array<i32>} : memref<2048xi32, #tpu.memory_space<vmem>>, vector<16xi32>,
    %iota3A_493 = tpu.iota {dimensions = array<i32: 0>} : vector<16xi32>
    %add3A_494 = arith.constant 368 : i32
    %add3A_495 = vector.broadcast %add3A_494 : i32 to vector<16xi32>
    %add3A_496 = arith.addi %add3A_495, %iota3A_493 : vector<16xi32>
    %shift_right_arithmetic3A_497 = arith.constant 1 : i32
    %shift_right_arithmetic3A_498 = vector.broadcast %shift_right_arithmetic3A_497 : i32 to vector<16xi32>
    %shift_right_arithmetic3A_499 = arith.shrsi %add3A_496, %shift_right_arithmetic3A_498 : vector<16xi32>
    tpu.vector_store_idx %arg5[%get3A_492], %shift_right_arithmetic3A_499 : memref<2304xi32, #tpu.memory_space<vmem>>[vector<16xi32>], vector<16xi32>,
    %get3A_500 = arith.constant 384 : index
    %get3A_501 = tpu.vector_load %arg4[%get3A_500] {strides = array<i32>} : memref<2048xi32, #tpu.memory_space<vmem>>, vector<16xi32>,
    %iota3A_502 = tpu.iota {dimensions = array<i32: 0>} : vector<16xi32>
    %add3A_503 = arith.constant 384 : i32
    %add3A_504 = vector.broadcast %add3A_503 : i32 to vector<16xi32>
    %add3A_505 = arith.addi %add3A_504, %iota3A_502 : vector<16xi32>
    %shift_right_arithmetic3A_506 = arith.constant 1 : i32
    %shift_right_arithmetic3A_507 = vector.broadcast %shift_right_arithmetic3A_506 : i32 to vector<16xi32>
    %shift_right_arithmetic3A_508 = arith.shrsi %add3A_505, %shift_right_arithmetic3A_507 : vector<16xi32>
    tpu.vector_store_idx %arg5[%get3A_501], %shift_right_arithmetic3A_508 : memref<2304xi32, #tpu.memory_space<vmem>>[vector<16xi32>], vector<16xi32>,
    %get3A_509 = arith.constant 400 : index
    %get3A_510 = tpu.vector_load %arg4[%get3A_509] {strides = array<i32>} : memref<2048xi32, #tpu.memory_space<vmem>>, vector<16xi32>,
    %iota3A_511 = tpu.iota {dimensions = array<i32: 0>} : vector<16xi32>
    %add3A_512 = arith.constant 400 : i32
    %add3A_513 = vector.broadcast %add3A_512 : i32 to vector<16xi32>
    %add3A_514 = arith.addi %add3A_513, %iota3A_511 : vector<16xi32>
    %shift_right_arithmetic3A_515 = arith.constant 1 : i32
    %shift_right_arithmetic3A_516 = vector.broadcast %shift_right_arithmetic3A_515 : i32 to vector<16xi32>
    %shift_right_arithmetic3A_517 = arith.shrsi %add3A_514, %shift_right_arithmetic3A_516 : vector<16xi32>
    tpu.vector_store_idx %arg5[%get3A_510], %shift_right_arithmetic3A_517 : memref<2304xi32, #tpu.memory_space<vmem>>[vector<16xi32>], vector<16xi32>,
    %get3A_518 = arith.constant 416 : index
    %get3A_519 = tpu.vector_load %arg4[%get3A_518] {strides = array<i32>} : memref<2048xi32, #tpu.memory_space<vmem>>, vector<16xi32>,
    %iota3A_520 = tpu.iota {dimensions = array<i32: 0>} : vector<16xi32>
    %add3A_521 = arith.constant 416 : i32
    %add3A_522 = vector.broadcast %add3A_521 : i32 to vector<16xi32>
    %add3A_523 = arith.addi %add3A_522, %iota3A_520 : vector<16xi32>
    %shift_right_arithmetic3A_524 = arith.constant 1 : i32
    %shift_right_arithmetic3A_525 = vector.broadcast %shift_right_arithmetic3A_524 : i32 to vector<16xi32>
    %shift_right_arithmetic3A_526 = arith.shrsi %add3A_523, %shift_right_arithmetic3A_525 : vector<16xi32>
    tpu.vector_store_idx %arg5[%get3A_519], %shift_right_arithmetic3A_526 : memref<2304xi32, #tpu.memory_space<vmem>>[vector<16xi32>], vector<16xi32>,
    %get3A_527 = arith.constant 432 : index
    %get3A_528 = tpu.vector_load %arg4[%get3A_527] {strides = array<i32>} : memref<2048xi32, #tpu.memory_space<vmem>>, vector<16xi32>,
    %iota3A_529 = tpu.iota {dimensions = array<i32: 0>} : vector<16xi32>
    %add3A_530 = arith.constant 432 : i32
    %add3A_531 = vector.broadcast %add3A_530 : i32 to vector<16xi32>
    %add3A_532 = arith.addi %add3A_531, %iota3A_529 : vector<16xi32>
    %shift_right_arithmetic3A_533 = arith.constant 1 : i32
    %shift_right_arithmetic3A_534 = vector.broadcast %shift_right_arithmetic3A_533 : i32 to vector<16xi32>
    %shift_right_arithmetic3A_535 = arith.shrsi %add3A_532, %shift_right_arithmetic3A_534 : vector<16xi32>
    tpu.vector_store_idx %arg5[%get3A_528], %shift_right_arithmetic3A_535 : memref<2304xi32, #tpu.memory_space<vmem>>[vector<16xi32>], vector<16xi32>,
    %get3A_536 = arith.constant 448 : index
    %get3A_537 = tpu.vector_load %arg4[%get3A_536] {strides = array<i32>} : memref<2048xi32, #tpu.memory_space<vmem>>, vector<16xi32>,
    %iota3A_538 = tpu.iota {dimensions = array<i32: 0>} : vector<16xi32>
    %add3A_539 = arith.constant 448 : i32
    %add3A_540 = vector.broadcast %add3A_539 : i32 to vector<16xi32>
    %add3A_541 = arith.addi %add3A_540, %iota3A_538 : vector<16xi32>
    %shift_right_arithmetic3A_542 = arith.constant 1 : i32
    %shift_right_arithmetic3A_543 = vector.broadcast %shift_right_arithmetic3A_542 : i32 to vector<16xi32>
    %shift_right_arithmetic3A_544 = arith.shrsi %add3A_541, %shift_right_arithmetic3A_543 : vector<16xi32>
    tpu.vector_store_idx %arg5[%get3A_537], %shift_right_arithmetic3A_544 : memref<2304xi32, #tpu.memory_space<vmem>>[vector<16xi32>], vector<16xi32>,
    %get3A_545 = arith.constant 464 : index
    %get3A_546 = tpu.vector_load %arg4[%get3A_545] {strides = array<i32>} : memref<2048xi32, #tpu.memory_space<vmem>>, vector<16xi32>,
    %iota3A_547 = tpu.iota {dimensions = array<i32: 0>} : vector<16xi32>
    %add3A_548 = arith.constant 464 : i32
    %add3A_549 = vector.broadcast %add3A_548 : i32 to vector<16xi32>
    %add3A_550 = arith.addi %add3A_549, %iota3A_547 : vector<16xi32>
    %shift_right_arithmetic3A_551 = arith.constant 1 : i32
    %shift_right_arithmetic3A_552 = vector.broadcast %shift_right_arithmetic3A_551 : i32 to vector<16xi32>
    %shift_right_arithmetic3A_553 = arith.shrsi %add3A_550, %shift_right_arithmetic3A_552 : vector<16xi32>
    tpu.vector_store_idx %arg5[%get3A_546], %shift_right_arithmetic3A_553 : memref<2304xi32, #tpu.memory_space<vmem>>[vector<16xi32>], vector<16xi32>,
    %get3A_554 = arith.constant 480 : index
    %get3A_555 = tpu.vector_load %arg4[%get3A_554] {strides = array<i32>} : memref<2048xi32, #tpu.memory_space<vmem>>, vector<16xi32>,
    %iota3A_556 = tpu.iota {dimensions = array<i32: 0>} : vector<16xi32>
    %add3A_557 = arith.constant 480 : i32
    %add3A_558 = vector.broadcast %add3A_557 : i32 to vector<16xi32>
    %add3A_559 = arith.addi %add3A_558, %iota3A_556 : vector<16xi32>
    %shift_right_arithmetic3A_560 = arith.constant 1 : i32
    %shift_right_arithmetic3A_561 = vector.broadcast %shift_right_arithmetic3A_560 : i32 to vector<16xi32>
    %shift_right_arithmetic3A_562 = arith.shrsi %add3A_559, %shift_right_arithmetic3A_561 : vector<16xi32>
    tpu.vector_store_idx %arg5[%get3A_555], %shift_right_arithmetic3A_562 : memref<2304xi32, #tpu.memory_space<vmem>>[vector<16xi32>], vector<16xi32>,
    %get3A_563 = arith.constant 496 : index
    %get3A_564 = tpu.vector_load %arg4[%get3A_563] {strides = array<i32>} : memref<2048xi32, #tpu.memory_space<vmem>>, vector<16xi32>,
    %iota3A_565 = tpu.iota {dimensions = array<i32: 0>} : vector<16xi32>
    %add3A_566 = arith.constant 496 : i32
    %add3A_567 = vector.broadcast %add3A_566 : i32 to vector<16xi32>
    %add3A_568 = arith.addi %add3A_567, %iota3A_565 : vector<16xi32>
    %shift_right_arithmetic3A_569 = arith.constant 1 : i32
    %shift_right_arithmetic3A_570 = vector.broadcast %shift_right_arithmetic3A_569 : i32 to vector<16xi32>
    %shift_right_arithmetic3A_571 = arith.shrsi %add3A_568, %shift_right_arithmetic3A_570 : vector<16xi32>
    tpu.vector_store_idx %arg5[%get3A_564], %shift_right_arithmetic3A_571 : memref<2304xi32, #tpu.memory_space<vmem>>[vector<16xi32>], vector<16xi32>,
    %get3A_572 = arith.constant 512 : index
    %get3A_573 = tpu.vector_load %arg4[%get3A_572] {strides = array<i32>} : memref<2048xi32, #tpu.memory_space<vmem>>, vector<16xi32>,
    %iota3A_574 = tpu.iota {dimensions = array<i32: 0>} : vector<16xi32>
    %add3A_575 = arith.constant 512 : i32
    %add3A_576 = vector.broadcast %add3A_575 : i32 to vector<16xi32>
    %add3A_577 = arith.addi %add3A_576, %iota3A_574 : vector<16xi32>
    %shift_right_arithmetic3A_578 = arith.constant 1 : i32
    %shift_right_arithmetic3A_579 = vector.broadcast %shift_right_arithmetic3A_578 : i32 to vector<16xi32>
    %shift_right_arithmetic3A_580 = arith.shrsi %add3A_577, %shift_right_arithmetic3A_579 : vector<16xi32>
    tpu.vector_store_idx %arg5[%get3A_573], %shift_right_arithmetic3A_580 : memref<2304xi32, #tpu.memory_space<vmem>>[vector<16xi32>], vector<16xi32>,
    %get3A_581 = arith.constant 528 : index
    %get3A_582 = tpu.vector_load %arg4[%get3A_581] {strides = array<i32>} : memref<2048xi32, #tpu.memory_space<vmem>>, vector<16xi32>,
    %iota3A_583 = tpu.iota {dimensions = array<i32: 0>} : vector<16xi32>
    %add3A_584 = arith.constant 528 : i32
    %add3A_585 = vector.broadcast %add3A_584 : i32 to vector<16xi32>
    %add3A_586 = arith.addi %add3A_585, %iota3A_583 : vector<16xi32>
    %shift_right_arithmetic3A_587 = arith.constant 1 : i32
    %shift_right_arithmetic3A_588 = vector.broadcast %shift_right_arithmetic3A_587 : i32 to vector<16xi32>
    %shift_right_arithmetic3A_589 = arith.shrsi %add3A_586, %shift_right_arithmetic3A_588 : vector<16xi32>
    tpu.vector_store_idx %arg5[%get3A_582], %shift_right_arithmetic3A_589 : memref<2304xi32, #tpu.memory_space<vmem>>[vector<16xi32>], vector<16xi32>,
    %get3A_590 = arith.constant 544 : index
    %get3A_591 = tpu.vector_load %arg4[%get3A_590] {strides = array<i32>} : memref<2048xi32, #tpu.memory_space<vmem>>, vector<16xi32>,
    %iota3A_592 = tpu.iota {dimensions = array<i32: 0>} : vector<16xi32>
    %add3A_593 = arith.constant 544 : i32
    %add3A_594 = vector.broadcast %add3A_593 : i32 to vector<16xi32>
    %add3A_595 = arith.addi %add3A_594, %iota3A_592 : vector<16xi32>
    %shift_right_arithmetic3A_596 = arith.constant 1 : i32
    %shift_right_arithmetic3A_597 = vector.broadcast %shift_right_arithmetic3A_596 : i32 to vector<16xi32>
    %shift_right_arithmetic3A_598 = arith.shrsi %add3A_595, %shift_right_arithmetic3A_597 : vector<16xi32>
    tpu.vector_store_idx %arg5[%get3A_591], %shift_right_arithmetic3A_598 : memref<2304xi32, #tpu.memory_space<vmem>>[vector<16xi32>], vector<16xi32>,
    %get3A_599 = arith.constant 560 : index
    %get3A_600 = tpu.vector_load %arg4[%get3A_599] {strides = array<i32>} : memref<2048xi32, #tpu.memory_space<vmem>>, vector<16xi32>,
    %iota3A_601 = tpu.iota {dimensions = array<i32: 0>} : vector<16xi32>
    %add3A_602 = arith.constant 560 : i32
    %add3A_603 = vector.broadcast %add3A_602 : i32 to vector<16xi32>
    %add3A_604 = arith.addi %add3A_603, %iota3A_601 : vector<16xi32>
    %shift_right_arithmetic3A_605 = arith.constant 1 : i32
    %shift_right_arithmetic3A_606 = vector.broadcast %shift_right_arithmetic3A_605 : i32 to vector<16xi32>
    %shift_right_arithmetic3A_607 = arith.shrsi %add3A_604, %shift_right_arithmetic3A_606 : vector<16xi32>
    tpu.vector_store_idx %arg5[%get3A_600], %shift_right_arithmetic3A_607 : memref<2304xi32, #tpu.memory_space<vmem>>[vector<16xi32>], vector<16xi32>,
    %get3A_608 = arith.constant 576 : index
    %get3A_609 = tpu.vector_load %arg4[%get3A_608] {strides = array<i32>} : memref<2048xi32, #tpu.memory_space<vmem>>, vector<16xi32>,
    %iota3A_610 = tpu.iota {dimensions = array<i32: 0>} : vector<16xi32>
    %add3A_611 = arith.constant 576 : i32
    %add3A_612 = vector.broadcast %add3A_611 : i32 to vector<16xi32>
    %add3A_613 = arith.addi %add3A_612, %iota3A_610 : vector<16xi32>
    %shift_right_arithmetic3A_614 = arith.constant 1 : i32
    %shift_right_arithmetic3A_615 = vector.broadcast %shift_right_arithmetic3A_614 : i32 to vector<16xi32>
    %shift_right_arithmetic3A_616 = arith.shrsi %add3A_613, %shift_right_arithmetic3A_615 : vector<16xi32>
    tpu.vector_store_idx %arg5[%get3A_609], %shift_right_arithmetic3A_616 : memref<2304xi32, #tpu.memory_space<vmem>>[vector<16xi32>], vector<16xi32>,
    %get3A_617 = arith.constant 592 : index
    %get3A_618 = tpu.vector_load %arg4[%get3A_617] {strides = array<i32>} : memref<2048xi32, #tpu.memory_space<vmem>>, vector<16xi32>,
    %iota3A_619 = tpu.iota {dimensions = array<i32: 0>} : vector<16xi32>
    %add3A_620 = arith.constant 592 : i32
    %add3A_621 = vector.broadcast %add3A_620 : i32 to vector<16xi32>
    %add3A_622 = arith.addi %add3A_621, %iota3A_619 : vector<16xi32>
    %shift_right_arithmetic3A_623 = arith.constant 1 : i32
    %shift_right_arithmetic3A_624 = vector.broadcast %shift_right_arithmetic3A_623 : i32 to vector<16xi32>
    %shift_right_arithmetic3A_625 = arith.shrsi %add3A_622, %shift_right_arithmetic3A_624 : vector<16xi32>
    tpu.vector_store_idx %arg5[%get3A_618], %shift_right_arithmetic3A_625 : memref<2304xi32, #tpu.memory_space<vmem>>[vector<16xi32>], vector<16xi32>,
    %get3A_626 = arith.constant 608 : index
    %get3A_627 = tpu.vector_load %arg4[%get3A_626] {strides = array<i32>} : memref<2048xi32, #tpu.memory_space<vmem>>, vector<16xi32>,
    %iota3A_628 = tpu.iota {dimensions = array<i32: 0>} : vector<16xi32>
    %add3A_629 = arith.constant 608 : i32
    %add3A_630 = vector.broadcast %add3A_629 : i32 to vector<16xi32>
    %add3A_631 = arith.addi %add3A_630, %iota3A_628 : vector<16xi32>
    %shift_right_arithmetic3A_632 = arith.constant 1 : i32
    %shift_right_arithmetic3A_633 = vector.broadcast %shift_right_arithmetic3A_632 : i32 to vector<16xi32>
    %shift_right_arithmetic3A_634 = arith.shrsi %add3A_631, %shift_right_arithmetic3A_633 : vector<16xi32>
    tpu.vector_store_idx %arg5[%get3A_627], %shift_right_arithmetic3A_634 : memref<2304xi32, #tpu.memory_space<vmem>>[vector<16xi32>], vector<16xi32>,
    %get3A_635 = arith.constant 624 : index
    %get3A_636 = tpu.vector_load %arg4[%get3A_635] {strides = array<i32>} : memref<2048xi32, #tpu.memory_space<vmem>>, vector<16xi32>,
    %iota3A_637 = tpu.iota {dimensions = array<i32: 0>} : vector<16xi32>
    %add3A_638 = arith.constant 624 : i32
    %add3A_639 = vector.broadcast %add3A_638 : i32 to vector<16xi32>
    %add3A_640 = arith.addi %add3A_639, %iota3A_637 : vector<16xi32>
    %shift_right_arithmetic3A_641 = arith.constant 1 : i32
    %shift_right_arithmetic3A_642 = vector.broadcast %shift_right_arithmetic3A_641 : i32 to vector<16xi32>
    %shift_right_arithmetic3A_643 = arith.shrsi %add3A_640, %shift_right_arithmetic3A_642 : vector<16xi32>
    tpu.vector_store_idx %arg5[%get3A_636], %shift_right_arithmetic3A_643 : memref<2304xi32, #tpu.memory_space<vmem>>[vector<16xi32>], vector<16xi32>,
    %get3A_644 = arith.constant 640 : index
    %get3A_645 = tpu.vector_load %arg4[%get3A_644] {strides = array<i32>} : memref<2048xi32, #tpu.memory_space<vmem>>, vector<16xi32>,
    %iota3A_646 = tpu.iota {dimensions = array<i32: 0>} : vector<16xi32>
    %add3A_647 = arith.constant 640 : i32
    %add3A_648 = vector.broadcast %add3A_647 : i32 to vector<16xi32>
    %add3A_649 = arith.addi %add3A_648, %iota3A_646 : vector<16xi32>
    %shift_right_arithmetic3A_650 = arith.constant 1 : i32
    %shift_right_arithmetic3A_651 = vector.broadcast %shift_right_arithmetic3A_650 : i32 to vector<16xi32>
    %shift_right_arithmetic3A_652 = arith.shrsi %add3A_649, %shift_right_arithmetic3A_651 : vector<16xi32>
    tpu.vector_store_idx %arg5[%get3A_645], %shift_right_arithmetic3A_652 : memref<2304xi32, #tpu.memory_space<vmem>>[vector<16xi32>], vector<16xi32>,
    %get3A_653 = arith.constant 656 : index
    %get3A_654 = tpu.vector_load %arg4[%get3A_653] {strides = array<i32>} : memref<2048xi32, #tpu.memory_space<vmem>>, vector<16xi32>,
    %iota3A_655 = tpu.iota {dimensions = array<i32: 0>} : vector<16xi32>
    %add3A_656 = arith.constant 656 : i32
    %add3A_657 = vector.broadcast %add3A_656 : i32 to vector<16xi32>
    %add3A_658 = arith.addi %add3A_657, %iota3A_655 : vector<16xi32>
    %shift_right_arithmetic3A_659 = arith.constant 1 : i32
    %shift_right_arithmetic3A_660 = vector.broadcast %shift_right_arithmetic3A_659 : i32 to vector<16xi32>
    %shift_right_arithmetic3A_661 = arith.shrsi %add3A_658, %shift_right_arithmetic3A_660 : vector<16xi32>
    tpu.vector_store_idx %arg5[%get3A_654], %shift_right_arithmetic3A_661 : memref<2304xi32, #tpu.memory_space<vmem>>[vector<16xi32>], vector<16xi32>,
    %get3A_662 = arith.constant 672 : index
    %get3A_663 = tpu.vector_load %arg4[%get3A_662] {strides = array<i32>} : memref<2048xi32, #tpu.memory_space<vmem>>, vector<16xi32>,
    %iota3A_664 = tpu.iota {dimensions = array<i32: 0>} : vector<16xi32>
    %add3A_665 = arith.constant 672 : i32
    %add3A_666 = vector.broadcast %add3A_665 : i32 to vector<16xi32>
    %add3A_667 = arith.addi %add3A_666, %iota3A_664 : vector<16xi32>
    %shift_right_arithmetic3A_668 = arith.constant 1 : i32
    %shift_right_arithmetic3A_669 = vector.broadcast %shift_right_arithmetic3A_668 : i32 to vector<16xi32>
    %shift_right_arithmetic3A_670 = arith.shrsi %add3A_667, %shift_right_arithmetic3A_669 : vector<16xi32>
    tpu.vector_store_idx %arg5[%get3A_663], %shift_right_arithmetic3A_670 : memref<2304xi32, #tpu.memory_space<vmem>>[vector<16xi32>], vector<16xi32>,
    %get3A_671 = arith.constant 688 : index
    %get3A_672 = tpu.vector_load %arg4[%get3A_671] {strides = array<i32>} : memref<2048xi32, #tpu.memory_space<vmem>>, vector<16xi32>,
    %iota3A_673 = tpu.iota {dimensions = array<i32: 0>} : vector<16xi32>
    %add3A_674 = arith.constant 688 : i32
    %add3A_675 = vector.broadcast %add3A_674 : i32 to vector<16xi32>
    %add3A_676 = arith.addi %add3A_675, %iota3A_673 : vector<16xi32>
    %shift_right_arithmetic3A_677 = arith.constant 1 : i32
    %shift_right_arithmetic3A_678 = vector.broadcast %shift_right_arithmetic3A_677 : i32 to vector<16xi32>
    %shift_right_arithmetic3A_679 = arith.shrsi %add3A_676, %shift_right_arithmetic3A_678 : vector<16xi32>
    tpu.vector_store_idx %arg5[%get3A_672], %shift_right_arithmetic3A_679 : memref<2304xi32, #tpu.memory_space<vmem>>[vector<16xi32>], vector<16xi32>,
    %get3A_680 = arith.constant 704 : index
    %get3A_681 = tpu.vector_load %arg4[%get3A_680] {strides = array<i32>} : memref<2048xi32, #tpu.memory_space<vmem>>, vector<16xi32>,
    %iota3A_682 = tpu.iota {dimensions = array<i32: 0>} : vector<16xi32>
    %add3A_683 = arith.constant 704 : i32
    %add3A_684 = vector.broadcast %add3A_683 : i32 to vector<16xi32>
    %add3A_685 = arith.addi %add3A_684, %iota3A_682 : vector<16xi32>
    %shift_right_arithmetic3A_686 = arith.constant 1 : i32
    %shift_right_arithmetic3A_687 = vector.broadcast %shift_right_arithmetic3A_686 : i32 to vector<16xi32>
    %shift_right_arithmetic3A_688 = arith.shrsi %add3A_685, %shift_right_arithmetic3A_687 : vector<16xi32>
    tpu.vector_store_idx %arg5[%get3A_681], %shift_right_arithmetic3A_688 : memref<2304xi32, #tpu.memory_space<vmem>>[vector<16xi32>], vector<16xi32>,
    %get3A_689 = arith.constant 720 : index
    %get3A_690 = tpu.vector_load %arg4[%get3A_689] {strides = array<i32>} : memref<2048xi32, #tpu.memory_space<vmem>>, vector<16xi32>,
    %iota3A_691 = tpu.iota {dimensions = array<i32: 0>} : vector<16xi32>
    %add3A_692 = arith.constant 720 : i32
    %add3A_693 = vector.broadcast %add3A_692 : i32 to vector<16xi32>
    %add3A_694 = arith.addi %add3A_693, %iota3A_691 : vector<16xi32>
    %shift_right_arithmetic3A_695 = arith.constant 1 : i32
    %shift_right_arithmetic3A_696 = vector.broadcast %shift_right_arithmetic3A_695 : i32 to vector<16xi32>
    %shift_right_arithmetic3A_697 = arith.shrsi %add3A_694, %shift_right_arithmetic3A_696 : vector<16xi32>
    tpu.vector_store_idx %arg5[%get3A_690], %shift_right_arithmetic3A_697 : memref<2304xi32, #tpu.memory_space<vmem>>[vector<16xi32>], vector<16xi32>,
    %get3A_698 = arith.constant 736 : index
    %get3A_699 = tpu.vector_load %arg4[%get3A_698] {strides = array<i32>} : memref<2048xi32, #tpu.memory_space<vmem>>, vector<16xi32>,
    %iota3A_700 = tpu.iota {dimensions = array<i32: 0>} : vector<16xi32>
    %add3A_701 = arith.constant 736 : i32
    %add3A_702 = vector.broadcast %add3A_701 : i32 to vector<16xi32>
    %add3A_703 = arith.addi %add3A_702, %iota3A_700 : vector<16xi32>
    %shift_right_arithmetic3A_704 = arith.constant 1 : i32
    %shift_right_arithmetic3A_705 = vector.broadcast %shift_right_arithmetic3A_704 : i32 to vector<16xi32>
    %shift_right_arithmetic3A_706 = arith.shrsi %add3A_703, %shift_right_arithmetic3A_705 : vector<16xi32>
    tpu.vector_store_idx %arg5[%get3A_699], %shift_right_arithmetic3A_706 : memref<2304xi32, #tpu.memory_space<vmem>>[vector<16xi32>], vector<16xi32>,
    %get3A_707 = arith.constant 752 : index
    %get3A_708 = tpu.vector_load %arg4[%get3A_707] {strides = array<i32>} : memref<2048xi32, #tpu.memory_space<vmem>>, vector<16xi32>,
    %iota3A_709 = tpu.iota {dimensions = array<i32: 0>} : vector<16xi32>
    %add3A_710 = arith.constant 752 : i32
    %add3A_711 = vector.broadcast %add3A_710 : i32 to vector<16xi32>
    %add3A_712 = arith.addi %add3A_711, %iota3A_709 : vector<16xi32>
    %shift_right_arithmetic3A_713 = arith.constant 1 : i32
    %shift_right_arithmetic3A_714 = vector.broadcast %shift_right_arithmetic3A_713 : i32 to vector<16xi32>
    %shift_right_arithmetic3A_715 = arith.shrsi %add3A_712, %shift_right_arithmetic3A_714 : vector<16xi32>
    tpu.vector_store_idx %arg5[%get3A_708], %shift_right_arithmetic3A_715 : memref<2304xi32, #tpu.memory_space<vmem>>[vector<16xi32>], vector<16xi32>,
    %get3A_716 = arith.constant 768 : index
    %get3A_717 = tpu.vector_load %arg4[%get3A_716] {strides = array<i32>} : memref<2048xi32, #tpu.memory_space<vmem>>, vector<16xi32>,
    %iota3A_718 = tpu.iota {dimensions = array<i32: 0>} : vector<16xi32>
    %add3A_719 = arith.constant 768 : i32
    %add3A_720 = vector.broadcast %add3A_719 : i32 to vector<16xi32>
    %add3A_721 = arith.addi %add3A_720, %iota3A_718 : vector<16xi32>
    %shift_right_arithmetic3A_722 = arith.constant 1 : i32
    %shift_right_arithmetic3A_723 = vector.broadcast %shift_right_arithmetic3A_722 : i32 to vector<16xi32>
    %shift_right_arithmetic3A_724 = arith.shrsi %add3A_721, %shift_right_arithmetic3A_723 : vector<16xi32>
    tpu.vector_store_idx %arg5[%get3A_717], %shift_right_arithmetic3A_724 : memref<2304xi32, #tpu.memory_space<vmem>>[vector<16xi32>], vector<16xi32>,
    %get3A_725 = arith.constant 784 : index
    %get3A_726 = tpu.vector_load %arg4[%get3A_725] {strides = array<i32>} : memref<2048xi32, #tpu.memory_space<vmem>>, vector<16xi32>,
    %iota3A_727 = tpu.iota {dimensions = array<i32: 0>} : vector<16xi32>
    %add3A_728 = arith.constant 784 : i32
    %add3A_729 = vector.broadcast %add3A_728 : i32 to vector<16xi32>
    %add3A_730 = arith.addi %add3A_729, %iota3A_727 : vector<16xi32>
    %shift_right_arithmetic3A_731 = arith.constant 1 : i32
    %shift_right_arithmetic3A_732 = vector.broadcast %shift_right_arithmetic3A_731 : i32 to vector<16xi32>
    %shift_right_arithmetic3A_733 = arith.shrsi %add3A_730, %shift_right_arithmetic3A_732 : vector<16xi32>
    tpu.vector_store_idx %arg5[%get3A_726], %shift_right_arithmetic3A_733 : memref<2304xi32, #tpu.memory_space<vmem>>[vector<16xi32>], vector<16xi32>,
    %get3A_734 = arith.constant 800 : index
    %get3A_735 = tpu.vector_load %arg4[%get3A_734] {strides = array<i32>} : memref<2048xi32, #tpu.memory_space<vmem>>, vector<16xi32>,
    %iota3A_736 = tpu.iota {dimensions = array<i32: 0>} : vector<16xi32>
    %add3A_737 = arith.constant 800 : i32
    %add3A_738 = vector.broadcast %add3A_737 : i32 to vector<16xi32>
    %add3A_739 = arith.addi %add3A_738, %iota3A_736 : vector<16xi32>
    %shift_right_arithmetic3A_740 = arith.constant 1 : i32
    %shift_right_arithmetic3A_741 = vector.broadcast %shift_right_arithmetic3A_740 : i32 to vector<16xi32>
    %shift_right_arithmetic3A_742 = arith.shrsi %add3A_739, %shift_right_arithmetic3A_741 : vector<16xi32>
    tpu.vector_store_idx %arg5[%get3A_735], %shift_right_arithmetic3A_742 : memref<2304xi32, #tpu.memory_space<vmem>>[vector<16xi32>], vector<16xi32>,
    %get3A_743 = arith.constant 816 : index
    %get3A_744 = tpu.vector_load %arg4[%get3A_743] {strides = array<i32>} : memref<2048xi32, #tpu.memory_space<vmem>>, vector<16xi32>,
    %iota3A_745 = tpu.iota {dimensions = array<i32: 0>} : vector<16xi32>
    %add3A_746 = arith.constant 816 : i32
    %add3A_747 = vector.broadcast %add3A_746 : i32 to vector<16xi32>
    %add3A_748 = arith.addi %add3A_747, %iota3A_745 : vector<16xi32>
    %shift_right_arithmetic3A_749 = arith.constant 1 : i32
    %shift_right_arithmetic3A_750 = vector.broadcast %shift_right_arithmetic3A_749 : i32 to vector<16xi32>
    %shift_right_arithmetic3A_751 = arith.shrsi %add3A_748, %shift_right_arithmetic3A_750 : vector<16xi32>
    tpu.vector_store_idx %arg5[%get3A_744], %shift_right_arithmetic3A_751 : memref<2304xi32, #tpu.memory_space<vmem>>[vector<16xi32>], vector<16xi32>,
    %get3A_752 = arith.constant 832 : index
    %get3A_753 = tpu.vector_load %arg4[%get3A_752] {strides = array<i32>} : memref<2048xi32, #tpu.memory_space<vmem>>, vector<16xi32>,
    %iota3A_754 = tpu.iota {dimensions = array<i32: 0>} : vector<16xi32>
    %add3A_755 = arith.constant 832 : i32
    %add3A_756 = vector.broadcast %add3A_755 : i32 to vector<16xi32>
    %add3A_757 = arith.addi %add3A_756, %iota3A_754 : vector<16xi32>
    %shift_right_arithmetic3A_758 = arith.constant 1 : i32
    %shift_right_arithmetic3A_759 = vector.broadcast %shift_right_arithmetic3A_758 : i32 to vector<16xi32>
    %shift_right_arithmetic3A_760 = arith.shrsi %add3A_757, %shift_right_arithmetic3A_759 : vector<16xi32>
    tpu.vector_store_idx %arg5[%get3A_753], %shift_right_arithmetic3A_760 : memref<2304xi32, #tpu.memory_space<vmem>>[vector<16xi32>], vector<16xi32>,
    %get3A_761 = arith.constant 848 : index
    %get3A_762 = tpu.vector_load %arg4[%get3A_761] {strides = array<i32>} : memref<2048xi32, #tpu.memory_space<vmem>>, vector<16xi32>,
    %iota3A_763 = tpu.iota {dimensions = array<i32: 0>} : vector<16xi32>
    %add3A_764 = arith.constant 848 : i32
    %add3A_765 = vector.broadcast %add3A_764 : i32 to vector<16xi32>
    %add3A_766 = arith.addi %add3A_765, %iota3A_763 : vector<16xi32>
    %shift_right_arithmetic3A_767 = arith.constant 1 : i32
    %shift_right_arithmetic3A_768 = vector.broadcast %shift_right_arithmetic3A_767 : i32 to vector<16xi32>
    %shift_right_arithmetic3A_769 = arith.shrsi %add3A_766, %shift_right_arithmetic3A_768 : vector<16xi32>
    tpu.vector_store_idx %arg5[%get3A_762], %shift_right_arithmetic3A_769 : memref<2304xi32, #tpu.memory_space<vmem>>[vector<16xi32>], vector<16xi32>,
    %get3A_770 = arith.constant 864 : index
    %get3A_771 = tpu.vector_load %arg4[%get3A_770] {strides = array<i32>} : memref<2048xi32, #tpu.memory_space<vmem>>, vector<16xi32>,
    %iota3A_772 = tpu.iota {dimensions = array<i32: 0>} : vector<16xi32>
    %add3A_773 = arith.constant 864 : i32
    %add3A_774 = vector.broadcast %add3A_773 : i32 to vector<16xi32>
    %add3A_775 = arith.addi %add3A_774, %iota3A_772 : vector<16xi32>
    %shift_right_arithmetic3A_776 = arith.constant 1 : i32
    %shift_right_arithmetic3A_777 = vector.broadcast %shift_right_arithmetic3A_776 : i32 to vector<16xi32>
    %shift_right_arithmetic3A_778 = arith.shrsi %add3A_775, %shift_right_arithmetic3A_777 : vector<16xi32>
    tpu.vector_store_idx %arg5[%get3A_771], %shift_right_arithmetic3A_778 : memref<2304xi32, #tpu.memory_space<vmem>>[vector<16xi32>], vector<16xi32>,
    %get3A_779 = arith.constant 880 : index
    %get3A_780 = tpu.vector_load %arg4[%get3A_779] {strides = array<i32>} : memref<2048xi32, #tpu.memory_space<vmem>>, vector<16xi32>,
    %iota3A_781 = tpu.iota {dimensions = array<i32: 0>} : vector<16xi32>
    %add3A_782 = arith.constant 880 : i32
    %add3A_783 = vector.broadcast %add3A_782 : i32 to vector<16xi32>
    %add3A_784 = arith.addi %add3A_783, %iota3A_781 : vector<16xi32>
    %shift_right_arithmetic3A_785 = arith.constant 1 : i32
    %shift_right_arithmetic3A_786 = vector.broadcast %shift_right_arithmetic3A_785 : i32 to vector<16xi32>
    %shift_right_arithmetic3A_787 = arith.shrsi %add3A_784, %shift_right_arithmetic3A_786 : vector<16xi32>
    tpu.vector_store_idx %arg5[%get3A_780], %shift_right_arithmetic3A_787 : memref<2304xi32, #tpu.memory_space<vmem>>[vector<16xi32>], vector<16xi32>,
    %get3A_788 = arith.constant 896 : index
    %get3A_789 = tpu.vector_load %arg4[%get3A_788] {strides = array<i32>} : memref<2048xi32, #tpu.memory_space<vmem>>, vector<16xi32>,
    %iota3A_790 = tpu.iota {dimensions = array<i32: 0>} : vector<16xi32>
    %add3A_791 = arith.constant 896 : i32
    %add3A_792 = vector.broadcast %add3A_791 : i32 to vector<16xi32>
    %add3A_793 = arith.addi %add3A_792, %iota3A_790 : vector<16xi32>
    %shift_right_arithmetic3A_794 = arith.constant 1 : i32
    %shift_right_arithmetic3A_795 = vector.broadcast %shift_right_arithmetic3A_794 : i32 to vector<16xi32>
    %shift_right_arithmetic3A_796 = arith.shrsi %add3A_793, %shift_right_arithmetic3A_795 : vector<16xi32>
    tpu.vector_store_idx %arg5[%get3A_789], %shift_right_arithmetic3A_796 : memref<2304xi32, #tpu.memory_space<vmem>>[vector<16xi32>], vector<16xi32>,
    %get3A_797 = arith.constant 912 : index
    %get3A_798 = tpu.vector_load %arg4[%get3A_797] {strides = array<i32>} : memref<2048xi32, #tpu.memory_space<vmem>>, vector<16xi32>,
    %iota3A_799 = tpu.iota {dimensions = array<i32: 0>} : vector<16xi32>
    %add3A_800 = arith.constant 912 : i32
    %add3A_801 = vector.broadcast %add3A_800 : i32 to vector<16xi32>
    %add3A_802 = arith.addi %add3A_801, %iota3A_799 : vector<16xi32>
    %shift_right_arithmetic3A_803 = arith.constant 1 : i32
    %shift_right_arithmetic3A_804 = vector.broadcast %shift_right_arithmetic3A_803 : i32 to vector<16xi32>
    %shift_right_arithmetic3A_805 = arith.shrsi %add3A_802, %shift_right_arithmetic3A_804 : vector<16xi32>
    tpu.vector_store_idx %arg5[%get3A_798], %shift_right_arithmetic3A_805 : memref<2304xi32, #tpu.memory_space<vmem>>[vector<16xi32>], vector<16xi32>,
    %get3A_806 = arith.constant 928 : index
    %get3A_807 = tpu.vector_load %arg4[%get3A_806] {strides = array<i32>} : memref<2048xi32, #tpu.memory_space<vmem>>, vector<16xi32>,
    %iota3A_808 = tpu.iota {dimensions = array<i32: 0>} : vector<16xi32>
    %add3A_809 = arith.constant 928 : i32
    %add3A_810 = vector.broadcast %add3A_809 : i32 to vector<16xi32>
    %add3A_811 = arith.addi %add3A_810, %iota3A_808 : vector<16xi32>
    %shift_right_arithmetic3A_812 = arith.constant 1 : i32
    %shift_right_arithmetic3A_813 = vector.broadcast %shift_right_arithmetic3A_812 : i32 to vector<16xi32>
    %shift_right_arithmetic3A_814 = arith.shrsi %add3A_811, %shift_right_arithmetic3A_813 : vector<16xi32>
    tpu.vector_store_idx %arg5[%get3A_807], %shift_right_arithmetic3A_814 : memref<2304xi32, #tpu.memory_space<vmem>>[vector<16xi32>], vector<16xi32>,
    %get3A_815 = arith.constant 944 : index
    %get3A_816 = tpu.vector_load %arg4[%get3A_815] {strides = array<i32>} : memref<2048xi32, #tpu.memory_space<vmem>>, vector<16xi32>,
    %iota3A_817 = tpu.iota {dimensions = array<i32: 0>} : vector<16xi32>
    %add3A_818 = arith.constant 944 : i32
    %add3A_819 = vector.broadcast %add3A_818 : i32 to vector<16xi32>
    %add3A_820 = arith.addi %add3A_819, %iota3A_817 : vector<16xi32>
    %shift_right_arithmetic3A_821 = arith.constant 1 : i32
    %shift_right_arithmetic3A_822 = vector.broadcast %shift_right_arithmetic3A_821 : i32 to vector<16xi32>
    %shift_right_arithmetic3A_823 = arith.shrsi %add3A_820, %shift_right_arithmetic3A_822 : vector<16xi32>
    tpu.vector_store_idx %arg5[%get3A_816], %shift_right_arithmetic3A_823 : memref<2304xi32, #tpu.memory_space<vmem>>[vector<16xi32>], vector<16xi32>,
    %get3A_824 = arith.constant 960 : index
    %get3A_825 = tpu.vector_load %arg4[%get3A_824] {strides = array<i32>} : memref<2048xi32, #tpu.memory_space<vmem>>, vector<16xi32>,
    %iota3A_826 = tpu.iota {dimensions = array<i32: 0>} : vector<16xi32>
    %add3A_827 = arith.constant 960 : i32
    %add3A_828 = vector.broadcast %add3A_827 : i32 to vector<16xi32>
    %add3A_829 = arith.addi %add3A_828, %iota3A_826 : vector<16xi32>
    %shift_right_arithmetic3A_830 = arith.constant 1 : i32
    %shift_right_arithmetic3A_831 = vector.broadcast %shift_right_arithmetic3A_830 : i32 to vector<16xi32>
    %shift_right_arithmetic3A_832 = arith.shrsi %add3A_829, %shift_right_arithmetic3A_831 : vector<16xi32>
    tpu.vector_store_idx %arg5[%get3A_825], %shift_right_arithmetic3A_832 : memref<2304xi32, #tpu.memory_space<vmem>>[vector<16xi32>], vector<16xi32>,
    %get3A_833 = arith.constant 976 : index
    %get3A_834 = tpu.vector_load %arg4[%get3A_833] {strides = array<i32>} : memref<2048xi32, #tpu.memory_space<vmem>>, vector<16xi32>,
    %iota3A_835 = tpu.iota {dimensions = array<i32: 0>} : vector<16xi32>
    %add3A_836 = arith.constant 976 : i32
    %add3A_837 = vector.broadcast %add3A_836 : i32 to vector<16xi32>
    %add3A_838 = arith.addi %add3A_837, %iota3A_835 : vector<16xi32>
    %shift_right_arithmetic3A_839 = arith.constant 1 : i32
    %shift_right_arithmetic3A_840 = vector.broadcast %shift_right_arithmetic3A_839 : i32 to vector<16xi32>
    %shift_right_arithmetic3A_841 = arith.shrsi %add3A_838, %shift_right_arithmetic3A_840 : vector<16xi32>
    tpu.vector_store_idx %arg5[%get3A_834], %shift_right_arithmetic3A_841 : memref<2304xi32, #tpu.memory_space<vmem>>[vector<16xi32>], vector<16xi32>,
    %get3A_842 = arith.constant 992 : index
    %get3A_843 = tpu.vector_load %arg4[%get3A_842] {strides = array<i32>} : memref<2048xi32, #tpu.memory_space<vmem>>, vector<16xi32>,
    %iota3A_844 = tpu.iota {dimensions = array<i32: 0>} : vector<16xi32>
    %add3A_845 = arith.constant 992 : i32
    %add3A_846 = vector.broadcast %add3A_845 : i32 to vector<16xi32>
    %add3A_847 = arith.addi %add3A_846, %iota3A_844 : vector<16xi32>
    %shift_right_arithmetic3A_848 = arith.constant 1 : i32
    %shift_right_arithmetic3A_849 = vector.broadcast %shift_right_arithmetic3A_848 : i32 to vector<16xi32>
    %shift_right_arithmetic3A_850 = arith.shrsi %add3A_847, %shift_right_arithmetic3A_849 : vector<16xi32>
    tpu.vector_store_idx %arg5[%get3A_843], %shift_right_arithmetic3A_850 : memref<2304xi32, #tpu.memory_space<vmem>>[vector<16xi32>], vector<16xi32>,
    %get3A_851 = arith.constant 1008 : index
    %get3A_852 = tpu.vector_load %arg4[%get3A_851] {strides = array<i32>} : memref<2048xi32, #tpu.memory_space<vmem>>, vector<16xi32>,
    %iota3A_853 = tpu.iota {dimensions = array<i32: 0>} : vector<16xi32>
    %add3A_854 = arith.constant 1008 : i32
    %add3A_855 = vector.broadcast %add3A_854 : i32 to vector<16xi32>
    %add3A_856 = arith.addi %add3A_855, %iota3A_853 : vector<16xi32>
    %shift_right_arithmetic3A_857 = arith.constant 1 : i32
    %shift_right_arithmetic3A_858 = vector.broadcast %shift_right_arithmetic3A_857 : i32 to vector<16xi32>
    %shift_right_arithmetic3A_859 = arith.shrsi %add3A_856, %shift_right_arithmetic3A_858 : vector<16xi32>
    tpu.vector_store_idx %arg5[%get3A_852], %shift_right_arithmetic3A_859 : memref<2304xi32, #tpu.memory_space<vmem>>[vector<16xi32>], vector<16xi32>,
    %get3A_860 = arith.constant 1024 : index
    %get3A_861 = tpu.vector_load %arg4[%get3A_860] {strides = array<i32>} : memref<2048xi32, #tpu.memory_space<vmem>>, vector<16xi32>,
    %iota3A_862 = tpu.iota {dimensions = array<i32: 0>} : vector<16xi32>
    %add3A_863 = arith.constant 1024 : i32
    %add3A_864 = vector.broadcast %add3A_863 : i32 to vector<16xi32>
    %add3A_865 = arith.addi %add3A_864, %iota3A_862 : vector<16xi32>
    %shift_right_arithmetic3A_866 = arith.constant 1 : i32
    %shift_right_arithmetic3A_867 = vector.broadcast %shift_right_arithmetic3A_866 : i32 to vector<16xi32>
    %shift_right_arithmetic3A_868 = arith.shrsi %add3A_865, %shift_right_arithmetic3A_867 : vector<16xi32>
    tpu.vector_store_idx %arg5[%get3A_861], %shift_right_arithmetic3A_868 : memref<2304xi32, #tpu.memory_space<vmem>>[vector<16xi32>], vector<16xi32>,
    %get3A_869 = arith.constant 1040 : index
    %get3A_870 = tpu.vector_load %arg4[%get3A_869] {strides = array<i32>} : memref<2048xi32, #tpu.memory_space<vmem>>, vector<16xi32>,
    %iota3A_871 = tpu.iota {dimensions = array<i32: 0>} : vector<16xi32>
    %add3A_872 = arith.constant 1040 : i32
    %add3A_873 = vector.broadcast %add3A_872 : i32 to vector<16xi32>
    %add3A_874 = arith.addi %add3A_873, %iota3A_871 : vector<16xi32>
    %shift_right_arithmetic3A_875 = arith.constant 1 : i32
    %shift_right_arithmetic3A_876 = vector.broadcast %shift_right_arithmetic3A_875 : i32 to vector<16xi32>
    %shift_right_arithmetic3A_877 = arith.shrsi %add3A_874, %shift_right_arithmetic3A_876 : vector<16xi32>
    tpu.vector_store_idx %arg5[%get3A_870], %shift_right_arithmetic3A_877 : memref<2304xi32, #tpu.memory_space<vmem>>[vector<16xi32>], vector<16xi32>,
    %get3A_878 = arith.constant 1056 : index
    %get3A_879 = tpu.vector_load %arg4[%get3A_878] {strides = array<i32>} : memref<2048xi32, #tpu.memory_space<vmem>>, vector<16xi32>,
    %iota3A_880 = tpu.iota {dimensions = array<i32: 0>} : vector<16xi32>
    %add3A_881 = arith.constant 1056 : i32
    %add3A_882 = vector.broadcast %add3A_881 : i32 to vector<16xi32>
    %add3A_883 = arith.addi %add3A_882, %iota3A_880 : vector<16xi32>
    %shift_right_arithmetic3A_884 = arith.constant 1 : i32
    %shift_right_arithmetic3A_885 = vector.broadcast %shift_right_arithmetic3A_884 : i32 to vector<16xi32>
    %shift_right_arithmetic3A_886 = arith.shrsi %add3A_883, %shift_right_arithmetic3A_885 : vector<16xi32>
    tpu.vector_store_idx %arg5[%get3A_879], %shift_right_arithmetic3A_886 : memref<2304xi32, #tpu.memory_space<vmem>>[vector<16xi32>], vector<16xi32>,
    %get3A_887 = arith.constant 1072 : index
    %get3A_888 = tpu.vector_load %arg4[%get3A_887] {strides = array<i32>} : memref<2048xi32, #tpu.memory_space<vmem>>, vector<16xi32>,
    %iota3A_889 = tpu.iota {dimensions = array<i32: 0>} : vector<16xi32>
    %add3A_890 = arith.constant 1072 : i32
    %add3A_891 = vector.broadcast %add3A_890 : i32 to vector<16xi32>
    %add3A_892 = arith.addi %add3A_891, %iota3A_889 : vector<16xi32>
    %shift_right_arithmetic3A_893 = arith.constant 1 : i32
    %shift_right_arithmetic3A_894 = vector.broadcast %shift_right_arithmetic3A_893 : i32 to vector<16xi32>
    %shift_right_arithmetic3A_895 = arith.shrsi %add3A_892, %shift_right_arithmetic3A_894 : vector<16xi32>
    tpu.vector_store_idx %arg5[%get3A_888], %shift_right_arithmetic3A_895 : memref<2304xi32, #tpu.memory_space<vmem>>[vector<16xi32>], vector<16xi32>,
    %get3A_896 = arith.constant 1088 : index
    %get3A_897 = tpu.vector_load %arg4[%get3A_896] {strides = array<i32>} : memref<2048xi32, #tpu.memory_space<vmem>>, vector<16xi32>,
    %iota3A_898 = tpu.iota {dimensions = array<i32: 0>} : vector<16xi32>
    %add3A_899 = arith.constant 1088 : i32
    %add3A_900 = vector.broadcast %add3A_899 : i32 to vector<16xi32>
    %add3A_901 = arith.addi %add3A_900, %iota3A_898 : vector<16xi32>
    %shift_right_arithmetic3A_902 = arith.constant 1 : i32
    %shift_right_arithmetic3A_903 = vector.broadcast %shift_right_arithmetic3A_902 : i32 to vector<16xi32>
    %shift_right_arithmetic3A_904 = arith.shrsi %add3A_901, %shift_right_arithmetic3A_903 : vector<16xi32>
    tpu.vector_store_idx %arg5[%get3A_897], %shift_right_arithmetic3A_904 : memref<2304xi32, #tpu.memory_space<vmem>>[vector<16xi32>], vector<16xi32>,
    %get3A_905 = arith.constant 1104 : index
    %get3A_906 = tpu.vector_load %arg4[%get3A_905] {strides = array<i32>} : memref<2048xi32, #tpu.memory_space<vmem>>, vector<16xi32>,
    %iota3A_907 = tpu.iota {dimensions = array<i32: 0>} : vector<16xi32>
    %add3A_908 = arith.constant 1104 : i32
    %add3A_909 = vector.broadcast %add3A_908 : i32 to vector<16xi32>
    %add3A_910 = arith.addi %add3A_909, %iota3A_907 : vector<16xi32>
    %shift_right_arithmetic3A_911 = arith.constant 1 : i32
    %shift_right_arithmetic3A_912 = vector.broadcast %shift_right_arithmetic3A_911 : i32 to vector<16xi32>
    %shift_right_arithmetic3A_913 = arith.shrsi %add3A_910, %shift_right_arithmetic3A_912 : vector<16xi32>
    tpu.vector_store_idx %arg5[%get3A_906], %shift_right_arithmetic3A_913 : memref<2304xi32, #tpu.memory_space<vmem>>[vector<16xi32>], vector<16xi32>,
    %get3A_914 = arith.constant 1120 : index
    %get3A_915 = tpu.vector_load %arg4[%get3A_914] {strides = array<i32>} : memref<2048xi32, #tpu.memory_space<vmem>>, vector<16xi32>,
    %iota3A_916 = tpu.iota {dimensions = array<i32: 0>} : vector<16xi32>
    %add3A_917 = arith.constant 1120 : i32
    %add3A_918 = vector.broadcast %add3A_917 : i32 to vector<16xi32>
    %add3A_919 = arith.addi %add3A_918, %iota3A_916 : vector<16xi32>
    %shift_right_arithmetic3A_920 = arith.constant 1 : i32
    %shift_right_arithmetic3A_921 = vector.broadcast %shift_right_arithmetic3A_920 : i32 to vector<16xi32>
    %shift_right_arithmetic3A_922 = arith.shrsi %add3A_919, %shift_right_arithmetic3A_921 : vector<16xi32>
    tpu.vector_store_idx %arg5[%get3A_915], %shift_right_arithmetic3A_922 : memref<2304xi32, #tpu.memory_space<vmem>>[vector<16xi32>], vector<16xi32>,
    %get3A_923 = arith.constant 1136 : index
    %get3A_924 = tpu.vector_load %arg4[%get3A_923] {strides = array<i32>} : memref<2048xi32, #tpu.memory_space<vmem>>, vector<16xi32>,
    %iota3A_925 = tpu.iota {dimensions = array<i32: 0>} : vector<16xi32>
    %add3A_926 = arith.constant 1136 : i32
    %add3A_927 = vector.broadcast %add3A_926 : i32 to vector<16xi32>
    %add3A_928 = arith.addi %add3A_927, %iota3A_925 : vector<16xi32>
    %shift_right_arithmetic3A_929 = arith.constant 1 : i32
    %shift_right_arithmetic3A_930 = vector.broadcast %shift_right_arithmetic3A_929 : i32 to vector<16xi32>
    %shift_right_arithmetic3A_931 = arith.shrsi %add3A_928, %shift_right_arithmetic3A_930 : vector<16xi32>
    tpu.vector_store_idx %arg5[%get3A_924], %shift_right_arithmetic3A_931 : memref<2304xi32, #tpu.memory_space<vmem>>[vector<16xi32>], vector<16xi32>,
    %get3A_932 = arith.constant 1152 : index
    %get3A_933 = tpu.vector_load %arg4[%get3A_932] {strides = array<i32>} : memref<2048xi32, #tpu.memory_space<vmem>>, vector<16xi32>,
    %iota3A_934 = tpu.iota {dimensions = array<i32: 0>} : vector<16xi32>
    %add3A_935 = arith.constant 1152 : i32
    %add3A_936 = vector.broadcast %add3A_935 : i32 to vector<16xi32>
    %add3A_937 = arith.addi %add3A_936, %iota3A_934 : vector<16xi32>
    %shift_right_arithmetic3A_938 = arith.constant 1 : i32
    %shift_right_arithmetic3A_939 = vector.broadcast %shift_right_arithmetic3A_938 : i32 to vector<16xi32>
    %shift_right_arithmetic3A_940 = arith.shrsi %add3A_937, %shift_right_arithmetic3A_939 : vector<16xi32>
    tpu.vector_store_idx %arg5[%get3A_933], %shift_right_arithmetic3A_940 : memref<2304xi32, #tpu.memory_space<vmem>>[vector<16xi32>], vector<16xi32>,
    %get3A_941 = arith.constant 1168 : index
    %get3A_942 = tpu.vector_load %arg4[%get3A_941] {strides = array<i32>} : memref<2048xi32, #tpu.memory_space<vmem>>, vector<16xi32>,
    %iota3A_943 = tpu.iota {dimensions = array<i32: 0>} : vector<16xi32>
    %add3A_944 = arith.constant 1168 : i32
    %add3A_945 = vector.broadcast %add3A_944 : i32 to vector<16xi32>
    %add3A_946 = arith.addi %add3A_945, %iota3A_943 : vector<16xi32>
    %shift_right_arithmetic3A_947 = arith.constant 1 : i32
    %shift_right_arithmetic3A_948 = vector.broadcast %shift_right_arithmetic3A_947 : i32 to vector<16xi32>
    %shift_right_arithmetic3A_949 = arith.shrsi %add3A_946, %shift_right_arithmetic3A_948 : vector<16xi32>
    tpu.vector_store_idx %arg5[%get3A_942], %shift_right_arithmetic3A_949 : memref<2304xi32, #tpu.memory_space<vmem>>[vector<16xi32>], vector<16xi32>,
    %get3A_950 = arith.constant 1184 : index
    %get3A_951 = tpu.vector_load %arg4[%get3A_950] {strides = array<i32>} : memref<2048xi32, #tpu.memory_space<vmem>>, vector<16xi32>,
    %iota3A_952 = tpu.iota {dimensions = array<i32: 0>} : vector<16xi32>
    %add3A_953 = arith.constant 1184 : i32
    %add3A_954 = vector.broadcast %add3A_953 : i32 to vector<16xi32>
    %add3A_955 = arith.addi %add3A_954, %iota3A_952 : vector<16xi32>
    %shift_right_arithmetic3A_956 = arith.constant 1 : i32
    %shift_right_arithmetic3A_957 = vector.broadcast %shift_right_arithmetic3A_956 : i32 to vector<16xi32>
    %shift_right_arithmetic3A_958 = arith.shrsi %add3A_955, %shift_right_arithmetic3A_957 : vector<16xi32>
    tpu.vector_store_idx %arg5[%get3A_951], %shift_right_arithmetic3A_958 : memref<2304xi32, #tpu.memory_space<vmem>>[vector<16xi32>], vector<16xi32>,
    %get3A_959 = arith.constant 1200 : index
    %get3A_960 = tpu.vector_load %arg4[%get3A_959] {strides = array<i32>} : memref<2048xi32, #tpu.memory_space<vmem>>, vector<16xi32>,
    %iota3A_961 = tpu.iota {dimensions = array<i32: 0>} : vector<16xi32>
    %add3A_962 = arith.constant 1200 : i32
    %add3A_963 = vector.broadcast %add3A_962 : i32 to vector<16xi32>
    %add3A_964 = arith.addi %add3A_963, %iota3A_961 : vector<16xi32>
    %shift_right_arithmetic3A_965 = arith.constant 1 : i32
    %shift_right_arithmetic3A_966 = vector.broadcast %shift_right_arithmetic3A_965 : i32 to vector<16xi32>
    %shift_right_arithmetic3A_967 = arith.shrsi %add3A_964, %shift_right_arithmetic3A_966 : vector<16xi32>
    tpu.vector_store_idx %arg5[%get3A_960], %shift_right_arithmetic3A_967 : memref<2304xi32, #tpu.memory_space<vmem>>[vector<16xi32>], vector<16xi32>,
    %get3A_968 = arith.constant 1216 : index
    %get3A_969 = tpu.vector_load %arg4[%get3A_968] {strides = array<i32>} : memref<2048xi32, #tpu.memory_space<vmem>>, vector<16xi32>,
    %iota3A_970 = tpu.iota {dimensions = array<i32: 0>} : vector<16xi32>
    %add3A_971 = arith.constant 1216 : i32
    %add3A_972 = vector.broadcast %add3A_971 : i32 to vector<16xi32>
    %add3A_973 = arith.addi %add3A_972, %iota3A_970 : vector<16xi32>
    %shift_right_arithmetic3A_974 = arith.constant 1 : i32
    %shift_right_arithmetic3A_975 = vector.broadcast %shift_right_arithmetic3A_974 : i32 to vector<16xi32>
    %shift_right_arithmetic3A_976 = arith.shrsi %add3A_973, %shift_right_arithmetic3A_975 : vector<16xi32>
    tpu.vector_store_idx %arg5[%get3A_969], %shift_right_arithmetic3A_976 : memref<2304xi32, #tpu.memory_space<vmem>>[vector<16xi32>], vector<16xi32>,
    %get3A_977 = arith.constant 1232 : index
    %get3A_978 = tpu.vector_load %arg4[%get3A_977] {strides = array<i32>} : memref<2048xi32, #tpu.memory_space<vmem>>, vector<16xi32>,
    %iota3A_979 = tpu.iota {dimensions = array<i32: 0>} : vector<16xi32>
    %add3A_980 = arith.constant 1232 : i32
    %add3A_981 = vector.broadcast %add3A_980 : i32 to vector<16xi32>
    %add3A_982 = arith.addi %add3A_981, %iota3A_979 : vector<16xi32>
    %shift_right_arithmetic3A_983 = arith.constant 1 : i32
    %shift_right_arithmetic3A_984 = vector.broadcast %shift_right_arithmetic3A_983 : i32 to vector<16xi32>
    %shift_right_arithmetic3A_985 = arith.shrsi %add3A_982, %shift_right_arithmetic3A_984 : vector<16xi32>
    tpu.vector_store_idx %arg5[%get3A_978], %shift_right_arithmetic3A_985 : memref<2304xi32, #tpu.memory_space<vmem>>[vector<16xi32>], vector<16xi32>,
    %get3A_986 = arith.constant 1248 : index
    %get3A_987 = tpu.vector_load %arg4[%get3A_986] {strides = array<i32>} : memref<2048xi32, #tpu.memory_space<vmem>>, vector<16xi32>,
    %iota3A_988 = tpu.iota {dimensions = array<i32: 0>} : vector<16xi32>
    %add3A_989 = arith.constant 1248 : i32
    %add3A_990 = vector.broadcast %add3A_989 : i32 to vector<16xi32>
    %add3A_991 = arith.addi %add3A_990, %iota3A_988 : vector<16xi32>
    %shift_right_arithmetic3A_992 = arith.constant 1 : i32
    %shift_right_arithmetic3A_993 = vector.broadcast %shift_right_arithmetic3A_992 : i32 to vector<16xi32>
    %shift_right_arithmetic3A_994 = arith.shrsi %add3A_991, %shift_right_arithmetic3A_993 : vector<16xi32>
    tpu.vector_store_idx %arg5[%get3A_987], %shift_right_arithmetic3A_994 : memref<2304xi32, #tpu.memory_space<vmem>>[vector<16xi32>], vector<16xi32>,
    %get3A_995 = arith.constant 1264 : index
    %get3A_996 = tpu.vector_load %arg4[%get3A_995] {strides = array<i32>} : memref<2048xi32, #tpu.memory_space<vmem>>, vector<16xi32>,
    %iota3A_997 = tpu.iota {dimensions = array<i32: 0>} : vector<16xi32>
    %add3A_998 = arith.constant 1264 : i32
    %add3A_999 = vector.broadcast %add3A_998 : i32 to vector<16xi32>
    %add3A_1000 = arith.addi %add3A_999, %iota3A_997 : vector<16xi32>
    %shift_right_arithmetic3A_1001 = arith.constant 1 : i32
    %shift_right_arithmetic3A_1002 = vector.broadcast %shift_right_arithmetic3A_1001 : i32 to vector<16xi32>
    %shift_right_arithmetic3A_1003 = arith.shrsi %add3A_1000, %shift_right_arithmetic3A_1002 : vector<16xi32>
    tpu.vector_store_idx %arg5[%get3A_996], %shift_right_arithmetic3A_1003 : memref<2304xi32, #tpu.memory_space<vmem>>[vector<16xi32>], vector<16xi32>,
    %get3A_1004 = arith.constant 1280 : index
    %get3A_1005 = tpu.vector_load %arg4[%get3A_1004] {strides = array<i32>} : memref<2048xi32, #tpu.memory_space<vmem>>, vector<16xi32>,
    %iota3A_1006 = tpu.iota {dimensions = array<i32: 0>} : vector<16xi32>
    %add3A_1007 = arith.constant 1280 : i32
    %add3A_1008 = vector.broadcast %add3A_1007 : i32 to vector<16xi32>
    %add3A_1009 = arith.addi %add3A_1008, %iota3A_1006 : vector<16xi32>
    %shift_right_arithmetic3A_1010 = arith.constant 1 : i32
    %shift_right_arithmetic3A_1011 = vector.broadcast %shift_right_arithmetic3A_1010 : i32 to vector<16xi32>
    %shift_right_arithmetic3A_1012 = arith.shrsi %add3A_1009, %shift_right_arithmetic3A_1011 : vector<16xi32>
    tpu.vector_store_idx %arg5[%get3A_1005], %shift_right_arithmetic3A_1012 : memref<2304xi32, #tpu.memory_space<vmem>>[vector<16xi32>], vector<16xi32>,
    %get3A_1013 = arith.constant 1296 : index
    %get3A_1014 = tpu.vector_load %arg4[%get3A_1013] {strides = array<i32>} : memref<2048xi32, #tpu.memory_space<vmem>>, vector<16xi32>,
    %iota3A_1015 = tpu.iota {dimensions = array<i32: 0>} : vector<16xi32>
    %add3A_1016 = arith.constant 1296 : i32
    %add3A_1017 = vector.broadcast %add3A_1016 : i32 to vector<16xi32>
    %add3A_1018 = arith.addi %add3A_1017, %iota3A_1015 : vector<16xi32>
    %shift_right_arithmetic3A_1019 = arith.constant 1 : i32
    %shift_right_arithmetic3A_1020 = vector.broadcast %shift_right_arithmetic3A_1019 : i32 to vector<16xi32>
    %shift_right_arithmetic3A_1021 = arith.shrsi %add3A_1018, %shift_right_arithmetic3A_1020 : vector<16xi32>
    tpu.vector_store_idx %arg5[%get3A_1014], %shift_right_arithmetic3A_1021 : memref<2304xi32, #tpu.memory_space<vmem>>[vector<16xi32>], vector<16xi32>,
    %get3A_1022 = arith.constant 1312 : index
    %get3A_1023 = tpu.vector_load %arg4[%get3A_1022] {strides = array<i32>} : memref<2048xi32, #tpu.memory_space<vmem>>, vector<16xi32>,
    %iota3A_1024 = tpu.iota {dimensions = array<i32: 0>} : vector<16xi32>
    %add3A_1025 = arith.constant 1312 : i32
    %add3A_1026 = vector.broadcast %add3A_1025 : i32 to vector<16xi32>
    %add3A_1027 = arith.addi %add3A_1026, %iota3A_1024 : vector<16xi32>
    %shift_right_arithmetic3A_1028 = arith.constant 1 : i32
    %shift_right_arithmetic3A_1029 = vector.broadcast %shift_right_arithmetic3A_1028 : i32 to vector<16xi32>
    %shift_right_arithmetic3A_1030 = arith.shrsi %add3A_1027, %shift_right_arithmetic3A_1029 : vector<16xi32>
    tpu.vector_store_idx %arg5[%get3A_1023], %shift_right_arithmetic3A_1030 : memref<2304xi32, #tpu.memory_space<vmem>>[vector<16xi32>], vector<16xi32>,
    %get3A_1031 = arith.constant 1328 : index
    %get3A_1032 = tpu.vector_load %arg4[%get3A_1031] {strides = array<i32>} : memref<2048xi32, #tpu.memory_space<vmem>>, vector<16xi32>,
    %iota3A_1033 = tpu.iota {dimensions = array<i32: 0>} : vector<16xi32>
    %add3A_1034 = arith.constant 1328 : i32
    %add3A_1035 = vector.broadcast %add3A_1034 : i32 to vector<16xi32>
    %add3A_1036 = arith.addi %add3A_1035, %iota3A_1033 : vector<16xi32>
    %shift_right_arithmetic3A_1037 = arith.constant 1 : i32
    %shift_right_arithmetic3A_1038 = vector.broadcast %shift_right_arithmetic3A_1037 : i32 to vector<16xi32>
    %shift_right_arithmetic3A_1039 = arith.shrsi %add3A_1036, %shift_right_arithmetic3A_1038 : vector<16xi32>
    tpu.vector_store_idx %arg5[%get3A_1032], %shift_right_arithmetic3A_1039 : memref<2304xi32, #tpu.memory_space<vmem>>[vector<16xi32>], vector<16xi32>,
    %get3A_1040 = arith.constant 1344 : index
    %get3A_1041 = tpu.vector_load %arg4[%get3A_1040] {strides = array<i32>} : memref<2048xi32, #tpu.memory_space<vmem>>, vector<16xi32>,
    %iota3A_1042 = tpu.iota {dimensions = array<i32: 0>} : vector<16xi32>
    %add3A_1043 = arith.constant 1344 : i32
    %add3A_1044 = vector.broadcast %add3A_1043 : i32 to vector<16xi32>
    %add3A_1045 = arith.addi %add3A_1044, %iota3A_1042 : vector<16xi32>
    %shift_right_arithmetic3A_1046 = arith.constant 1 : i32
    %shift_right_arithmetic3A_1047 = vector.broadcast %shift_right_arithmetic3A_1046 : i32 to vector<16xi32>
    %shift_right_arithmetic3A_1048 = arith.shrsi %add3A_1045, %shift_right_arithmetic3A_1047 : vector<16xi32>
    tpu.vector_store_idx %arg5[%get3A_1041], %shift_right_arithmetic3A_1048 : memref<2304xi32, #tpu.memory_space<vmem>>[vector<16xi32>], vector<16xi32>,
    %get3A_1049 = arith.constant 1360 : index
    %get3A_1050 = tpu.vector_load %arg4[%get3A_1049] {strides = array<i32>} : memref<2048xi32, #tpu.memory_space<vmem>>, vector<16xi32>,
    %iota3A_1051 = tpu.iota {dimensions = array<i32: 0>} : vector<16xi32>
    %add3A_1052 = arith.constant 1360 : i32
    %add3A_1053 = vector.broadcast %add3A_1052 : i32 to vector<16xi32>
    %add3A_1054 = arith.addi %add3A_1053, %iota3A_1051 : vector<16xi32>
    %shift_right_arithmetic3A_1055 = arith.constant 1 : i32
    %shift_right_arithmetic3A_1056 = vector.broadcast %shift_right_arithmetic3A_1055 : i32 to vector<16xi32>
    %shift_right_arithmetic3A_1057 = arith.shrsi %add3A_1054, %shift_right_arithmetic3A_1056 : vector<16xi32>
    tpu.vector_store_idx %arg5[%get3A_1050], %shift_right_arithmetic3A_1057 : memref<2304xi32, #tpu.memory_space<vmem>>[vector<16xi32>], vector<16xi32>,
    %get3A_1058 = arith.constant 1376 : index
    %get3A_1059 = tpu.vector_load %arg4[%get3A_1058] {strides = array<i32>} : memref<2048xi32, #tpu.memory_space<vmem>>, vector<16xi32>,
    %iota3A_1060 = tpu.iota {dimensions = array<i32: 0>} : vector<16xi32>
    %add3A_1061 = arith.constant 1376 : i32
    %add3A_1062 = vector.broadcast %add3A_1061 : i32 to vector<16xi32>
    %add3A_1063 = arith.addi %add3A_1062, %iota3A_1060 : vector<16xi32>
    %shift_right_arithmetic3A_1064 = arith.constant 1 : i32
    %shift_right_arithmetic3A_1065 = vector.broadcast %shift_right_arithmetic3A_1064 : i32 to vector<16xi32>
    %shift_right_arithmetic3A_1066 = arith.shrsi %add3A_1063, %shift_right_arithmetic3A_1065 : vector<16xi32>
    tpu.vector_store_idx %arg5[%get3A_1059], %shift_right_arithmetic3A_1066 : memref<2304xi32, #tpu.memory_space<vmem>>[vector<16xi32>], vector<16xi32>,
    %get3A_1067 = arith.constant 1392 : index
    %get3A_1068 = tpu.vector_load %arg4[%get3A_1067] {strides = array<i32>} : memref<2048xi32, #tpu.memory_space<vmem>>, vector<16xi32>,
    %iota3A_1069 = tpu.iota {dimensions = array<i32: 0>} : vector<16xi32>
    %add3A_1070 = arith.constant 1392 : i32
    %add3A_1071 = vector.broadcast %add3A_1070 : i32 to vector<16xi32>
    %add3A_1072 = arith.addi %add3A_1071, %iota3A_1069 : vector<16xi32>
    %shift_right_arithmetic3A_1073 = arith.constant 1 : i32
    %shift_right_arithmetic3A_1074 = vector.broadcast %shift_right_arithmetic3A_1073 : i32 to vector<16xi32>
    %shift_right_arithmetic3A_1075 = arith.shrsi %add3A_1072, %shift_right_arithmetic3A_1074 : vector<16xi32>
    tpu.vector_store_idx %arg5[%get3A_1068], %shift_right_arithmetic3A_1075 : memref<2304xi32, #tpu.memory_space<vmem>>[vector<16xi32>], vector<16xi32>,
    %get3A_1076 = arith.constant 1408 : index
    %get3A_1077 = tpu.vector_load %arg4[%get3A_1076] {strides = array<i32>} : memref<2048xi32, #tpu.memory_space<vmem>>, vector<16xi32>,
    %iota3A_1078 = tpu.iota {dimensions = array<i32: 0>} : vector<16xi32>
    %add3A_1079 = arith.constant 1408 : i32
    %add3A_1080 = vector.broadcast %add3A_1079 : i32 to vector<16xi32>
    %add3A_1081 = arith.addi %add3A_1080, %iota3A_1078 : vector<16xi32>
    %shift_right_arithmetic3A_1082 = arith.constant 1 : i32
    %shift_right_arithmetic3A_1083 = vector.broadcast %shift_right_arithmetic3A_1082 : i32 to vector<16xi32>
    %shift_right_arithmetic3A_1084 = arith.shrsi %add3A_1081, %shift_right_arithmetic3A_1083 : vector<16xi32>
    tpu.vector_store_idx %arg5[%get3A_1077], %shift_right_arithmetic3A_1084 : memref<2304xi32, #tpu.memory_space<vmem>>[vector<16xi32>], vector<16xi32>,
    %get3A_1085 = arith.constant 1424 : index
    %get3A_1086 = tpu.vector_load %arg4[%get3A_1085] {strides = array<i32>} : memref<2048xi32, #tpu.memory_space<vmem>>, vector<16xi32>,
    %iota3A_1087 = tpu.iota {dimensions = array<i32: 0>} : vector<16xi32>
    %add3A_1088 = arith.constant 1424 : i32
    %add3A_1089 = vector.broadcast %add3A_1088 : i32 to vector<16xi32>
    %add3A_1090 = arith.addi %add3A_1089, %iota3A_1087 : vector<16xi32>
    %shift_right_arithmetic3A_1091 = arith.constant 1 : i32
    %shift_right_arithmetic3A_1092 = vector.broadcast %shift_right_arithmetic3A_1091 : i32 to vector<16xi32>
    %shift_right_arithmetic3A_1093 = arith.shrsi %add3A_1090, %shift_right_arithmetic3A_1092 : vector<16xi32>
    tpu.vector_store_idx %arg5[%get3A_1086], %shift_right_arithmetic3A_1093 : memref<2304xi32, #tpu.memory_space<vmem>>[vector<16xi32>], vector<16xi32>,
    %get3A_1094 = arith.constant 1440 : index
    %get3A_1095 = tpu.vector_load %arg4[%get3A_1094] {strides = array<i32>} : memref<2048xi32, #tpu.memory_space<vmem>>, vector<16xi32>,
    %iota3A_1096 = tpu.iota {dimensions = array<i32: 0>} : vector<16xi32>
    %add3A_1097 = arith.constant 1440 : i32
    %add3A_1098 = vector.broadcast %add3A_1097 : i32 to vector<16xi32>
    %add3A_1099 = arith.addi %add3A_1098, %iota3A_1096 : vector<16xi32>
    %shift_right_arithmetic3A_1100 = arith.constant 1 : i32
    %shift_right_arithmetic3A_1101 = vector.broadcast %shift_right_arithmetic3A_1100 : i32 to vector<16xi32>
    %shift_right_arithmetic3A_1102 = arith.shrsi %add3A_1099, %shift_right_arithmetic3A_1101 : vector<16xi32>
    tpu.vector_store_idx %arg5[%get3A_1095], %shift_right_arithmetic3A_1102 : memref<2304xi32, #tpu.memory_space<vmem>>[vector<16xi32>], vector<16xi32>,
    %get3A_1103 = arith.constant 1456 : index
    %get3A_1104 = tpu.vector_load %arg4[%get3A_1103] {strides = array<i32>} : memref<2048xi32, #tpu.memory_space<vmem>>, vector<16xi32>,
    %iota3A_1105 = tpu.iota {dimensions = array<i32: 0>} : vector<16xi32>
    %add3A_1106 = arith.constant 1456 : i32
    %add3A_1107 = vector.broadcast %add3A_1106 : i32 to vector<16xi32>
    %add3A_1108 = arith.addi %add3A_1107, %iota3A_1105 : vector<16xi32>
    %shift_right_arithmetic3A_1109 = arith.constant 1 : i32
    %shift_right_arithmetic3A_1110 = vector.broadcast %shift_right_arithmetic3A_1109 : i32 to vector<16xi32>
    %shift_right_arithmetic3A_1111 = arith.shrsi %add3A_1108, %shift_right_arithmetic3A_1110 : vector<16xi32>
    tpu.vector_store_idx %arg5[%get3A_1104], %shift_right_arithmetic3A_1111 : memref<2304xi32, #tpu.memory_space<vmem>>[vector<16xi32>], vector<16xi32>,
    %get3A_1112 = arith.constant 1472 : index
    %get3A_1113 = tpu.vector_load %arg4[%get3A_1112] {strides = array<i32>} : memref<2048xi32, #tpu.memory_space<vmem>>, vector<16xi32>,
    %iota3A_1114 = tpu.iota {dimensions = array<i32: 0>} : vector<16xi32>
    %add3A_1115 = arith.constant 1472 : i32
    %add3A_1116 = vector.broadcast %add3A_1115 : i32 to vector<16xi32>
    %add3A_1117 = arith.addi %add3A_1116, %iota3A_1114 : vector<16xi32>
    %shift_right_arithmetic3A_1118 = arith.constant 1 : i32
    %shift_right_arithmetic3A_1119 = vector.broadcast %shift_right_arithmetic3A_1118 : i32 to vector<16xi32>
    %shift_right_arithmetic3A_1120 = arith.shrsi %add3A_1117, %shift_right_arithmetic3A_1119 : vector<16xi32>
    tpu.vector_store_idx %arg5[%get3A_1113], %shift_right_arithmetic3A_1120 : memref<2304xi32, #tpu.memory_space<vmem>>[vector<16xi32>], vector<16xi32>,
    %get3A_1121 = arith.constant 1488 : index
    %get3A_1122 = tpu.vector_load %arg4[%get3A_1121] {strides = array<i32>} : memref<2048xi32, #tpu.memory_space<vmem>>, vector<16xi32>,
    %iota3A_1123 = tpu.iota {dimensions = array<i32: 0>} : vector<16xi32>
    %add3A_1124 = arith.constant 1488 : i32
    %add3A_1125 = vector.broadcast %add3A_1124 : i32 to vector<16xi32>
    %add3A_1126 = arith.addi %add3A_1125, %iota3A_1123 : vector<16xi32>
    %shift_right_arithmetic3A_1127 = arith.constant 1 : i32
    %shift_right_arithmetic3A_1128 = vector.broadcast %shift_right_arithmetic3A_1127 : i32 to vector<16xi32>
    %shift_right_arithmetic3A_1129 = arith.shrsi %add3A_1126, %shift_right_arithmetic3A_1128 : vector<16xi32>
    tpu.vector_store_idx %arg5[%get3A_1122], %shift_right_arithmetic3A_1129 : memref<2304xi32, #tpu.memory_space<vmem>>[vector<16xi32>], vector<16xi32>,
    %get3A_1130 = arith.constant 1504 : index
    %get3A_1131 = tpu.vector_load %arg4[%get3A_1130] {strides = array<i32>} : memref<2048xi32, #tpu.memory_space<vmem>>, vector<16xi32>,
    %iota3A_1132 = tpu.iota {dimensions = array<i32: 0>} : vector<16xi32>
    %add3A_1133 = arith.constant 1504 : i32
    %add3A_1134 = vector.broadcast %add3A_1133 : i32 to vector<16xi32>
    %add3A_1135 = arith.addi %add3A_1134, %iota3A_1132 : vector<16xi32>
    %shift_right_arithmetic3A_1136 = arith.constant 1 : i32
    %shift_right_arithmetic3A_1137 = vector.broadcast %shift_right_arithmetic3A_1136 : i32 to vector<16xi32>
    %shift_right_arithmetic3A_1138 = arith.shrsi %add3A_1135, %shift_right_arithmetic3A_1137 : vector<16xi32>
    tpu.vector_store_idx %arg5[%get3A_1131], %shift_right_arithmetic3A_1138 : memref<2304xi32, #tpu.memory_space<vmem>>[vector<16xi32>], vector<16xi32>,
    %get3A_1139 = arith.constant 1520 : index
    %get3A_1140 = tpu.vector_load %arg4[%get3A_1139] {strides = array<i32>} : memref<2048xi32, #tpu.memory_space<vmem>>, vector<16xi32>,
    %iota3A_1141 = tpu.iota {dimensions = array<i32: 0>} : vector<16xi32>
    %add3A_1142 = arith.constant 1520 : i32
    %add3A_1143 = vector.broadcast %add3A_1142 : i32 to vector<16xi32>
    %add3A_1144 = arith.addi %add3A_1143, %iota3A_1141 : vector<16xi32>
    %shift_right_arithmetic3A_1145 = arith.constant 1 : i32
    %shift_right_arithmetic3A_1146 = vector.broadcast %shift_right_arithmetic3A_1145 : i32 to vector<16xi32>
    %shift_right_arithmetic3A_1147 = arith.shrsi %add3A_1144, %shift_right_arithmetic3A_1146 : vector<16xi32>
    tpu.vector_store_idx %arg5[%get3A_1140], %shift_right_arithmetic3A_1147 : memref<2304xi32, #tpu.memory_space<vmem>>[vector<16xi32>], vector<16xi32>,
    %get3A_1148 = arith.constant 1536 : index
    %get3A_1149 = tpu.vector_load %arg4[%get3A_1148] {strides = array<i32>} : memref<2048xi32, #tpu.memory_space<vmem>>, vector<16xi32>,
    %iota3A_1150 = tpu.iota {dimensions = array<i32: 0>} : vector<16xi32>
    %add3A_1151 = arith.constant 1536 : i32
    %add3A_1152 = vector.broadcast %add3A_1151 : i32 to vector<16xi32>
    %add3A_1153 = arith.addi %add3A_1152, %iota3A_1150 : vector<16xi32>
    %shift_right_arithmetic3A_1154 = arith.constant 1 : i32
    %shift_right_arithmetic3A_1155 = vector.broadcast %shift_right_arithmetic3A_1154 : i32 to vector<16xi32>
    %shift_right_arithmetic3A_1156 = arith.shrsi %add3A_1153, %shift_right_arithmetic3A_1155 : vector<16xi32>
    tpu.vector_store_idx %arg5[%get3A_1149], %shift_right_arithmetic3A_1156 : memref<2304xi32, #tpu.memory_space<vmem>>[vector<16xi32>], vector<16xi32>,
    %get3A_1157 = arith.constant 1552 : index
    %get3A_1158 = tpu.vector_load %arg4[%get3A_1157] {strides = array<i32>} : memref<2048xi32, #tpu.memory_space<vmem>>, vector<16xi32>,
    %iota3A_1159 = tpu.iota {dimensions = array<i32: 0>} : vector<16xi32>
    %add3A_1160 = arith.constant 1552 : i32
    %add3A_1161 = vector.broadcast %add3A_1160 : i32 to vector<16xi32>
    %add3A_1162 = arith.addi %add3A_1161, %iota3A_1159 : vector<16xi32>
    %shift_right_arithmetic3A_1163 = arith.constant 1 : i32
    %shift_right_arithmetic3A_1164 = vector.broadcast %shift_right_arithmetic3A_1163 : i32 to vector<16xi32>
    %shift_right_arithmetic3A_1165 = arith.shrsi %add3A_1162, %shift_right_arithmetic3A_1164 : vector<16xi32>
    tpu.vector_store_idx %arg5[%get3A_1158], %shift_right_arithmetic3A_1165 : memref<2304xi32, #tpu.memory_space<vmem>>[vector<16xi32>], vector<16xi32>,
    %get3A_1166 = arith.constant 1568 : index
    %get3A_1167 = tpu.vector_load %arg4[%get3A_1166] {strides = array<i32>} : memref<2048xi32, #tpu.memory_space<vmem>>, vector<16xi32>,
    %iota3A_1168 = tpu.iota {dimensions = array<i32: 0>} : vector<16xi32>
    %add3A_1169 = arith.constant 1568 : i32
    %add3A_1170 = vector.broadcast %add3A_1169 : i32 to vector<16xi32>
    %add3A_1171 = arith.addi %add3A_1170, %iota3A_1168 : vector<16xi32>
    %shift_right_arithmetic3A_1172 = arith.constant 1 : i32
    %shift_right_arithmetic3A_1173 = vector.broadcast %shift_right_arithmetic3A_1172 : i32 to vector<16xi32>
    %shift_right_arithmetic3A_1174 = arith.shrsi %add3A_1171, %shift_right_arithmetic3A_1173 : vector<16xi32>
    tpu.vector_store_idx %arg5[%get3A_1167], %shift_right_arithmetic3A_1174 : memref<2304xi32, #tpu.memory_space<vmem>>[vector<16xi32>], vector<16xi32>,
    %get3A_1175 = arith.constant 1584 : index
    %get3A_1176 = tpu.vector_load %arg4[%get3A_1175] {strides = array<i32>} : memref<2048xi32, #tpu.memory_space<vmem>>, vector<16xi32>,
    %iota3A_1177 = tpu.iota {dimensions = array<i32: 0>} : vector<16xi32>
    %add3A_1178 = arith.constant 1584 : i32
    %add3A_1179 = vector.broadcast %add3A_1178 : i32 to vector<16xi32>
    %add3A_1180 = arith.addi %add3A_1179, %iota3A_1177 : vector<16xi32>
    %shift_right_arithmetic3A_1181 = arith.constant 1 : i32
    %shift_right_arithmetic3A_1182 = vector.broadcast %shift_right_arithmetic3A_1181 : i32 to vector<16xi32>
    %shift_right_arithmetic3A_1183 = arith.shrsi %add3A_1180, %shift_right_arithmetic3A_1182 : vector<16xi32>
    tpu.vector_store_idx %arg5[%get3A_1176], %shift_right_arithmetic3A_1183 : memref<2304xi32, #tpu.memory_space<vmem>>[vector<16xi32>], vector<16xi32>,
    %get3A_1184 = arith.constant 1600 : index
    %get3A_1185 = tpu.vector_load %arg4[%get3A_1184] {strides = array<i32>} : memref<2048xi32, #tpu.memory_space<vmem>>, vector<16xi32>,
    %iota3A_1186 = tpu.iota {dimensions = array<i32: 0>} : vector<16xi32>
    %add3A_1187 = arith.constant 1600 : i32
    %add3A_1188 = vector.broadcast %add3A_1187 : i32 to vector<16xi32>
    %add3A_1189 = arith.addi %add3A_1188, %iota3A_1186 : vector<16xi32>
    %shift_right_arithmetic3A_1190 = arith.constant 1 : i32
    %shift_right_arithmetic3A_1191 = vector.broadcast %shift_right_arithmetic3A_1190 : i32 to vector<16xi32>
    %shift_right_arithmetic3A_1192 = arith.shrsi %add3A_1189, %shift_right_arithmetic3A_1191 : vector<16xi32>
    tpu.vector_store_idx %arg5[%get3A_1185], %shift_right_arithmetic3A_1192 : memref<2304xi32, #tpu.memory_space<vmem>>[vector<16xi32>], vector<16xi32>,
    %get3A_1193 = arith.constant 1616 : index
    %get3A_1194 = tpu.vector_load %arg4[%get3A_1193] {strides = array<i32>} : memref<2048xi32, #tpu.memory_space<vmem>>, vector<16xi32>,
    %iota3A_1195 = tpu.iota {dimensions = array<i32: 0>} : vector<16xi32>
    %add3A_1196 = arith.constant 1616 : i32
    %add3A_1197 = vector.broadcast %add3A_1196 : i32 to vector<16xi32>
    %add3A_1198 = arith.addi %add3A_1197, %iota3A_1195 : vector<16xi32>
    %shift_right_arithmetic3A_1199 = arith.constant 1 : i32
    %shift_right_arithmetic3A_1200 = vector.broadcast %shift_right_arithmetic3A_1199 : i32 to vector<16xi32>
    %shift_right_arithmetic3A_1201 = arith.shrsi %add3A_1198, %shift_right_arithmetic3A_1200 : vector<16xi32>
    tpu.vector_store_idx %arg5[%get3A_1194], %shift_right_arithmetic3A_1201 : memref<2304xi32, #tpu.memory_space<vmem>>[vector<16xi32>], vector<16xi32>,
    %get3A_1202 = arith.constant 1632 : index
    %get3A_1203 = tpu.vector_load %arg4[%get3A_1202] {strides = array<i32>} : memref<2048xi32, #tpu.memory_space<vmem>>, vector<16xi32>,
    %iota3A_1204 = tpu.iota {dimensions = array<i32: 0>} : vector<16xi32>
    %add3A_1205 = arith.constant 1632 : i32
    %add3A_1206 = vector.broadcast %add3A_1205 : i32 to vector<16xi32>
    %add3A_1207 = arith.addi %add3A_1206, %iota3A_1204 : vector<16xi32>
    %shift_right_arithmetic3A_1208 = arith.constant 1 : i32
    %shift_right_arithmetic3A_1209 = vector.broadcast %shift_right_arithmetic3A_1208 : i32 to vector<16xi32>
    %shift_right_arithmetic3A_1210 = arith.shrsi %add3A_1207, %shift_right_arithmetic3A_1209 : vector<16xi32>
    tpu.vector_store_idx %arg5[%get3A_1203], %shift_right_arithmetic3A_1210 : memref<2304xi32, #tpu.memory_space<vmem>>[vector<16xi32>], vector<16xi32>,
    %get3A_1211 = arith.constant 1648 : index
    %get3A_1212 = tpu.vector_load %arg4[%get3A_1211] {strides = array<i32>} : memref<2048xi32, #tpu.memory_space<vmem>>, vector<16xi32>,
    %iota3A_1213 = tpu.iota {dimensions = array<i32: 0>} : vector<16xi32>
    %add3A_1214 = arith.constant 1648 : i32
    %add3A_1215 = vector.broadcast %add3A_1214 : i32 to vector<16xi32>
    %add3A_1216 = arith.addi %add3A_1215, %iota3A_1213 : vector<16xi32>
    %shift_right_arithmetic3A_1217 = arith.constant 1 : i32
    %shift_right_arithmetic3A_1218 = vector.broadcast %shift_right_arithmetic3A_1217 : i32 to vector<16xi32>
    %shift_right_arithmetic3A_1219 = arith.shrsi %add3A_1216, %shift_right_arithmetic3A_1218 : vector<16xi32>
    tpu.vector_store_idx %arg5[%get3A_1212], %shift_right_arithmetic3A_1219 : memref<2304xi32, #tpu.memory_space<vmem>>[vector<16xi32>], vector<16xi32>,
    %get3A_1220 = arith.constant 1664 : index
    %get3A_1221 = tpu.vector_load %arg4[%get3A_1220] {strides = array<i32>} : memref<2048xi32, #tpu.memory_space<vmem>>, vector<16xi32>,
    %iota3A_1222 = tpu.iota {dimensions = array<i32: 0>} : vector<16xi32>
    %add3A_1223 = arith.constant 1664 : i32
    %add3A_1224 = vector.broadcast %add3A_1223 : i32 to vector<16xi32>
    %add3A_1225 = arith.addi %add3A_1224, %iota3A_1222 : vector<16xi32>
    %shift_right_arithmetic3A_1226 = arith.constant 1 : i32
    %shift_right_arithmetic3A_1227 = vector.broadcast %shift_right_arithmetic3A_1226 : i32 to vector<16xi32>
    %shift_right_arithmetic3A_1228 = arith.shrsi %add3A_1225, %shift_right_arithmetic3A_1227 : vector<16xi32>
    tpu.vector_store_idx %arg5[%get3A_1221], %shift_right_arithmetic3A_1228 : memref<2304xi32, #tpu.memory_space<vmem>>[vector<16xi32>], vector<16xi32>,
    %get3A_1229 = arith.constant 1680 : index
    %get3A_1230 = tpu.vector_load %arg4[%get3A_1229] {strides = array<i32>} : memref<2048xi32, #tpu.memory_space<vmem>>, vector<16xi32>,
    %iota3A_1231 = tpu.iota {dimensions = array<i32: 0>} : vector<16xi32>
    %add3A_1232 = arith.constant 1680 : i32
    %add3A_1233 = vector.broadcast %add3A_1232 : i32 to vector<16xi32>
    %add3A_1234 = arith.addi %add3A_1233, %iota3A_1231 : vector<16xi32>
    %shift_right_arithmetic3A_1235 = arith.constant 1 : i32
    %shift_right_arithmetic3A_1236 = vector.broadcast %shift_right_arithmetic3A_1235 : i32 to vector<16xi32>
    %shift_right_arithmetic3A_1237 = arith.shrsi %add3A_1234, %shift_right_arithmetic3A_1236 : vector<16xi32>
    tpu.vector_store_idx %arg5[%get3A_1230], %shift_right_arithmetic3A_1237 : memref<2304xi32, #tpu.memory_space<vmem>>[vector<16xi32>], vector<16xi32>,
    %get3A_1238 = arith.constant 1696 : index
    %get3A_1239 = tpu.vector_load %arg4[%get3A_1238] {strides = array<i32>} : memref<2048xi32, #tpu.memory_space<vmem>>, vector<16xi32>,
    %iota3A_1240 = tpu.iota {dimensions = array<i32: 0>} : vector<16xi32>
    %add3A_1241 = arith.constant 1696 : i32
    %add3A_1242 = vector.broadcast %add3A_1241 : i32 to vector<16xi32>
    %add3A_1243 = arith.addi %add3A_1242, %iota3A_1240 : vector<16xi32>
    %shift_right_arithmetic3A_1244 = arith.constant 1 : i32
    %shift_right_arithmetic3A_1245 = vector.broadcast %shift_right_arithmetic3A_1244 : i32 to vector<16xi32>
    %shift_right_arithmetic3A_1246 = arith.shrsi %add3A_1243, %shift_right_arithmetic3A_1245 : vector<16xi32>
    tpu.vector_store_idx %arg5[%get3A_1239], %shift_right_arithmetic3A_1246 : memref<2304xi32, #tpu.memory_space<vmem>>[vector<16xi32>], vector<16xi32>,
    %get3A_1247 = arith.constant 1712 : index
    %get3A_1248 = tpu.vector_load %arg4[%get3A_1247] {strides = array<i32>} : memref<2048xi32, #tpu.memory_space<vmem>>, vector<16xi32>,
    %iota3A_1249 = tpu.iota {dimensions = array<i32: 0>} : vector<16xi32>
    %add3A_1250 = arith.constant 1712 : i32
    %add3A_1251 = vector.broadcast %add3A_1250 : i32 to vector<16xi32>
    %add3A_1252 = arith.addi %add3A_1251, %iota3A_1249 : vector<16xi32>
    %shift_right_arithmetic3A_1253 = arith.constant 1 : i32
    %shift_right_arithmetic3A_1254 = vector.broadcast %shift_right_arithmetic3A_1253 : i32 to vector<16xi32>
    %shift_right_arithmetic3A_1255 = arith.shrsi %add3A_1252, %shift_right_arithmetic3A_1254 : vector<16xi32>
    tpu.vector_store_idx %arg5[%get3A_1248], %shift_right_arithmetic3A_1255 : memref<2304xi32, #tpu.memory_space<vmem>>[vector<16xi32>], vector<16xi32>,
    %get3A_1256 = arith.constant 1728 : index
    %get3A_1257 = tpu.vector_load %arg4[%get3A_1256] {strides = array<i32>} : memref<2048xi32, #tpu.memory_space<vmem>>, vector<16xi32>,
    %iota3A_1258 = tpu.iota {dimensions = array<i32: 0>} : vector<16xi32>
    %add3A_1259 = arith.constant 1728 : i32
    %add3A_1260 = vector.broadcast %add3A_1259 : i32 to vector<16xi32>
    %add3A_1261 = arith.addi %add3A_1260, %iota3A_1258 : vector<16xi32>
    %shift_right_arithmetic3A_1262 = arith.constant 1 : i32
    %shift_right_arithmetic3A_1263 = vector.broadcast %shift_right_arithmetic3A_1262 : i32 to vector<16xi32>
    %shift_right_arithmetic3A_1264 = arith.shrsi %add3A_1261, %shift_right_arithmetic3A_1263 : vector<16xi32>
    tpu.vector_store_idx %arg5[%get3A_1257], %shift_right_arithmetic3A_1264 : memref<2304xi32, #tpu.memory_space<vmem>>[vector<16xi32>], vector<16xi32>,
    %get3A_1265 = arith.constant 1744 : index
    %get3A_1266 = tpu.vector_load %arg4[%get3A_1265] {strides = array<i32>} : memref<2048xi32, #tpu.memory_space<vmem>>, vector<16xi32>,
    %iota3A_1267 = tpu.iota {dimensions = array<i32: 0>} : vector<16xi32>
    %add3A_1268 = arith.constant 1744 : i32
    %add3A_1269 = vector.broadcast %add3A_1268 : i32 to vector<16xi32>
    %add3A_1270 = arith.addi %add3A_1269, %iota3A_1267 : vector<16xi32>
    %shift_right_arithmetic3A_1271 = arith.constant 1 : i32
    %shift_right_arithmetic3A_1272 = vector.broadcast %shift_right_arithmetic3A_1271 : i32 to vector<16xi32>
    %shift_right_arithmetic3A_1273 = arith.shrsi %add3A_1270, %shift_right_arithmetic3A_1272 : vector<16xi32>
    tpu.vector_store_idx %arg5[%get3A_1266], %shift_right_arithmetic3A_1273 : memref<2304xi32, #tpu.memory_space<vmem>>[vector<16xi32>], vector<16xi32>,
    %get3A_1274 = arith.constant 1760 : index
    %get3A_1275 = tpu.vector_load %arg4[%get3A_1274] {strides = array<i32>} : memref<2048xi32, #tpu.memory_space<vmem>>, vector<16xi32>,
    %iota3A_1276 = tpu.iota {dimensions = array<i32: 0>} : vector<16xi32>
    %add3A_1277 = arith.constant 1760 : i32
    %add3A_1278 = vector.broadcast %add3A_1277 : i32 to vector<16xi32>
    %add3A_1279 = arith.addi %add3A_1278, %iota3A_1276 : vector<16xi32>
    %shift_right_arithmetic3A_1280 = arith.constant 1 : i32
    %shift_right_arithmetic3A_1281 = vector.broadcast %shift_right_arithmetic3A_1280 : i32 to vector<16xi32>
    %shift_right_arithmetic3A_1282 = arith.shrsi %add3A_1279, %shift_right_arithmetic3A_1281 : vector<16xi32>
    tpu.vector_store_idx %arg5[%get3A_1275], %shift_right_arithmetic3A_1282 : memref<2304xi32, #tpu.memory_space<vmem>>[vector<16xi32>], vector<16xi32>,
    %get3A_1283 = arith.constant 1776 : index
    %get3A_1284 = tpu.vector_load %arg4[%get3A_1283] {strides = array<i32>} : memref<2048xi32, #tpu.memory_space<vmem>>, vector<16xi32>,
    %iota3A_1285 = tpu.iota {dimensions = array<i32: 0>} : vector<16xi32>
    %add3A_1286 = arith.constant 1776 : i32
    %add3A_1287 = vector.broadcast %add3A_1286 : i32 to vector<16xi32>
    %add3A_1288 = arith.addi %add3A_1287, %iota3A_1285 : vector<16xi32>
    %shift_right_arithmetic3A_1289 = arith.constant 1 : i32
    %shift_right_arithmetic3A_1290 = vector.broadcast %shift_right_arithmetic3A_1289 : i32 to vector<16xi32>
    %shift_right_arithmetic3A_1291 = arith.shrsi %add3A_1288, %shift_right_arithmetic3A_1290 : vector<16xi32>
    tpu.vector_store_idx %arg5[%get3A_1284], %shift_right_arithmetic3A_1291 : memref<2304xi32, #tpu.memory_space<vmem>>[vector<16xi32>], vector<16xi32>,
    %get3A_1292 = arith.constant 1792 : index
    %get3A_1293 = tpu.vector_load %arg4[%get3A_1292] {strides = array<i32>} : memref<2048xi32, #tpu.memory_space<vmem>>, vector<16xi32>,
    %iota3A_1294 = tpu.iota {dimensions = array<i32: 0>} : vector<16xi32>
    %add3A_1295 = arith.constant 1792 : i32
    %add3A_1296 = vector.broadcast %add3A_1295 : i32 to vector<16xi32>
    %add3A_1297 = arith.addi %add3A_1296, %iota3A_1294 : vector<16xi32>
    %shift_right_arithmetic3A_1298 = arith.constant 1 : i32
    %shift_right_arithmetic3A_1299 = vector.broadcast %shift_right_arithmetic3A_1298 : i32 to vector<16xi32>
    %shift_right_arithmetic3A_1300 = arith.shrsi %add3A_1297, %shift_right_arithmetic3A_1299 : vector<16xi32>
    tpu.vector_store_idx %arg5[%get3A_1293], %shift_right_arithmetic3A_1300 : memref<2304xi32, #tpu.memory_space<vmem>>[vector<16xi32>], vector<16xi32>,
    %get3A_1301 = arith.constant 1808 : index
    %get3A_1302 = tpu.vector_load %arg4[%get3A_1301] {strides = array<i32>} : memref<2048xi32, #tpu.memory_space<vmem>>, vector<16xi32>,
    %iota3A_1303 = tpu.iota {dimensions = array<i32: 0>} : vector<16xi32>
    %add3A_1304 = arith.constant 1808 : i32
    %add3A_1305 = vector.broadcast %add3A_1304 : i32 to vector<16xi32>
    %add3A_1306 = arith.addi %add3A_1305, %iota3A_1303 : vector<16xi32>
    %shift_right_arithmetic3A_1307 = arith.constant 1 : i32
    %shift_right_arithmetic3A_1308 = vector.broadcast %shift_right_arithmetic3A_1307 : i32 to vector<16xi32>
    %shift_right_arithmetic3A_1309 = arith.shrsi %add3A_1306, %shift_right_arithmetic3A_1308 : vector<16xi32>
    tpu.vector_store_idx %arg5[%get3A_1302], %shift_right_arithmetic3A_1309 : memref<2304xi32, #tpu.memory_space<vmem>>[vector<16xi32>], vector<16xi32>,
    %get3A_1310 = arith.constant 1824 : index
    %get3A_1311 = tpu.vector_load %arg4[%get3A_1310] {strides = array<i32>} : memref<2048xi32, #tpu.memory_space<vmem>>, vector<16xi32>,
    %iota3A_1312 = tpu.iota {dimensions = array<i32: 0>} : vector<16xi32>
    %add3A_1313 = arith.constant 1824 : i32
    %add3A_1314 = vector.broadcast %add3A_1313 : i32 to vector<16xi32>
    %add3A_1315 = arith.addi %add3A_1314, %iota3A_1312 : vector<16xi32>
    %shift_right_arithmetic3A_1316 = arith.constant 1 : i32
    %shift_right_arithmetic3A_1317 = vector.broadcast %shift_right_arithmetic3A_1316 : i32 to vector<16xi32>
    %shift_right_arithmetic3A_1318 = arith.shrsi %add3A_1315, %shift_right_arithmetic3A_1317 : vector<16xi32>
    tpu.vector_store_idx %arg5[%get3A_1311], %shift_right_arithmetic3A_1318 : memref<2304xi32, #tpu.memory_space<vmem>>[vector<16xi32>], vector<16xi32>,
    %get3A_1319 = arith.constant 1840 : index
    %get3A_1320 = tpu.vector_load %arg4[%get3A_1319] {strides = array<i32>} : memref<2048xi32, #tpu.memory_space<vmem>>, vector<16xi32>,
    %iota3A_1321 = tpu.iota {dimensions = array<i32: 0>} : vector<16xi32>
    %add3A_1322 = arith.constant 1840 : i32
    %add3A_1323 = vector.broadcast %add3A_1322 : i32 to vector<16xi32>
    %add3A_1324 = arith.addi %add3A_1323, %iota3A_1321 : vector<16xi32>
    %shift_right_arithmetic3A_1325 = arith.constant 1 : i32
    %shift_right_arithmetic3A_1326 = vector.broadcast %shift_right_arithmetic3A_1325 : i32 to vector<16xi32>
    %shift_right_arithmetic3A_1327 = arith.shrsi %add3A_1324, %shift_right_arithmetic3A_1326 : vector<16xi32>
    tpu.vector_store_idx %arg5[%get3A_1320], %shift_right_arithmetic3A_1327 : memref<2304xi32, #tpu.memory_space<vmem>>[vector<16xi32>], vector<16xi32>,
    %get3A_1328 = arith.constant 1856 : index
    %get3A_1329 = tpu.vector_load %arg4[%get3A_1328] {strides = array<i32>} : memref<2048xi32, #tpu.memory_space<vmem>>, vector<16xi32>,
    %iota3A_1330 = tpu.iota {dimensions = array<i32: 0>} : vector<16xi32>
    %add3A_1331 = arith.constant 1856 : i32
    %add3A_1332 = vector.broadcast %add3A_1331 : i32 to vector<16xi32>
    %add3A_1333 = arith.addi %add3A_1332, %iota3A_1330 : vector<16xi32>
    %shift_right_arithmetic3A_1334 = arith.constant 1 : i32
    %shift_right_arithmetic3A_1335 = vector.broadcast %shift_right_arithmetic3A_1334 : i32 to vector<16xi32>
    %shift_right_arithmetic3A_1336 = arith.shrsi %add3A_1333, %shift_right_arithmetic3A_1335 : vector<16xi32>
    tpu.vector_store_idx %arg5[%get3A_1329], %shift_right_arithmetic3A_1336 : memref<2304xi32, #tpu.memory_space<vmem>>[vector<16xi32>], vector<16xi32>,
    %get3A_1337 = arith.constant 1872 : index
    %get3A_1338 = tpu.vector_load %arg4[%get3A_1337] {strides = array<i32>} : memref<2048xi32, #tpu.memory_space<vmem>>, vector<16xi32>,
    %iota3A_1339 = tpu.iota {dimensions = array<i32: 0>} : vector<16xi32>
    %add3A_1340 = arith.constant 1872 : i32
    %add3A_1341 = vector.broadcast %add3A_1340 : i32 to vector<16xi32>
    %add3A_1342 = arith.addi %add3A_1341, %iota3A_1339 : vector<16xi32>
    %shift_right_arithmetic3A_1343 = arith.constant 1 : i32
    %shift_right_arithmetic3A_1344 = vector.broadcast %shift_right_arithmetic3A_1343 : i32 to vector<16xi32>
    %shift_right_arithmetic3A_1345 = arith.shrsi %add3A_1342, %shift_right_arithmetic3A_1344 : vector<16xi32>
    tpu.vector_store_idx %arg5[%get3A_1338], %shift_right_arithmetic3A_1345 : memref<2304xi32, #tpu.memory_space<vmem>>[vector<16xi32>], vector<16xi32>,
    %get3A_1346 = arith.constant 1888 : index
    %get3A_1347 = tpu.vector_load %arg4[%get3A_1346] {strides = array<i32>} : memref<2048xi32, #tpu.memory_space<vmem>>, vector<16xi32>,
    %iota3A_1348 = tpu.iota {dimensions = array<i32: 0>} : vector<16xi32>
    %add3A_1349 = arith.constant 1888 : i32
    %add3A_1350 = vector.broadcast %add3A_1349 : i32 to vector<16xi32>
    %add3A_1351 = arith.addi %add3A_1350, %iota3A_1348 : vector<16xi32>
    %shift_right_arithmetic3A_1352 = arith.constant 1 : i32
    %shift_right_arithmetic3A_1353 = vector.broadcast %shift_right_arithmetic3A_1352 : i32 to vector<16xi32>
    %shift_right_arithmetic3A_1354 = arith.shrsi %add3A_1351, %shift_right_arithmetic3A_1353 : vector<16xi32>
    tpu.vector_store_idx %arg5[%get3A_1347], %shift_right_arithmetic3A_1354 : memref<2304xi32, #tpu.memory_space<vmem>>[vector<16xi32>], vector<16xi32>,
    %get3A_1355 = arith.constant 1904 : index
    %get3A_1356 = tpu.vector_load %arg4[%get3A_1355] {strides = array<i32>} : memref<2048xi32, #tpu.memory_space<vmem>>, vector<16xi32>,
    %iota3A_1357 = tpu.iota {dimensions = array<i32: 0>} : vector<16xi32>
    %add3A_1358 = arith.constant 1904 : i32
    %add3A_1359 = vector.broadcast %add3A_1358 : i32 to vector<16xi32>
    %add3A_1360 = arith.addi %add3A_1359, %iota3A_1357 : vector<16xi32>
    %shift_right_arithmetic3A_1361 = arith.constant 1 : i32
    %shift_right_arithmetic3A_1362 = vector.broadcast %shift_right_arithmetic3A_1361 : i32 to vector<16xi32>
    %shift_right_arithmetic3A_1363 = arith.shrsi %add3A_1360, %shift_right_arithmetic3A_1362 : vector<16xi32>
    tpu.vector_store_idx %arg5[%get3A_1356], %shift_right_arithmetic3A_1363 : memref<2304xi32, #tpu.memory_space<vmem>>[vector<16xi32>], vector<16xi32>,
    %get3A_1364 = arith.constant 1920 : index
    %get3A_1365 = tpu.vector_load %arg4[%get3A_1364] {strides = array<i32>} : memref<2048xi32, #tpu.memory_space<vmem>>, vector<16xi32>,
    %iota3A_1366 = tpu.iota {dimensions = array<i32: 0>} : vector<16xi32>
    %add3A_1367 = arith.constant 1920 : i32
    %add3A_1368 = vector.broadcast %add3A_1367 : i32 to vector<16xi32>
    %add3A_1369 = arith.addi %add3A_1368, %iota3A_1366 : vector<16xi32>
    %shift_right_arithmetic3A_1370 = arith.constant 1 : i32
    %shift_right_arithmetic3A_1371 = vector.broadcast %shift_right_arithmetic3A_1370 : i32 to vector<16xi32>
    %shift_right_arithmetic3A_1372 = arith.shrsi %add3A_1369, %shift_right_arithmetic3A_1371 : vector<16xi32>
    tpu.vector_store_idx %arg5[%get3A_1365], %shift_right_arithmetic3A_1372 : memref<2304xi32, #tpu.memory_space<vmem>>[vector<16xi32>], vector<16xi32>,
    %get3A_1373 = arith.constant 1936 : index
    %get3A_1374 = tpu.vector_load %arg4[%get3A_1373] {strides = array<i32>} : memref<2048xi32, #tpu.memory_space<vmem>>, vector<16xi32>,
    %iota3A_1375 = tpu.iota {dimensions = array<i32: 0>} : vector<16xi32>
    %add3A_1376 = arith.constant 1936 : i32
    %add3A_1377 = vector.broadcast %add3A_1376 : i32 to vector<16xi32>
    %add3A_1378 = arith.addi %add3A_1377, %iota3A_1375 : vector<16xi32>
    %shift_right_arithmetic3A_1379 = arith.constant 1 : i32
    %shift_right_arithmetic3A_1380 = vector.broadcast %shift_right_arithmetic3A_1379 : i32 to vector<16xi32>
    %shift_right_arithmetic3A_1381 = arith.shrsi %add3A_1378, %shift_right_arithmetic3A_1380 : vector<16xi32>
    tpu.vector_store_idx %arg5[%get3A_1374], %shift_right_arithmetic3A_1381 : memref<2304xi32, #tpu.memory_space<vmem>>[vector<16xi32>], vector<16xi32>,
    %get3A_1382 = arith.constant 1952 : index
    %get3A_1383 = tpu.vector_load %arg4[%get3A_1382] {strides = array<i32>} : memref<2048xi32, #tpu.memory_space<vmem>>, vector<16xi32>,
    %iota3A_1384 = tpu.iota {dimensions = array<i32: 0>} : vector<16xi32>
    %add3A_1385 = arith.constant 1952 : i32
    %add3A_1386 = vector.broadcast %add3A_1385 : i32 to vector<16xi32>
    %add3A_1387 = arith.addi %add3A_1386, %iota3A_1384 : vector<16xi32>
    %shift_right_arithmetic3A_1388 = arith.constant 1 : i32
    %shift_right_arithmetic3A_1389 = vector.broadcast %shift_right_arithmetic3A_1388 : i32 to vector<16xi32>
    %shift_right_arithmetic3A_1390 = arith.shrsi %add3A_1387, %shift_right_arithmetic3A_1389 : vector<16xi32>
    tpu.vector_store_idx %arg5[%get3A_1383], %shift_right_arithmetic3A_1390 : memref<2304xi32, #tpu.memory_space<vmem>>[vector<16xi32>], vector<16xi32>,
    %get3A_1391 = arith.constant 1968 : index
    %get3A_1392 = tpu.vector_load %arg4[%get3A_1391] {strides = array<i32>} : memref<2048xi32, #tpu.memory_space<vmem>>, vector<16xi32>,
    %iota3A_1393 = tpu.iota {dimensions = array<i32: 0>} : vector<16xi32>
    %add3A_1394 = arith.constant 1968 : i32
    %add3A_1395 = vector.broadcast %add3A_1394 : i32 to vector<16xi32>
    %add3A_1396 = arith.addi %add3A_1395, %iota3A_1393 : vector<16xi32>
    %shift_right_arithmetic3A_1397 = arith.constant 1 : i32
    %shift_right_arithmetic3A_1398 = vector.broadcast %shift_right_arithmetic3A_1397 : i32 to vector<16xi32>
    %shift_right_arithmetic3A_1399 = arith.shrsi %add3A_1396, %shift_right_arithmetic3A_1398 : vector<16xi32>
    tpu.vector_store_idx %arg5[%get3A_1392], %shift_right_arithmetic3A_1399 : memref<2304xi32, #tpu.memory_space<vmem>>[vector<16xi32>], vector<16xi32>,
    %get3A_1400 = arith.constant 1984 : index
    %get3A_1401 = tpu.vector_load %arg4[%get3A_1400] {strides = array<i32>} : memref<2048xi32, #tpu.memory_space<vmem>>, vector<16xi32>,
    %iota3A_1402 = tpu.iota {dimensions = array<i32: 0>} : vector<16xi32>
    %add3A_1403 = arith.constant 1984 : i32
    %add3A_1404 = vector.broadcast %add3A_1403 : i32 to vector<16xi32>
    %add3A_1405 = arith.addi %add3A_1404, %iota3A_1402 : vector<16xi32>
    %shift_right_arithmetic3A_1406 = arith.constant 1 : i32
    %shift_right_arithmetic3A_1407 = vector.broadcast %shift_right_arithmetic3A_1406 : i32 to vector<16xi32>
    %shift_right_arithmetic3A_1408 = arith.shrsi %add3A_1405, %shift_right_arithmetic3A_1407 : vector<16xi32>
    tpu.vector_store_idx %arg5[%get3A_1401], %shift_right_arithmetic3A_1408 : memref<2304xi32, #tpu.memory_space<vmem>>[vector<16xi32>], vector<16xi32>,
    %get3A_1409 = arith.constant 2000 : index
    %get3A_1410 = tpu.vector_load %arg4[%get3A_1409] {strides = array<i32>} : memref<2048xi32, #tpu.memory_space<vmem>>, vector<16xi32>,
    %iota3A_1411 = tpu.iota {dimensions = array<i32: 0>} : vector<16xi32>
    %add3A_1412 = arith.constant 2000 : i32
    %add3A_1413 = vector.broadcast %add3A_1412 : i32 to vector<16xi32>
    %add3A_1414 = arith.addi %add3A_1413, %iota3A_1411 : vector<16xi32>
    %shift_right_arithmetic3A_1415 = arith.constant 1 : i32
    %shift_right_arithmetic3A_1416 = vector.broadcast %shift_right_arithmetic3A_1415 : i32 to vector<16xi32>
    %shift_right_arithmetic3A_1417 = arith.shrsi %add3A_1414, %shift_right_arithmetic3A_1416 : vector<16xi32>
    tpu.vector_store_idx %arg5[%get3A_1410], %shift_right_arithmetic3A_1417 : memref<2304xi32, #tpu.memory_space<vmem>>[vector<16xi32>], vector<16xi32>,
    %get3A_1418 = arith.constant 2016 : index
    %get3A_1419 = tpu.vector_load %arg4[%get3A_1418] {strides = array<i32>} : memref<2048xi32, #tpu.memory_space<vmem>>, vector<16xi32>,
    %iota3A_1420 = tpu.iota {dimensions = array<i32: 0>} : vector<16xi32>
    %add3A_1421 = arith.constant 2016 : i32
    %add3A_1422 = vector.broadcast %add3A_1421 : i32 to vector<16xi32>
    %add3A_1423 = arith.addi %add3A_1422, %iota3A_1420 : vector<16xi32>
    %shift_right_arithmetic3A_1424 = arith.constant 1 : i32
    %shift_right_arithmetic3A_1425 = vector.broadcast %shift_right_arithmetic3A_1424 : i32 to vector<16xi32>
    %shift_right_arithmetic3A_1426 = arith.shrsi %add3A_1423, %shift_right_arithmetic3A_1425 : vector<16xi32>
    tpu.vector_store_idx %arg5[%get3A_1419], %shift_right_arithmetic3A_1426 : memref<2304xi32, #tpu.memory_space<vmem>>[vector<16xi32>], vector<16xi32>,
    %get3A_1427 = arith.constant 2032 : index
    %get3A_1428 = tpu.vector_load %arg4[%get3A_1427] {strides = array<i32>} : memref<2048xi32, #tpu.memory_space<vmem>>, vector<16xi32>,
    %iota3A_1429 = tpu.iota {dimensions = array<i32: 0>} : vector<16xi32>
    %add3A_1430 = arith.constant 2032 : i32
    %add3A_1431 = vector.broadcast %add3A_1430 : i32 to vector<16xi32>
    %add3A_1432 = arith.addi %add3A_1431, %iota3A_1429 : vector<16xi32>
    %shift_right_arithmetic3A_1433 = arith.constant 1 : i32
    %shift_right_arithmetic3A_1434 = vector.broadcast %shift_right_arithmetic3A_1433 : i32 to vector<16xi32>
    %shift_right_arithmetic3A_1435 = arith.shrsi %add3A_1432, %shift_right_arithmetic3A_1434 : vector<16xi32>
    tpu.vector_store_idx %arg5[%get3A_1428], %shift_right_arithmetic3A_1435 : memref<2304xi32, #tpu.memory_space<vmem>>[vector<16xi32>], vector<16xi32>,
    %mul3A = arith.constant 2 : i32
    %mul3A_1436 = arith.muli %arg1, %mul3A : i32
    %add3A_1437 = arith.addi %mul3A_1436, %arg0 : i32
    %mul3A_1438 = arith.constant 72 : i32
    %mul3A_1439 = arith.muli %add3A_1437, %mul3A_1438 : i32
    "tpu.region"() ({
      %run_scoped3A = tpu.sem_alloc : memref<!tpu.dma_semaphore, #tpu.memory_space<semaphore_mem>>
      %dma_start3A = tpu.memref_slice %arg5[%mul3A_1439] : memref<2304xi32, #tpu.memory_space<vmem>> -> memref<72xi32, #tpu.memory_space<vmem>>
      %dma_start3A_1440 = tpu.memref_slice %arg3[%mul3A_1439] : memref<2304xi32, #tpu.memory_space<hbm>> -> memref<72xi32, #tpu.memory_space<hbm>>
      %dma_start3A_1441 = tpu.memref_slice %arg3[%mul3A_1439] : memref<2304xi32, #tpu.memory_space<hbm>> -> memref<72xi32, #tpu.memory_space<hbm>>
      %dma_start3A_1442 = tpu.memref_slice %arg5[%mul3A_1439] : memref<2304xi32, #tpu.memory_space<vmem>> -> memref<72xi32, #tpu.memory_space<vmem>>
      tpu.enqueue_dma source(%dma_start3A_1442 : memref<72xi32, #tpu.memory_space<vmem>>) target(%dma_start3A_1441 : memref<72xi32, #tpu.memory_space<hbm>>) target_semaphore(%run_scoped3A : memref<!tpu.dma_semaphore, #tpu.memory_space<semaphore_mem>>)
      %dma_wait3A = tpu.memref_slice %arg5[%mul3A_1439] : memref<2304xi32, #tpu.memory_space<vmem>> -> memref<72xi32, #tpu.memory_space<vmem>>
      %dma_wait3A_1443 = tpu.memref_slice %arg3[%mul3A_1439] : memref<2304xi32, #tpu.memory_space<hbm>> -> memref<72xi32, #tpu.memory_space<hbm>>
      %dma_wait3A_1444 = tpu.memref_slice %arg3[%mul3A_1439] : memref<2304xi32, #tpu.memory_space<hbm>> -> memref<72xi32, #tpu.memory_space<hbm>>
      %dma_wait3A_1445 = tpu.memref_slice %arg5[%mul3A_1439] : memref<2304xi32, #tpu.memory_space<vmem>> -> memref<72xi32, #tpu.memory_space<vmem>>
      tpu.wait_dma2 semaphore(%run_scoped3A : memref<!tpu.dma_semaphore, #tpu.memory_space<semaphore_mem>>) src(%dma_wait3A_1445 : memref<72xi32, #tpu.memory_space<vmem>>) dst(%dma_wait3A_1444 : memref<72xi32, #tpu.memory_space<hbm>>)
      tpu.yield
    }) : () -> ()
    return
  }
}

module attributes {stable_mosaic.version = 14 : i64} {
  func.func @_routing_body(%arg0: memref<1024x8xf32, #tpu.memory_space<vmem>>, %arg1: memref<1024x8xf32, #tpu.memory_space<vmem>>, %arg2: memref<1024x2xf32, #tpu.memory_space<vmem>>, %arg3: memref<1024x2xi32, #tpu.memory_space<vmem>>, %arg4: memref<72x1xi32, #tpu.memory_space<vmem>>, %arg5: memref<1x1xi32, #tpu.memory_space<vmem>>) attributes {dimension_semantics = [], scalar_prefetch = 0 : i64, scratch_operands = 0 : i64, tpu.core_type = #tpu.core_type<tc>} {
    %get3A = arith.constant 0 : index
    %get3A_0 = arith.constant 0 : index
    %get3A_1 = vector.load %arg0[%get3A, %get3A_0] : memref<1024x8xf32, #tpu.memory_space<vmem>>, vector<1024x8xf32>
    %get3A_2 = arith.constant 0 : index
    %get3A_3 = arith.constant 0 : index
    %get3A_4 = vector.load %arg1[%get3A_2, %get3A_3] : memref<1024x8xf32, #tpu.memory_space<vmem>>, vector<1024x8xf32>
    %eq3A = arith.constant 1.000000e+00 : f32
    %eq3A_5 = vector.broadcast %eq3A : f32 to vector<1024x8xf32>
    %eq3A_6 = arith.cmpf oeq, %get3A_4, %eq3A_5 : vector<1024x8xf32>
    %jit3A = arith.constant 1.000000e+00 : f32
    %jit3A_7 = arith.constant 0.000000e+00 : f32
    %broadcast_in_dim3A = vector.broadcast %jit3A : f32 to vector<1024x8xf32>
    %broadcast_in_dim3A_8 = vector.broadcast %jit3A_7 : f32 to vector<1024x8xf32>
    %select_n3A = arith.select %eq3A_6, %broadcast_in_dim3A, %broadcast_in_dim3A_8 : vector<1024x8xi1>, vector<1024x8xf32>
    %reduce_max3A = arith.constant dense<0xFF800000> : vector<1024xf32>
    %reduce_max3A_9 = vector.multi_reduction <maximumf>, %get3A_1, %reduce_max3A [1] : vector<1024x8xf32> to vector<1024xf32>
    %broadcast_in_dim3A_10 = vector.shape_cast %reduce_max3A_9 : vector<1024xf32> to vector<1024x1xf32>
    %sub3A = vector.broadcast %broadcast_in_dim3A_10 : vector<1024x1xf32> to vector<1024x8xf32>
    %sub3A_11 = arith.subf %get3A_1, %sub3A : vector<1024x8xf32>
    %exp3A = math.exp %sub3A_11 : vector<1024x8xf32>
    %reduce_sum3A = arith.constant dense<0.000000e+00> : vector<1024xf32>
    %reduce_sum3A_12 = vector.multi_reduction <add>, %exp3A, %reduce_sum3A [1] : vector<1024x8xf32> to vector<1024xf32>
    %broadcast_in_dim3A_13 = vector.shape_cast %reduce_sum3A_12 : vector<1024xf32> to vector<1024x1xf32>
    %div3A = vector.broadcast %broadcast_in_dim3A_13 : vector<1024x1xf32> to vector<1024x8xf32>
    %div3A_14 = arith.divf %exp3A, %div3A : vector<1024x8xf32>
    %mul3A = arith.mulf %div3A_14, %select_n3A : vector<1024x8xf32>
    %iota3A = tpu.iota {dimensions = array<i32: 1>} : vector<1024x8xi32>
    %reduce_max3A_15 = arith.constant dense<0xFF800000> : vector<1024xf32>
    %reduce_max3A_16 = vector.multi_reduction <maximumf>, %mul3A, %reduce_max3A_15 [1] : vector<1024x8xf32> to vector<1024xf32>
    %broadcast_in_dim3A_17 = vector.shape_cast %reduce_max3A_16 : vector<1024xf32> to vector<1024x1xf32>
    %eq3A_18 = vector.broadcast %broadcast_in_dim3A_17 : vector<1024x1xf32> to vector<1024x8xf32>
    %eq3A_19 = arith.cmpf oeq, %mul3A, %eq3A_18 : vector<1024x8xf32>
    %jit3A_20 = arith.constant 8 : i32
    %broadcast_in_dim3A_21 = vector.broadcast %jit3A_20 : i32 to vector<1024x8xi32>
    %select_n3A_22 = arith.select %eq3A_19, %iota3A, %broadcast_in_dim3A_21 : vector<1024x8xi1>, vector<1024x8xi32>
    %reduce_min3A = arith.constant dense<2147483647> : vector<1024xi32>
    %reduce_min3A_23 = vector.multi_reduction <minsi>, %select_n3A_22, %reduce_min3A [1] : vector<1024x8xi32> to vector<1024xi32>
    %broadcast_in_dim3A_24 = vector.shape_cast %reduce_min3A_23 : vector<1024xi32> to vector<1024x1xi32>
    %eq3A_25 = vector.broadcast %broadcast_in_dim3A_24 : vector<1024x1xi32> to vector<1024x8xi32>
    %eq3A_26 = arith.cmpi eq, %iota3A, %eq3A_25 : vector<1024x8xi32>
    %jit3A_27 = arith.constant 0xFF800000 : f32
    %broadcast_in_dim3A_28 = vector.broadcast %jit3A_27 : f32 to vector<1024x8xf32>
    %select_n3A_29 = arith.select %eq3A_26, %broadcast_in_dim3A_28, %mul3A : vector<1024x8xi1>, vector<1024x8xf32>
    %reduce_max3A_30 = arith.constant dense<0xFF800000> : vector<1024xf32>
    %reduce_max3A_31 = vector.multi_reduction <maximumf>, %select_n3A_29, %reduce_max3A_30 [1] : vector<1024x8xf32> to vector<1024xf32>
    %broadcast_in_dim3A_32 = vector.shape_cast %reduce_max3A_31 : vector<1024xf32> to vector<1024x1xf32>
    %eq3A_33 = vector.broadcast %broadcast_in_dim3A_32 : vector<1024x1xf32> to vector<1024x8xf32>
    %eq3A_34 = arith.cmpf oeq, %select_n3A_29, %eq3A_33 : vector<1024x8xf32>
    %jit3A_35 = arith.constant 8 : i32
    %broadcast_in_dim3A_36 = vector.broadcast %jit3A_35 : i32 to vector<1024x8xi32>
    %select_n3A_37 = arith.select %eq3A_34, %iota3A, %broadcast_in_dim3A_36 : vector<1024x8xi1>, vector<1024x8xi32>
    %reduce_min3A_38 = arith.constant dense<2147483647> : vector<1024xi32>
    %reduce_min3A_39 = vector.multi_reduction <minsi>, %select_n3A_37, %reduce_min3A_38 [1] : vector<1024x8xi32> to vector<1024xi32>
    %broadcast_in_dim3A_40 = vector.shape_cast %reduce_min3A_39 : vector<1024xi32> to vector<1024x1xi32>
    %add3A = arith.addf %broadcast_in_dim3A_17, %broadcast_in_dim3A_32 : vector<1024x1xf32>
    %add3A_41 = arith.constant 9.99999971E-10 : f32
    %add3A_42 = vector.broadcast %add3A_41 : f32 to vector<1024x1xf32>
    %add3A_43 = arith.addf %add3A, %add3A_42 : vector<1024x1xf32>
    %concatenate3A = tpu.concatenate %broadcast_in_dim3A_17, %broadcast_in_dim3A_32 in 1 : vector<1024x1xf32>, vector<1024x1xf32> -> vector<1024x2xf32>
    %div3A_44 = vector.broadcast %add3A_43 : vector<1024x1xf32> to vector<1024x2xf32>
    %div3A_45 = arith.divf %concatenate3A, %div3A_44 : vector<1024x2xf32>
    %swap3A = arith.constant 0 : index
    %swap3A_46 = arith.constant 0 : index
    %swap3A_47 = vector.load %arg2[%swap3A, %swap3A_46] : memref<1024x2xf32, #tpu.memory_space<vmem>>, vector<1024x2xf32>
    tpu.vector_store %arg2[%swap3A, %swap3A_46], %div3A_45 {strides = array<i32>} : memref<1024x2xf32, #tpu.memory_space<vmem>>, vector<1024x2xf32>,
    %eq3A_48 = vector.broadcast %broadcast_in_dim3A_24 : vector<1024x1xi32> to vector<1024x8xi32>
    %eq3A_49 = arith.cmpi eq, %iota3A, %eq3A_48 : vector<1024x8xi32>
    %eq3A_50 = vector.broadcast %broadcast_in_dim3A_40 : vector<1024x1xi32> to vector<1024x8xi32>
    %eq3A_51 = arith.cmpi eq, %iota3A, %eq3A_50 : vector<1024x8xi32>
    %or3A = arith.ori %eq3A_49, %eq3A_51 : vector<1024x8xi1>
    %jit3A_52 = arith.constant 1.000000e+00 : f32
    %jit3A_53 = arith.constant 0.000000e+00 : f32
    %broadcast_in_dim3A_54 = vector.broadcast %jit3A_52 : f32 to vector<1024x8xf32>
    %broadcast_in_dim3A_55 = vector.broadcast %jit3A_53 : f32 to vector<1024x8xf32>
    %select_n3A_56 = arith.select %or3A, %broadcast_in_dim3A_54, %broadcast_in_dim3A_55 : vector<1024x8xi1>, vector<1024x8xf32>
    %iota3A_57 = tpu.iota {dimensions = array<i32: 0>} : vector<1024x1024xi32>
    %iota3A_58 = tpu.iota {dimensions = array<i32: 1>} : vector<1024x1024xi32>
    %gt3A = arith.cmpi sgt, %iota3A_57, %iota3A_58 : vector<1024x1024xi32>
    %jit3A_59 = arith.constant 1.000000e+00 : f32
    %jit3A_60 = arith.constant 0.000000e+00 : f32
    %broadcast_in_dim3A_61 = vector.broadcast %jit3A_59 : f32 to vector<1024x1024xf32>
    %broadcast_in_dim3A_62 = vector.broadcast %jit3A_60 : f32 to vector<1024x1024xf32>
    %select_n3A_63 = arith.select %gt3A, %broadcast_in_dim3A_61, %broadcast_in_dim3A_62 : vector<1024x1024xi1>, vector<1024x1024xf32>
    %dot_general3A = arith.constant dense<0.000000e+00> : vector<1024x8xf32>
    %dot_general3A_64 = tpu.matmul %select_n3A_63, %select_n3A_56, %dot_general3A {dimension_numbers = #tpu.dot_dimension_numbers<[1], [0], [0], [1], [0, 0, 1, 1], [], []>, transpose_lhs_hint = false} : vector<1024x1024xf32>, vector<1024x8xf32>, vector<1024x8xf32> -> vector<1024x8xf32>
    %reduce_sum3A_65 = arith.constant dense<0.000000e+00> : vector<8xf32>
    %reduce_sum3A_66 = vector.multi_reduction <add>, %select_n3A_56, %reduce_sum3A_65 [0] : vector<1024x8xf32> to vector<8xf32>
    %broadcast_in_dim3A_67 = vector.shape_cast %reduce_sum3A_66 : vector<8xf32> to vector<1x8xf32>
    %add3A_68 = arith.constant 3.100000e+01 : f32
    %add3A_69 = vector.broadcast %add3A_68 : f32 to vector<1x8xf32>
    %add3A_70 = arith.addf %broadcast_in_dim3A_67, %add3A_69 : vector<1x8xf32>
    %div3A_71 = arith.constant 3.200000e+01 : f32
    %div3A_72 = vector.broadcast %div3A_71 : f32 to vector<1x8xf32>
    %div3A_73 = arith.divf %add3A_70, %div3A_72 : vector<1x8xf32>
    %floor3A = math.floor %div3A_73 : vector<1x8xf32>
    %iota3A_74 = tpu.iota {dimensions = array<i32: 0>} : vector<8x8xi32>
    %iota3A_75 = tpu.iota {dimensions = array<i32: 1>} : vector<8x8xi32>
    %le3A = arith.cmpi sle, %iota3A_74, %iota3A_75 : vector<8x8xi32>
    %jit3A_76 = arith.constant 1.000000e+00 : f32
    %jit3A_77 = arith.constant 0.000000e+00 : f32
    %broadcast_in_dim3A_78 = vector.broadcast %jit3A_76 : f32 to vector<8x8xf32>
    %broadcast_in_dim3A_79 = vector.broadcast %jit3A_77 : f32 to vector<8x8xf32>
    %select_n3A_80 = arith.select %le3A, %broadcast_in_dim3A_78, %broadcast_in_dim3A_79 : vector<8x8xi1>, vector<8x8xf32>
    %dot_general3A_81 = arith.constant dense<0.000000e+00> : vector<1x8xf32>
    %dot_general3A_82 = tpu.matmul %floor3A, %select_n3A_80, %dot_general3A_81 {dimension_numbers = #tpu.dot_dimension_numbers<[1], [0], [0], [1], [0, 0, 1, 1], [], []>, transpose_lhs_hint = false} : vector<1x8xf32>, vector<8x8xf32>, vector<1x8xf32> -> vector<1x8xf32>
    %sub3A_83 = arith.subf %dot_general3A_82, %floor3A : vector<1x8xf32>
    %mul3A_84 = arith.constant 3.200000e+01 : f32
    %mul3A_85 = vector.broadcast %mul3A_84 : f32 to vector<1x8xf32>
    %mul3A_86 = arith.mulf %mul3A_85, %sub3A_83 : vector<1x8xf32>
    %add3A_87 = vector.broadcast %mul3A_86 : vector<1x8xf32> to vector<1024x8xf32>
    %add3A_88 = arith.addf %add3A_87, %dot_general3A_64 : vector<1024x8xf32>
    %jit3A_89 = arith.constant 0.000000e+00 : f32
    %broadcast_in_dim3A_90 = vector.broadcast %jit3A_89 : f32 to vector<1024x8xf32>
    %select_n3A_91 = arith.select %eq3A_49, %add3A_88, %broadcast_in_dim3A_90 : vector<1024x8xi1>, vector<1024x8xf32>
    %reduce_sum3A_92 = arith.constant dense<0.000000e+00> : vector<1024xf32>
    %reduce_sum3A_93 = vector.multi_reduction <add>, %select_n3A_91, %reduce_sum3A_92 [1] : vector<1024x8xf32> to vector<1024xf32>
    %broadcast_in_dim3A_94 = vector.shape_cast %reduce_sum3A_93 : vector<1024xf32> to vector<1024x1xf32>
    %jit3A_95 = arith.constant 0.000000e+00 : f32
    %broadcast_in_dim3A_96 = vector.broadcast %jit3A_95 : f32 to vector<1024x8xf32>
    %select_n3A_97 = arith.select %eq3A_51, %add3A_88, %broadcast_in_dim3A_96 : vector<1024x8xi1>, vector<1024x8xf32>
    %reduce_sum3A_98 = arith.constant dense<0.000000e+00> : vector<1024xf32>
    %reduce_sum3A_99 = vector.multi_reduction <add>, %select_n3A_97, %reduce_sum3A_98 [1] : vector<1024x8xf32> to vector<1024xf32>
    %broadcast_in_dim3A_100 = vector.shape_cast %reduce_sum3A_99 : vector<1024xf32> to vector<1024x1xf32>
    %concatenate3A_101 = tpu.concatenate %broadcast_in_dim3A_94, %broadcast_in_dim3A_100 in 1 : vector<1024x1xf32>, vector<1024x1xf32> -> vector<1024x2xf32>
    %convert_element_type3A = arith.fptosi %concatenate3A_101 : vector<1024x2xf32> to vector<1024x2xi32>
    %swap3A_102 = arith.constant 0 : index
    %swap3A_103 = arith.constant 0 : index
    %swap3A_104 = vector.load %arg3[%swap3A_102, %swap3A_103] : memref<1024x2xi32, #tpu.memory_space<vmem>>, vector<1024x2xi32>
    tpu.vector_store %arg3[%swap3A_102, %swap3A_103], %convert_element_type3A {strides = array<i32>} : memref<1024x2xi32, #tpu.memory_space<vmem>>, vector<1024x2xi32>,
    %iota3A_105 = tpu.iota {dimensions = array<i32: 0>} : vector<72x8xi32>
    %convert_element_type3A_106 = arith.sitofp %iota3A_105 : vector<72x8xi32> to vector<72x8xf32>
    %broadcast_in_dim3A_107 = vector.shape_cast %dot_general3A_82 : vector<1x8xf32> to vector<1x8xf32>
    %broadcast_in_dim3A_108 = vector.broadcast %broadcast_in_dim3A_107 : vector<1x8xf32> to vector<72x8xf32>
    %le3A_109 = arith.cmpf ole, %broadcast_in_dim3A_108, %convert_element_type3A_106 : vector<72x8xf32>
    %jit3A_110 = arith.constant 1.000000e+00 : f32
    %jit3A_111 = arith.constant 0.000000e+00 : f32
    %broadcast_in_dim3A_112 = vector.broadcast %jit3A_110 : f32 to vector<72x8xf32>
    %broadcast_in_dim3A_113 = vector.broadcast %jit3A_111 : f32 to vector<72x8xf32>
    %select_n3A_114 = arith.select %le3A_109, %broadcast_in_dim3A_112, %broadcast_in_dim3A_113 : vector<72x8xi1>, vector<72x8xf32>
    %reduce_sum3A_115 = arith.constant dense<0.000000e+00> : vector<72xf32>
    %reduce_sum3A_116 = vector.multi_reduction <add>, %select_n3A_114, %reduce_sum3A_115 [1] : vector<72x8xf32> to vector<72xf32>
    %broadcast_in_dim3A_117 = vector.shape_cast %reduce_sum3A_116 : vector<72xf32> to vector<72x1xf32>
    %min3A = arith.constant 7.000000e+00 : f32
    %min3A_118 = vector.broadcast %min3A : f32 to vector<72x1xf32>
    %min3A_119 = arith.minimumf %broadcast_in_dim3A_117, %min3A_118 : vector<72x1xf32>
    %convert_element_type3A_120 = arith.fptosi %min3A_119 : vector<72x1xf32> to vector<72x1xi32>
    %swap3A_121 = arith.constant 0 : index
    %swap3A_122 = arith.constant 0 : index
    %swap3A_123 = vector.load %arg4[%swap3A_121, %swap3A_122] : memref<72x1xi32, #tpu.memory_space<vmem>>, vector<72x1xi32>
    tpu.vector_store %arg4[%swap3A_121, %swap3A_122], %convert_element_type3A_120 {strides = array<i32>} : memref<72x1xi32, #tpu.memory_space<vmem>>, vector<72x1xi32>,
    %slice3A = vector.extract_strided_slice %dot_general3A_82 {offsets = [0, 7], sizes = [1, 1], strides = [1, 1]} : vector<1x8xf32> to vector<1x1xf32>
    %convert_element_type3A_124 = arith.fptosi %slice3A : vector<1x1xf32> to vector<1x1xi32>
    %swap3A_125 = arith.constant 0 : index
    %swap3A_126 = arith.constant 0 : index
    %swap3A_127 = vector.load %arg5[%swap3A_125, %swap3A_126] : memref<1x1xi32, #tpu.memory_space<vmem>>, vector<1x1xi32>
    tpu.vector_store %arg5[%swap3A_125, %swap3A_126], %convert_element_type3A_124 {strides = array<i32>} : memref<1x1xi32, #tpu.memory_space<vmem>>, vector<1x1xi32>,
    return
  }
}

module attributes {stable_mosaic.version = 14 : i64} {
  func.func @_mm_body(%arg0: i32, %arg1: memref<2304xi32, #tpu.memory_space<smem>>, %arg2: memref<72xi32, #tpu.memory_space<smem>>, %arg3: memref<2048xi32, #tpu.memory_space<smem>>, %arg4: memref<1xi32, #tpu.memory_space<smem>>, %arg5: memref<1024x16x900xbf16, #tpu.memory_space<any>>, %arg6: memref<1x900x768xbf16, #tpu.memory_space<vmem>>, %arg7: memref<8x768xf32, #tpu.memory_space<vmem>>, %arg8: memref<1024x2xf32, #tpu.memory_space<smem>>, %arg9: memref<16384x768xbf16, #tpu.memory_space<any>>, %arg10: memref<2x32x16x900xbf16, #tpu.memory_space<vmem>>, %arg11: memref<36864x768xbf16, #tpu.memory_space<vmem>>, %arg12: memref<2x128x768xbf16, #tpu.memory_space<vmem>>, %arg13: memref<2x!tpu.dma_semaphore, #tpu.memory_space<semaphore_mem>>, %arg14: memref<2x!tpu.dma_semaphore, #tpu.memory_space<semaphore_mem>>) attributes {dimension_semantics = [#tpu.dimension_semantics<arbitrary>], iteration_bounds = array<i64: 72>, scalar_prefetch = 4 : i64, scratch_operands = 5 : i64, tpu.core_type = #tpu.core_type<tc>, window_params = [{}, {transform_indices = @transform_1, window_bounds = array<i64: 1, 900, 768>}, {pipeline_mode = #tpu.pipeline_mode<synchronous>, transform_indices = @transform_2, window_bounds = array<i64: 8, 768>}, {transform_indices = @transform_3, window_bounds = array<i64: 1024, 2>}, {}]} {
    %get3A = arith.constant 0 : index
    %get3A_0 = memref.load %arg4[%get3A] : memref<1xi32, #tpu.memory_space<smem>>
    %eq3A = arith.constant 0 : i32
    %eq3A_1 = arith.cmpi eq, %arg0, %eq3A : i32
    %convert_element_type3A = arith.extui %eq3A_1 : i1 to i32
    %cond3A = arith.constant 0 : i32
    %cond3A_2 = arith.cmpi ne, %convert_element_type3A, %cond3A : i32
    scf.if %cond3A_2 {
      %get3A_16 = arith.constant 0 : index
      %get3A_17 = memref.load %arg1[%get3A_16] : memref<2304xi32, #tpu.memory_space<smem>>
      %dma_start3A = arith.constant 0 : i32
      %dma_start3A_18 = arith.constant 0 : i32
      %dma_start3A_19 = arith.constant 0 : i32
      %dma_start3A_20 = tpu.memref_slice %arg13[%dma_start3A_19] : memref<2x!tpu.dma_semaphore, #tpu.memory_space<semaphore_mem>> -> memref<1x!tpu.dma_semaphore, #tpu.memory_space<semaphore_mem>>
      %dma_start3A_21 = tpu.memref_squeeze %dma_start3A_20 : memref<1x!tpu.dma_semaphore, #tpu.memory_space<semaphore_mem>> -> memref<!tpu.dma_semaphore, #tpu.memory_space<semaphore_mem>>
      %dma_start3A_22 = arith.constant 0 : i32
      %dma_start3A_23 = arith.constant 0 : i32
      %dma_start3A_24 = tpu.memref_slice %arg10[%dma_start3A, %dma_start3A_18, %dma_start3A_22, %dma_start3A_23] : memref<2x32x16x900xbf16, #tpu.memory_space<vmem>> -> memref<1x1x16x900xbf16, #tpu.memory_space<vmem>>
      %dma_start3A_25 = tpu.memref_squeeze %dma_start3A_24 : memref<1x1x16x900xbf16, #tpu.memory_space<vmem>> -> memref<16x900xbf16, #tpu.memory_space<vmem>>
      %dma_start3A_26 = arith.constant 0 : i32
      %dma_start3A_27 = arith.constant 0 : i32
      %dma_start3A_28 = tpu.memref_slice %arg5[%get3A_17, %dma_start3A_26, %dma_start3A_27] : memref<1024x16x900xbf16, #tpu.memory_space<any>> -> memref<1x16x900xbf16, #tpu.memory_space<any>>
      %dma_start3A_29 = tpu.memref_squeeze %dma_start3A_28 : memref<1x16x900xbf16, #tpu.memory_space<any>> -> memref<16x900xbf16, #tpu.memory_space<any>>
      tpu.enqueue_dma source(%dma_start3A_29 : memref<16x900xbf16, #tpu.memory_space<any>>) target(%dma_start3A_25 : memref<16x900xbf16, #tpu.memory_space<vmem>>) target_semaphore(%dma_start3A_21 : memref<!tpu.dma_semaphore, #tpu.memory_space<semaphore_mem>>)
      %get3A_30 = arith.constant 1 : index
      %get3A_31 = memref.load %arg1[%get3A_30] : memref<2304xi32, #tpu.memory_space<smem>>
      %dma_start3A_32 = arith.constant 0 : i32
      %dma_start3A_33 = arith.constant 1 : i32
      %dma_start3A_34 = arith.constant 0 : i32
      %dma_start3A_35 = tpu.memref_slice %arg13[%dma_start3A_34] : memref<2x!tpu.dma_semaphore, #tpu.memory_space<semaphore_mem>> -> memref<1x!tpu.dma_semaphore, #tpu.memory_space<semaphore_mem>>
      %dma_start3A_36 = tpu.memref_squeeze %dma_start3A_35 : memref<1x!tpu.dma_semaphore, #tpu.memory_space<semaphore_mem>> -> memref<!tpu.dma_semaphore, #tpu.memory_space<semaphore_mem>>
      %dma_start3A_37 = arith.constant 0 : i32
      %dma_start3A_38 = arith.constant 0 : i32
      %dma_start3A_39 = tpu.memref_slice %arg10[%dma_start3A_32, %dma_start3A_33, %dma_start3A_37, %dma_start3A_38] : memref<2x32x16x900xbf16, #tpu.memory_space<vmem>> -> memref<1x1x16x900xbf16, #tpu.memory_space<vmem>>
      %dma_start3A_40 = tpu.memref_squeeze %dma_start3A_39 : memref<1x1x16x900xbf16, #tpu.memory_space<vmem>> -> memref<16x900xbf16, #tpu.memory_space<vmem>>
      %dma_start3A_41 = arith.constant 0 : i32
      %dma_start3A_42 = arith.constant 0 : i32
      %dma_start3A_43 = tpu.memref_slice %arg5[%get3A_31, %dma_start3A_41, %dma_start3A_42] : memref<1024x16x900xbf16, #tpu.memory_space<any>> -> memref<1x16x900xbf16, #tpu.memory_space<any>>
      %dma_start3A_44 = tpu.memref_squeeze %dma_start3A_43 : memref<1x16x900xbf16, #tpu.memory_space<any>> -> memref<16x900xbf16, #tpu.memory_space<any>>
      tpu.enqueue_dma source(%dma_start3A_44 : memref<16x900xbf16, #tpu.memory_space<any>>) target(%dma_start3A_40 : memref<16x900xbf16, #tpu.memory_space<vmem>>) target_semaphore(%dma_start3A_36 : memref<!tpu.dma_semaphore, #tpu.memory_space<semaphore_mem>>)
      %get3A_45 = arith.constant 2 : index
      %get3A_46 = memref.load %arg1[%get3A_45] : memref<2304xi32, #tpu.memory_space<smem>>
      %dma_start3A_47 = arith.constant 0 : i32
      %dma_start3A_48 = arith.constant 2 : i32
      %dma_start3A_49 = arith.constant 0 : i32
      %dma_start3A_50 = tpu.memref_slice %arg13[%dma_start3A_49] : memref<2x!tpu.dma_semaphore, #tpu.memory_space<semaphore_mem>> -> memref<1x!tpu.dma_semaphore, #tpu.memory_space<semaphore_mem>>
      %dma_start3A_51 = tpu.memref_squeeze %dma_start3A_50 : memref<1x!tpu.dma_semaphore, #tpu.memory_space<semaphore_mem>> -> memref<!tpu.dma_semaphore, #tpu.memory_space<semaphore_mem>>
      %dma_start3A_52 = arith.constant 0 : i32
      %dma_start3A_53 = arith.constant 0 : i32
      %dma_start3A_54 = tpu.memref_slice %arg10[%dma_start3A_47, %dma_start3A_48, %dma_start3A_52, %dma_start3A_53] : memref<2x32x16x900xbf16, #tpu.memory_space<vmem>> -> memref<1x1x16x900xbf16, #tpu.memory_space<vmem>>
      %dma_start3A_55 = tpu.memref_squeeze %dma_start3A_54 : memref<1x1x16x900xbf16, #tpu.memory_space<vmem>> -> memref<16x900xbf16, #tpu.memory_space<vmem>>
      %dma_start3A_56 = arith.constant 0 : i32
      %dma_start3A_57 = arith.constant 0 : i32
      %dma_start3A_58 = tpu.memref_slice %arg5[%get3A_46, %dma_start3A_56, %dma_start3A_57] : memref<1024x16x900xbf16, #tpu.memory_space<any>> -> memref<1x16x900xbf16, #tpu.memory_space<any>>
      %dma_start3A_59 = tpu.memref_squeeze %dma_start3A_58 : memref<1x16x900xbf16, #tpu.memory_space<any>> -> memref<16x900xbf16, #tpu.memory_space<any>>
      tpu.enqueue_dma source(%dma_start3A_59 : memref<16x900xbf16, #tpu.memory_space<any>>) target(%dma_start3A_55 : memref<16x900xbf16, #tpu.memory_space<vmem>>) target_semaphore(%dma_start3A_51 : memref<!tpu.dma_semaphore, #tpu.memory_space<semaphore_mem>>)
      %get3A_60 = arith.constant 3 : index
      %get3A_61 = memref.load %arg1[%get3A_60] : memref<2304xi32, #tpu.memory_space<smem>>
      %dma_start3A_62 = arith.constant 0 : i32
      %dma_start3A_63 = arith.constant 3 : i32
      %dma_start3A_64 = arith.constant 0 : i32
      %dma_start3A_65 = tpu.memref_slice %arg13[%dma_start3A_64] : memref<2x!tpu.dma_semaphore, #tpu.memory_space<semaphore_mem>> -> memref<1x!tpu.dma_semaphore, #tpu.memory_space<semaphore_mem>>
      %dma_start3A_66 = tpu.memref_squeeze %dma_start3A_65 : memref<1x!tpu.dma_semaphore, #tpu.memory_space<semaphore_mem>> -> memref<!tpu.dma_semaphore, #tpu.memory_space<semaphore_mem>>
      %dma_start3A_67 = arith.constant 0 : i32
      %dma_start3A_68 = arith.constant 0 : i32
      %dma_start3A_69 = tpu.memref_slice %arg10[%dma_start3A_62, %dma_start3A_63, %dma_start3A_67, %dma_start3A_68] : memref<2x32x16x900xbf16, #tpu.memory_space<vmem>> -> memref<1x1x16x900xbf16, #tpu.memory_space<vmem>>
      %dma_start3A_70 = tpu.memref_squeeze %dma_start3A_69 : memref<1x1x16x900xbf16, #tpu.memory_space<vmem>> -> memref<16x900xbf16, #tpu.memory_space<vmem>>
      %dma_start3A_71 = arith.constant 0 : i32
      %dma_start3A_72 = arith.constant 0 : i32
      %dma_start3A_73 = tpu.memref_slice %arg5[%get3A_61, %dma_start3A_71, %dma_start3A_72] : memref<1024x16x900xbf16, #tpu.memory_space<any>> -> memref<1x16x900xbf16, #tpu.memory_space<any>>
      %dma_start3A_74 = tpu.memref_squeeze %dma_start3A_73 : memref<1x16x900xbf16, #tpu.memory_space<any>> -> memref<16x900xbf16, #tpu.memory_space<any>>
      tpu.enqueue_dma source(%dma_start3A_74 : memref<16x900xbf16, #tpu.memory_space<any>>) target(%dma_start3A_70 : memref<16x900xbf16, #tpu.memory_space<vmem>>) target_semaphore(%dma_start3A_66 : memref<!tpu.dma_semaphore, #tpu.memory_space<semaphore_mem>>)
      %get3A_75 = arith.constant 4 : index
      %get3A_76 = memref.load %arg1[%get3A_75] : memref<2304xi32, #tpu.memory_space<smem>>
      %dma_start3A_77 = arith.constant 0 : i32
      %dma_start3A_78 = arith.constant 4 : i32
      %dma_start3A_79 = arith.constant 0 : i32
      %dma_start3A_80 = tpu.memref_slice %arg13[%dma_start3A_79] : memref<2x!tpu.dma_semaphore, #tpu.memory_space<semaphore_mem>> -> memref<1x!tpu.dma_semaphore, #tpu.memory_space<semaphore_mem>>
      %dma_start3A_81 = tpu.memref_squeeze %dma_start3A_80 : memref<1x!tpu.dma_semaphore, #tpu.memory_space<semaphore_mem>> -> memref<!tpu.dma_semaphore, #tpu.memory_space<semaphore_mem>>
      %dma_start3A_82 = arith.constant 0 : i32
      %dma_start3A_83 = arith.constant 0 : i32
      %dma_start3A_84 = tpu.memref_slice %arg10[%dma_start3A_77, %dma_start3A_78, %dma_start3A_82, %dma_start3A_83] : memref<2x32x16x900xbf16, #tpu.memory_space<vmem>> -> memref<1x1x16x900xbf16, #tpu.memory_space<vmem>>
      %dma_start3A_85 = tpu.memref_squeeze %dma_start3A_84 : memref<1x1x16x900xbf16, #tpu.memory_space<vmem>> -> memref<16x900xbf16, #tpu.memory_space<vmem>>
      %dma_start3A_86 = arith.constant 0 : i32
      %dma_start3A_87 = arith.constant 0 : i32
      %dma_start3A_88 = tpu.memref_slice %arg5[%get3A_76, %dma_start3A_86, %dma_start3A_87] : memref<1024x16x900xbf16, #tpu.memory_space<any>> -> memref<1x16x900xbf16, #tpu.memory_space<any>>
      %dma_start3A_89 = tpu.memref_squeeze %dma_start3A_88 : memref<1x16x900xbf16, #tpu.memory_space<any>> -> memref<16x900xbf16, #tpu.memory_space<any>>
      tpu.enqueue_dma source(%dma_start3A_89 : memref<16x900xbf16, #tpu.memory_space<any>>) target(%dma_start3A_85 : memref<16x900xbf16, #tpu.memory_space<vmem>>) target_semaphore(%dma_start3A_81 : memref<!tpu.dma_semaphore, #tpu.memory_space<semaphore_mem>>)
      %get3A_90 = arith.constant 5 : index
      %get3A_91 = memref.load %arg1[%get3A_90] : memref<2304xi32, #tpu.memory_space<smem>>
      %dma_start3A_92 = arith.constant 0 : i32
      %dma_start3A_93 = arith.constant 5 : i32
      %dma_start3A_94 = arith.constant 0 : i32
      %dma_start3A_95 = tpu.memref_slice %arg13[%dma_start3A_94] : memref<2x!tpu.dma_semaphore, #tpu.memory_space<semaphore_mem>> -> memref<1x!tpu.dma_semaphore, #tpu.memory_space<semaphore_mem>>
      %dma_start3A_96 = tpu.memref_squeeze %dma_start3A_95 : memref<1x!tpu.dma_semaphore, #tpu.memory_space<semaphore_mem>> -> memref<!tpu.dma_semaphore, #tpu.memory_space<semaphore_mem>>
      %dma_start3A_97 = arith.constant 0 : i32
      %dma_start3A_98 = arith.constant 0 : i32
      %dma_start3A_99 = tpu.memref_slice %arg10[%dma_start3A_92, %dma_start3A_93, %dma_start3A_97, %dma_start3A_98] : memref<2x32x16x900xbf16, #tpu.memory_space<vmem>> -> memref<1x1x16x900xbf16, #tpu.memory_space<vmem>>
      %dma_start3A_100 = tpu.memref_squeeze %dma_start3A_99 : memref<1x1x16x900xbf16, #tpu.memory_space<vmem>> -> memref<16x900xbf16, #tpu.memory_space<vmem>>
      %dma_start3A_101 = arith.constant 0 : i32
      %dma_start3A_102 = arith.constant 0 : i32
      %dma_start3A_103 = tpu.memref_slice %arg5[%get3A_91, %dma_start3A_101, %dma_start3A_102] : memref<1024x16x900xbf16, #tpu.memory_space<any>> -> memref<1x16x900xbf16, #tpu.memory_space<any>>
      %dma_start3A_104 = tpu.memref_squeeze %dma_start3A_103 : memref<1x16x900xbf16, #tpu.memory_space<any>> -> memref<16x900xbf16, #tpu.memory_space<any>>
      tpu.enqueue_dma source(%dma_start3A_104 : memref<16x900xbf16, #tpu.memory_space<any>>) target(%dma_start3A_100 : memref<16x900xbf16, #tpu.memory_space<vmem>>) target_semaphore(%dma_start3A_96 : memref<!tpu.dma_semaphore, #tpu.memory_space<semaphore_mem>>)
      %get3A_105 = arith.constant 6 : index
      %get3A_106 = memref.load %arg1[%get3A_105] : memref<2304xi32, #tpu.memory_space<smem>>
      %dma_start3A_107 = arith.constant 0 : i32
      %dma_start3A_108 = arith.constant 6 : i32
      %dma_start3A_109 = arith.constant 0 : i32
      %dma_start3A_110 = tpu.memref_slice %arg13[%dma_start3A_109] : memref<2x!tpu.dma_semaphore, #tpu.memory_space<semaphore_mem>> -> memref<1x!tpu.dma_semaphore, #tpu.memory_space<semaphore_mem>>
      %dma_start3A_111 = tpu.memref_squeeze %dma_start3A_110 : memref<1x!tpu.dma_semaphore, #tpu.memory_space<semaphore_mem>> -> memref<!tpu.dma_semaphore, #tpu.memory_space<semaphore_mem>>
      %dma_start3A_112 = arith.constant 0 : i32
      %dma_start3A_113 = arith.constant 0 : i32
      %dma_start3A_114 = tpu.memref_slice %arg10[%dma_start3A_107, %dma_start3A_108, %dma_start3A_112, %dma_start3A_113] : memref<2x32x16x900xbf16, #tpu.memory_space<vmem>> -> memref<1x1x16x900xbf16, #tpu.memory_space<vmem>>
      %dma_start3A_115 = tpu.memref_squeeze %dma_start3A_114 : memref<1x1x16x900xbf16, #tpu.memory_space<vmem>> -> memref<16x900xbf16, #tpu.memory_space<vmem>>
      %dma_start3A_116 = arith.constant 0 : i32
      %dma_start3A_117 = arith.constant 0 : i32
      %dma_start3A_118 = tpu.memref_slice %arg5[%get3A_106, %dma_start3A_116, %dma_start3A_117] : memref<1024x16x900xbf16, #tpu.memory_space<any>> -> memref<1x16x900xbf16, #tpu.memory_space<any>>
      %dma_start3A_119 = tpu.memref_squeeze %dma_start3A_118 : memref<1x16x900xbf16, #tpu.memory_space<any>> -> memref<16x900xbf16, #tpu.memory_space<any>>
      tpu.enqueue_dma source(%dma_start3A_119 : memref<16x900xbf16, #tpu.memory_space<any>>) target(%dma_start3A_115 : memref<16x900xbf16, #tpu.memory_space<vmem>>) target_semaphore(%dma_start3A_111 : memref<!tpu.dma_semaphore, #tpu.memory_space<semaphore_mem>>)
      %get3A_120 = arith.constant 7 : index
      %get3A_121 = memref.load %arg1[%get3A_120] : memref<2304xi32, #tpu.memory_space<smem>>
      %dma_start3A_122 = arith.constant 0 : i32
      %dma_start3A_123 = arith.constant 7 : i32
      %dma_start3A_124 = arith.constant 0 : i32
      %dma_start3A_125 = tpu.memref_slice %arg13[%dma_start3A_124] : memref<2x!tpu.dma_semaphore, #tpu.memory_space<semaphore_mem>> -> memref<1x!tpu.dma_semaphore, #tpu.memory_space<semaphore_mem>>
      %dma_start3A_126 = tpu.memref_squeeze %dma_start3A_125 : memref<1x!tpu.dma_semaphore, #tpu.memory_space<semaphore_mem>> -> memref<!tpu.dma_semaphore, #tpu.memory_space<semaphore_mem>>
      %dma_start3A_127 = arith.constant 0 : i32
      %dma_start3A_128 = arith.constant 0 : i32
      %dma_start3A_129 = tpu.memref_slice %arg10[%dma_start3A_122, %dma_start3A_123, %dma_start3A_127, %dma_start3A_128] : memref<2x32x16x900xbf16, #tpu.memory_space<vmem>> -> memref<1x1x16x900xbf16, #tpu.memory_space<vmem>>
      %dma_start3A_130 = tpu.memref_squeeze %dma_start3A_129 : memref<1x1x16x900xbf16, #tpu.memory_space<vmem>> -> memref<16x900xbf16, #tpu.memory_space<vmem>>
      %dma_start3A_131 = arith.constant 0 : i32
      %dma_start3A_132 = arith.constant 0 : i32
      %dma_start3A_133 = tpu.memref_slice %arg5[%get3A_121, %dma_start3A_131, %dma_start3A_132] : memref<1024x16x900xbf16, #tpu.memory_space<any>> -> memref<1x16x900xbf16, #tpu.memory_space<any>>
      %dma_start3A_134 = tpu.memref_squeeze %dma_start3A_133 : memref<1x16x900xbf16, #tpu.memory_space<any>> -> memref<16x900xbf16, #tpu.memory_space<any>>
      tpu.enqueue_dma source(%dma_start3A_134 : memref<16x900xbf16, #tpu.memory_space<any>>) target(%dma_start3A_130 : memref<16x900xbf16, #tpu.memory_space<vmem>>) target_semaphore(%dma_start3A_126 : memref<!tpu.dma_semaphore, #tpu.memory_space<semaphore_mem>>)
      %get3A_135 = arith.constant 8 : index
      %get3A_136 = memref.load %arg1[%get3A_135] : memref<2304xi32, #tpu.memory_space<smem>>
      %dma_start3A_137 = arith.constant 0 : i32
      %dma_start3A_138 = arith.constant 8 : i32
      %dma_start3A_139 = arith.constant 0 : i32
      %dma_start3A_140 = tpu.memref_slice %arg13[%dma_start3A_139] : memref<2x!tpu.dma_semaphore, #tpu.memory_space<semaphore_mem>> -> memref<1x!tpu.dma_semaphore, #tpu.memory_space<semaphore_mem>>
      %dma_start3A_141 = tpu.memref_squeeze %dma_start3A_140 : memref<1x!tpu.dma_semaphore, #tpu.memory_space<semaphore_mem>> -> memref<!tpu.dma_semaphore, #tpu.memory_space<semaphore_mem>>
      %dma_start3A_142 = arith.constant 0 : i32
      %dma_start3A_143 = arith.constant 0 : i32
      %dma_start3A_144 = tpu.memref_slice %arg10[%dma_start3A_137, %dma_start3A_138, %dma_start3A_142, %dma_start3A_143] : memref<2x32x16x900xbf16, #tpu.memory_space<vmem>> -> memref<1x1x16x900xbf16, #tpu.memory_space<vmem>>
      %dma_start3A_145 = tpu.memref_squeeze %dma_start3A_144 : memref<1x1x16x900xbf16, #tpu.memory_space<vmem>> -> memref<16x900xbf16, #tpu.memory_space<vmem>>
      %dma_start3A_146 = arith.constant 0 : i32
      %dma_start3A_147 = arith.constant 0 : i32
      %dma_start3A_148 = tpu.memref_slice %arg5[%get3A_136, %dma_start3A_146, %dma_start3A_147] : memref<1024x16x900xbf16, #tpu.memory_space<any>> -> memref<1x16x900xbf16, #tpu.memory_space<any>>
      %dma_start3A_149 = tpu.memref_squeeze %dma_start3A_148 : memref<1x16x900xbf16, #tpu.memory_space<any>> -> memref<16x900xbf16, #tpu.memory_space<any>>
      tpu.enqueue_dma source(%dma_start3A_149 : memref<16x900xbf16, #tpu.memory_space<any>>) target(%dma_start3A_145 : memref<16x900xbf16, #tpu.memory_space<vmem>>) target_semaphore(%dma_start3A_141 : memref<!tpu.dma_semaphore, #tpu.memory_space<semaphore_mem>>)
      %get3A_150 = arith.constant 9 : index
      %get3A_151 = memref.load %arg1[%get3A_150] : memref<2304xi32, #tpu.memory_space<smem>>
      %dma_start3A_152 = arith.constant 0 : i32
      %dma_start3A_153 = arith.constant 9 : i32
      %dma_start3A_154 = arith.constant 0 : i32
      %dma_start3A_155 = tpu.memref_slice %arg13[%dma_start3A_154] : memref<2x!tpu.dma_semaphore, #tpu.memory_space<semaphore_mem>> -> memref<1x!tpu.dma_semaphore, #tpu.memory_space<semaphore_mem>>
      %dma_start3A_156 = tpu.memref_squeeze %dma_start3A_155 : memref<1x!tpu.dma_semaphore, #tpu.memory_space<semaphore_mem>> -> memref<!tpu.dma_semaphore, #tpu.memory_space<semaphore_mem>>
      %dma_start3A_157 = arith.constant 0 : i32
      %dma_start3A_158 = arith.constant 0 : i32
      %dma_start3A_159 = tpu.memref_slice %arg10[%dma_start3A_152, %dma_start3A_153, %dma_start3A_157, %dma_start3A_158] : memref<2x32x16x900xbf16, #tpu.memory_space<vmem>> -> memref<1x1x16x900xbf16, #tpu.memory_space<vmem>>
      %dma_start3A_160 = tpu.memref_squeeze %dma_start3A_159 : memref<1x1x16x900xbf16, #tpu.memory_space<vmem>> -> memref<16x900xbf16, #tpu.memory_space<vmem>>
      %dma_start3A_161 = arith.constant 0 : i32
      %dma_start3A_162 = arith.constant 0 : i32
      %dma_start3A_163 = tpu.memref_slice %arg5[%get3A_151, %dma_start3A_161, %dma_start3A_162] : memref<1024x16x900xbf16, #tpu.memory_space<any>> -> memref<1x16x900xbf16, #tpu.memory_space<any>>
      %dma_start3A_164 = tpu.memref_squeeze %dma_start3A_163 : memref<1x16x900xbf16, #tpu.memory_space<any>> -> memref<16x900xbf16, #tpu.memory_space<any>>
      tpu.enqueue_dma source(%dma_start3A_164 : memref<16x900xbf16, #tpu.memory_space<any>>) target(%dma_start3A_160 : memref<16x900xbf16, #tpu.memory_space<vmem>>) target_semaphore(%dma_start3A_156 : memref<!tpu.dma_semaphore, #tpu.memory_space<semaphore_mem>>)
      %get3A_165 = arith.constant 10 : index
      %get3A_166 = memref.load %arg1[%get3A_165] : memref<2304xi32, #tpu.memory_space<smem>>
      %dma_start3A_167 = arith.constant 0 : i32
      %dma_start3A_168 = arith.constant 10 : i32
      %dma_start3A_169 = arith.constant 0 : i32
      %dma_start3A_170 = tpu.memref_slice %arg13[%dma_start3A_169] : memref<2x!tpu.dma_semaphore, #tpu.memory_space<semaphore_mem>> -> memref<1x!tpu.dma_semaphore, #tpu.memory_space<semaphore_mem>>
      %dma_start3A_171 = tpu.memref_squeeze %dma_start3A_170 : memref<1x!tpu.dma_semaphore, #tpu.memory_space<semaphore_mem>> -> memref<!tpu.dma_semaphore, #tpu.memory_space<semaphore_mem>>
      %dma_start3A_172 = arith.constant 0 : i32
      %dma_start3A_173 = arith.constant 0 : i32
      %dma_start3A_174 = tpu.memref_slice %arg10[%dma_start3A_167, %dma_start3A_168, %dma_start3A_172, %dma_start3A_173] : memref<2x32x16x900xbf16, #tpu.memory_space<vmem>> -> memref<1x1x16x900xbf16, #tpu.memory_space<vmem>>
      %dma_start3A_175 = tpu.memref_squeeze %dma_start3A_174 : memref<1x1x16x900xbf16, #tpu.memory_space<vmem>> -> memref<16x900xbf16, #tpu.memory_space<vmem>>
      %dma_start3A_176 = arith.constant 0 : i32
      %dma_start3A_177 = arith.constant 0 : i32
      %dma_start3A_178 = tpu.memref_slice %arg5[%get3A_166, %dma_start3A_176, %dma_start3A_177] : memref<1024x16x900xbf16, #tpu.memory_space<any>> -> memref<1x16x900xbf16, #tpu.memory_space<any>>
      %dma_start3A_179 = tpu.memref_squeeze %dma_start3A_178 : memref<1x16x900xbf16, #tpu.memory_space<any>> -> memref<16x900xbf16, #tpu.memory_space<any>>
      tpu.enqueue_dma source(%dma_start3A_179 : memref<16x900xbf16, #tpu.memory_space<any>>) target(%dma_start3A_175 : memref<16x900xbf16, #tpu.memory_space<vmem>>) target_semaphore(%dma_start3A_171 : memref<!tpu.dma_semaphore, #tpu.memory_space<semaphore_mem>>)
      %get3A_180 = arith.constant 11 : index
      %get3A_181 = memref.load %arg1[%get3A_180] : memref<2304xi32, #tpu.memory_space<smem>>
      %dma_start3A_182 = arith.constant 0 : i32
      %dma_start3A_183 = arith.constant 11 : i32
      %dma_start3A_184 = arith.constant 0 : i32
      %dma_start3A_185 = tpu.memref_slice %arg13[%dma_start3A_184] : memref<2x!tpu.dma_semaphore, #tpu.memory_space<semaphore_mem>> -> memref<1x!tpu.dma_semaphore, #tpu.memory_space<semaphore_mem>>
      %dma_start3A_186 = tpu.memref_squeeze %dma_start3A_185 : memref<1x!tpu.dma_semaphore, #tpu.memory_space<semaphore_mem>> -> memref<!tpu.dma_semaphore, #tpu.memory_space<semaphore_mem>>
      %dma_start3A_187 = arith.constant 0 : i32
      %dma_start3A_188 = arith.constant 0 : i32
      %dma_start3A_189 = tpu.memref_slice %arg10[%dma_start3A_182, %dma_start3A_183, %dma_start3A_187, %dma_start3A_188] : memref<2x32x16x900xbf16, #tpu.memory_space<vmem>> -> memref<1x1x16x900xbf16, #tpu.memory_space<vmem>>
      %dma_start3A_190 = tpu.memref_squeeze %dma_start3A_189 : memref<1x1x16x900xbf16, #tpu.memory_space<vmem>> -> memref<16x900xbf16, #tpu.memory_space<vmem>>
      %dma_start3A_191 = arith.constant 0 : i32
      %dma_start3A_192 = arith.constant 0 : i32
      %dma_start3A_193 = tpu.memref_slice %arg5[%get3A_181, %dma_start3A_191, %dma_start3A_192] : memref<1024x16x900xbf16, #tpu.memory_space<any>> -> memref<1x16x900xbf16, #tpu.memory_space<any>>
      %dma_start3A_194 = tpu.memref_squeeze %dma_start3A_193 : memref<1x16x900xbf16, #tpu.memory_space<any>> -> memref<16x900xbf16, #tpu.memory_space<any>>
      tpu.enqueue_dma source(%dma_start3A_194 : memref<16x900xbf16, #tpu.memory_space<any>>) target(%dma_start3A_190 : memref<16x900xbf16, #tpu.memory_space<vmem>>) target_semaphore(%dma_start3A_186 : memref<!tpu.dma_semaphore, #tpu.memory_space<semaphore_mem>>)
      %get3A_195 = arith.constant 12 : index
      %get3A_196 = memref.load %arg1[%get3A_195] : memref<2304xi32, #tpu.memory_space<smem>>
      %dma_start3A_197 = arith.constant 0 : i32
      %dma_start3A_198 = arith.constant 12 : i32
      %dma_start3A_199 = arith.constant 0 : i32
      %dma_start3A_200 = tpu.memref_slice %arg13[%dma_start3A_199] : memref<2x!tpu.dma_semaphore, #tpu.memory_space<semaphore_mem>> -> memref<1x!tpu.dma_semaphore, #tpu.memory_space<semaphore_mem>>
      %dma_start3A_201 = tpu.memref_squeeze %dma_start3A_200 : memref<1x!tpu.dma_semaphore, #tpu.memory_space<semaphore_mem>> -> memref<!tpu.dma_semaphore, #tpu.memory_space<semaphore_mem>>
      %dma_start3A_202 = arith.constant 0 : i32
      %dma_start3A_203 = arith.constant 0 : i32
      %dma_start3A_204 = tpu.memref_slice %arg10[%dma_start3A_197, %dma_start3A_198, %dma_start3A_202, %dma_start3A_203] : memref<2x32x16x900xbf16, #tpu.memory_space<vmem>> -> memref<1x1x16x900xbf16, #tpu.memory_space<vmem>>
      %dma_start3A_205 = tpu.memref_squeeze %dma_start3A_204 : memref<1x1x16x900xbf16, #tpu.memory_space<vmem>> -> memref<16x900xbf16, #tpu.memory_space<vmem>>
      %dma_start3A_206 = arith.constant 0 : i32
      %dma_start3A_207 = arith.constant 0 : i32
      %dma_start3A_208 = tpu.memref_slice %arg5[%get3A_196, %dma_start3A_206, %dma_start3A_207] : memref<1024x16x900xbf16, #tpu.memory_space<any>> -> memref<1x16x900xbf16, #tpu.memory_space<any>>
      %dma_start3A_209 = tpu.memref_squeeze %dma_start3A_208 : memref<1x16x900xbf16, #tpu.memory_space<any>> -> memref<16x900xbf16, #tpu.memory_space<any>>
      tpu.enqueue_dma source(%dma_start3A_209 : memref<16x900xbf16, #tpu.memory_space<any>>) target(%dma_start3A_205 : memref<16x900xbf16, #tpu.memory_space<vmem>>) target_semaphore(%dma_start3A_201 : memref<!tpu.dma_semaphore, #tpu.memory_space<semaphore_mem>>)
      %get3A_210 = arith.constant 13 : index
      %get3A_211 = memref.load %arg1[%get3A_210] : memref<2304xi32, #tpu.memory_space<smem>>
      %dma_start3A_212 = arith.constant 0 : i32
      %dma_start3A_213 = arith.constant 13 : i32
      %dma_start3A_214 = arith.constant 0 : i32
      %dma_start3A_215 = tpu.memref_slice %arg13[%dma_start3A_214] : memref<2x!tpu.dma_semaphore, #tpu.memory_space<semaphore_mem>> -> memref<1x!tpu.dma_semaphore, #tpu.memory_space<semaphore_mem>>
      %dma_start3A_216 = tpu.memref_squeeze %dma_start3A_215 : memref<1x!tpu.dma_semaphore, #tpu.memory_space<semaphore_mem>> -> memref<!tpu.dma_semaphore, #tpu.memory_space<semaphore_mem>>
      %dma_start3A_217 = arith.constant 0 : i32
      %dma_start3A_218 = arith.constant 0 : i32
      %dma_start3A_219 = tpu.memref_slice %arg10[%dma_start3A_212, %dma_start3A_213, %dma_start3A_217, %dma_start3A_218] : memref<2x32x16x900xbf16, #tpu.memory_space<vmem>> -> memref<1x1x16x900xbf16, #tpu.memory_space<vmem>>
      %dma_start3A_220 = tpu.memref_squeeze %dma_start3A_219 : memref<1x1x16x900xbf16, #tpu.memory_space<vmem>> -> memref<16x900xbf16, #tpu.memory_space<vmem>>
      %dma_start3A_221 = arith.constant 0 : i32
      %dma_start3A_222 = arith.constant 0 : i32
      %dma_start3A_223 = tpu.memref_slice %arg5[%get3A_211, %dma_start3A_221, %dma_start3A_222] : memref<1024x16x900xbf16, #tpu.memory_space<any>> -> memref<1x16x900xbf16, #tpu.memory_space<any>>
      %dma_start3A_224 = tpu.memref_squeeze %dma_start3A_223 : memref<1x16x900xbf16, #tpu.memory_space<any>> -> memref<16x900xbf16, #tpu.memory_space<any>>
      tpu.enqueue_dma source(%dma_start3A_224 : memref<16x900xbf16, #tpu.memory_space<any>>) target(%dma_start3A_220 : memref<16x900xbf16, #tpu.memory_space<vmem>>) target_semaphore(%dma_start3A_216 : memref<!tpu.dma_semaphore, #tpu.memory_space<semaphore_mem>>)
      %get3A_225 = arith.constant 14 : index
      %get3A_226 = memref.load %arg1[%get3A_225] : memref<2304xi32, #tpu.memory_space<smem>>
      %dma_start3A_227 = arith.constant 0 : i32
      %dma_start3A_228 = arith.constant 14 : i32
      %dma_start3A_229 = arith.constant 0 : i32
      %dma_start3A_230 = tpu.memref_slice %arg13[%dma_start3A_229] : memref<2x!tpu.dma_semaphore, #tpu.memory_space<semaphore_mem>> -> memref<1x!tpu.dma_semaphore, #tpu.memory_space<semaphore_mem>>
      %dma_start3A_231 = tpu.memref_squeeze %dma_start3A_230 : memref<1x!tpu.dma_semaphore, #tpu.memory_space<semaphore_mem>> -> memref<!tpu.dma_semaphore, #tpu.memory_space<semaphore_mem>>
      %dma_start3A_232 = arith.constant 0 : i32
      %dma_start3A_233 = arith.constant 0 : i32
      %dma_start3A_234 = tpu.memref_slice %arg10[%dma_start3A_227, %dma_start3A_228, %dma_start3A_232, %dma_start3A_233] : memref<2x32x16x900xbf16, #tpu.memory_space<vmem>> -> memref<1x1x16x900xbf16, #tpu.memory_space<vmem>>
      %dma_start3A_235 = tpu.memref_squeeze %dma_start3A_234 : memref<1x1x16x900xbf16, #tpu.memory_space<vmem>> -> memref<16x900xbf16, #tpu.memory_space<vmem>>
      %dma_start3A_236 = arith.constant 0 : i32
      %dma_start3A_237 = arith.constant 0 : i32
      %dma_start3A_238 = tpu.memref_slice %arg5[%get3A_226, %dma_start3A_236, %dma_start3A_237] : memref<1024x16x900xbf16, #tpu.memory_space<any>> -> memref<1x16x900xbf16, #tpu.memory_space<any>>
      %dma_start3A_239 = tpu.memref_squeeze %dma_start3A_238 : memref<1x16x900xbf16, #tpu.memory_space<any>> -> memref<16x900xbf16, #tpu.memory_space<any>>
      tpu.enqueue_dma source(%dma_start3A_239 : memref<16x900xbf16, #tpu.memory_space<any>>) target(%dma_start3A_235 : memref<16x900xbf16, #tpu.memory_space<vmem>>) target_semaphore(%dma_start3A_231 : memref<!tpu.dma_semaphore, #tpu.memory_space<semaphore_mem>>)
      %get3A_240 = arith.constant 15 : index
      %get3A_241 = memref.load %arg1[%get3A_240] : memref<2304xi32, #tpu.memory_space<smem>>
      %dma_start3A_242 = arith.constant 0 : i32
      %dma_start3A_243 = arith.constant 15 : i32
      %dma_start3A_244 = arith.constant 0 : i32
      %dma_start3A_245 = tpu.memref_slice %arg13[%dma_start3A_244] : memref<2x!tpu.dma_semaphore, #tpu.memory_space<semaphore_mem>> -> memref<1x!tpu.dma_semaphore, #tpu.memory_space<semaphore_mem>>
      %dma_start3A_246 = tpu.memref_squeeze %dma_start3A_245 : memref<1x!tpu.dma_semaphore, #tpu.memory_space<semaphore_mem>> -> memref<!tpu.dma_semaphore, #tpu.memory_space<semaphore_mem>>
      %dma_start3A_247 = arith.constant 0 : i32
      %dma_start3A_248 = arith.constant 0 : i32
      %dma_start3A_249 = tpu.memref_slice %arg10[%dma_start3A_242, %dma_start3A_243, %dma_start3A_247, %dma_start3A_248] : memref<2x32x16x900xbf16, #tpu.memory_space<vmem>> -> memref<1x1x16x900xbf16, #tpu.memory_space<vmem>>
      %dma_start3A_250 = tpu.memref_squeeze %dma_start3A_249 : memref<1x1x16x900xbf16, #tpu.memory_space<vmem>> -> memref<16x900xbf16, #tpu.memory_space<vmem>>
      %dma_start3A_251 = arith.constant 0 : i32
      %dma_start3A_252 = arith.constant 0 : i32
      %dma_start3A_253 = tpu.memref_slice %arg5[%get3A_241, %dma_start3A_251, %dma_start3A_252] : memref<1024x16x900xbf16, #tpu.memory_space<any>> -> memref<1x16x900xbf16, #tpu.memory_space<any>>
      %dma_start3A_254 = tpu.memref_squeeze %dma_start3A_253 : memref<1x16x900xbf16, #tpu.memory_space<any>> -> memref<16x900xbf16, #tpu.memory_space<any>>
      tpu.enqueue_dma source(%dma_start3A_254 : memref<16x900xbf16, #tpu.memory_space<any>>) target(%dma_start3A_250 : memref<16x900xbf16, #tpu.memory_space<vmem>>) target_semaphore(%dma_start3A_246 : memref<!tpu.dma_semaphore, #tpu.memory_space<semaphore_mem>>)
      %get3A_255 = arith.constant 16 : index
      %get3A_256 = memref.load %arg1[%get3A_255] : memref<2304xi32, #tpu.memory_space<smem>>
      %dma_start3A_257 = arith.constant 0 : i32
      %dma_start3A_258 = arith.constant 16 : i32
      %dma_start3A_259 = arith.constant 0 : i32
      %dma_start3A_260 = tpu.memref_slice %arg13[%dma_start3A_259] : memref<2x!tpu.dma_semaphore, #tpu.memory_space<semaphore_mem>> -> memref<1x!tpu.dma_semaphore, #tpu.memory_space<semaphore_mem>>
      %dma_start3A_261 = tpu.memref_squeeze %dma_start3A_260 : memref<1x!tpu.dma_semaphore, #tpu.memory_space<semaphore_mem>> -> memref<!tpu.dma_semaphore, #tpu.memory_space<semaphore_mem>>
      %dma_start3A_262 = arith.constant 0 : i32
      %dma_start3A_263 = arith.constant 0 : i32
      %dma_start3A_264 = tpu.memref_slice %arg10[%dma_start3A_257, %dma_start3A_258, %dma_start3A_262, %dma_start3A_263] : memref<2x32x16x900xbf16, #tpu.memory_space<vmem>> -> memref<1x1x16x900xbf16, #tpu.memory_space<vmem>>
      %dma_start3A_265 = tpu.memref_squeeze %dma_start3A_264 : memref<1x1x16x900xbf16, #tpu.memory_space<vmem>> -> memref<16x900xbf16, #tpu.memory_space<vmem>>
      %dma_start3A_266 = arith.constant 0 : i32
      %dma_start3A_267 = arith.constant 0 : i32
      %dma_start3A_268 = tpu.memref_slice %arg5[%get3A_256, %dma_start3A_266, %dma_start3A_267] : memref<1024x16x900xbf16, #tpu.memory_space<any>> -> memref<1x16x900xbf16, #tpu.memory_space<any>>
      %dma_start3A_269 = tpu.memref_squeeze %dma_start3A_268 : memref<1x16x900xbf16, #tpu.memory_space<any>> -> memref<16x900xbf16, #tpu.memory_space<any>>
      tpu.enqueue_dma source(%dma_start3A_269 : memref<16x900xbf16, #tpu.memory_space<any>>) target(%dma_start3A_265 : memref<16x900xbf16, #tpu.memory_space<vmem>>) target_semaphore(%dma_start3A_261 : memref<!tpu.dma_semaphore, #tpu.memory_space<semaphore_mem>>)
      %get3A_270 = arith.constant 17 : index
      %get3A_271 = memref.load %arg1[%get3A_270] : memref<2304xi32, #tpu.memory_space<smem>>
      %dma_start3A_272 = arith.constant 0 : i32
      %dma_start3A_273 = arith.constant 17 : i32
      %dma_start3A_274 = arith.constant 0 : i32
      %dma_start3A_275 = tpu.memref_slice %arg13[%dma_start3A_274] : memref<2x!tpu.dma_semaphore, #tpu.memory_space<semaphore_mem>> -> memref<1x!tpu.dma_semaphore, #tpu.memory_space<semaphore_mem>>
      %dma_start3A_276 = tpu.memref_squeeze %dma_start3A_275 : memref<1x!tpu.dma_semaphore, #tpu.memory_space<semaphore_mem>> -> memref<!tpu.dma_semaphore, #tpu.memory_space<semaphore_mem>>
      %dma_start3A_277 = arith.constant 0 : i32
      %dma_start3A_278 = arith.constant 0 : i32
      %dma_start3A_279 = tpu.memref_slice %arg10[%dma_start3A_272, %dma_start3A_273, %dma_start3A_277, %dma_start3A_278] : memref<2x32x16x900xbf16, #tpu.memory_space<vmem>> -> memref<1x1x16x900xbf16, #tpu.memory_space<vmem>>
      %dma_start3A_280 = tpu.memref_squeeze %dma_start3A_279 : memref<1x1x16x900xbf16, #tpu.memory_space<vmem>> -> memref<16x900xbf16, #tpu.memory_space<vmem>>
      %dma_start3A_281 = arith.constant 0 : i32
      %dma_start3A_282 = arith.constant 0 : i32
      %dma_start3A_283 = tpu.memref_slice %arg5[%get3A_271, %dma_start3A_281, %dma_start3A_282] : memref<1024x16x900xbf16, #tpu.memory_space<any>> -> memref<1x16x900xbf16, #tpu.memory_space<any>>
      %dma_start3A_284 = tpu.memref_squeeze %dma_start3A_283 : memref<1x16x900xbf16, #tpu.memory_space<any>> -> memref<16x900xbf16, #tpu.memory_space<any>>
      tpu.enqueue_dma source(%dma_start3A_284 : memref<16x900xbf16, #tpu.memory_space<any>>) target(%dma_start3A_280 : memref<16x900xbf16, #tpu.memory_space<vmem>>) target_semaphore(%dma_start3A_276 : memref<!tpu.dma_semaphore, #tpu.memory_space<semaphore_mem>>)
      %get3A_285 = arith.constant 18 : index
      %get3A_286 = memref.load %arg1[%get3A_285] : memref<2304xi32, #tpu.memory_space<smem>>
      %dma_start3A_287 = arith.constant 0 : i32
      %dma_start3A_288 = arith.constant 18 : i32
      %dma_start3A_289 = arith.constant 0 : i32
      %dma_start3A_290 = tpu.memref_slice %arg13[%dma_start3A_289] : memref<2x!tpu.dma_semaphore, #tpu.memory_space<semaphore_mem>> -> memref<1x!tpu.dma_semaphore, #tpu.memory_space<semaphore_mem>>
      %dma_start3A_291 = tpu.memref_squeeze %dma_start3A_290 : memref<1x!tpu.dma_semaphore, #tpu.memory_space<semaphore_mem>> -> memref<!tpu.dma_semaphore, #tpu.memory_space<semaphore_mem>>
      %dma_start3A_292 = arith.constant 0 : i32
      %dma_start3A_293 = arith.constant 0 : i32
      %dma_start3A_294 = tpu.memref_slice %arg10[%dma_start3A_287, %dma_start3A_288, %dma_start3A_292, %dma_start3A_293] : memref<2x32x16x900xbf16, #tpu.memory_space<vmem>> -> memref<1x1x16x900xbf16, #tpu.memory_space<vmem>>
      %dma_start3A_295 = tpu.memref_squeeze %dma_start3A_294 : memref<1x1x16x900xbf16, #tpu.memory_space<vmem>> -> memref<16x900xbf16, #tpu.memory_space<vmem>>
      %dma_start3A_296 = arith.constant 0 : i32
      %dma_start3A_297 = arith.constant 0 : i32
      %dma_start3A_298 = tpu.memref_slice %arg5[%get3A_286, %dma_start3A_296, %dma_start3A_297] : memref<1024x16x900xbf16, #tpu.memory_space<any>> -> memref<1x16x900xbf16, #tpu.memory_space<any>>
      %dma_start3A_299 = tpu.memref_squeeze %dma_start3A_298 : memref<1x16x900xbf16, #tpu.memory_space<any>> -> memref<16x900xbf16, #tpu.memory_space<any>>
      tpu.enqueue_dma source(%dma_start3A_299 : memref<16x900xbf16, #tpu.memory_space<any>>) target(%dma_start3A_295 : memref<16x900xbf16, #tpu.memory_space<vmem>>) target_semaphore(%dma_start3A_291 : memref<!tpu.dma_semaphore, #tpu.memory_space<semaphore_mem>>)
      %get3A_300 = arith.constant 19 : index
      %get3A_301 = memref.load %arg1[%get3A_300] : memref<2304xi32, #tpu.memory_space<smem>>
      %dma_start3A_302 = arith.constant 0 : i32
      %dma_start3A_303 = arith.constant 19 : i32
      %dma_start3A_304 = arith.constant 0 : i32
      %dma_start3A_305 = tpu.memref_slice %arg13[%dma_start3A_304] : memref<2x!tpu.dma_semaphore, #tpu.memory_space<semaphore_mem>> -> memref<1x!tpu.dma_semaphore, #tpu.memory_space<semaphore_mem>>
      %dma_start3A_306 = tpu.memref_squeeze %dma_start3A_305 : memref<1x!tpu.dma_semaphore, #tpu.memory_space<semaphore_mem>> -> memref<!tpu.dma_semaphore, #tpu.memory_space<semaphore_mem>>
      %dma_start3A_307 = arith.constant 0 : i32
      %dma_start3A_308 = arith.constant 0 : i32
      %dma_start3A_309 = tpu.memref_slice %arg10[%dma_start3A_302, %dma_start3A_303, %dma_start3A_307, %dma_start3A_308] : memref<2x32x16x900xbf16, #tpu.memory_space<vmem>> -> memref<1x1x16x900xbf16, #tpu.memory_space<vmem>>
      %dma_start3A_310 = tpu.memref_squeeze %dma_start3A_309 : memref<1x1x16x900xbf16, #tpu.memory_space<vmem>> -> memref<16x900xbf16, #tpu.memory_space<vmem>>
      %dma_start3A_311 = arith.constant 0 : i32
      %dma_start3A_312 = arith.constant 0 : i32
      %dma_start3A_313 = tpu.memref_slice %arg5[%get3A_301, %dma_start3A_311, %dma_start3A_312] : memref<1024x16x900xbf16, #tpu.memory_space<any>> -> memref<1x16x900xbf16, #tpu.memory_space<any>>
      %dma_start3A_314 = tpu.memref_squeeze %dma_start3A_313 : memref<1x16x900xbf16, #tpu.memory_space<any>> -> memref<16x900xbf16, #tpu.memory_space<any>>
      tpu.enqueue_dma source(%dma_start3A_314 : memref<16x900xbf16, #tpu.memory_space<any>>) target(%dma_start3A_310 : memref<16x900xbf16, #tpu.memory_space<vmem>>) target_semaphore(%dma_start3A_306 : memref<!tpu.dma_semaphore, #tpu.memory_space<semaphore_mem>>)
      %get3A_315 = arith.constant 20 : index
      %get3A_316 = memref.load %arg1[%get3A_315] : memref<2304xi32, #tpu.memory_space<smem>>
      %dma_start3A_317 = arith.constant 0 : i32
      %dma_start3A_318 = arith.constant 20 : i32
      %dma_start3A_319 = arith.constant 0 : i32
      %dma_start3A_320 = tpu.memref_slice %arg13[%dma_start3A_319] : memref<2x!tpu.dma_semaphore, #tpu.memory_space<semaphore_mem>> -> memref<1x!tpu.dma_semaphore, #tpu.memory_space<semaphore_mem>>
      %dma_start3A_321 = tpu.memref_squeeze %dma_start3A_320 : memref<1x!tpu.dma_semaphore, #tpu.memory_space<semaphore_mem>> -> memref<!tpu.dma_semaphore, #tpu.memory_space<semaphore_mem>>
      %dma_start3A_322 = arith.constant 0 : i32
      %dma_start3A_323 = arith.constant 0 : i32
      %dma_start3A_324 = tpu.memref_slice %arg10[%dma_start3A_317, %dma_start3A_318, %dma_start3A_322, %dma_start3A_323] : memref<2x32x16x900xbf16, #tpu.memory_space<vmem>> -> memref<1x1x16x900xbf16, #tpu.memory_space<vmem>>
      %dma_start3A_325 = tpu.memref_squeeze %dma_start3A_324 : memref<1x1x16x900xbf16, #tpu.memory_space<vmem>> -> memref<16x900xbf16, #tpu.memory_space<vmem>>
      %dma_start3A_326 = arith.constant 0 : i32
      %dma_start3A_327 = arith.constant 0 : i32
      %dma_start3A_328 = tpu.memref_slice %arg5[%get3A_316, %dma_start3A_326, %dma_start3A_327] : memref<1024x16x900xbf16, #tpu.memory_space<any>> -> memref<1x16x900xbf16, #tpu.memory_space<any>>
      %dma_start3A_329 = tpu.memref_squeeze %dma_start3A_328 : memref<1x16x900xbf16, #tpu.memory_space<any>> -> memref<16x900xbf16, #tpu.memory_space<any>>
      tpu.enqueue_dma source(%dma_start3A_329 : memref<16x900xbf16, #tpu.memory_space<any>>) target(%dma_start3A_325 : memref<16x900xbf16, #tpu.memory_space<vmem>>) target_semaphore(%dma_start3A_321 : memref<!tpu.dma_semaphore, #tpu.memory_space<semaphore_mem>>)
      %get3A_330 = arith.constant 21 : index
      %get3A_331 = memref.load %arg1[%get3A_330] : memref<2304xi32, #tpu.memory_space<smem>>
      %dma_start3A_332 = arith.constant 0 : i32
      %dma_start3A_333 = arith.constant 21 : i32
      %dma_start3A_334 = arith.constant 0 : i32
      %dma_start3A_335 = tpu.memref_slice %arg13[%dma_start3A_334] : memref<2x!tpu.dma_semaphore, #tpu.memory_space<semaphore_mem>> -> memref<1x!tpu.dma_semaphore, #tpu.memory_space<semaphore_mem>>
      %dma_start3A_336 = tpu.memref_squeeze %dma_start3A_335 : memref<1x!tpu.dma_semaphore, #tpu.memory_space<semaphore_mem>> -> memref<!tpu.dma_semaphore, #tpu.memory_space<semaphore_mem>>
      %dma_start3A_337 = arith.constant 0 : i32
      %dma_start3A_338 = arith.constant 0 : i32
      %dma_start3A_339 = tpu.memref_slice %arg10[%dma_start3A_332, %dma_start3A_333, %dma_start3A_337, %dma_start3A_338] : memref<2x32x16x900xbf16, #tpu.memory_space<vmem>> -> memref<1x1x16x900xbf16, #tpu.memory_space<vmem>>
      %dma_start3A_340 = tpu.memref_squeeze %dma_start3A_339 : memref<1x1x16x900xbf16, #tpu.memory_space<vmem>> -> memref<16x900xbf16, #tpu.memory_space<vmem>>
      %dma_start3A_341 = arith.constant 0 : i32
      %dma_start3A_342 = arith.constant 0 : i32
      %dma_start3A_343 = tpu.memref_slice %arg5[%get3A_331, %dma_start3A_341, %dma_start3A_342] : memref<1024x16x900xbf16, #tpu.memory_space<any>> -> memref<1x16x900xbf16, #tpu.memory_space<any>>
      %dma_start3A_344 = tpu.memref_squeeze %dma_start3A_343 : memref<1x16x900xbf16, #tpu.memory_space<any>> -> memref<16x900xbf16, #tpu.memory_space<any>>
      tpu.enqueue_dma source(%dma_start3A_344 : memref<16x900xbf16, #tpu.memory_space<any>>) target(%dma_start3A_340 : memref<16x900xbf16, #tpu.memory_space<vmem>>) target_semaphore(%dma_start3A_336 : memref<!tpu.dma_semaphore, #tpu.memory_space<semaphore_mem>>)
      %get3A_345 = arith.constant 22 : index
      %get3A_346 = memref.load %arg1[%get3A_345] : memref<2304xi32, #tpu.memory_space<smem>>
      %dma_start3A_347 = arith.constant 0 : i32
      %dma_start3A_348 = arith.constant 22 : i32
      %dma_start3A_349 = arith.constant 0 : i32
      %dma_start3A_350 = tpu.memref_slice %arg13[%dma_start3A_349] : memref<2x!tpu.dma_semaphore, #tpu.memory_space<semaphore_mem>> -> memref<1x!tpu.dma_semaphore, #tpu.memory_space<semaphore_mem>>
      %dma_start3A_351 = tpu.memref_squeeze %dma_start3A_350 : memref<1x!tpu.dma_semaphore, #tpu.memory_space<semaphore_mem>> -> memref<!tpu.dma_semaphore, #tpu.memory_space<semaphore_mem>>
      %dma_start3A_352 = arith.constant 0 : i32
      %dma_start3A_353 = arith.constant 0 : i32
      %dma_start3A_354 = tpu.memref_slice %arg10[%dma_start3A_347, %dma_start3A_348, %dma_start3A_352, %dma_start3A_353] : memref<2x32x16x900xbf16, #tpu.memory_space<vmem>> -> memref<1x1x16x900xbf16, #tpu.memory_space<vmem>>
      %dma_start3A_355 = tpu.memref_squeeze %dma_start3A_354 : memref<1x1x16x900xbf16, #tpu.memory_space<vmem>> -> memref<16x900xbf16, #tpu.memory_space<vmem>>
      %dma_start3A_356 = arith.constant 0 : i32
      %dma_start3A_357 = arith.constant 0 : i32
      %dma_start3A_358 = tpu.memref_slice %arg5[%get3A_346, %dma_start3A_356, %dma_start3A_357] : memref<1024x16x900xbf16, #tpu.memory_space<any>> -> memref<1x16x900xbf16, #tpu.memory_space<any>>
      %dma_start3A_359 = tpu.memref_squeeze %dma_start3A_358 : memref<1x16x900xbf16, #tpu.memory_space<any>> -> memref<16x900xbf16, #tpu.memory_space<any>>
      tpu.enqueue_dma source(%dma_start3A_359 : memref<16x900xbf16, #tpu.memory_space<any>>) target(%dma_start3A_355 : memref<16x900xbf16, #tpu.memory_space<vmem>>) target_semaphore(%dma_start3A_351 : memref<!tpu.dma_semaphore, #tpu.memory_space<semaphore_mem>>)
      %get3A_360 = arith.constant 23 : index
      %get3A_361 = memref.load %arg1[%get3A_360] : memref<2304xi32, #tpu.memory_space<smem>>
      %dma_start3A_362 = arith.constant 0 : i32
      %dma_start3A_363 = arith.constant 23 : i32
      %dma_start3A_364 = arith.constant 0 : i32
      %dma_start3A_365 = tpu.memref_slice %arg13[%dma_start3A_364] : memref<2x!tpu.dma_semaphore, #tpu.memory_space<semaphore_mem>> -> memref<1x!tpu.dma_semaphore, #tpu.memory_space<semaphore_mem>>
      %dma_start3A_366 = tpu.memref_squeeze %dma_start3A_365 : memref<1x!tpu.dma_semaphore, #tpu.memory_space<semaphore_mem>> -> memref<!tpu.dma_semaphore, #tpu.memory_space<semaphore_mem>>
      %dma_start3A_367 = arith.constant 0 : i32
      %dma_start3A_368 = arith.constant 0 : i32
      %dma_start3A_369 = tpu.memref_slice %arg10[%dma_start3A_362, %dma_start3A_363, %dma_start3A_367, %dma_start3A_368] : memref<2x32x16x900xbf16, #tpu.memory_space<vmem>> -> memref<1x1x16x900xbf16, #tpu.memory_space<vmem>>
      %dma_start3A_370 = tpu.memref_squeeze %dma_start3A_369 : memref<1x1x16x900xbf16, #tpu.memory_space<vmem>> -> memref<16x900xbf16, #tpu.memory_space<vmem>>
      %dma_start3A_371 = arith.constant 0 : i32
      %dma_start3A_372 = arith.constant 0 : i32
      %dma_start3A_373 = tpu.memref_slice %arg5[%get3A_361, %dma_start3A_371, %dma_start3A_372] : memref<1024x16x900xbf16, #tpu.memory_space<any>> -> memref<1x16x900xbf16, #tpu.memory_space<any>>
      %dma_start3A_374 = tpu.memref_squeeze %dma_start3A_373 : memref<1x16x900xbf16, #tpu.memory_space<any>> -> memref<16x900xbf16, #tpu.memory_space<any>>
      tpu.enqueue_dma source(%dma_start3A_374 : memref<16x900xbf16, #tpu.memory_space<any>>) target(%dma_start3A_370 : memref<16x900xbf16, #tpu.memory_space<vmem>>) target_semaphore(%dma_start3A_366 : memref<!tpu.dma_semaphore, #tpu.memory_space<semaphore_mem>>)
      %get3A_375 = arith.constant 24 : index
      %get3A_376 = memref.load %arg1[%get3A_375] : memref<2304xi32, #tpu.memory_space<smem>>
      %dma_start3A_377 = arith.constant 0 : i32
      %dma_start3A_378 = arith.constant 24 : i32
      %dma_start3A_379 = arith.constant 0 : i32
      %dma_start3A_380 = tpu.memref_slice %arg13[%dma_start3A_379] : memref<2x!tpu.dma_semaphore, #tpu.memory_space<semaphore_mem>> -> memref<1x!tpu.dma_semaphore, #tpu.memory_space<semaphore_mem>>
      %dma_start3A_381 = tpu.memref_squeeze %dma_start3A_380 : memref<1x!tpu.dma_semaphore, #tpu.memory_space<semaphore_mem>> -> memref<!tpu.dma_semaphore, #tpu.memory_space<semaphore_mem>>
      %dma_start3A_382 = arith.constant 0 : i32
      %dma_start3A_383 = arith.constant 0 : i32
      %dma_start3A_384 = tpu.memref_slice %arg10[%dma_start3A_377, %dma_start3A_378, %dma_start3A_382, %dma_start3A_383] : memref<2x32x16x900xbf16, #tpu.memory_space<vmem>> -> memref<1x1x16x900xbf16, #tpu.memory_space<vmem>>
      %dma_start3A_385 = tpu.memref_squeeze %dma_start3A_384 : memref<1x1x16x900xbf16, #tpu.memory_space<vmem>> -> memref<16x900xbf16, #tpu.memory_space<vmem>>
      %dma_start3A_386 = arith.constant 0 : i32
      %dma_start3A_387 = arith.constant 0 : i32
      %dma_start3A_388 = tpu.memref_slice %arg5[%get3A_376, %dma_start3A_386, %dma_start3A_387] : memref<1024x16x900xbf16, #tpu.memory_space<any>> -> memref<1x16x900xbf16, #tpu.memory_space<any>>
      %dma_start3A_389 = tpu.memref_squeeze %dma_start3A_388 : memref<1x16x900xbf16, #tpu.memory_space<any>> -> memref<16x900xbf16, #tpu.memory_space<any>>
      tpu.enqueue_dma source(%dma_start3A_389 : memref<16x900xbf16, #tpu.memory_space<any>>) target(%dma_start3A_385 : memref<16x900xbf16, #tpu.memory_space<vmem>>) target_semaphore(%dma_start3A_381 : memref<!tpu.dma_semaphore, #tpu.memory_space<semaphore_mem>>)
      %get3A_390 = arith.constant 25 : index
      %get3A_391 = memref.load %arg1[%get3A_390] : memref<2304xi32, #tpu.memory_space<smem>>
      %dma_start3A_392 = arith.constant 0 : i32
      %dma_start3A_393 = arith.constant 25 : i32
      %dma_start3A_394 = arith.constant 0 : i32
      %dma_start3A_395 = tpu.memref_slice %arg13[%dma_start3A_394] : memref<2x!tpu.dma_semaphore, #tpu.memory_space<semaphore_mem>> -> memref<1x!tpu.dma_semaphore, #tpu.memory_space<semaphore_mem>>
      %dma_start3A_396 = tpu.memref_squeeze %dma_start3A_395 : memref<1x!tpu.dma_semaphore, #tpu.memory_space<semaphore_mem>> -> memref<!tpu.dma_semaphore, #tpu.memory_space<semaphore_mem>>
      %dma_start3A_397 = arith.constant 0 : i32
      %dma_start3A_398 = arith.constant 0 : i32
      %dma_start3A_399 = tpu.memref_slice %arg10[%dma_start3A_392, %dma_start3A_393, %dma_start3A_397, %dma_start3A_398] : memref<2x32x16x900xbf16, #tpu.memory_space<vmem>> -> memref<1x1x16x900xbf16, #tpu.memory_space<vmem>>
      %dma_start3A_400 = tpu.memref_squeeze %dma_start3A_399 : memref<1x1x16x900xbf16, #tpu.memory_space<vmem>> -> memref<16x900xbf16, #tpu.memory_space<vmem>>
      %dma_start3A_401 = arith.constant 0 : i32
      %dma_start3A_402 = arith.constant 0 : i32
      %dma_start3A_403 = tpu.memref_slice %arg5[%get3A_391, %dma_start3A_401, %dma_start3A_402] : memref<1024x16x900xbf16, #tpu.memory_space<any>> -> memref<1x16x900xbf16, #tpu.memory_space<any>>
      %dma_start3A_404 = tpu.memref_squeeze %dma_start3A_403 : memref<1x16x900xbf16, #tpu.memory_space<any>> -> memref<16x900xbf16, #tpu.memory_space<any>>
      tpu.enqueue_dma source(%dma_start3A_404 : memref<16x900xbf16, #tpu.memory_space<any>>) target(%dma_start3A_400 : memref<16x900xbf16, #tpu.memory_space<vmem>>) target_semaphore(%dma_start3A_396 : memref<!tpu.dma_semaphore, #tpu.memory_space<semaphore_mem>>)
      %get3A_405 = arith.constant 26 : index
      %get3A_406 = memref.load %arg1[%get3A_405] : memref<2304xi32, #tpu.memory_space<smem>>
      %dma_start3A_407 = arith.constant 0 : i32
      %dma_start3A_408 = arith.constant 26 : i32
      %dma_start3A_409 = arith.constant 0 : i32
      %dma_start3A_410 = tpu.memref_slice %arg13[%dma_start3A_409] : memref<2x!tpu.dma_semaphore, #tpu.memory_space<semaphore_mem>> -> memref<1x!tpu.dma_semaphore, #tpu.memory_space<semaphore_mem>>
      %dma_start3A_411 = tpu.memref_squeeze %dma_start3A_410 : memref<1x!tpu.dma_semaphore, #tpu.memory_space<semaphore_mem>> -> memref<!tpu.dma_semaphore, #tpu.memory_space<semaphore_mem>>
      %dma_start3A_412 = arith.constant 0 : i32
      %dma_start3A_413 = arith.constant 0 : i32
      %dma_start3A_414 = tpu.memref_slice %arg10[%dma_start3A_407, %dma_start3A_408, %dma_start3A_412, %dma_start3A_413] : memref<2x32x16x900xbf16, #tpu.memory_space<vmem>> -> memref<1x1x16x900xbf16, #tpu.memory_space<vmem>>
      %dma_start3A_415 = tpu.memref_squeeze %dma_start3A_414 : memref<1x1x16x900xbf16, #tpu.memory_space<vmem>> -> memref<16x900xbf16, #tpu.memory_space<vmem>>
      %dma_start3A_416 = arith.constant 0 : i32
      %dma_start3A_417 = arith.constant 0 : i32
      %dma_start3A_418 = tpu.memref_slice %arg5[%get3A_406, %dma_start3A_416, %dma_start3A_417] : memref<1024x16x900xbf16, #tpu.memory_space<any>> -> memref<1x16x900xbf16, #tpu.memory_space<any>>
      %dma_start3A_419 = tpu.memref_squeeze %dma_start3A_418 : memref<1x16x900xbf16, #tpu.memory_space<any>> -> memref<16x900xbf16, #tpu.memory_space<any>>
      tpu.enqueue_dma source(%dma_start3A_419 : memref<16x900xbf16, #tpu.memory_space<any>>) target(%dma_start3A_415 : memref<16x900xbf16, #tpu.memory_space<vmem>>) target_semaphore(%dma_start3A_411 : memref<!tpu.dma_semaphore, #tpu.memory_space<semaphore_mem>>)
      %get3A_420 = arith.constant 27 : index
      %get3A_421 = memref.load %arg1[%get3A_420] : memref<2304xi32, #tpu.memory_space<smem>>
      %dma_start3A_422 = arith.constant 0 : i32
      %dma_start3A_423 = arith.constant 27 : i32
      %dma_start3A_424 = arith.constant 0 : i32
      %dma_start3A_425 = tpu.memref_slice %arg13[%dma_start3A_424] : memref<2x!tpu.dma_semaphore, #tpu.memory_space<semaphore_mem>> -> memref<1x!tpu.dma_semaphore, #tpu.memory_space<semaphore_mem>>
      %dma_start3A_426 = tpu.memref_squeeze %dma_start3A_425 : memref<1x!tpu.dma_semaphore, #tpu.memory_space<semaphore_mem>> -> memref<!tpu.dma_semaphore, #tpu.memory_space<semaphore_mem>>
      %dma_start3A_427 = arith.constant 0 : i32
      %dma_start3A_428 = arith.constant 0 : i32
      %dma_start3A_429 = tpu.memref_slice %arg10[%dma_start3A_422, %dma_start3A_423, %dma_start3A_427, %dma_start3A_428] : memref<2x32x16x900xbf16, #tpu.memory_space<vmem>> -> memref<1x1x16x900xbf16, #tpu.memory_space<vmem>>
      %dma_start3A_430 = tpu.memref_squeeze %dma_start3A_429 : memref<1x1x16x900xbf16, #tpu.memory_space<vmem>> -> memref<16x900xbf16, #tpu.memory_space<vmem>>
      %dma_start3A_431 = arith.constant 0 : i32
      %dma_start3A_432 = arith.constant 0 : i32
      %dma_start3A_433 = tpu.memref_slice %arg5[%get3A_421, %dma_start3A_431, %dma_start3A_432] : memref<1024x16x900xbf16, #tpu.memory_space<any>> -> memref<1x16x900xbf16, #tpu.memory_space<any>>
      %dma_start3A_434 = tpu.memref_squeeze %dma_start3A_433 : memref<1x16x900xbf16, #tpu.memory_space<any>> -> memref<16x900xbf16, #tpu.memory_space<any>>
      tpu.enqueue_dma source(%dma_start3A_434 : memref<16x900xbf16, #tpu.memory_space<any>>) target(%dma_start3A_430 : memref<16x900xbf16, #tpu.memory_space<vmem>>) target_semaphore(%dma_start3A_426 : memref<!tpu.dma_semaphore, #tpu.memory_space<semaphore_mem>>)
      %get3A_435 = arith.constant 28 : index
      %get3A_436 = memref.load %arg1[%get3A_435] : memref<2304xi32, #tpu.memory_space<smem>>
      %dma_start3A_437 = arith.constant 0 : i32
      %dma_start3A_438 = arith.constant 28 : i32
      %dma_start3A_439 = arith.constant 0 : i32
      %dma_start3A_440 = tpu.memref_slice %arg13[%dma_start3A_439] : memref<2x!tpu.dma_semaphore, #tpu.memory_space<semaphore_mem>> -> memref<1x!tpu.dma_semaphore, #tpu.memory_space<semaphore_mem>>
      %dma_start3A_441 = tpu.memref_squeeze %dma_start3A_440 : memref<1x!tpu.dma_semaphore, #tpu.memory_space<semaphore_mem>> -> memref<!tpu.dma_semaphore, #tpu.memory_space<semaphore_mem>>
      %dma_start3A_442 = arith.constant 0 : i32
      %dma_start3A_443 = arith.constant 0 : i32
      %dma_start3A_444 = tpu.memref_slice %arg10[%dma_start3A_437, %dma_start3A_438, %dma_start3A_442, %dma_start3A_443] : memref<2x32x16x900xbf16, #tpu.memory_space<vmem>> -> memref<1x1x16x900xbf16, #tpu.memory_space<vmem>>
      %dma_start3A_445 = tpu.memref_squeeze %dma_start3A_444 : memref<1x1x16x900xbf16, #tpu.memory_space<vmem>> -> memref<16x900xbf16, #tpu.memory_space<vmem>>
      %dma_start3A_446 = arith.constant 0 : i32
      %dma_start3A_447 = arith.constant 0 : i32
      %dma_start3A_448 = tpu.memref_slice %arg5[%get3A_436, %dma_start3A_446, %dma_start3A_447] : memref<1024x16x900xbf16, #tpu.memory_space<any>> -> memref<1x16x900xbf16, #tpu.memory_space<any>>
      %dma_start3A_449 = tpu.memref_squeeze %dma_start3A_448 : memref<1x16x900xbf16, #tpu.memory_space<any>> -> memref<16x900xbf16, #tpu.memory_space<any>>
      tpu.enqueue_dma source(%dma_start3A_449 : memref<16x900xbf16, #tpu.memory_space<any>>) target(%dma_start3A_445 : memref<16x900xbf16, #tpu.memory_space<vmem>>) target_semaphore(%dma_start3A_441 : memref<!tpu.dma_semaphore, #tpu.memory_space<semaphore_mem>>)
      %get3A_450 = arith.constant 29 : index
      %get3A_451 = memref.load %arg1[%get3A_450] : memref<2304xi32, #tpu.memory_space<smem>>
      %dma_start3A_452 = arith.constant 0 : i32
      %dma_start3A_453 = arith.constant 29 : i32
      %dma_start3A_454 = arith.constant 0 : i32
      %dma_start3A_455 = tpu.memref_slice %arg13[%dma_start3A_454] : memref<2x!tpu.dma_semaphore, #tpu.memory_space<semaphore_mem>> -> memref<1x!tpu.dma_semaphore, #tpu.memory_space<semaphore_mem>>
      %dma_start3A_456 = tpu.memref_squeeze %dma_start3A_455 : memref<1x!tpu.dma_semaphore, #tpu.memory_space<semaphore_mem>> -> memref<!tpu.dma_semaphore, #tpu.memory_space<semaphore_mem>>
      %dma_start3A_457 = arith.constant 0 : i32
      %dma_start3A_458 = arith.constant 0 : i32
      %dma_start3A_459 = tpu.memref_slice %arg10[%dma_start3A_452, %dma_start3A_453, %dma_start3A_457, %dma_start3A_458] : memref<2x32x16x900xbf16, #tpu.memory_space<vmem>> -> memref<1x1x16x900xbf16, #tpu.memory_space<vmem>>
      %dma_start3A_460 = tpu.memref_squeeze %dma_start3A_459 : memref<1x1x16x900xbf16, #tpu.memory_space<vmem>> -> memref<16x900xbf16, #tpu.memory_space<vmem>>
      %dma_start3A_461 = arith.constant 0 : i32
      %dma_start3A_462 = arith.constant 0 : i32
      %dma_start3A_463 = tpu.memref_slice %arg5[%get3A_451, %dma_start3A_461, %dma_start3A_462] : memref<1024x16x900xbf16, #tpu.memory_space<any>> -> memref<1x16x900xbf16, #tpu.memory_space<any>>
      %dma_start3A_464 = tpu.memref_squeeze %dma_start3A_463 : memref<1x16x900xbf16, #tpu.memory_space<any>> -> memref<16x900xbf16, #tpu.memory_space<any>>
      tpu.enqueue_dma source(%dma_start3A_464 : memref<16x900xbf16, #tpu.memory_space<any>>) target(%dma_start3A_460 : memref<16x900xbf16, #tpu.memory_space<vmem>>) target_semaphore(%dma_start3A_456 : memref<!tpu.dma_semaphore, #tpu.memory_space<semaphore_mem>>)
      %get3A_465 = arith.constant 30 : index
      %get3A_466 = memref.load %arg1[%get3A_465] : memref<2304xi32, #tpu.memory_space<smem>>
      %dma_start3A_467 = arith.constant 0 : i32
      %dma_start3A_468 = arith.constant 30 : i32
      %dma_start3A_469 = arith.constant 0 : i32
      %dma_start3A_470 = tpu.memref_slice %arg13[%dma_start3A_469] : memref<2x!tpu.dma_semaphore, #tpu.memory_space<semaphore_mem>> -> memref<1x!tpu.dma_semaphore, #tpu.memory_space<semaphore_mem>>
      %dma_start3A_471 = tpu.memref_squeeze %dma_start3A_470 : memref<1x!tpu.dma_semaphore, #tpu.memory_space<semaphore_mem>> -> memref<!tpu.dma_semaphore, #tpu.memory_space<semaphore_mem>>
      %dma_start3A_472 = arith.constant 0 : i32
      %dma_start3A_473 = arith.constant 0 : i32
      %dma_start3A_474 = tpu.memref_slice %arg10[%dma_start3A_467, %dma_start3A_468, %dma_start3A_472, %dma_start3A_473] : memref<2x32x16x900xbf16, #tpu.memory_space<vmem>> -> memref<1x1x16x900xbf16, #tpu.memory_space<vmem>>
      %dma_start3A_475 = tpu.memref_squeeze %dma_start3A_474 : memref<1x1x16x900xbf16, #tpu.memory_space<vmem>> -> memref<16x900xbf16, #tpu.memory_space<vmem>>
      %dma_start3A_476 = arith.constant 0 : i32
      %dma_start3A_477 = arith.constant 0 : i32
      %dma_start3A_478 = tpu.memref_slice %arg5[%get3A_466, %dma_start3A_476, %dma_start3A_477] : memref<1024x16x900xbf16, #tpu.memory_space<any>> -> memref<1x16x900xbf16, #tpu.memory_space<any>>
      %dma_start3A_479 = tpu.memref_squeeze %dma_start3A_478 : memref<1x16x900xbf16, #tpu.memory_space<any>> -> memref<16x900xbf16, #tpu.memory_space<any>>
      tpu.enqueue_dma source(%dma_start3A_479 : memref<16x900xbf16, #tpu.memory_space<any>>) target(%dma_start3A_475 : memref<16x900xbf16, #tpu.memory_space<vmem>>) target_semaphore(%dma_start3A_471 : memref<!tpu.dma_semaphore, #tpu.memory_space<semaphore_mem>>)
      %get3A_480 = arith.constant 31 : index
      %get3A_481 = memref.load %arg1[%get3A_480] : memref<2304xi32, #tpu.memory_space<smem>>
      %dma_start3A_482 = arith.constant 0 : i32
      %dma_start3A_483 = arith.constant 31 : i32
      %dma_start3A_484 = arith.constant 0 : i32
      %dma_start3A_485 = tpu.memref_slice %arg13[%dma_start3A_484] : memref<2x!tpu.dma_semaphore, #tpu.memory_space<semaphore_mem>> -> memref<1x!tpu.dma_semaphore, #tpu.memory_space<semaphore_mem>>
      %dma_start3A_486 = tpu.memref_squeeze %dma_start3A_485 : memref<1x!tpu.dma_semaphore, #tpu.memory_space<semaphore_mem>> -> memref<!tpu.dma_semaphore, #tpu.memory_space<semaphore_mem>>
      %dma_start3A_487 = arith.constant 0 : i32
      %dma_start3A_488 = arith.constant 0 : i32
      %dma_start3A_489 = tpu.memref_slice %arg10[%dma_start3A_482, %dma_start3A_483, %dma_start3A_487, %dma_start3A_488] : memref<2x32x16x900xbf16, #tpu.memory_space<vmem>> -> memref<1x1x16x900xbf16, #tpu.memory_space<vmem>>
      %dma_start3A_490 = tpu.memref_squeeze %dma_start3A_489 : memref<1x1x16x900xbf16, #tpu.memory_space<vmem>> -> memref<16x900xbf16, #tpu.memory_space<vmem>>
      %dma_start3A_491 = arith.constant 0 : i32
      %dma_start3A_492 = arith.constant 0 : i32
      %dma_start3A_493 = tpu.memref_slice %arg5[%get3A_481, %dma_start3A_491, %dma_start3A_492] : memref<1024x16x900xbf16, #tpu.memory_space<any>> -> memref<1x16x900xbf16, #tpu.memory_space<any>>
      %dma_start3A_494 = tpu.memref_squeeze %dma_start3A_493 : memref<1x16x900xbf16, #tpu.memory_space<any>> -> memref<16x900xbf16, #tpu.memory_space<any>>
      tpu.enqueue_dma source(%dma_start3A_494 : memref<16x900xbf16, #tpu.memory_space<any>>) target(%dma_start3A_490 : memref<16x900xbf16, #tpu.memory_space<vmem>>) target_semaphore(%dma_start3A_486 : memref<!tpu.dma_semaphore, #tpu.memory_space<semaphore_mem>>)
    } else {
    }
    %add3A = arith.constant 1 : i32
    %add3A_3 = arith.addi %arg0, %add3A : i32
    %lt3A = arith.cmpi slt, %add3A_3, %get3A_0 : i32
    %convert_element_type3A_4 = arith.extui %lt3A : i1 to i32
    %cond3A_5 = arith.constant 0 : i32
    %cond3A_6 = arith.cmpi ne, %convert_element_type3A_4, %cond3A_5 : i32
    scf.if %cond3A_6 {
      %add3A_16 = arith.constant 1 : i32
      %add3A_17 = arith.addi %arg0, %add3A_16 : i32
      %add3A_18 = arith.constant 1 : i32
      %add3A_19 = arith.addi %arg0, %add3A_18 : i32
      %jit3A = arith.constant 2 : i32
      %eq3A_20 = arith.constant 0 : i32
      %eq3A_21 = arith.cmpi eq, %jit3A, %eq3A_20 : i32
      %jit3A_22 = arith.constant 1 : i32
      %select_n3A = arith.select %eq3A_21, %jit3A_22, %jit3A : i32
      %rem3A = arith.remsi %add3A_19, %select_n3A : i32
      %ne3A = arith.constant 0 : i32
      %ne3A_23 = arith.cmpi ne, %rem3A, %ne3A : i32
      %lt3A_24 = arith.constant 0 : i32
      %lt3A_25 = arith.cmpi slt, %rem3A, %lt3A_24 : i32
      %lt3A_26 = arith.constant 0 : i32
      %lt3A_27 = arith.cmpi slt, %select_n3A, %lt3A_26 : i32
      %ne3A_28 = arith.xori %lt3A_25, %lt3A_27 : i1
      %and3A = arith.andi %ne3A_28, %ne3A_23 : i1
      %add3A_29 = arith.addi %rem3A, %select_n3A : i32
      %select_n3A_30 = arith.select %and3A, %add3A_29, %rem3A : i32
      %mul3A = arith.constant 32 : i32
      %mul3A_31 = arith.muli %add3A_17, %mul3A : i32
      %add3A_32 = arith.constant 0 : i32
      %add3A_33 = arith.addi %mul3A_31, %add3A_32 : i32
      %get3A_34 = arith.index_cast %add3A_33 : i32 to index
      %get3A_35 = memref.load %arg1[%get3A_34] : memref<2304xi32, #tpu.memory_space<smem>>
      %dma_start3A = arith.constant 0 : i32
      %dma_start3A_36 = tpu.memref_slice %arg13[%select_n3A_30] : memref<2x!tpu.dma_semaphore, #tpu.memory_space<semaphore_mem>> -> memref<1x!tpu.dma_semaphore, #tpu.memory_space<semaphore_mem>>
      %dma_start3A_37 = tpu.memref_squeeze %dma_start3A_36 : memref<1x!tpu.dma_semaphore, #tpu.memory_space<semaphore_mem>> -> memref<!tpu.dma_semaphore, #tpu.memory_space<semaphore_mem>>
      %dma_start3A_38 = arith.constant 0 : i32
      %dma_start3A_39 = arith.constant 0 : i32
      %dma_start3A_40 = tpu.memref_slice %arg10[%select_n3A_30, %dma_start3A, %dma_start3A_38, %dma_start3A_39] : memref<2x32x16x900xbf16, #tpu.memory_space<vmem>> -> memref<1x1x16x900xbf16, #tpu.memory_space<vmem>>
      %dma_start3A_41 = tpu.memref_squeeze %dma_start3A_40 : memref<1x1x16x900xbf16, #tpu.memory_space<vmem>> -> memref<16x900xbf16, #tpu.memory_space<vmem>>
      %dma_start3A_42 = arith.constant 0 : i32
      %dma_start3A_43 = arith.constant 0 : i32
      %dma_start3A_44 = tpu.memref_slice %arg5[%get3A_35, %dma_start3A_42, %dma_start3A_43] : memref<1024x16x900xbf16, #tpu.memory_space<any>> -> memref<1x16x900xbf16, #tpu.memory_space<any>>
      %dma_start3A_45 = tpu.memref_squeeze %dma_start3A_44 : memref<1x16x900xbf16, #tpu.memory_space<any>> -> memref<16x900xbf16, #tpu.memory_space<any>>
      tpu.enqueue_dma source(%dma_start3A_45 : memref<16x900xbf16, #tpu.memory_space<any>>) target(%dma_start3A_41 : memref<16x900xbf16, #tpu.memory_space<vmem>>) target_semaphore(%dma_start3A_37 : memref<!tpu.dma_semaphore, #tpu.memory_space<semaphore_mem>>)
      %mul3A_46 = arith.constant 32 : i32
      %mul3A_47 = arith.muli %add3A_17, %mul3A_46 : i32
      %add3A_48 = arith.constant 1 : i32
      %add3A_49 = arith.addi %mul3A_47, %add3A_48 : i32
      %get3A_50 = arith.index_cast %add3A_49 : i32 to index
      %get3A_51 = memref.load %arg1[%get3A_50] : memref<2304xi32, #tpu.memory_space<smem>>
      %dma_start3A_52 = arith.constant 1 : i32
      %dma_start3A_53 = tpu.memref_slice %arg13[%select_n3A_30] : memref<2x!tpu.dma_semaphore, #tpu.memory_space<semaphore_mem>> -> memref<1x!tpu.dma_semaphore, #tpu.memory_space<semaphore_mem>>
      %dma_start3A_54 = tpu.memref_squeeze %dma_start3A_53 : memref<1x!tpu.dma_semaphore, #tpu.memory_space<semaphore_mem>> -> memref<!tpu.dma_semaphore, #tpu.memory_space<semaphore_mem>>
      %dma_start3A_55 = arith.constant 0 : i32
      %dma_start3A_56 = arith.constant 0 : i32
      %dma_start3A_57 = tpu.memref_slice %arg10[%select_n3A_30, %dma_start3A_52, %dma_start3A_55, %dma_start3A_56] : memref<2x32x16x900xbf16, #tpu.memory_space<vmem>> -> memref<1x1x16x900xbf16, #tpu.memory_space<vmem>>
      %dma_start3A_58 = tpu.memref_squeeze %dma_start3A_57 : memref<1x1x16x900xbf16, #tpu.memory_space<vmem>> -> memref<16x900xbf16, #tpu.memory_space<vmem>>
      %dma_start3A_59 = arith.constant 0 : i32
      %dma_start3A_60 = arith.constant 0 : i32
      %dma_start3A_61 = tpu.memref_slice %arg5[%get3A_51, %dma_start3A_59, %dma_start3A_60] : memref<1024x16x900xbf16, #tpu.memory_space<any>> -> memref<1x16x900xbf16, #tpu.memory_space<any>>
      %dma_start3A_62 = tpu.memref_squeeze %dma_start3A_61 : memref<1x16x900xbf16, #tpu.memory_space<any>> -> memref<16x900xbf16, #tpu.memory_space<any>>
      tpu.enqueue_dma source(%dma_start3A_62 : memref<16x900xbf16, #tpu.memory_space<any>>) target(%dma_start3A_58 : memref<16x900xbf16, #tpu.memory_space<vmem>>) target_semaphore(%dma_start3A_54 : memref<!tpu.dma_semaphore, #tpu.memory_space<semaphore_mem>>)
      %mul3A_63 = arith.constant 32 : i32
      %mul3A_64 = arith.muli %add3A_17, %mul3A_63 : i32
      %add3A_65 = arith.constant 2 : i32
      %add3A_66 = arith.addi %mul3A_64, %add3A_65 : i32
      %get3A_67 = arith.index_cast %add3A_66 : i32 to index
      %get3A_68 = memref.load %arg1[%get3A_67] : memref<2304xi32, #tpu.memory_space<smem>>
      %dma_start3A_69 = arith.constant 2 : i32
      %dma_start3A_70 = tpu.memref_slice %arg13[%select_n3A_30] : memref<2x!tpu.dma_semaphore, #tpu.memory_space<semaphore_mem>> -> memref<1x!tpu.dma_semaphore, #tpu.memory_space<semaphore_mem>>
      %dma_start3A_71 = tpu.memref_squeeze %dma_start3A_70 : memref<1x!tpu.dma_semaphore, #tpu.memory_space<semaphore_mem>> -> memref<!tpu.dma_semaphore, #tpu.memory_space<semaphore_mem>>
      %dma_start3A_72 = arith.constant 0 : i32
      %dma_start3A_73 = arith.constant 0 : i32
      %dma_start3A_74 = tpu.memref_slice %arg10[%select_n3A_30, %dma_start3A_69, %dma_start3A_72, %dma_start3A_73] : memref<2x32x16x900xbf16, #tpu.memory_space<vmem>> -> memref<1x1x16x900xbf16, #tpu.memory_space<vmem>>
      %dma_start3A_75 = tpu.memref_squeeze %dma_start3A_74 : memref<1x1x16x900xbf16, #tpu.memory_space<vmem>> -> memref<16x900xbf16, #tpu.memory_space<vmem>>
      %dma_start3A_76 = arith.constant 0 : i32
      %dma_start3A_77 = arith.constant 0 : i32
      %dma_start3A_78 = tpu.memref_slice %arg5[%get3A_68, %dma_start3A_76, %dma_start3A_77] : memref<1024x16x900xbf16, #tpu.memory_space<any>> -> memref<1x16x900xbf16, #tpu.memory_space<any>>
      %dma_start3A_79 = tpu.memref_squeeze %dma_start3A_78 : memref<1x16x900xbf16, #tpu.memory_space<any>> -> memref<16x900xbf16, #tpu.memory_space<any>>
      tpu.enqueue_dma source(%dma_start3A_79 : memref<16x900xbf16, #tpu.memory_space<any>>) target(%dma_start3A_75 : memref<16x900xbf16, #tpu.memory_space<vmem>>) target_semaphore(%dma_start3A_71 : memref<!tpu.dma_semaphore, #tpu.memory_space<semaphore_mem>>)
      %mul3A_80 = arith.constant 32 : i32
      %mul3A_81 = arith.muli %add3A_17, %mul3A_80 : i32
      %add3A_82 = arith.constant 3 : i32
      %add3A_83 = arith.addi %mul3A_81, %add3A_82 : i32
      %get3A_84 = arith.index_cast %add3A_83 : i32 to index
      %get3A_85 = memref.load %arg1[%get3A_84] : memref<2304xi32, #tpu.memory_space<smem>>
      %dma_start3A_86 = arith.constant 3 : i32
      %dma_start3A_87 = tpu.memref_slice %arg13[%select_n3A_30] : memref<2x!tpu.dma_semaphore, #tpu.memory_space<semaphore_mem>> -> memref<1x!tpu.dma_semaphore, #tpu.memory_space<semaphore_mem>>
      %dma_start3A_88 = tpu.memref_squeeze %dma_start3A_87 : memref<1x!tpu.dma_semaphore, #tpu.memory_space<semaphore_mem>> -> memref<!tpu.dma_semaphore, #tpu.memory_space<semaphore_mem>>
      %dma_start3A_89 = arith.constant 0 : i32
      %dma_start3A_90 = arith.constant 0 : i32
      %dma_start3A_91 = tpu.memref_slice %arg10[%select_n3A_30, %dma_start3A_86, %dma_start3A_89, %dma_start3A_90] : memref<2x32x16x900xbf16, #tpu.memory_space<vmem>> -> memref<1x1x16x900xbf16, #tpu.memory_space<vmem>>
      %dma_start3A_92 = tpu.memref_squeeze %dma_start3A_91 : memref<1x1x16x900xbf16, #tpu.memory_space<vmem>> -> memref<16x900xbf16, #tpu.memory_space<vmem>>
      %dma_start3A_93 = arith.constant 0 : i32
      %dma_start3A_94 = arith.constant 0 : i32
      %dma_start3A_95 = tpu.memref_slice %arg5[%get3A_85, %dma_start3A_93, %dma_start3A_94] : memref<1024x16x900xbf16, #tpu.memory_space<any>> -> memref<1x16x900xbf16, #tpu.memory_space<any>>
      %dma_start3A_96 = tpu.memref_squeeze %dma_start3A_95 : memref<1x16x900xbf16, #tpu.memory_space<any>> -> memref<16x900xbf16, #tpu.memory_space<any>>
      tpu.enqueue_dma source(%dma_start3A_96 : memref<16x900xbf16, #tpu.memory_space<any>>) target(%dma_start3A_92 : memref<16x900xbf16, #tpu.memory_space<vmem>>) target_semaphore(%dma_start3A_88 : memref<!tpu.dma_semaphore, #tpu.memory_space<semaphore_mem>>)
      %mul3A_97 = arith.constant 32 : i32
      %mul3A_98 = arith.muli %add3A_17, %mul3A_97 : i32
      %add3A_99 = arith.constant 4 : i32
      %add3A_100 = arith.addi %mul3A_98, %add3A_99 : i32
      %get3A_101 = arith.index_cast %add3A_100 : i32 to index
      %get3A_102 = memref.load %arg1[%get3A_101] : memref<2304xi32, #tpu.memory_space<smem>>
      %dma_start3A_103 = arith.constant 4 : i32
      %dma_start3A_104 = tpu.memref_slice %arg13[%select_n3A_30] : memref<2x!tpu.dma_semaphore, #tpu.memory_space<semaphore_mem>> -> memref<1x!tpu.dma_semaphore, #tpu.memory_space<semaphore_mem>>
      %dma_start3A_105 = tpu.memref_squeeze %dma_start3A_104 : memref<1x!tpu.dma_semaphore, #tpu.memory_space<semaphore_mem>> -> memref<!tpu.dma_semaphore, #tpu.memory_space<semaphore_mem>>
      %dma_start3A_106 = arith.constant 0 : i32
      %dma_start3A_107 = arith.constant 0 : i32
      %dma_start3A_108 = tpu.memref_slice %arg10[%select_n3A_30, %dma_start3A_103, %dma_start3A_106, %dma_start3A_107] : memref<2x32x16x900xbf16, #tpu.memory_space<vmem>> -> memref<1x1x16x900xbf16, #tpu.memory_space<vmem>>
      %dma_start3A_109 = tpu.memref_squeeze %dma_start3A_108 : memref<1x1x16x900xbf16, #tpu.memory_space<vmem>> -> memref<16x900xbf16, #tpu.memory_space<vmem>>
      %dma_start3A_110 = arith.constant 0 : i32
      %dma_start3A_111 = arith.constant 0 : i32
      %dma_start3A_112 = tpu.memref_slice %arg5[%get3A_102, %dma_start3A_110, %dma_start3A_111] : memref<1024x16x900xbf16, #tpu.memory_space<any>> -> memref<1x16x900xbf16, #tpu.memory_space<any>>
      %dma_start3A_113 = tpu.memref_squeeze %dma_start3A_112 : memref<1x16x900xbf16, #tpu.memory_space<any>> -> memref<16x900xbf16, #tpu.memory_space<any>>
      tpu.enqueue_dma source(%dma_start3A_113 : memref<16x900xbf16, #tpu.memory_space<any>>) target(%dma_start3A_109 : memref<16x900xbf16, #tpu.memory_space<vmem>>) target_semaphore(%dma_start3A_105 : memref<!tpu.dma_semaphore, #tpu.memory_space<semaphore_mem>>)
      %mul3A_114 = arith.constant 32 : i32
      %mul3A_115 = arith.muli %add3A_17, %mul3A_114 : i32
      %add3A_116 = arith.constant 5 : i32
      %add3A_117 = arith.addi %mul3A_115, %add3A_116 : i32
      %get3A_118 = arith.index_cast %add3A_117 : i32 to index
      %get3A_119 = memref.load %arg1[%get3A_118] : memref<2304xi32, #tpu.memory_space<smem>>
      %dma_start3A_120 = arith.constant 5 : i32
      %dma_start3A_121 = tpu.memref_slice %arg13[%select_n3A_30] : memref<2x!tpu.dma_semaphore, #tpu.memory_space<semaphore_mem>> -> memref<1x!tpu.dma_semaphore, #tpu.memory_space<semaphore_mem>>
      %dma_start3A_122 = tpu.memref_squeeze %dma_start3A_121 : memref<1x!tpu.dma_semaphore, #tpu.memory_space<semaphore_mem>> -> memref<!tpu.dma_semaphore, #tpu.memory_space<semaphore_mem>>
      %dma_start3A_123 = arith.constant 0 : i32
      %dma_start3A_124 = arith.constant 0 : i32
      %dma_start3A_125 = tpu.memref_slice %arg10[%select_n3A_30, %dma_start3A_120, %dma_start3A_123, %dma_start3A_124] : memref<2x32x16x900xbf16, #tpu.memory_space<vmem>> -> memref<1x1x16x900xbf16, #tpu.memory_space<vmem>>
      %dma_start3A_126 = tpu.memref_squeeze %dma_start3A_125 : memref<1x1x16x900xbf16, #tpu.memory_space<vmem>> -> memref<16x900xbf16, #tpu.memory_space<vmem>>
      %dma_start3A_127 = arith.constant 0 : i32
      %dma_start3A_128 = arith.constant 0 : i32
      %dma_start3A_129 = tpu.memref_slice %arg5[%get3A_119, %dma_start3A_127, %dma_start3A_128] : memref<1024x16x900xbf16, #tpu.memory_space<any>> -> memref<1x16x900xbf16, #tpu.memory_space<any>>
      %dma_start3A_130 = tpu.memref_squeeze %dma_start3A_129 : memref<1x16x900xbf16, #tpu.memory_space<any>> -> memref<16x900xbf16, #tpu.memory_space<any>>
      tpu.enqueue_dma source(%dma_start3A_130 : memref<16x900xbf16, #tpu.memory_space<any>>) target(%dma_start3A_126 : memref<16x900xbf16, #tpu.memory_space<vmem>>) target_semaphore(%dma_start3A_122 : memref<!tpu.dma_semaphore, #tpu.memory_space<semaphore_mem>>)
      %mul3A_131 = arith.constant 32 : i32
      %mul3A_132 = arith.muli %add3A_17, %mul3A_131 : i32
      %add3A_133 = arith.constant 6 : i32
      %add3A_134 = arith.addi %mul3A_132, %add3A_133 : i32
      %get3A_135 = arith.index_cast %add3A_134 : i32 to index
      %get3A_136 = memref.load %arg1[%get3A_135] : memref<2304xi32, #tpu.memory_space<smem>>
      %dma_start3A_137 = arith.constant 6 : i32
      %dma_start3A_138 = tpu.memref_slice %arg13[%select_n3A_30] : memref<2x!tpu.dma_semaphore, #tpu.memory_space<semaphore_mem>> -> memref<1x!tpu.dma_semaphore, #tpu.memory_space<semaphore_mem>>
      %dma_start3A_139 = tpu.memref_squeeze %dma_start3A_138 : memref<1x!tpu.dma_semaphore, #tpu.memory_space<semaphore_mem>> -> memref<!tpu.dma_semaphore, #tpu.memory_space<semaphore_mem>>
      %dma_start3A_140 = arith.constant 0 : i32
      %dma_start3A_141 = arith.constant 0 : i32
      %dma_start3A_142 = tpu.memref_slice %arg10[%select_n3A_30, %dma_start3A_137, %dma_start3A_140, %dma_start3A_141] : memref<2x32x16x900xbf16, #tpu.memory_space<vmem>> -> memref<1x1x16x900xbf16, #tpu.memory_space<vmem>>
      %dma_start3A_143 = tpu.memref_squeeze %dma_start3A_142 : memref<1x1x16x900xbf16, #tpu.memory_space<vmem>> -> memref<16x900xbf16, #tpu.memory_space<vmem>>
      %dma_start3A_144 = arith.constant 0 : i32
      %dma_start3A_145 = arith.constant 0 : i32
      %dma_start3A_146 = tpu.memref_slice %arg5[%get3A_136, %dma_start3A_144, %dma_start3A_145] : memref<1024x16x900xbf16, #tpu.memory_space<any>> -> memref<1x16x900xbf16, #tpu.memory_space<any>>
      %dma_start3A_147 = tpu.memref_squeeze %dma_start3A_146 : memref<1x16x900xbf16, #tpu.memory_space<any>> -> memref<16x900xbf16, #tpu.memory_space<any>>
      tpu.enqueue_dma source(%dma_start3A_147 : memref<16x900xbf16, #tpu.memory_space<any>>) target(%dma_start3A_143 : memref<16x900xbf16, #tpu.memory_space<vmem>>) target_semaphore(%dma_start3A_139 : memref<!tpu.dma_semaphore, #tpu.memory_space<semaphore_mem>>)
      %mul3A_148 = arith.constant 32 : i32
      %mul3A_149 = arith.muli %add3A_17, %mul3A_148 : i32
      %add3A_150 = arith.constant 7 : i32
      %add3A_151 = arith.addi %mul3A_149, %add3A_150 : i32
      %get3A_152 = arith.index_cast %add3A_151 : i32 to index
      %get3A_153 = memref.load %arg1[%get3A_152] : memref<2304xi32, #tpu.memory_space<smem>>
      %dma_start3A_154 = arith.constant 7 : i32
      %dma_start3A_155 = tpu.memref_slice %arg13[%select_n3A_30] : memref<2x!tpu.dma_semaphore, #tpu.memory_space<semaphore_mem>> -> memref<1x!tpu.dma_semaphore, #tpu.memory_space<semaphore_mem>>
      %dma_start3A_156 = tpu.memref_squeeze %dma_start3A_155 : memref<1x!tpu.dma_semaphore, #tpu.memory_space<semaphore_mem>> -> memref<!tpu.dma_semaphore, #tpu.memory_space<semaphore_mem>>
      %dma_start3A_157 = arith.constant 0 : i32
      %dma_start3A_158 = arith.constant 0 : i32
      %dma_start3A_159 = tpu.memref_slice %arg10[%select_n3A_30, %dma_start3A_154, %dma_start3A_157, %dma_start3A_158] : memref<2x32x16x900xbf16, #tpu.memory_space<vmem>> -> memref<1x1x16x900xbf16, #tpu.memory_space<vmem>>
      %dma_start3A_160 = tpu.memref_squeeze %dma_start3A_159 : memref<1x1x16x900xbf16, #tpu.memory_space<vmem>> -> memref<16x900xbf16, #tpu.memory_space<vmem>>
      %dma_start3A_161 = arith.constant 0 : i32
      %dma_start3A_162 = arith.constant 0 : i32
      %dma_start3A_163 = tpu.memref_slice %arg5[%get3A_153, %dma_start3A_161, %dma_start3A_162] : memref<1024x16x900xbf16, #tpu.memory_space<any>> -> memref<1x16x900xbf16, #tpu.memory_space<any>>
      %dma_start3A_164 = tpu.memref_squeeze %dma_start3A_163 : memref<1x16x900xbf16, #tpu.memory_space<any>> -> memref<16x900xbf16, #tpu.memory_space<any>>
      tpu.enqueue_dma source(%dma_start3A_164 : memref<16x900xbf16, #tpu.memory_space<any>>) target(%dma_start3A_160 : memref<16x900xbf16, #tpu.memory_space<vmem>>) target_semaphore(%dma_start3A_156 : memref<!tpu.dma_semaphore, #tpu.memory_space<semaphore_mem>>)
      %mul3A_165 = arith.constant 32 : i32
      %mul3A_166 = arith.muli %add3A_17, %mul3A_165 : i32
      %add3A_167 = arith.constant 8 : i32
      %add3A_168 = arith.addi %mul3A_166, %add3A_167 : i32
      %get3A_169 = arith.index_cast %add3A_168 : i32 to index
      %get3A_170 = memref.load %arg1[%get3A_169] : memref<2304xi32, #tpu.memory_space<smem>>
      %dma_start3A_171 = arith.constant 8 : i32
      %dma_start3A_172 = tpu.memref_slice %arg13[%select_n3A_30] : memref<2x!tpu.dma_semaphore, #tpu.memory_space<semaphore_mem>> -> memref<1x!tpu.dma_semaphore, #tpu.memory_space<semaphore_mem>>
      %dma_start3A_173 = tpu.memref_squeeze %dma_start3A_172 : memref<1x!tpu.dma_semaphore, #tpu.memory_space<semaphore_mem>> -> memref<!tpu.dma_semaphore, #tpu.memory_space<semaphore_mem>>
      %dma_start3A_174 = arith.constant 0 : i32
      %dma_start3A_175 = arith.constant 0 : i32
      %dma_start3A_176 = tpu.memref_slice %arg10[%select_n3A_30, %dma_start3A_171, %dma_start3A_174, %dma_start3A_175] : memref<2x32x16x900xbf16, #tpu.memory_space<vmem>> -> memref<1x1x16x900xbf16, #tpu.memory_space<vmem>>
      %dma_start3A_177 = tpu.memref_squeeze %dma_start3A_176 : memref<1x1x16x900xbf16, #tpu.memory_space<vmem>> -> memref<16x900xbf16, #tpu.memory_space<vmem>>
      %dma_start3A_178 = arith.constant 0 : i32
      %dma_start3A_179 = arith.constant 0 : i32
      %dma_start3A_180 = tpu.memref_slice %arg5[%get3A_170, %dma_start3A_178, %dma_start3A_179] : memref<1024x16x900xbf16, #tpu.memory_space<any>> -> memref<1x16x900xbf16, #tpu.memory_space<any>>
      %dma_start3A_181 = tpu.memref_squeeze %dma_start3A_180 : memref<1x16x900xbf16, #tpu.memory_space<any>> -> memref<16x900xbf16, #tpu.memory_space<any>>
      tpu.enqueue_dma source(%dma_start3A_181 : memref<16x900xbf16, #tpu.memory_space<any>>) target(%dma_start3A_177 : memref<16x900xbf16, #tpu.memory_space<vmem>>) target_semaphore(%dma_start3A_173 : memref<!tpu.dma_semaphore, #tpu.memory_space<semaphore_mem>>)
      %mul3A_182 = arith.constant 32 : i32
      %mul3A_183 = arith.muli %add3A_17, %mul3A_182 : i32
      %add3A_184 = arith.constant 9 : i32
      %add3A_185 = arith.addi %mul3A_183, %add3A_184 : i32
      %get3A_186 = arith.index_cast %add3A_185 : i32 to index
      %get3A_187 = memref.load %arg1[%get3A_186] : memref<2304xi32, #tpu.memory_space<smem>>
      %dma_start3A_188 = arith.constant 9 : i32
      %dma_start3A_189 = tpu.memref_slice %arg13[%select_n3A_30] : memref<2x!tpu.dma_semaphore, #tpu.memory_space<semaphore_mem>> -> memref<1x!tpu.dma_semaphore, #tpu.memory_space<semaphore_mem>>
      %dma_start3A_190 = tpu.memref_squeeze %dma_start3A_189 : memref<1x!tpu.dma_semaphore, #tpu.memory_space<semaphore_mem>> -> memref<!tpu.dma_semaphore, #tpu.memory_space<semaphore_mem>>
      %dma_start3A_191 = arith.constant 0 : i32
      %dma_start3A_192 = arith.constant 0 : i32
      %dma_start3A_193 = tpu.memref_slice %arg10[%select_n3A_30, %dma_start3A_188, %dma_start3A_191, %dma_start3A_192] : memref<2x32x16x900xbf16, #tpu.memory_space<vmem>> -> memref<1x1x16x900xbf16, #tpu.memory_space<vmem>>
      %dma_start3A_194 = tpu.memref_squeeze %dma_start3A_193 : memref<1x1x16x900xbf16, #tpu.memory_space<vmem>> -> memref<16x900xbf16, #tpu.memory_space<vmem>>
      %dma_start3A_195 = arith.constant 0 : i32
      %dma_start3A_196 = arith.constant 0 : i32
      %dma_start3A_197 = tpu.memref_slice %arg5[%get3A_187, %dma_start3A_195, %dma_start3A_196] : memref<1024x16x900xbf16, #tpu.memory_space<any>> -> memref<1x16x900xbf16, #tpu.memory_space<any>>
      %dma_start3A_198 = tpu.memref_squeeze %dma_start3A_197 : memref<1x16x900xbf16, #tpu.memory_space<any>> -> memref<16x900xbf16, #tpu.memory_space<any>>
      tpu.enqueue_dma source(%dma_start3A_198 : memref<16x900xbf16, #tpu.memory_space<any>>) target(%dma_start3A_194 : memref<16x900xbf16, #tpu.memory_space<vmem>>) target_semaphore(%dma_start3A_190 : memref<!tpu.dma_semaphore, #tpu.memory_space<semaphore_mem>>)
      %mul3A_199 = arith.constant 32 : i32
      %mul3A_200 = arith.muli %add3A_17, %mul3A_199 : i32
      %add3A_201 = arith.constant 10 : i32
      %add3A_202 = arith.addi %mul3A_200, %add3A_201 : i32
      %get3A_203 = arith.index_cast %add3A_202 : i32 to index
      %get3A_204 = memref.load %arg1[%get3A_203] : memref<2304xi32, #tpu.memory_space<smem>>
      %dma_start3A_205 = arith.constant 10 : i32
      %dma_start3A_206 = tpu.memref_slice %arg13[%select_n3A_30] : memref<2x!tpu.dma_semaphore, #tpu.memory_space<semaphore_mem>> -> memref<1x!tpu.dma_semaphore, #tpu.memory_space<semaphore_mem>>
      %dma_start3A_207 = tpu.memref_squeeze %dma_start3A_206 : memref<1x!tpu.dma_semaphore, #tpu.memory_space<semaphore_mem>> -> memref<!tpu.dma_semaphore, #tpu.memory_space<semaphore_mem>>
      %dma_start3A_208 = arith.constant 0 : i32
      %dma_start3A_209 = arith.constant 0 : i32
      %dma_start3A_210 = tpu.memref_slice %arg10[%select_n3A_30, %dma_start3A_205, %dma_start3A_208, %dma_start3A_209] : memref<2x32x16x900xbf16, #tpu.memory_space<vmem>> -> memref<1x1x16x900xbf16, #tpu.memory_space<vmem>>
      %dma_start3A_211 = tpu.memref_squeeze %dma_start3A_210 : memref<1x1x16x900xbf16, #tpu.memory_space<vmem>> -> memref<16x900xbf16, #tpu.memory_space<vmem>>
      %dma_start3A_212 = arith.constant 0 : i32
      %dma_start3A_213 = arith.constant 0 : i32
      %dma_start3A_214 = tpu.memref_slice %arg5[%get3A_204, %dma_start3A_212, %dma_start3A_213] : memref<1024x16x900xbf16, #tpu.memory_space<any>> -> memref<1x16x900xbf16, #tpu.memory_space<any>>
      %dma_start3A_215 = tpu.memref_squeeze %dma_start3A_214 : memref<1x16x900xbf16, #tpu.memory_space<any>> -> memref<16x900xbf16, #tpu.memory_space<any>>
      tpu.enqueue_dma source(%dma_start3A_215 : memref<16x900xbf16, #tpu.memory_space<any>>) target(%dma_start3A_211 : memref<16x900xbf16, #tpu.memory_space<vmem>>) target_semaphore(%dma_start3A_207 : memref<!tpu.dma_semaphore, #tpu.memory_space<semaphore_mem>>)
      %mul3A_216 = arith.constant 32 : i32
      %mul3A_217 = arith.muli %add3A_17, %mul3A_216 : i32
      %add3A_218 = arith.constant 11 : i32
      %add3A_219 = arith.addi %mul3A_217, %add3A_218 : i32
      %get3A_220 = arith.index_cast %add3A_219 : i32 to index
      %get3A_221 = memref.load %arg1[%get3A_220] : memref<2304xi32, #tpu.memory_space<smem>>
      %dma_start3A_222 = arith.constant 11 : i32
      %dma_start3A_223 = tpu.memref_slice %arg13[%select_n3A_30] : memref<2x!tpu.dma_semaphore, #tpu.memory_space<semaphore_mem>> -> memref<1x!tpu.dma_semaphore, #tpu.memory_space<semaphore_mem>>
      %dma_start3A_224 = tpu.memref_squeeze %dma_start3A_223 : memref<1x!tpu.dma_semaphore, #tpu.memory_space<semaphore_mem>> -> memref<!tpu.dma_semaphore, #tpu.memory_space<semaphore_mem>>
      %dma_start3A_225 = arith.constant 0 : i32
      %dma_start3A_226 = arith.constant 0 : i32
      %dma_start3A_227 = tpu.memref_slice %arg10[%select_n3A_30, %dma_start3A_222, %dma_start3A_225, %dma_start3A_226] : memref<2x32x16x900xbf16, #tpu.memory_space<vmem>> -> memref<1x1x16x900xbf16, #tpu.memory_space<vmem>>
      %dma_start3A_228 = tpu.memref_squeeze %dma_start3A_227 : memref<1x1x16x900xbf16, #tpu.memory_space<vmem>> -> memref<16x900xbf16, #tpu.memory_space<vmem>>
      %dma_start3A_229 = arith.constant 0 : i32
      %dma_start3A_230 = arith.constant 0 : i32
      %dma_start3A_231 = tpu.memref_slice %arg5[%get3A_221, %dma_start3A_229, %dma_start3A_230] : memref<1024x16x900xbf16, #tpu.memory_space<any>> -> memref<1x16x900xbf16, #tpu.memory_space<any>>
      %dma_start3A_232 = tpu.memref_squeeze %dma_start3A_231 : memref<1x16x900xbf16, #tpu.memory_space<any>> -> memref<16x900xbf16, #tpu.memory_space<any>>
      tpu.enqueue_dma source(%dma_start3A_232 : memref<16x900xbf16, #tpu.memory_space<any>>) target(%dma_start3A_228 : memref<16x900xbf16, #tpu.memory_space<vmem>>) target_semaphore(%dma_start3A_224 : memref<!tpu.dma_semaphore, #tpu.memory_space<semaphore_mem>>)
      %mul3A_233 = arith.constant 32 : i32
      %mul3A_234 = arith.muli %add3A_17, %mul3A_233 : i32
      %add3A_235 = arith.constant 12 : i32
      %add3A_236 = arith.addi %mul3A_234, %add3A_235 : i32
      %get3A_237 = arith.index_cast %add3A_236 : i32 to index
      %get3A_238 = memref.load %arg1[%get3A_237] : memref<2304xi32, #tpu.memory_space<smem>>
      %dma_start3A_239 = arith.constant 12 : i32
      %dma_start3A_240 = tpu.memref_slice %arg13[%select_n3A_30] : memref<2x!tpu.dma_semaphore, #tpu.memory_space<semaphore_mem>> -> memref<1x!tpu.dma_semaphore, #tpu.memory_space<semaphore_mem>>
      %dma_start3A_241 = tpu.memref_squeeze %dma_start3A_240 : memref<1x!tpu.dma_semaphore, #tpu.memory_space<semaphore_mem>> -> memref<!tpu.dma_semaphore, #tpu.memory_space<semaphore_mem>>
      %dma_start3A_242 = arith.constant 0 : i32
      %dma_start3A_243 = arith.constant 0 : i32
      %dma_start3A_244 = tpu.memref_slice %arg10[%select_n3A_30, %dma_start3A_239, %dma_start3A_242, %dma_start3A_243] : memref<2x32x16x900xbf16, #tpu.memory_space<vmem>> -> memref<1x1x16x900xbf16, #tpu.memory_space<vmem>>
      %dma_start3A_245 = tpu.memref_squeeze %dma_start3A_244 : memref<1x1x16x900xbf16, #tpu.memory_space<vmem>> -> memref<16x900xbf16, #tpu.memory_space<vmem>>
      %dma_start3A_246 = arith.constant 0 : i32
      %dma_start3A_247 = arith.constant 0 : i32
      %dma_start3A_248 = tpu.memref_slice %arg5[%get3A_238, %dma_start3A_246, %dma_start3A_247] : memref<1024x16x900xbf16, #tpu.memory_space<any>> -> memref<1x16x900xbf16, #tpu.memory_space<any>>
      %dma_start3A_249 = tpu.memref_squeeze %dma_start3A_248 : memref<1x16x900xbf16, #tpu.memory_space<any>> -> memref<16x900xbf16, #tpu.memory_space<any>>
      tpu.enqueue_dma source(%dma_start3A_249 : memref<16x900xbf16, #tpu.memory_space<any>>) target(%dma_start3A_245 : memref<16x900xbf16, #tpu.memory_space<vmem>>) target_semaphore(%dma_start3A_241 : memref<!tpu.dma_semaphore, #tpu.memory_space<semaphore_mem>>)
      %mul3A_250 = arith.constant 32 : i32
      %mul3A_251 = arith.muli %add3A_17, %mul3A_250 : i32
      %add3A_252 = arith.constant 13 : i32
      %add3A_253 = arith.addi %mul3A_251, %add3A_252 : i32
      %get3A_254 = arith.index_cast %add3A_253 : i32 to index
      %get3A_255 = memref.load %arg1[%get3A_254] : memref<2304xi32, #tpu.memory_space<smem>>
      %dma_start3A_256 = arith.constant 13 : i32
      %dma_start3A_257 = tpu.memref_slice %arg13[%select_n3A_30] : memref<2x!tpu.dma_semaphore, #tpu.memory_space<semaphore_mem>> -> memref<1x!tpu.dma_semaphore, #tpu.memory_space<semaphore_mem>>
      %dma_start3A_258 = tpu.memref_squeeze %dma_start3A_257 : memref<1x!tpu.dma_semaphore, #tpu.memory_space<semaphore_mem>> -> memref<!tpu.dma_semaphore, #tpu.memory_space<semaphore_mem>>
      %dma_start3A_259 = arith.constant 0 : i32
      %dma_start3A_260 = arith.constant 0 : i32
      %dma_start3A_261 = tpu.memref_slice %arg10[%select_n3A_30, %dma_start3A_256, %dma_start3A_259, %dma_start3A_260] : memref<2x32x16x900xbf16, #tpu.memory_space<vmem>> -> memref<1x1x16x900xbf16, #tpu.memory_space<vmem>>
      %dma_start3A_262 = tpu.memref_squeeze %dma_start3A_261 : memref<1x1x16x900xbf16, #tpu.memory_space<vmem>> -> memref<16x900xbf16, #tpu.memory_space<vmem>>
      %dma_start3A_263 = arith.constant 0 : i32
      %dma_start3A_264 = arith.constant 0 : i32
      %dma_start3A_265 = tpu.memref_slice %arg5[%get3A_255, %dma_start3A_263, %dma_start3A_264] : memref<1024x16x900xbf16, #tpu.memory_space<any>> -> memref<1x16x900xbf16, #tpu.memory_space<any>>
      %dma_start3A_266 = tpu.memref_squeeze %dma_start3A_265 : memref<1x16x900xbf16, #tpu.memory_space<any>> -> memref<16x900xbf16, #tpu.memory_space<any>>
      tpu.enqueue_dma source(%dma_start3A_266 : memref<16x900xbf16, #tpu.memory_space<any>>) target(%dma_start3A_262 : memref<16x900xbf16, #tpu.memory_space<vmem>>) target_semaphore(%dma_start3A_258 : memref<!tpu.dma_semaphore, #tpu.memory_space<semaphore_mem>>)
      %mul3A_267 = arith.constant 32 : i32
      %mul3A_268 = arith.muli %add3A_17, %mul3A_267 : i32
      %add3A_269 = arith.constant 14 : i32
      %add3A_270 = arith.addi %mul3A_268, %add3A_269 : i32
      %get3A_271 = arith.index_cast %add3A_270 : i32 to index
      %get3A_272 = memref.load %arg1[%get3A_271] : memref<2304xi32, #tpu.memory_space<smem>>
      %dma_start3A_273 = arith.constant 14 : i32
      %dma_start3A_274 = tpu.memref_slice %arg13[%select_n3A_30] : memref<2x!tpu.dma_semaphore, #tpu.memory_space<semaphore_mem>> -> memref<1x!tpu.dma_semaphore, #tpu.memory_space<semaphore_mem>>
      %dma_start3A_275 = tpu.memref_squeeze %dma_start3A_274 : memref<1x!tpu.dma_semaphore, #tpu.memory_space<semaphore_mem>> -> memref<!tpu.dma_semaphore, #tpu.memory_space<semaphore_mem>>
      %dma_start3A_276 = arith.constant 0 : i32
      %dma_start3A_277 = arith.constant 0 : i32
      %dma_start3A_278 = tpu.memref_slice %arg10[%select_n3A_30, %dma_start3A_273, %dma_start3A_276, %dma_start3A_277] : memref<2x32x16x900xbf16, #tpu.memory_space<vmem>> -> memref<1x1x16x900xbf16, #tpu.memory_space<vmem>>
      %dma_start3A_279 = tpu.memref_squeeze %dma_start3A_278 : memref<1x1x16x900xbf16, #tpu.memory_space<vmem>> -> memref<16x900xbf16, #tpu.memory_space<vmem>>
      %dma_start3A_280 = arith.constant 0 : i32
      %dma_start3A_281 = arith.constant 0 : i32
      %dma_start3A_282 = tpu.memref_slice %arg5[%get3A_272, %dma_start3A_280, %dma_start3A_281] : memref<1024x16x900xbf16, #tpu.memory_space<any>> -> memref<1x16x900xbf16, #tpu.memory_space<any>>
      %dma_start3A_283 = tpu.memref_squeeze %dma_start3A_282 : memref<1x16x900xbf16, #tpu.memory_space<any>> -> memref<16x900xbf16, #tpu.memory_space<any>>
      tpu.enqueue_dma source(%dma_start3A_283 : memref<16x900xbf16, #tpu.memory_space<any>>) target(%dma_start3A_279 : memref<16x900xbf16, #tpu.memory_space<vmem>>) target_semaphore(%dma_start3A_275 : memref<!tpu.dma_semaphore, #tpu.memory_space<semaphore_mem>>)
      %mul3A_284 = arith.constant 32 : i32
      %mul3A_285 = arith.muli %add3A_17, %mul3A_284 : i32
      %add3A_286 = arith.constant 15 : i32
      %add3A_287 = arith.addi %mul3A_285, %add3A_286 : i32
      %get3A_288 = arith.index_cast %add3A_287 : i32 to index
      %get3A_289 = memref.load %arg1[%get3A_288] : memref<2304xi32, #tpu.memory_space<smem>>
      %dma_start3A_290 = arith.constant 15 : i32
      %dma_start3A_291 = tpu.memref_slice %arg13[%select_n3A_30] : memref<2x!tpu.dma_semaphore, #tpu.memory_space<semaphore_mem>> -> memref<1x!tpu.dma_semaphore, #tpu.memory_space<semaphore_mem>>
      %dma_start3A_292 = tpu.memref_squeeze %dma_start3A_291 : memref<1x!tpu.dma_semaphore, #tpu.memory_space<semaphore_mem>> -> memref<!tpu.dma_semaphore, #tpu.memory_space<semaphore_mem>>
      %dma_start3A_293 = arith.constant 0 : i32
      %dma_start3A_294 = arith.constant 0 : i32
      %dma_start3A_295 = tpu.memref_slice %arg10[%select_n3A_30, %dma_start3A_290, %dma_start3A_293, %dma_start3A_294] : memref<2x32x16x900xbf16, #tpu.memory_space<vmem>> -> memref<1x1x16x900xbf16, #tpu.memory_space<vmem>>
      %dma_start3A_296 = tpu.memref_squeeze %dma_start3A_295 : memref<1x1x16x900xbf16, #tpu.memory_space<vmem>> -> memref<16x900xbf16, #tpu.memory_space<vmem>>
      %dma_start3A_297 = arith.constant 0 : i32
      %dma_start3A_298 = arith.constant 0 : i32
      %dma_start3A_299 = tpu.memref_slice %arg5[%get3A_289, %dma_start3A_297, %dma_start3A_298] : memref<1024x16x900xbf16, #tpu.memory_space<any>> -> memref<1x16x900xbf16, #tpu.memory_space<any>>
      %dma_start3A_300 = tpu.memref_squeeze %dma_start3A_299 : memref<1x16x900xbf16, #tpu.memory_space<any>> -> memref<16x900xbf16, #tpu.memory_space<any>>
      tpu.enqueue_dma source(%dma_start3A_300 : memref<16x900xbf16, #tpu.memory_space<any>>) target(%dma_start3A_296 : memref<16x900xbf16, #tpu.memory_space<vmem>>) target_semaphore(%dma_start3A_292 : memref<!tpu.dma_semaphore, #tpu.memory_space<semaphore_mem>>)
      %mul3A_301 = arith.constant 32 : i32
      %mul3A_302 = arith.muli %add3A_17, %mul3A_301 : i32
      %add3A_303 = arith.constant 16 : i32
      %add3A_304 = arith.addi %mul3A_302, %add3A_303 : i32
      %get3A_305 = arith.index_cast %add3A_304 : i32 to index
      %get3A_306 = memref.load %arg1[%get3A_305] : memref<2304xi32, #tpu.memory_space<smem>>
      %dma_start3A_307 = arith.constant 16 : i32
      %dma_start3A_308 = tpu.memref_slice %arg13[%select_n3A_30] : memref<2x!tpu.dma_semaphore, #tpu.memory_space<semaphore_mem>> -> memref<1x!tpu.dma_semaphore, #tpu.memory_space<semaphore_mem>>
      %dma_start3A_309 = tpu.memref_squeeze %dma_start3A_308 : memref<1x!tpu.dma_semaphore, #tpu.memory_space<semaphore_mem>> -> memref<!tpu.dma_semaphore, #tpu.memory_space<semaphore_mem>>
      %dma_start3A_310 = arith.constant 0 : i32
      %dma_start3A_311 = arith.constant 0 : i32
      %dma_start3A_312 = tpu.memref_slice %arg10[%select_n3A_30, %dma_start3A_307, %dma_start3A_310, %dma_start3A_311] : memref<2x32x16x900xbf16, #tpu.memory_space<vmem>> -> memref<1x1x16x900xbf16, #tpu.memory_space<vmem>>
      %dma_start3A_313 = tpu.memref_squeeze %dma_start3A_312 : memref<1x1x16x900xbf16, #tpu.memory_space<vmem>> -> memref<16x900xbf16, #tpu.memory_space<vmem>>
      %dma_start3A_314 = arith.constant 0 : i32
      %dma_start3A_315 = arith.constant 0 : i32
      %dma_start3A_316 = tpu.memref_slice %arg5[%get3A_306, %dma_start3A_314, %dma_start3A_315] : memref<1024x16x900xbf16, #tpu.memory_space<any>> -> memref<1x16x900xbf16, #tpu.memory_space<any>>
      %dma_start3A_317 = tpu.memref_squeeze %dma_start3A_316 : memref<1x16x900xbf16, #tpu.memory_space<any>> -> memref<16x900xbf16, #tpu.memory_space<any>>
      tpu.enqueue_dma source(%dma_start3A_317 : memref<16x900xbf16, #tpu.memory_space<any>>) target(%dma_start3A_313 : memref<16x900xbf16, #tpu.memory_space<vmem>>) target_semaphore(%dma_start3A_309 : memref<!tpu.dma_semaphore, #tpu.memory_space<semaphore_mem>>)
      %mul3A_318 = arith.constant 32 : i32
      %mul3A_319 = arith.muli %add3A_17, %mul3A_318 : i32
      %add3A_320 = arith.constant 17 : i32
      %add3A_321 = arith.addi %mul3A_319, %add3A_320 : i32
      %get3A_322 = arith.index_cast %add3A_321 : i32 to index
      %get3A_323 = memref.load %arg1[%get3A_322] : memref<2304xi32, #tpu.memory_space<smem>>
      %dma_start3A_324 = arith.constant 17 : i32
      %dma_start3A_325 = tpu.memref_slice %arg13[%select_n3A_30] : memref<2x!tpu.dma_semaphore, #tpu.memory_space<semaphore_mem>> -> memref<1x!tpu.dma_semaphore, #tpu.memory_space<semaphore_mem>>
      %dma_start3A_326 = tpu.memref_squeeze %dma_start3A_325 : memref<1x!tpu.dma_semaphore, #tpu.memory_space<semaphore_mem>> -> memref<!tpu.dma_semaphore, #tpu.memory_space<semaphore_mem>>
      %dma_start3A_327 = arith.constant 0 : i32
      %dma_start3A_328 = arith.constant 0 : i32
      %dma_start3A_329 = tpu.memref_slice %arg10[%select_n3A_30, %dma_start3A_324, %dma_start3A_327, %dma_start3A_328] : memref<2x32x16x900xbf16, #tpu.memory_space<vmem>> -> memref<1x1x16x900xbf16, #tpu.memory_space<vmem>>
      %dma_start3A_330 = tpu.memref_squeeze %dma_start3A_329 : memref<1x1x16x900xbf16, #tpu.memory_space<vmem>> -> memref<16x900xbf16, #tpu.memory_space<vmem>>
      %dma_start3A_331 = arith.constant 0 : i32
      %dma_start3A_332 = arith.constant 0 : i32
      %dma_start3A_333 = tpu.memref_slice %arg5[%get3A_323, %dma_start3A_331, %dma_start3A_332] : memref<1024x16x900xbf16, #tpu.memory_space<any>> -> memref<1x16x900xbf16, #tpu.memory_space<any>>
      %dma_start3A_334 = tpu.memref_squeeze %dma_start3A_333 : memref<1x16x900xbf16, #tpu.memory_space<any>> -> memref<16x900xbf16, #tpu.memory_space<any>>
      tpu.enqueue_dma source(%dma_start3A_334 : memref<16x900xbf16, #tpu.memory_space<any>>) target(%dma_start3A_330 : memref<16x900xbf16, #tpu.memory_space<vmem>>) target_semaphore(%dma_start3A_326 : memref<!tpu.dma_semaphore, #tpu.memory_space<semaphore_mem>>)
      %mul3A_335 = arith.constant 32 : i32
      %mul3A_336 = arith.muli %add3A_17, %mul3A_335 : i32
      %add3A_337 = arith.constant 18 : i32
      %add3A_338 = arith.addi %mul3A_336, %add3A_337 : i32
      %get3A_339 = arith.index_cast %add3A_338 : i32 to index
      %get3A_340 = memref.load %arg1[%get3A_339] : memref<2304xi32, #tpu.memory_space<smem>>
      %dma_start3A_341 = arith.constant 18 : i32
      %dma_start3A_342 = tpu.memref_slice %arg13[%select_n3A_30] : memref<2x!tpu.dma_semaphore, #tpu.memory_space<semaphore_mem>> -> memref<1x!tpu.dma_semaphore, #tpu.memory_space<semaphore_mem>>
      %dma_start3A_343 = tpu.memref_squeeze %dma_start3A_342 : memref<1x!tpu.dma_semaphore, #tpu.memory_space<semaphore_mem>> -> memref<!tpu.dma_semaphore, #tpu.memory_space<semaphore_mem>>
      %dma_start3A_344 = arith.constant 0 : i32
      %dma_start3A_345 = arith.constant 0 : i32
      %dma_start3A_346 = tpu.memref_slice %arg10[%select_n3A_30, %dma_start3A_341, %dma_start3A_344, %dma_start3A_345] : memref<2x32x16x900xbf16, #tpu.memory_space<vmem>> -> memref<1x1x16x900xbf16, #tpu.memory_space<vmem>>
      %dma_start3A_347 = tpu.memref_squeeze %dma_start3A_346 : memref<1x1x16x900xbf16, #tpu.memory_space<vmem>> -> memref<16x900xbf16, #tpu.memory_space<vmem>>
      %dma_start3A_348 = arith.constant 0 : i32
      %dma_start3A_349 = arith.constant 0 : i32
      %dma_start3A_350 = tpu.memref_slice %arg5[%get3A_340, %dma_start3A_348, %dma_start3A_349] : memref<1024x16x900xbf16, #tpu.memory_space<any>> -> memref<1x16x900xbf16, #tpu.memory_space<any>>
      %dma_start3A_351 = tpu.memref_squeeze %dma_start3A_350 : memref<1x16x900xbf16, #tpu.memory_space<any>> -> memref<16x900xbf16, #tpu.memory_space<any>>
      tpu.enqueue_dma source(%dma_start3A_351 : memref<16x900xbf16, #tpu.memory_space<any>>) target(%dma_start3A_347 : memref<16x900xbf16, #tpu.memory_space<vmem>>) target_semaphore(%dma_start3A_343 : memref<!tpu.dma_semaphore, #tpu.memory_space<semaphore_mem>>)
      %mul3A_352 = arith.constant 32 : i32
      %mul3A_353 = arith.muli %add3A_17, %mul3A_352 : i32
      %add3A_354 = arith.constant 19 : i32
      %add3A_355 = arith.addi %mul3A_353, %add3A_354 : i32
      %get3A_356 = arith.index_cast %add3A_355 : i32 to index
      %get3A_357 = memref.load %arg1[%get3A_356] : memref<2304xi32, #tpu.memory_space<smem>>
      %dma_start3A_358 = arith.constant 19 : i32
      %dma_start3A_359 = tpu.memref_slice %arg13[%select_n3A_30] : memref<2x!tpu.dma_semaphore, #tpu.memory_space<semaphore_mem>> -> memref<1x!tpu.dma_semaphore, #tpu.memory_space<semaphore_mem>>
      %dma_start3A_360 = tpu.memref_squeeze %dma_start3A_359 : memref<1x!tpu.dma_semaphore, #tpu.memory_space<semaphore_mem>> -> memref<!tpu.dma_semaphore, #tpu.memory_space<semaphore_mem>>
      %dma_start3A_361 = arith.constant 0 : i32
      %dma_start3A_362 = arith.constant 0 : i32
      %dma_start3A_363 = tpu.memref_slice %arg10[%select_n3A_30, %dma_start3A_358, %dma_start3A_361, %dma_start3A_362] : memref<2x32x16x900xbf16, #tpu.memory_space<vmem>> -> memref<1x1x16x900xbf16, #tpu.memory_space<vmem>>
      %dma_start3A_364 = tpu.memref_squeeze %dma_start3A_363 : memref<1x1x16x900xbf16, #tpu.memory_space<vmem>> -> memref<16x900xbf16, #tpu.memory_space<vmem>>
      %dma_start3A_365 = arith.constant 0 : i32
      %dma_start3A_366 = arith.constant 0 : i32
      %dma_start3A_367 = tpu.memref_slice %arg5[%get3A_357, %dma_start3A_365, %dma_start3A_366] : memref<1024x16x900xbf16, #tpu.memory_space<any>> -> memref<1x16x900xbf16, #tpu.memory_space<any>>
      %dma_start3A_368 = tpu.memref_squeeze %dma_start3A_367 : memref<1x16x900xbf16, #tpu.memory_space<any>> -> memref<16x900xbf16, #tpu.memory_space<any>>
      tpu.enqueue_dma source(%dma_start3A_368 : memref<16x900xbf16, #tpu.memory_space<any>>) target(%dma_start3A_364 : memref<16x900xbf16, #tpu.memory_space<vmem>>) target_semaphore(%dma_start3A_360 : memref<!tpu.dma_semaphore, #tpu.memory_space<semaphore_mem>>)
      %mul3A_369 = arith.constant 32 : i32
      %mul3A_370 = arith.muli %add3A_17, %mul3A_369 : i32
      %add3A_371 = arith.constant 20 : i32
      %add3A_372 = arith.addi %mul3A_370, %add3A_371 : i32
      %get3A_373 = arith.index_cast %add3A_372 : i32 to index
      %get3A_374 = memref.load %arg1[%get3A_373] : memref<2304xi32, #tpu.memory_space<smem>>
      %dma_start3A_375 = arith.constant 20 : i32
      %dma_start3A_376 = tpu.memref_slice %arg13[%select_n3A_30] : memref<2x!tpu.dma_semaphore, #tpu.memory_space<semaphore_mem>> -> memref<1x!tpu.dma_semaphore, #tpu.memory_space<semaphore_mem>>
      %dma_start3A_377 = tpu.memref_squeeze %dma_start3A_376 : memref<1x!tpu.dma_semaphore, #tpu.memory_space<semaphore_mem>> -> memref<!tpu.dma_semaphore, #tpu.memory_space<semaphore_mem>>
      %dma_start3A_378 = arith.constant 0 : i32
      %dma_start3A_379 = arith.constant 0 : i32
      %dma_start3A_380 = tpu.memref_slice %arg10[%select_n3A_30, %dma_start3A_375, %dma_start3A_378, %dma_start3A_379] : memref<2x32x16x900xbf16, #tpu.memory_space<vmem>> -> memref<1x1x16x900xbf16, #tpu.memory_space<vmem>>
      %dma_start3A_381 = tpu.memref_squeeze %dma_start3A_380 : memref<1x1x16x900xbf16, #tpu.memory_space<vmem>> -> memref<16x900xbf16, #tpu.memory_space<vmem>>
      %dma_start3A_382 = arith.constant 0 : i32
      %dma_start3A_383 = arith.constant 0 : i32
      %dma_start3A_384 = tpu.memref_slice %arg5[%get3A_374, %dma_start3A_382, %dma_start3A_383] : memref<1024x16x900xbf16, #tpu.memory_space<any>> -> memref<1x16x900xbf16, #tpu.memory_space<any>>
      %dma_start3A_385 = tpu.memref_squeeze %dma_start3A_384 : memref<1x16x900xbf16, #tpu.memory_space<any>> -> memref<16x900xbf16, #tpu.memory_space<any>>
      tpu.enqueue_dma source(%dma_start3A_385 : memref<16x900xbf16, #tpu.memory_space<any>>) target(%dma_start3A_381 : memref<16x900xbf16, #tpu.memory_space<vmem>>) target_semaphore(%dma_start3A_377 : memref<!tpu.dma_semaphore, #tpu.memory_space<semaphore_mem>>)
      %mul3A_386 = arith.constant 32 : i32
      %mul3A_387 = arith.muli %add3A_17, %mul3A_386 : i32
      %add3A_388 = arith.constant 21 : i32
      %add3A_389 = arith.addi %mul3A_387, %add3A_388 : i32
      %get3A_390 = arith.index_cast %add3A_389 : i32 to index
      %get3A_391 = memref.load %arg1[%get3A_390] : memref<2304xi32, #tpu.memory_space<smem>>
      %dma_start3A_392 = arith.constant 21 : i32
      %dma_start3A_393 = tpu.memref_slice %arg13[%select_n3A_30] : memref<2x!tpu.dma_semaphore, #tpu.memory_space<semaphore_mem>> -> memref<1x!tpu.dma_semaphore, #tpu.memory_space<semaphore_mem>>
      %dma_start3A_394 = tpu.memref_squeeze %dma_start3A_393 : memref<1x!tpu.dma_semaphore, #tpu.memory_space<semaphore_mem>> -> memref<!tpu.dma_semaphore, #tpu.memory_space<semaphore_mem>>
      %dma_start3A_395 = arith.constant 0 : i32
      %dma_start3A_396 = arith.constant 0 : i32
      %dma_start3A_397 = tpu.memref_slice %arg10[%select_n3A_30, %dma_start3A_392, %dma_start3A_395, %dma_start3A_396] : memref<2x32x16x900xbf16, #tpu.memory_space<vmem>> -> memref<1x1x16x900xbf16, #tpu.memory_space<vmem>>
      %dma_start3A_398 = tpu.memref_squeeze %dma_start3A_397 : memref<1x1x16x900xbf16, #tpu.memory_space<vmem>> -> memref<16x900xbf16, #tpu.memory_space<vmem>>
      %dma_start3A_399 = arith.constant 0 : i32
      %dma_start3A_400 = arith.constant 0 : i32
      %dma_start3A_401 = tpu.memref_slice %arg5[%get3A_391, %dma_start3A_399, %dma_start3A_400] : memref<1024x16x900xbf16, #tpu.memory_space<any>> -> memref<1x16x900xbf16, #tpu.memory_space<any>>
      %dma_start3A_402 = tpu.memref_squeeze %dma_start3A_401 : memref<1x16x900xbf16, #tpu.memory_space<any>> -> memref<16x900xbf16, #tpu.memory_space<any>>
      tpu.enqueue_dma source(%dma_start3A_402 : memref<16x900xbf16, #tpu.memory_space<any>>) target(%dma_start3A_398 : memref<16x900xbf16, #tpu.memory_space<vmem>>) target_semaphore(%dma_start3A_394 : memref<!tpu.dma_semaphore, #tpu.memory_space<semaphore_mem>>)
      %mul3A_403 = arith.constant 32 : i32
      %mul3A_404 = arith.muli %add3A_17, %mul3A_403 : i32
      %add3A_405 = arith.constant 22 : i32
      %add3A_406 = arith.addi %mul3A_404, %add3A_405 : i32
      %get3A_407 = arith.index_cast %add3A_406 : i32 to index
      %get3A_408 = memref.load %arg1[%get3A_407] : memref<2304xi32, #tpu.memory_space<smem>>
      %dma_start3A_409 = arith.constant 22 : i32
      %dma_start3A_410 = tpu.memref_slice %arg13[%select_n3A_30] : memref<2x!tpu.dma_semaphore, #tpu.memory_space<semaphore_mem>> -> memref<1x!tpu.dma_semaphore, #tpu.memory_space<semaphore_mem>>
      %dma_start3A_411 = tpu.memref_squeeze %dma_start3A_410 : memref<1x!tpu.dma_semaphore, #tpu.memory_space<semaphore_mem>> -> memref<!tpu.dma_semaphore, #tpu.memory_space<semaphore_mem>>
      %dma_start3A_412 = arith.constant 0 : i32
      %dma_start3A_413 = arith.constant 0 : i32
      %dma_start3A_414 = tpu.memref_slice %arg10[%select_n3A_30, %dma_start3A_409, %dma_start3A_412, %dma_start3A_413] : memref<2x32x16x900xbf16, #tpu.memory_space<vmem>> -> memref<1x1x16x900xbf16, #tpu.memory_space<vmem>>
      %dma_start3A_415 = tpu.memref_squeeze %dma_start3A_414 : memref<1x1x16x900xbf16, #tpu.memory_space<vmem>> -> memref<16x900xbf16, #tpu.memory_space<vmem>>
      %dma_start3A_416 = arith.constant 0 : i32
      %dma_start3A_417 = arith.constant 0 : i32
      %dma_start3A_418 = tpu.memref_slice %arg5[%get3A_408, %dma_start3A_416, %dma_start3A_417] : memref<1024x16x900xbf16, #tpu.memory_space<any>> -> memref<1x16x900xbf16, #tpu.memory_space<any>>
      %dma_start3A_419 = tpu.memref_squeeze %dma_start3A_418 : memref<1x16x900xbf16, #tpu.memory_space<any>> -> memref<16x900xbf16, #tpu.memory_space<any>>
      tpu.enqueue_dma source(%dma_start3A_419 : memref<16x900xbf16, #tpu.memory_space<any>>) target(%dma_start3A_415 : memref<16x900xbf16, #tpu.memory_space<vmem>>) target_semaphore(%dma_start3A_411 : memref<!tpu.dma_semaphore, #tpu.memory_space<semaphore_mem>>)
      %mul3A_420 = arith.constant 32 : i32
      %mul3A_421 = arith.muli %add3A_17, %mul3A_420 : i32
      %add3A_422 = arith.constant 23 : i32
      %add3A_423 = arith.addi %mul3A_421, %add3A_422 : i32
      %get3A_424 = arith.index_cast %add3A_423 : i32 to index
      %get3A_425 = memref.load %arg1[%get3A_424] : memref<2304xi32, #tpu.memory_space<smem>>
      %dma_start3A_426 = arith.constant 23 : i32
      %dma_start3A_427 = tpu.memref_slice %arg13[%select_n3A_30] : memref<2x!tpu.dma_semaphore, #tpu.memory_space<semaphore_mem>> -> memref<1x!tpu.dma_semaphore, #tpu.memory_space<semaphore_mem>>
      %dma_start3A_428 = tpu.memref_squeeze %dma_start3A_427 : memref<1x!tpu.dma_semaphore, #tpu.memory_space<semaphore_mem>> -> memref<!tpu.dma_semaphore, #tpu.memory_space<semaphore_mem>>
      %dma_start3A_429 = arith.constant 0 : i32
      %dma_start3A_430 = arith.constant 0 : i32
      %dma_start3A_431 = tpu.memref_slice %arg10[%select_n3A_30, %dma_start3A_426, %dma_start3A_429, %dma_start3A_430] : memref<2x32x16x900xbf16, #tpu.memory_space<vmem>> -> memref<1x1x16x900xbf16, #tpu.memory_space<vmem>>
      %dma_start3A_432 = tpu.memref_squeeze %dma_start3A_431 : memref<1x1x16x900xbf16, #tpu.memory_space<vmem>> -> memref<16x900xbf16, #tpu.memory_space<vmem>>
      %dma_start3A_433 = arith.constant 0 : i32
      %dma_start3A_434 = arith.constant 0 : i32
      %dma_start3A_435 = tpu.memref_slice %arg5[%get3A_425, %dma_start3A_433, %dma_start3A_434] : memref<1024x16x900xbf16, #tpu.memory_space<any>> -> memref<1x16x900xbf16, #tpu.memory_space<any>>
      %dma_start3A_436 = tpu.memref_squeeze %dma_start3A_435 : memref<1x16x900xbf16, #tpu.memory_space<any>> -> memref<16x900xbf16, #tpu.memory_space<any>>
      tpu.enqueue_dma source(%dma_start3A_436 : memref<16x900xbf16, #tpu.memory_space<any>>) target(%dma_start3A_432 : memref<16x900xbf16, #tpu.memory_space<vmem>>) target_semaphore(%dma_start3A_428 : memref<!tpu.dma_semaphore, #tpu.memory_space<semaphore_mem>>)
      %mul3A_437 = arith.constant 32 : i32
      %mul3A_438 = arith.muli %add3A_17, %mul3A_437 : i32
      %add3A_439 = arith.constant 24 : i32
      %add3A_440 = arith.addi %mul3A_438, %add3A_439 : i32
      %get3A_441 = arith.index_cast %add3A_440 : i32 to index
      %get3A_442 = memref.load %arg1[%get3A_441] : memref<2304xi32, #tpu.memory_space<smem>>
      %dma_start3A_443 = arith.constant 24 : i32
      %dma_start3A_444 = tpu.memref_slice %arg13[%select_n3A_30] : memref<2x!tpu.dma_semaphore, #tpu.memory_space<semaphore_mem>> -> memref<1x!tpu.dma_semaphore, #tpu.memory_space<semaphore_mem>>
      %dma_start3A_445 = tpu.memref_squeeze %dma_start3A_444 : memref<1x!tpu.dma_semaphore, #tpu.memory_space<semaphore_mem>> -> memref<!tpu.dma_semaphore, #tpu.memory_space<semaphore_mem>>
      %dma_start3A_446 = arith.constant 0 : i32
      %dma_start3A_447 = arith.constant 0 : i32
      %dma_start3A_448 = tpu.memref_slice %arg10[%select_n3A_30, %dma_start3A_443, %dma_start3A_446, %dma_start3A_447] : memref<2x32x16x900xbf16, #tpu.memory_space<vmem>> -> memref<1x1x16x900xbf16, #tpu.memory_space<vmem>>
      %dma_start3A_449 = tpu.memref_squeeze %dma_start3A_448 : memref<1x1x16x900xbf16, #tpu.memory_space<vmem>> -> memref<16x900xbf16, #tpu.memory_space<vmem>>
      %dma_start3A_450 = arith.constant 0 : i32
      %dma_start3A_451 = arith.constant 0 : i32
      %dma_start3A_452 = tpu.memref_slice %arg5[%get3A_442, %dma_start3A_450, %dma_start3A_451] : memref<1024x16x900xbf16, #tpu.memory_space<any>> -> memref<1x16x900xbf16, #tpu.memory_space<any>>
      %dma_start3A_453 = tpu.memref_squeeze %dma_start3A_452 : memref<1x16x900xbf16, #tpu.memory_space<any>> -> memref<16x900xbf16, #tpu.memory_space<any>>
      tpu.enqueue_dma source(%dma_start3A_453 : memref<16x900xbf16, #tpu.memory_space<any>>) target(%dma_start3A_449 : memref<16x900xbf16, #tpu.memory_space<vmem>>) target_semaphore(%dma_start3A_445 : memref<!tpu.dma_semaphore, #tpu.memory_space<semaphore_mem>>)
      %mul3A_454 = arith.constant 32 : i32
      %mul3A_455 = arith.muli %add3A_17, %mul3A_454 : i32
      %add3A_456 = arith.constant 25 : i32
      %add3A_457 = arith.addi %mul3A_455, %add3A_456 : i32
      %get3A_458 = arith.index_cast %add3A_457 : i32 to index
      %get3A_459 = memref.load %arg1[%get3A_458] : memref<2304xi32, #tpu.memory_space<smem>>
      %dma_start3A_460 = arith.constant 25 : i32
      %dma_start3A_461 = tpu.memref_slice %arg13[%select_n3A_30] : memref<2x!tpu.dma_semaphore, #tpu.memory_space<semaphore_mem>> -> memref<1x!tpu.dma_semaphore, #tpu.memory_space<semaphore_mem>>
      %dma_start3A_462 = tpu.memref_squeeze %dma_start3A_461 : memref<1x!tpu.dma_semaphore, #tpu.memory_space<semaphore_mem>> -> memref<!tpu.dma_semaphore, #tpu.memory_space<semaphore_mem>>
      %dma_start3A_463 = arith.constant 0 : i32
      %dma_start3A_464 = arith.constant 0 : i32
      %dma_start3A_465 = tpu.memref_slice %arg10[%select_n3A_30, %dma_start3A_460, %dma_start3A_463, %dma_start3A_464] : memref<2x32x16x900xbf16, #tpu.memory_space<vmem>> -> memref<1x1x16x900xbf16, #tpu.memory_space<vmem>>
      %dma_start3A_466 = tpu.memref_squeeze %dma_start3A_465 : memref<1x1x16x900xbf16, #tpu.memory_space<vmem>> -> memref<16x900xbf16, #tpu.memory_space<vmem>>
      %dma_start3A_467 = arith.constant 0 : i32
      %dma_start3A_468 = arith.constant 0 : i32
      %dma_start3A_469 = tpu.memref_slice %arg5[%get3A_459, %dma_start3A_467, %dma_start3A_468] : memref<1024x16x900xbf16, #tpu.memory_space<any>> -> memref<1x16x900xbf16, #tpu.memory_space<any>>
      %dma_start3A_470 = tpu.memref_squeeze %dma_start3A_469 : memref<1x16x900xbf16, #tpu.memory_space<any>> -> memref<16x900xbf16, #tpu.memory_space<any>>
      tpu.enqueue_dma source(%dma_start3A_470 : memref<16x900xbf16, #tpu.memory_space<any>>) target(%dma_start3A_466 : memref<16x900xbf16, #tpu.memory_space<vmem>>) target_semaphore(%dma_start3A_462 : memref<!tpu.dma_semaphore, #tpu.memory_space<semaphore_mem>>)
      %mul3A_471 = arith.constant 32 : i32
      %mul3A_472 = arith.muli %add3A_17, %mul3A_471 : i32
      %add3A_473 = arith.constant 26 : i32
      %add3A_474 = arith.addi %mul3A_472, %add3A_473 : i32
      %get3A_475 = arith.index_cast %add3A_474 : i32 to index
      %get3A_476 = memref.load %arg1[%get3A_475] : memref<2304xi32, #tpu.memory_space<smem>>
      %dma_start3A_477 = arith.constant 26 : i32
      %dma_start3A_478 = tpu.memref_slice %arg13[%select_n3A_30] : memref<2x!tpu.dma_semaphore, #tpu.memory_space<semaphore_mem>> -> memref<1x!tpu.dma_semaphore, #tpu.memory_space<semaphore_mem>>
      %dma_start3A_479 = tpu.memref_squeeze %dma_start3A_478 : memref<1x!tpu.dma_semaphore, #tpu.memory_space<semaphore_mem>> -> memref<!tpu.dma_semaphore, #tpu.memory_space<semaphore_mem>>
      %dma_start3A_480 = arith.constant 0 : i32
      %dma_start3A_481 = arith.constant 0 : i32
      %dma_start3A_482 = tpu.memref_slice %arg10[%select_n3A_30, %dma_start3A_477, %dma_start3A_480, %dma_start3A_481] : memref<2x32x16x900xbf16, #tpu.memory_space<vmem>> -> memref<1x1x16x900xbf16, #tpu.memory_space<vmem>>
      %dma_start3A_483 = tpu.memref_squeeze %dma_start3A_482 : memref<1x1x16x900xbf16, #tpu.memory_space<vmem>> -> memref<16x900xbf16, #tpu.memory_space<vmem>>
      %dma_start3A_484 = arith.constant 0 : i32
      %dma_start3A_485 = arith.constant 0 : i32
      %dma_start3A_486 = tpu.memref_slice %arg5[%get3A_476, %dma_start3A_484, %dma_start3A_485] : memref<1024x16x900xbf16, #tpu.memory_space<any>> -> memref<1x16x900xbf16, #tpu.memory_space<any>>
      %dma_start3A_487 = tpu.memref_squeeze %dma_start3A_486 : memref<1x16x900xbf16, #tpu.memory_space<any>> -> memref<16x900xbf16, #tpu.memory_space<any>>
      tpu.enqueue_dma source(%dma_start3A_487 : memref<16x900xbf16, #tpu.memory_space<any>>) target(%dma_start3A_483 : memref<16x900xbf16, #tpu.memory_space<vmem>>) target_semaphore(%dma_start3A_479 : memref<!tpu.dma_semaphore, #tpu.memory_space<semaphore_mem>>)
      %mul3A_488 = arith.constant 32 : i32
      %mul3A_489 = arith.muli %add3A_17, %mul3A_488 : i32
      %add3A_490 = arith.constant 27 : i32
      %add3A_491 = arith.addi %mul3A_489, %add3A_490 : i32
      %get3A_492 = arith.index_cast %add3A_491 : i32 to index
      %get3A_493 = memref.load %arg1[%get3A_492] : memref<2304xi32, #tpu.memory_space<smem>>
      %dma_start3A_494 = arith.constant 27 : i32
      %dma_start3A_495 = tpu.memref_slice %arg13[%select_n3A_30] : memref<2x!tpu.dma_semaphore, #tpu.memory_space<semaphore_mem>> -> memref<1x!tpu.dma_semaphore, #tpu.memory_space<semaphore_mem>>
      %dma_start3A_496 = tpu.memref_squeeze %dma_start3A_495 : memref<1x!tpu.dma_semaphore, #tpu.memory_space<semaphore_mem>> -> memref<!tpu.dma_semaphore, #tpu.memory_space<semaphore_mem>>
      %dma_start3A_497 = arith.constant 0 : i32
      %dma_start3A_498 = arith.constant 0 : i32
      %dma_start3A_499 = tpu.memref_slice %arg10[%select_n3A_30, %dma_start3A_494, %dma_start3A_497, %dma_start3A_498] : memref<2x32x16x900xbf16, #tpu.memory_space<vmem>> -> memref<1x1x16x900xbf16, #tpu.memory_space<vmem>>
      %dma_start3A_500 = tpu.memref_squeeze %dma_start3A_499 : memref<1x1x16x900xbf16, #tpu.memory_space<vmem>> -> memref<16x900xbf16, #tpu.memory_space<vmem>>
      %dma_start3A_501 = arith.constant 0 : i32
      %dma_start3A_502 = arith.constant 0 : i32
      %dma_start3A_503 = tpu.memref_slice %arg5[%get3A_493, %dma_start3A_501, %dma_start3A_502] : memref<1024x16x900xbf16, #tpu.memory_space<any>> -> memref<1x16x900xbf16, #tpu.memory_space<any>>
      %dma_start3A_504 = tpu.memref_squeeze %dma_start3A_503 : memref<1x16x900xbf16, #tpu.memory_space<any>> -> memref<16x900xbf16, #tpu.memory_space<any>>
      tpu.enqueue_dma source(%dma_start3A_504 : memref<16x900xbf16, #tpu.memory_space<any>>) target(%dma_start3A_500 : memref<16x900xbf16, #tpu.memory_space<vmem>>) target_semaphore(%dma_start3A_496 : memref<!tpu.dma_semaphore, #tpu.memory_space<semaphore_mem>>)
      %mul3A_505 = arith.constant 32 : i32
      %mul3A_506 = arith.muli %add3A_17, %mul3A_505 : i32
      %add3A_507 = arith.constant 28 : i32
      %add3A_508 = arith.addi %mul3A_506, %add3A_507 : i32
      %get3A_509 = arith.index_cast %add3A_508 : i32 to index
      %get3A_510 = memref.load %arg1[%get3A_509] : memref<2304xi32, #tpu.memory_space<smem>>
      %dma_start3A_511 = arith.constant 28 : i32
      %dma_start3A_512 = tpu.memref_slice %arg13[%select_n3A_30] : memref<2x!tpu.dma_semaphore, #tpu.memory_space<semaphore_mem>> -> memref<1x!tpu.dma_semaphore, #tpu.memory_space<semaphore_mem>>
      %dma_start3A_513 = tpu.memref_squeeze %dma_start3A_512 : memref<1x!tpu.dma_semaphore, #tpu.memory_space<semaphore_mem>> -> memref<!tpu.dma_semaphore, #tpu.memory_space<semaphore_mem>>
      %dma_start3A_514 = arith.constant 0 : i32
      %dma_start3A_515 = arith.constant 0 : i32
      %dma_start3A_516 = tpu.memref_slice %arg10[%select_n3A_30, %dma_start3A_511, %dma_start3A_514, %dma_start3A_515] : memref<2x32x16x900xbf16, #tpu.memory_space<vmem>> -> memref<1x1x16x900xbf16, #tpu.memory_space<vmem>>
      %dma_start3A_517 = tpu.memref_squeeze %dma_start3A_516 : memref<1x1x16x900xbf16, #tpu.memory_space<vmem>> -> memref<16x900xbf16, #tpu.memory_space<vmem>>
      %dma_start3A_518 = arith.constant 0 : i32
      %dma_start3A_519 = arith.constant 0 : i32
      %dma_start3A_520 = tpu.memref_slice %arg5[%get3A_510, %dma_start3A_518, %dma_start3A_519] : memref<1024x16x900xbf16, #tpu.memory_space<any>> -> memref<1x16x900xbf16, #tpu.memory_space<any>>
      %dma_start3A_521 = tpu.memref_squeeze %dma_start3A_520 : memref<1x16x900xbf16, #tpu.memory_space<any>> -> memref<16x900xbf16, #tpu.memory_space<any>>
      tpu.enqueue_dma source(%dma_start3A_521 : memref<16x900xbf16, #tpu.memory_space<any>>) target(%dma_start3A_517 : memref<16x900xbf16, #tpu.memory_space<vmem>>) target_semaphore(%dma_start3A_513 : memref<!tpu.dma_semaphore, #tpu.memory_space<semaphore_mem>>)
      %mul3A_522 = arith.constant 32 : i32
      %mul3A_523 = arith.muli %add3A_17, %mul3A_522 : i32
      %add3A_524 = arith.constant 29 : i32
      %add3A_525 = arith.addi %mul3A_523, %add3A_524 : i32
      %get3A_526 = arith.index_cast %add3A_525 : i32 to index
      %get3A_527 = memref.load %arg1[%get3A_526] : memref<2304xi32, #tpu.memory_space<smem>>
      %dma_start3A_528 = arith.constant 29 : i32
      %dma_start3A_529 = tpu.memref_slice %arg13[%select_n3A_30] : memref<2x!tpu.dma_semaphore, #tpu.memory_space<semaphore_mem>> -> memref<1x!tpu.dma_semaphore, #tpu.memory_space<semaphore_mem>>
      %dma_start3A_530 = tpu.memref_squeeze %dma_start3A_529 : memref<1x!tpu.dma_semaphore, #tpu.memory_space<semaphore_mem>> -> memref<!tpu.dma_semaphore, #tpu.memory_space<semaphore_mem>>
      %dma_start3A_531 = arith.constant 0 : i32
      %dma_start3A_532 = arith.constant 0 : i32
      %dma_start3A_533 = tpu.memref_slice %arg10[%select_n3A_30, %dma_start3A_528, %dma_start3A_531, %dma_start3A_532] : memref<2x32x16x900xbf16, #tpu.memory_space<vmem>> -> memref<1x1x16x900xbf16, #tpu.memory_space<vmem>>
      %dma_start3A_534 = tpu.memref_squeeze %dma_start3A_533 : memref<1x1x16x900xbf16, #tpu.memory_space<vmem>> -> memref<16x900xbf16, #tpu.memory_space<vmem>>
      %dma_start3A_535 = arith.constant 0 : i32
      %dma_start3A_536 = arith.constant 0 : i32
      %dma_start3A_537 = tpu.memref_slice %arg5[%get3A_527, %dma_start3A_535, %dma_start3A_536] : memref<1024x16x900xbf16, #tpu.memory_space<any>> -> memref<1x16x900xbf16, #tpu.memory_space<any>>
      %dma_start3A_538 = tpu.memref_squeeze %dma_start3A_537 : memref<1x16x900xbf16, #tpu.memory_space<any>> -> memref<16x900xbf16, #tpu.memory_space<any>>
      tpu.enqueue_dma source(%dma_start3A_538 : memref<16x900xbf16, #tpu.memory_space<any>>) target(%dma_start3A_534 : memref<16x900xbf16, #tpu.memory_space<vmem>>) target_semaphore(%dma_start3A_530 : memref<!tpu.dma_semaphore, #tpu.memory_space<semaphore_mem>>)
      %mul3A_539 = arith.constant 32 : i32
      %mul3A_540 = arith.muli %add3A_17, %mul3A_539 : i32
      %add3A_541 = arith.constant 30 : i32
      %add3A_542 = arith.addi %mul3A_540, %add3A_541 : i32
      %get3A_543 = arith.index_cast %add3A_542 : i32 to index
      %get3A_544 = memref.load %arg1[%get3A_543] : memref<2304xi32, #tpu.memory_space<smem>>
      %dma_start3A_545 = arith.constant 30 : i32
      %dma_start3A_546 = tpu.memref_slice %arg13[%select_n3A_30] : memref<2x!tpu.dma_semaphore, #tpu.memory_space<semaphore_mem>> -> memref<1x!tpu.dma_semaphore, #tpu.memory_space<semaphore_mem>>
      %dma_start3A_547 = tpu.memref_squeeze %dma_start3A_546 : memref<1x!tpu.dma_semaphore, #tpu.memory_space<semaphore_mem>> -> memref<!tpu.dma_semaphore, #tpu.memory_space<semaphore_mem>>
      %dma_start3A_548 = arith.constant 0 : i32
      %dma_start3A_549 = arith.constant 0 : i32
      %dma_start3A_550 = tpu.memref_slice %arg10[%select_n3A_30, %dma_start3A_545, %dma_start3A_548, %dma_start3A_549] : memref<2x32x16x900xbf16, #tpu.memory_space<vmem>> -> memref<1x1x16x900xbf16, #tpu.memory_space<vmem>>
      %dma_start3A_551 = tpu.memref_squeeze %dma_start3A_550 : memref<1x1x16x900xbf16, #tpu.memory_space<vmem>> -> memref<16x900xbf16, #tpu.memory_space<vmem>>
      %dma_start3A_552 = arith.constant 0 : i32
      %dma_start3A_553 = arith.constant 0 : i32
      %dma_start3A_554 = tpu.memref_slice %arg5[%get3A_544, %dma_start3A_552, %dma_start3A_553] : memref<1024x16x900xbf16, #tpu.memory_space<any>> -> memref<1x16x900xbf16, #tpu.memory_space<any>>
      %dma_start3A_555 = tpu.memref_squeeze %dma_start3A_554 : memref<1x16x900xbf16, #tpu.memory_space<any>> -> memref<16x900xbf16, #tpu.memory_space<any>>
      tpu.enqueue_dma source(%dma_start3A_555 : memref<16x900xbf16, #tpu.memory_space<any>>) target(%dma_start3A_551 : memref<16x900xbf16, #tpu.memory_space<vmem>>) target_semaphore(%dma_start3A_547 : memref<!tpu.dma_semaphore, #tpu.memory_space<semaphore_mem>>)
      %mul3A_556 = arith.constant 32 : i32
      %mul3A_557 = arith.muli %add3A_17, %mul3A_556 : i32
      %add3A_558 = arith.constant 31 : i32
      %add3A_559 = arith.addi %mul3A_557, %add3A_558 : i32
      %get3A_560 = arith.index_cast %add3A_559 : i32 to index
      %get3A_561 = memref.load %arg1[%get3A_560] : memref<2304xi32, #tpu.memory_space<smem>>
      %dma_start3A_562 = arith.constant 31 : i32
      %dma_start3A_563 = tpu.memref_slice %arg13[%select_n3A_30] : memref<2x!tpu.dma_semaphore, #tpu.memory_space<semaphore_mem>> -> memref<1x!tpu.dma_semaphore, #tpu.memory_space<semaphore_mem>>
      %dma_start3A_564 = tpu.memref_squeeze %dma_start3A_563 : memref<1x!tpu.dma_semaphore, #tpu.memory_space<semaphore_mem>> -> memref<!tpu.dma_semaphore, #tpu.memory_space<semaphore_mem>>
      %dma_start3A_565 = arith.constant 0 : i32
      %dma_start3A_566 = arith.constant 0 : i32
      %dma_start3A_567 = tpu.memref_slice %arg10[%select_n3A_30, %dma_start3A_562, %dma_start3A_565, %dma_start3A_566] : memref<2x32x16x900xbf16, #tpu.memory_space<vmem>> -> memref<1x1x16x900xbf16, #tpu.memory_space<vmem>>
      %dma_start3A_568 = tpu.memref_squeeze %dma_start3A_567 : memref<1x1x16x900xbf16, #tpu.memory_space<vmem>> -> memref<16x900xbf16, #tpu.memory_space<vmem>>
      %dma_start3A_569 = arith.constant 0 : i32
      %dma_start3A_570 = arith.constant 0 : i32
      %dma_start3A_571 = tpu.memref_slice %arg5[%get3A_561, %dma_start3A_569, %dma_start3A_570] : memref<1024x16x900xbf16, #tpu.memory_space<any>> -> memref<1x16x900xbf16, #tpu.memory_space<any>>
      %dma_start3A_572 = tpu.memref_squeeze %dma_start3A_571 : memref<1x16x900xbf16, #tpu.memory_space<any>> -> memref<16x900xbf16, #tpu.memory_space<any>>
      tpu.enqueue_dma source(%dma_start3A_572 : memref<16x900xbf16, #tpu.memory_space<any>>) target(%dma_start3A_568 : memref<16x900xbf16, #tpu.memory_space<vmem>>) target_semaphore(%dma_start3A_564 : memref<!tpu.dma_semaphore, #tpu.memory_space<semaphore_mem>>)
    } else {
    }
    %lt3A_7 = arith.cmpi slt, %arg0, %get3A_0 : i32
    %convert_element_type3A_8 = arith.extui %lt3A_7 : i1 to i32
    %cond3A_9 = arith.constant 0 : i32
    %cond3A_10 = arith.cmpi ne, %convert_element_type3A_8, %cond3A_9 : i32
    scf.if %cond3A_10 {
      %jit3A = arith.constant 2 : i32
      %eq3A_16 = arith.constant 0 : i32
      %eq3A_17 = arith.cmpi eq, %jit3A, %eq3A_16 : i32
      %jit3A_18 = arith.constant 1 : i32
      %select_n3A = arith.select %eq3A_17, %jit3A_18, %jit3A : i32
      %rem3A = arith.remsi %arg0, %select_n3A : i32
      %ne3A = arith.constant 0 : i32
      %ne3A_19 = arith.cmpi ne, %rem3A, %ne3A : i32
      %lt3A_20 = arith.constant 0 : i32
      %lt3A_21 = arith.cmpi slt, %rem3A, %lt3A_20 : i32
      %lt3A_22 = arith.constant 0 : i32
      %lt3A_23 = arith.cmpi slt, %select_n3A, %lt3A_22 : i32
      %ne3A_24 = arith.xori %lt3A_21, %lt3A_23 : i1
      %and3A = arith.andi %ne3A_24, %ne3A_19 : i1
      %add3A_25 = arith.addi %rem3A, %select_n3A : i32
      %select_n3A_26 = arith.select %and3A, %add3A_25, %rem3A : i32
      %dma_wait3A = tpu.memref_slice %arg13[%select_n3A_26] : memref<2x!tpu.dma_semaphore, #tpu.memory_space<semaphore_mem>> -> memref<1x!tpu.dma_semaphore, #tpu.memory_space<semaphore_mem>>
      %dma_wait3A_27 = tpu.memref_squeeze %dma_wait3A : memref<1x!tpu.dma_semaphore, #tpu.memory_space<semaphore_mem>> -> memref<!tpu.dma_semaphore, #tpu.memory_space<semaphore_mem>>
      %dma_wait3A_28 = arith.constant 0 : i32
      %dma_wait3A_29 = arith.constant 0 : i32
      %dma_wait3A_30 = arith.constant 0 : i32
      %dma_wait3A_31 = tpu.memref_slice %arg10[%select_n3A_26, %dma_wait3A_28, %dma_wait3A_29, %dma_wait3A_30] : memref<2x32x16x900xbf16, #tpu.memory_space<vmem>> -> memref<1x32x16x900xbf16, #tpu.memory_space<vmem>>
      %dma_wait3A_32 = tpu.memref_squeeze %dma_wait3A_31 : memref<1x32x16x900xbf16, #tpu.memory_space<vmem>> -> memref<32x16x900xbf16, #tpu.memory_space<vmem>>
      %dma_wait3A_33 = arith.constant 0 : i32
      %dma_wait3A_34 = arith.constant 0 : i32
      %dma_wait3A_35 = arith.constant 0 : i32
      %dma_wait3A_36 = tpu.memref_slice %arg5[%dma_wait3A_33, %dma_wait3A_34, %dma_wait3A_35] : memref<1024x16x900xbf16, #tpu.memory_space<any>> -> memref<32x16x900xbf16, #tpu.memory_space<any>>
      tpu.wait_dma2 semaphore(%dma_wait3A_27 : memref<!tpu.dma_semaphore, #tpu.memory_space<semaphore_mem>>) src(%dma_wait3A_36 : memref<32x16x900xbf16, #tpu.memory_space<any>>) dst(%dma_wait3A_32 : memref<32x16x900xbf16, #tpu.memory_space<vmem>>)
      %jit3A_37 = arith.constant 2 : i32
      %eq3A_38 = arith.constant 0 : i32
      %eq3A_39 = arith.cmpi eq, %jit3A_37, %eq3A_38 : i32
      %jit3A_40 = arith.constant 1 : i32
      %select_n3A_41 = arith.select %eq3A_39, %jit3A_40, %jit3A_37 : i32
      %rem3A_42 = arith.remsi %arg0, %select_n3A_41 : i32
      %ne3A_43 = arith.constant 0 : i32
      %ne3A_44 = arith.cmpi ne, %rem3A_42, %ne3A_43 : i32
      %lt3A_45 = arith.constant 0 : i32
      %lt3A_46 = arith.cmpi slt, %rem3A_42, %lt3A_45 : i32
      %lt3A_47 = arith.constant 0 : i32
      %lt3A_48 = arith.cmpi slt, %select_n3A_41, %lt3A_47 : i32
      %ne3A_49 = arith.xori %lt3A_46, %lt3A_48 : i1
      %and3A_50 = arith.andi %ne3A_49, %ne3A_44 : i1
      %add3A_51 = arith.addi %rem3A_42, %select_n3A_41 : i32
      %select_n3A_52 = arith.select %and3A_50, %add3A_51, %rem3A_42 : i32
      %get3A_53 = arith.index_cast %select_n3A_52 : i32 to index
      %get3A_54 = arith.constant 0 : index
      %get3A_55 = arith.constant 0 : index
      %get3A_56 = arith.constant 0 : index
      %get3A_57 = vector.load %arg10[%get3A_53, %get3A_54, %get3A_55, %get3A_56] : memref<2x32x16x900xbf16, #tpu.memory_space<vmem>>, vector<1x32x16x900xbf16>
      %get3A_58 = vector.shape_cast %get3A_57 : vector<1x32x16x900xbf16> to vector<32x16x900xbf16>
      %reshape3A = vector.shape_cast %get3A_58 : vector<32x16x900xbf16> to vector<512x900xbf16>
      %get3A_59 = arith.index_cast %arg0 : i32 to index
      %get3A_60 = memref.load %arg2[%get3A_59] : memref<72xi32, #tpu.memory_space<smem>>
      %get3A_61 = arith.constant 0 : index
      %get3A_62 = arith.constant 0 : index
      %get3A_63 = arith.constant 0 : index
      %get3A_64 = vector.load %arg6[%get3A_61, %get3A_62, %get3A_63] : memref<1x900x768xbf16, #tpu.memory_space<vmem>>, vector<1x900x768xbf16>
      %get3A_65 = vector.shape_cast %get3A_64 : vector<1x900x768xbf16> to vector<900x768xbf16>
      %dot_general3A = arith.constant dense<0.000000e+00> : vector<512x768xf32>
      %dot_general3A_66 = tpu.matmul %reshape3A, %get3A_65, %dot_general3A {dimension_numbers = #tpu.dot_dimension_numbers<[1], [0], [0], [1], [0, 0, 1, 1], [], []>, transpose_lhs_hint = false} : vector<512x900xbf16>, vector<900x768xbf16>, vector<512x768xf32> -> vector<512x768xf32>
      %get3A_67 = arith.index_cast %get3A_60 : i32 to index
      %get3A_68 = arith.constant 0 : index
      %get3A_69 = vector.load %arg7[%get3A_67, %get3A_68] : memref<8x768xf32, #tpu.memory_space<vmem>>, vector<1x768xf32>
      %get3A_70 = vector.shape_cast %get3A_69 : vector<1x768xf32> to vector<768xf32>
      %broadcast_in_dim3A = vector.shape_cast %get3A_70 : vector<768xf32> to vector<1x768xf32>
      %add3A_71 = vector.broadcast %broadcast_in_dim3A : vector<1x768xf32> to vector<512x768xf32>
      %add3A_72 = arith.addf %dot_general3A_66, %add3A_71 : vector<512x768xf32>
      %convert_element_type3A_73 = arith.truncf %add3A_72 : vector<512x768xf32> to vector<512x768xbf16>
      %mul3A = arith.constant 32 : i32
      %mul3A_74 = arith.muli %arg0, %mul3A : i32
      %mul3A_75 = arith.constant 16 : i32
      %mul3A_76 = arith.muli %mul3A_74, %mul3A_75 : i32
      %swap3A = arith.index_cast %mul3A_76 : i32 to index
      %swap3A_77 = arith.constant 0 : index
      %swap3A_78 = vector.load %arg11[%swap3A, %swap3A_77] : memref<36864x768xbf16, #tpu.memory_space<vmem>>, vector<512x768xbf16>
      tpu.vector_store %arg11[%swap3A, %swap3A_77], %convert_element_type3A_73 {strides = array<i32>} : memref<36864x768xbf16, #tpu.memory_space<vmem>>, vector<512x768xbf16>,
    } else {
    }
    %eq3A_11 = arith.constant 71 : i32
    %eq3A_12 = arith.cmpi eq, %arg0, %eq3A_11 : i32
    %convert_element_type3A_13 = arith.extui %eq3A_12 : i1 to i32
    %cond3A_14 = arith.constant 0 : i32
    %cond3A_15 = arith.cmpi ne, %convert_element_type3A_13, %cond3A_14 : i32
    scf.if %cond3A_15 {
      %scan3A = arith.constant 0 : i32
      %scan3A_16 = arith.constant 128 : i32
      %scan3A_17 = arith.addi %scan3A, %scan3A_16 : i32
      %scan3A_18 = arith.constant 1 : i32
      scf.for %scan3A_41 = %scan3A to %scan3A_17 step %scan3A_18  : i32 {
        %jit3A = arith.constant 2 : i32
        %eq3A_42 = arith.constant 0 : i32
        %eq3A_43 = arith.cmpi eq, %jit3A, %eq3A_42 : i32
        %jit3A_44 = arith.constant 1 : i32
        %select_n3A = arith.select %eq3A_43, %jit3A_44, %jit3A : i32
        %rem3A = arith.remsi %scan3A_41, %select_n3A : i32
        %ne3A = arith.constant 0 : i32
        %ne3A_45 = arith.cmpi ne, %rem3A, %ne3A : i32
        %lt3A_46 = arith.constant 0 : i32
        %lt3A_47 = arith.cmpi slt, %rem3A, %lt3A_46 : i32
        %lt3A_48 = arith.constant 0 : i32
        %lt3A_49 = arith.cmpi slt, %select_n3A, %lt3A_48 : i32
        %ne3A_50 = arith.xori %lt3A_47, %lt3A_49 : i1
        %and3A = arith.andi %ne3A_50, %ne3A_45 : i1
        %add3A_51 = arith.addi %rem3A, %select_n3A : i32
        %select_n3A_52 = arith.select %and3A, %add3A_51, %rem3A : i32
        %ge3A = arith.constant 2 : i32
        %ge3A_53 = arith.cmpi sge, %scan3A_41, %ge3A : i32
        %convert_element_type3A_54 = arith.extui %ge3A_53 : i1 to i32
        %cond3A_55 = arith.constant 0 : i32
        %cond3A_56 = arith.cmpi ne, %convert_element_type3A_54, %cond3A_55 : i32
        scf.if %cond3A_56 {
          %sub3A = arith.constant 2 : i32
          %sub3A_418 = arith.subi %scan3A_41, %sub3A : i32
          %mul3A_419 = arith.constant 8 : i32
          %mul3A_420 = arith.muli %sub3A_418, %mul3A_419 : i32
          %mul3A_421 = arith.constant 16 : i32
          %mul3A_422 = arith.muli %mul3A_420, %mul3A_421 : i32
          %dma_wait3A_423 = tpu.memref_slice %arg14[%select_n3A_52] : memref<2x!tpu.dma_semaphore, #tpu.memory_space<semaphore_mem>> -> memref<1x!tpu.dma_semaphore, #tpu.memory_space<semaphore_mem>>
          %dma_wait3A_424 = tpu.memref_squeeze %dma_wait3A_423 : memref<1x!tpu.dma_semaphore, #tpu.memory_space<semaphore_mem>> -> memref<!tpu.dma_semaphore, #tpu.memory_space<semaphore_mem>>
          %dma_wait3A_425 = arith.constant 0 : i32
          %dma_wait3A_426 = tpu.memref_slice %arg9[%mul3A_422, %dma_wait3A_425] : memref<16384x768xbf16, #tpu.memory_space<any>> -> memref<128x768xbf16, #tpu.memory_space<any>>
          %dma_wait3A_427 = arith.constant 0 : i32
          %dma_wait3A_428 = arith.constant 0 : i32
          %dma_wait3A_429 = tpu.memref_slice %arg12[%select_n3A_52, %dma_wait3A_427, %dma_wait3A_428] : memref<2x128x768xbf16, #tpu.memory_space<vmem>> -> memref<1x128x768xbf16, #tpu.memory_space<vmem>>
          %dma_wait3A_430 = tpu.memref_squeeze %dma_wait3A_429 : memref<1x128x768xbf16, #tpu.memory_space<vmem>> -> memref<128x768xbf16, #tpu.memory_space<vmem>>
          tpu.wait_dma2 semaphore(%dma_wait3A_424 : memref<!tpu.dma_semaphore, #tpu.memory_space<semaphore_mem>>) src(%dma_wait3A_430 : memref<128x768xbf16, #tpu.memory_space<vmem>>) dst(%dma_wait3A_426 : memref<128x768xbf16, #tpu.memory_space<any>>)
        } else {
        }
        %mul3A = arith.constant 8 : i32
        %mul3A_57 = arith.muli %scan3A_41, %mul3A : i32
        %add3A_58 = arith.constant 0 : i32
        %add3A_59 = arith.addi %mul3A_57, %add3A_58 : i32
        %mul3A_60 = arith.constant 2 : i32
        %mul3A_61 = arith.muli %mul3A_60, %add3A_59 : i32
        %get3A_62 = arith.index_cast %mul3A_61 : i32 to index
        %get3A_63 = memref.load %arg3[%get3A_62] : memref<2048xi32, #tpu.memory_space<smem>>
        %mul3A_64 = arith.constant 2 : i32
        %mul3A_65 = arith.muli %mul3A_64, %add3A_59 : i32
        %add3A_66 = arith.constant 1 : i32
        %add3A_67 = arith.addi %mul3A_65, %add3A_66 : i32
        %get3A_68 = arith.index_cast %add3A_67 : i32 to index
        %get3A_69 = memref.load %arg3[%get3A_68] : memref<2048xi32, #tpu.memory_space<smem>>
        %mul3A_70 = arith.constant 16 : i32
        %mul3A_71 = arith.muli %get3A_63, %mul3A_70 : i32
        %get3A_72 = arith.index_cast %mul3A_71 : i32 to index
        %get3A_73 = arith.constant 0 : index
        %get3A_74 = vector.load %arg11[%get3A_72, %get3A_73] : memref<36864x768xbf16, #tpu.memory_space<vmem>>, vector<16x768xbf16>
        %convert_element_type3A_75 = arith.extf %get3A_74 : vector<16x768xbf16> to vector<16x768xf32>
        %mul3A_76 = arith.constant 16 : i32
        %mul3A_77 = arith.muli %get3A_69, %mul3A_76 : i32
        %get3A_78 = arith.index_cast %mul3A_77 : i32 to index
        %get3A_79 = arith.constant 0 : index
        %get3A_80 = vector.load %arg11[%get3A_78, %get3A_79] : memref<36864x768xbf16, #tpu.memory_space<vmem>>, vector<16x768xbf16>
        %convert_element_type3A_81 = arith.extf %get3A_80 : vector<16x768xbf16> to vector<16x768xf32>
        %get3A_82 = arith.index_cast %add3A_59 : i32 to index
        %get3A_83 = arith.constant 0 : index
        %get3A_84 = memref.load %arg8[%get3A_82, %get3A_83] : memref<1024x2xf32, #tpu.memory_space<smem>>
        %mul3A_85 = vector.broadcast %get3A_84 : f32 to vector<16x768xf32>
        %mul3A_86 = arith.mulf %mul3A_85, %convert_element_type3A_75 : vector<16x768xf32>
        %get3A_87 = arith.index_cast %add3A_59 : i32 to index
        %get3A_88 = arith.constant 1 : index
        %get3A_89 = memref.load %arg8[%get3A_87, %get3A_88] : memref<1024x2xf32, #tpu.memory_space<smem>>
        %mul3A_90 = vector.broadcast %get3A_89 : f32 to vector<16x768xf32>
        %mul3A_91 = arith.mulf %mul3A_90, %convert_element_type3A_81 : vector<16x768xf32>
        %add3A_92 = arith.addf %mul3A_86, %mul3A_91 : vector<16x768xf32>
        %convert_element_type3A_93 = arith.truncf %add3A_92 : vector<16x768xf32> to vector<16x768xbf16>
        %swap3A = arith.index_cast %select_n3A_52 : i32 to index
        %swap3A_94 = arith.constant 0 : index
        %swap3A_95 = arith.constant 0 : index
        %swap3A_96 = vector.load %arg12[%swap3A, %swap3A_94, %swap3A_95] : memref<2x128x768xbf16, #tpu.memory_space<vmem>>, vector<1x16x768xbf16>
        %swap3A_97 = vector.shape_cast %swap3A_96 : vector<1x16x768xbf16> to vector<16x768xbf16>
        %swap3A_98 = vector.shape_cast %convert_element_type3A_93 : vector<16x768xbf16> to vector<1x16x768xbf16>
        tpu.vector_store %arg12[%swap3A, %swap3A_94, %swap3A_95], %swap3A_98 {strides = array<i32>} : memref<2x128x768xbf16, #tpu.memory_space<vmem>>, vector<1x16x768xbf16>,
        %mul3A_99 = arith.constant 8 : i32
        %mul3A_100 = arith.muli %scan3A_41, %mul3A_99 : i32
        %add3A_101 = arith.constant 1 : i32
        %add3A_102 = arith.addi %mul3A_100, %add3A_101 : i32
        %mul3A_103 = arith.constant 2 : i32
        %mul3A_104 = arith.muli %mul3A_103, %add3A_102 : i32
        %get3A_105 = arith.index_cast %mul3A_104 : i32 to index
        %get3A_106 = memref.load %arg3[%get3A_105] : memref<2048xi32, #tpu.memory_space<smem>>
        %mul3A_107 = arith.constant 2 : i32
        %mul3A_108 = arith.muli %mul3A_107, %add3A_102 : i32
        %add3A_109 = arith.constant 1 : i32
        %add3A_110 = arith.addi %mul3A_108, %add3A_109 : i32
        %get3A_111 = arith.index_cast %add3A_110 : i32 to index
        %get3A_112 = memref.load %arg3[%get3A_111] : memref<2048xi32, #tpu.memory_space<smem>>
        %mul3A_113 = arith.constant 16 : i32
        %mul3A_114 = arith.muli %get3A_106, %mul3A_113 : i32
        %get3A_115 = arith.index_cast %mul3A_114 : i32 to index
        %get3A_116 = arith.constant 0 : index
        %get3A_117 = vector.load %arg11[%get3A_115, %get3A_116] : memref<36864x768xbf16, #tpu.memory_space<vmem>>, vector<16x768xbf16>
        %convert_element_type3A_118 = arith.extf %get3A_117 : vector<16x768xbf16> to vector<16x768xf32>
        %mul3A_119 = arith.constant 16 : i32
        %mul3A_120 = arith.muli %get3A_112, %mul3A_119 : i32
        %get3A_121 = arith.index_cast %mul3A_120 : i32 to index
        %get3A_122 = arith.constant 0 : index
        %get3A_123 = vector.load %arg11[%get3A_121, %get3A_122] : memref<36864x768xbf16, #tpu.memory_space<vmem>>, vector<16x768xbf16>
        %convert_element_type3A_124 = arith.extf %get3A_123 : vector<16x768xbf16> to vector<16x768xf32>
        %get3A_125 = arith.index_cast %add3A_102 : i32 to index
        %get3A_126 = arith.constant 0 : index
        %get3A_127 = memref.load %arg8[%get3A_125, %get3A_126] : memref<1024x2xf32, #tpu.memory_space<smem>>
        %mul3A_128 = vector.broadcast %get3A_127 : f32 to vector<16x768xf32>
        %mul3A_129 = arith.mulf %mul3A_128, %convert_element_type3A_118 : vector<16x768xf32>
        %get3A_130 = arith.index_cast %add3A_102 : i32 to index
        %get3A_131 = arith.constant 1 : index
        %get3A_132 = memref.load %arg8[%get3A_130, %get3A_131] : memref<1024x2xf32, #tpu.memory_space<smem>>
        %mul3A_133 = vector.broadcast %get3A_132 : f32 to vector<16x768xf32>
        %mul3A_134 = arith.mulf %mul3A_133, %convert_element_type3A_124 : vector<16x768xf32>
        %add3A_135 = arith.addf %mul3A_129, %mul3A_134 : vector<16x768xf32>
        %convert_element_type3A_136 = arith.truncf %add3A_135 : vector<16x768xf32> to vector<16x768xbf16>
        %swap3A_137 = arith.index_cast %select_n3A_52 : i32 to index
        %swap3A_138 = arith.constant 16 : index
        %swap3A_139 = arith.constant 0 : index
        %swap3A_140 = vector.load %arg12[%swap3A_137, %swap3A_138, %swap3A_139] : memref<2x128x768xbf16, #tpu.memory_space<vmem>>, vector<1x16x768xbf16>
        %swap3A_141 = vector.shape_cast %swap3A_140 : vector<1x16x768xbf16> to vector<16x768xbf16>
        %swap3A_142 = vector.shape_cast %convert_element_type3A_136 : vector<16x768xbf16> to vector<1x16x768xbf16>
        tpu.vector_store %arg12[%swap3A_137, %swap3A_138, %swap3A_139], %swap3A_142 {strides = array<i32>} : memref<2x128x768xbf16, #tpu.memory_space<vmem>>, vector<1x16x768xbf16>,
        %mul3A_143 = arith.constant 8 : i32
        %mul3A_144 = arith.muli %scan3A_41, %mul3A_143 : i32
        %add3A_145 = arith.constant 2 : i32
        %add3A_146 = arith.addi %mul3A_144, %add3A_145 : i32
        %mul3A_147 = arith.constant 2 : i32
        %mul3A_148 = arith.muli %mul3A_147, %add3A_146 : i32
        %get3A_149 = arith.index_cast %mul3A_148 : i32 to index
        %get3A_150 = memref.load %arg3[%get3A_149] : memref<2048xi32, #tpu.memory_space<smem>>
        %mul3A_151 = arith.constant 2 : i32
        %mul3A_152 = arith.muli %mul3A_151, %add3A_146 : i32
        %add3A_153 = arith.constant 1 : i32
        %add3A_154 = arith.addi %mul3A_152, %add3A_153 : i32
        %get3A_155 = arith.index_cast %add3A_154 : i32 to index
        %get3A_156 = memref.load %arg3[%get3A_155] : memref<2048xi32, #tpu.memory_space<smem>>
        %mul3A_157 = arith.constant 16 : i32
        %mul3A_158 = arith.muli %get3A_150, %mul3A_157 : i32
        %get3A_159 = arith.index_cast %mul3A_158 : i32 to index
        %get3A_160 = arith.constant 0 : index
        %get3A_161 = vector.load %arg11[%get3A_159, %get3A_160] : memref<36864x768xbf16, #tpu.memory_space<vmem>>, vector<16x768xbf16>
        %convert_element_type3A_162 = arith.extf %get3A_161 : vector<16x768xbf16> to vector<16x768xf32>
        %mul3A_163 = arith.constant 16 : i32
        %mul3A_164 = arith.muli %get3A_156, %mul3A_163 : i32
        %get3A_165 = arith.index_cast %mul3A_164 : i32 to index
        %get3A_166 = arith.constant 0 : index
        %get3A_167 = vector.load %arg11[%get3A_165, %get3A_166] : memref<36864x768xbf16, #tpu.memory_space<vmem>>, vector<16x768xbf16>
        %convert_element_type3A_168 = arith.extf %get3A_167 : vector<16x768xbf16> to vector<16x768xf32>
        %get3A_169 = arith.index_cast %add3A_146 : i32 to index
        %get3A_170 = arith.constant 0 : index
        %get3A_171 = memref.load %arg8[%get3A_169, %get3A_170] : memref<1024x2xf32, #tpu.memory_space<smem>>
        %mul3A_172 = vector.broadcast %get3A_171 : f32 to vector<16x768xf32>
        %mul3A_173 = arith.mulf %mul3A_172, %convert_element_type3A_162 : vector<16x768xf32>
        %get3A_174 = arith.index_cast %add3A_146 : i32 to index
        %get3A_175 = arith.constant 1 : index
        %get3A_176 = memref.load %arg8[%get3A_174, %get3A_175] : memref<1024x2xf32, #tpu.memory_space<smem>>
        %mul3A_177 = vector.broadcast %get3A_176 : f32 to vector<16x768xf32>
        %mul3A_178 = arith.mulf %mul3A_177, %convert_element_type3A_168 : vector<16x768xf32>
        %add3A_179 = arith.addf %mul3A_173, %mul3A_178 : vector<16x768xf32>
        %convert_element_type3A_180 = arith.truncf %add3A_179 : vector<16x768xf32> to vector<16x768xbf16>
        %swap3A_181 = arith.index_cast %select_n3A_52 : i32 to index
        %swap3A_182 = arith.constant 32 : index
        %swap3A_183 = arith.constant 0 : index
        %swap3A_184 = vector.load %arg12[%swap3A_181, %swap3A_182, %swap3A_183] : memref<2x128x768xbf16, #tpu.memory_space<vmem>>, vector<1x16x768xbf16>
        %swap3A_185 = vector.shape_cast %swap3A_184 : vector<1x16x768xbf16> to vector<16x768xbf16>
        %swap3A_186 = vector.shape_cast %convert_element_type3A_180 : vector<16x768xbf16> to vector<1x16x768xbf16>
        tpu.vector_store %arg12[%swap3A_181, %swap3A_182, %swap3A_183], %swap3A_186 {strides = array<i32>} : memref<2x128x768xbf16, #tpu.memory_space<vmem>>, vector<1x16x768xbf16>,
        %mul3A_187 = arith.constant 8 : i32
        %mul3A_188 = arith.muli %scan3A_41, %mul3A_187 : i32
        %add3A_189 = arith.constant 3 : i32
        %add3A_190 = arith.addi %mul3A_188, %add3A_189 : i32
        %mul3A_191 = arith.constant 2 : i32
        %mul3A_192 = arith.muli %mul3A_191, %add3A_190 : i32
        %get3A_193 = arith.index_cast %mul3A_192 : i32 to index
        %get3A_194 = memref.load %arg3[%get3A_193] : memref<2048xi32, #tpu.memory_space<smem>>
        %mul3A_195 = arith.constant 2 : i32
        %mul3A_196 = arith.muli %mul3A_195, %add3A_190 : i32
        %add3A_197 = arith.constant 1 : i32
        %add3A_198 = arith.addi %mul3A_196, %add3A_197 : i32
        %get3A_199 = arith.index_cast %add3A_198 : i32 to index
        %get3A_200 = memref.load %arg3[%get3A_199] : memref<2048xi32, #tpu.memory_space<smem>>
        %mul3A_201 = arith.constant 16 : i32
        %mul3A_202 = arith.muli %get3A_194, %mul3A_201 : i32
        %get3A_203 = arith.index_cast %mul3A_202 : i32 to index
        %get3A_204 = arith.constant 0 : index
        %get3A_205 = vector.load %arg11[%get3A_203, %get3A_204] : memref<36864x768xbf16, #tpu.memory_space<vmem>>, vector<16x768xbf16>
        %convert_element_type3A_206 = arith.extf %get3A_205 : vector<16x768xbf16> to vector<16x768xf32>
        %mul3A_207 = arith.constant 16 : i32
        %mul3A_208 = arith.muli %get3A_200, %mul3A_207 : i32
        %get3A_209 = arith.index_cast %mul3A_208 : i32 to index
        %get3A_210 = arith.constant 0 : index
        %get3A_211 = vector.load %arg11[%get3A_209, %get3A_210] : memref<36864x768xbf16, #tpu.memory_space<vmem>>, vector<16x768xbf16>
        %convert_element_type3A_212 = arith.extf %get3A_211 : vector<16x768xbf16> to vector<16x768xf32>
        %get3A_213 = arith.index_cast %add3A_190 : i32 to index
        %get3A_214 = arith.constant 0 : index
        %get3A_215 = memref.load %arg8[%get3A_213, %get3A_214] : memref<1024x2xf32, #tpu.memory_space<smem>>
        %mul3A_216 = vector.broadcast %get3A_215 : f32 to vector<16x768xf32>
        %mul3A_217 = arith.mulf %mul3A_216, %convert_element_type3A_206 : vector<16x768xf32>
        %get3A_218 = arith.index_cast %add3A_190 : i32 to index
        %get3A_219 = arith.constant 1 : index
        %get3A_220 = memref.load %arg8[%get3A_218, %get3A_219] : memref<1024x2xf32, #tpu.memory_space<smem>>
        %mul3A_221 = vector.broadcast %get3A_220 : f32 to vector<16x768xf32>
        %mul3A_222 = arith.mulf %mul3A_221, %convert_element_type3A_212 : vector<16x768xf32>
        %add3A_223 = arith.addf %mul3A_217, %mul3A_222 : vector<16x768xf32>
        %convert_element_type3A_224 = arith.truncf %add3A_223 : vector<16x768xf32> to vector<16x768xbf16>
        %swap3A_225 = arith.index_cast %select_n3A_52 : i32 to index
        %swap3A_226 = arith.constant 48 : index
        %swap3A_227 = arith.constant 0 : index
        %swap3A_228 = vector.load %arg12[%swap3A_225, %swap3A_226, %swap3A_227] : memref<2x128x768xbf16, #tpu.memory_space<vmem>>, vector<1x16x768xbf16>
        %swap3A_229 = vector.shape_cast %swap3A_228 : vector<1x16x768xbf16> to vector<16x768xbf16>
        %swap3A_230 = vector.shape_cast %convert_element_type3A_224 : vector<16x768xbf16> to vector<1x16x768xbf16>
        tpu.vector_store %arg12[%swap3A_225, %swap3A_226, %swap3A_227], %swap3A_230 {strides = array<i32>} : memref<2x128x768xbf16, #tpu.memory_space<vmem>>, vector<1x16x768xbf16>,
        %mul3A_231 = arith.constant 8 : i32
        %mul3A_232 = arith.muli %scan3A_41, %mul3A_231 : i32
        %add3A_233 = arith.constant 4 : i32
        %add3A_234 = arith.addi %mul3A_232, %add3A_233 : i32
        %mul3A_235 = arith.constant 2 : i32
        %mul3A_236 = arith.muli %mul3A_235, %add3A_234 : i32
        %get3A_237 = arith.index_cast %mul3A_236 : i32 to index
        %get3A_238 = memref.load %arg3[%get3A_237] : memref<2048xi32, #tpu.memory_space<smem>>
        %mul3A_239 = arith.constant 2 : i32
        %mul3A_240 = arith.muli %mul3A_239, %add3A_234 : i32
        %add3A_241 = arith.constant 1 : i32
        %add3A_242 = arith.addi %mul3A_240, %add3A_241 : i32
        %get3A_243 = arith.index_cast %add3A_242 : i32 to index
        %get3A_244 = memref.load %arg3[%get3A_243] : memref<2048xi32, #tpu.memory_space<smem>>
        %mul3A_245 = arith.constant 16 : i32
        %mul3A_246 = arith.muli %get3A_238, %mul3A_245 : i32
        %get3A_247 = arith.index_cast %mul3A_246 : i32 to index
        %get3A_248 = arith.constant 0 : index
        %get3A_249 = vector.load %arg11[%get3A_247, %get3A_248] : memref<36864x768xbf16, #tpu.memory_space<vmem>>, vector<16x768xbf16>
        %convert_element_type3A_250 = arith.extf %get3A_249 : vector<16x768xbf16> to vector<16x768xf32>
        %mul3A_251 = arith.constant 16 : i32
        %mul3A_252 = arith.muli %get3A_244, %mul3A_251 : i32
        %get3A_253 = arith.index_cast %mul3A_252 : i32 to index
        %get3A_254 = arith.constant 0 : index
        %get3A_255 = vector.load %arg11[%get3A_253, %get3A_254] : memref<36864x768xbf16, #tpu.memory_space<vmem>>, vector<16x768xbf16>
        %convert_element_type3A_256 = arith.extf %get3A_255 : vector<16x768xbf16> to vector<16x768xf32>
        %get3A_257 = arith.index_cast %add3A_234 : i32 to index
        %get3A_258 = arith.constant 0 : index
        %get3A_259 = memref.load %arg8[%get3A_257, %get3A_258] : memref<1024x2xf32, #tpu.memory_space<smem>>
        %mul3A_260 = vector.broadcast %get3A_259 : f32 to vector<16x768xf32>
        %mul3A_261 = arith.mulf %mul3A_260, %convert_element_type3A_250 : vector<16x768xf32>
        %get3A_262 = arith.index_cast %add3A_234 : i32 to index
        %get3A_263 = arith.constant 1 : index
        %get3A_264 = memref.load %arg8[%get3A_262, %get3A_263] : memref<1024x2xf32, #tpu.memory_space<smem>>
        %mul3A_265 = vector.broadcast %get3A_264 : f32 to vector<16x768xf32>
        %mul3A_266 = arith.mulf %mul3A_265, %convert_element_type3A_256 : vector<16x768xf32>
        %add3A_267 = arith.addf %mul3A_261, %mul3A_266 : vector<16x768xf32>
        %convert_element_type3A_268 = arith.truncf %add3A_267 : vector<16x768xf32> to vector<16x768xbf16>
        %swap3A_269 = arith.index_cast %select_n3A_52 : i32 to index
        %swap3A_270 = arith.constant 64 : index
        %swap3A_271 = arith.constant 0 : index
        %swap3A_272 = vector.load %arg12[%swap3A_269, %swap3A_270, %swap3A_271] : memref<2x128x768xbf16, #tpu.memory_space<vmem>>, vector<1x16x768xbf16>
        %swap3A_273 = vector.shape_cast %swap3A_272 : vector<1x16x768xbf16> to vector<16x768xbf16>
        %swap3A_274 = vector.shape_cast %convert_element_type3A_268 : vector<16x768xbf16> to vector<1x16x768xbf16>
        tpu.vector_store %arg12[%swap3A_269, %swap3A_270, %swap3A_271], %swap3A_274 {strides = array<i32>} : memref<2x128x768xbf16, #tpu.memory_space<vmem>>, vector<1x16x768xbf16>,
        %mul3A_275 = arith.constant 8 : i32
        %mul3A_276 = arith.muli %scan3A_41, %mul3A_275 : i32
        %add3A_277 = arith.constant 5 : i32
        %add3A_278 = arith.addi %mul3A_276, %add3A_277 : i32
        %mul3A_279 = arith.constant 2 : i32
        %mul3A_280 = arith.muli %mul3A_279, %add3A_278 : i32
        %get3A_281 = arith.index_cast %mul3A_280 : i32 to index
        %get3A_282 = memref.load %arg3[%get3A_281] : memref<2048xi32, #tpu.memory_space<smem>>
        %mul3A_283 = arith.constant 2 : i32
        %mul3A_284 = arith.muli %mul3A_283, %add3A_278 : i32
        %add3A_285 = arith.constant 1 : i32
        %add3A_286 = arith.addi %mul3A_284, %add3A_285 : i32
        %get3A_287 = arith.index_cast %add3A_286 : i32 to index
        %get3A_288 = memref.load %arg3[%get3A_287] : memref<2048xi32, #tpu.memory_space<smem>>
        %mul3A_289 = arith.constant 16 : i32
        %mul3A_290 = arith.muli %get3A_282, %mul3A_289 : i32
        %get3A_291 = arith.index_cast %mul3A_290 : i32 to index
        %get3A_292 = arith.constant 0 : index
        %get3A_293 = vector.load %arg11[%get3A_291, %get3A_292] : memref<36864x768xbf16, #tpu.memory_space<vmem>>, vector<16x768xbf16>
        %convert_element_type3A_294 = arith.extf %get3A_293 : vector<16x768xbf16> to vector<16x768xf32>
        %mul3A_295 = arith.constant 16 : i32
        %mul3A_296 = arith.muli %get3A_288, %mul3A_295 : i32
        %get3A_297 = arith.index_cast %mul3A_296 : i32 to index
        %get3A_298 = arith.constant 0 : index
        %get3A_299 = vector.load %arg11[%get3A_297, %get3A_298] : memref<36864x768xbf16, #tpu.memory_space<vmem>>, vector<16x768xbf16>
        %convert_element_type3A_300 = arith.extf %get3A_299 : vector<16x768xbf16> to vector<16x768xf32>
        %get3A_301 = arith.index_cast %add3A_278 : i32 to index
        %get3A_302 = arith.constant 0 : index
        %get3A_303 = memref.load %arg8[%get3A_301, %get3A_302] : memref<1024x2xf32, #tpu.memory_space<smem>>
        %mul3A_304 = vector.broadcast %get3A_303 : f32 to vector<16x768xf32>
        %mul3A_305 = arith.mulf %mul3A_304, %convert_element_type3A_294 : vector<16x768xf32>
        %get3A_306 = arith.index_cast %add3A_278 : i32 to index
        %get3A_307 = arith.constant 1 : index
        %get3A_308 = memref.load %arg8[%get3A_306, %get3A_307] : memref<1024x2xf32, #tpu.memory_space<smem>>
        %mul3A_309 = vector.broadcast %get3A_308 : f32 to vector<16x768xf32>
        %mul3A_310 = arith.mulf %mul3A_309, %convert_element_type3A_300 : vector<16x768xf32>
        %add3A_311 = arith.addf %mul3A_305, %mul3A_310 : vector<16x768xf32>
        %convert_element_type3A_312 = arith.truncf %add3A_311 : vector<16x768xf32> to vector<16x768xbf16>
        %swap3A_313 = arith.index_cast %select_n3A_52 : i32 to index
        %swap3A_314 = arith.constant 80 : index
        %swap3A_315 = arith.constant 0 : index
        %swap3A_316 = vector.load %arg12[%swap3A_313, %swap3A_314, %swap3A_315] : memref<2x128x768xbf16, #tpu.memory_space<vmem>>, vector<1x16x768xbf16>
        %swap3A_317 = vector.shape_cast %swap3A_316 : vector<1x16x768xbf16> to vector<16x768xbf16>
        %swap3A_318 = vector.shape_cast %convert_element_type3A_312 : vector<16x768xbf16> to vector<1x16x768xbf16>
        tpu.vector_store %arg12[%swap3A_313, %swap3A_314, %swap3A_315], %swap3A_318 {strides = array<i32>} : memref<2x128x768xbf16, #tpu.memory_space<vmem>>, vector<1x16x768xbf16>,
        %mul3A_319 = arith.constant 8 : i32
        %mul3A_320 = arith.muli %scan3A_41, %mul3A_319 : i32
        %add3A_321 = arith.constant 6 : i32
        %add3A_322 = arith.addi %mul3A_320, %add3A_321 : i32
        %mul3A_323 = arith.constant 2 : i32
        %mul3A_324 = arith.muli %mul3A_323, %add3A_322 : i32
        %get3A_325 = arith.index_cast %mul3A_324 : i32 to index
        %get3A_326 = memref.load %arg3[%get3A_325] : memref<2048xi32, #tpu.memory_space<smem>>
        %mul3A_327 = arith.constant 2 : i32
        %mul3A_328 = arith.muli %mul3A_327, %add3A_322 : i32
        %add3A_329 = arith.constant 1 : i32
        %add3A_330 = arith.addi %mul3A_328, %add3A_329 : i32
        %get3A_331 = arith.index_cast %add3A_330 : i32 to index
        %get3A_332 = memref.load %arg3[%get3A_331] : memref<2048xi32, #tpu.memory_space<smem>>
        %mul3A_333 = arith.constant 16 : i32
        %mul3A_334 = arith.muli %get3A_326, %mul3A_333 : i32
        %get3A_335 = arith.index_cast %mul3A_334 : i32 to index
        %get3A_336 = arith.constant 0 : index
        %get3A_337 = vector.load %arg11[%get3A_335, %get3A_336] : memref<36864x768xbf16, #tpu.memory_space<vmem>>, vector<16x768xbf16>
        %convert_element_type3A_338 = arith.extf %get3A_337 : vector<16x768xbf16> to vector<16x768xf32>
        %mul3A_339 = arith.constant 16 : i32
        %mul3A_340 = arith.muli %get3A_332, %mul3A_339 : i32
        %get3A_341 = arith.index_cast %mul3A_340 : i32 to index
        %get3A_342 = arith.constant 0 : index
        %get3A_343 = vector.load %arg11[%get3A_341, %get3A_342] : memref<36864x768xbf16, #tpu.memory_space<vmem>>, vector<16x768xbf16>
        %convert_element_type3A_344 = arith.extf %get3A_343 : vector<16x768xbf16> to vector<16x768xf32>
        %get3A_345 = arith.index_cast %add3A_322 : i32 to index
        %get3A_346 = arith.constant 0 : index
        %get3A_347 = memref.load %arg8[%get3A_345, %get3A_346] : memref<1024x2xf32, #tpu.memory_space<smem>>
        %mul3A_348 = vector.broadcast %get3A_347 : f32 to vector<16x768xf32>
        %mul3A_349 = arith.mulf %mul3A_348, %convert_element_type3A_338 : vector<16x768xf32>
        %get3A_350 = arith.index_cast %add3A_322 : i32 to index
        %get3A_351 = arith.constant 1 : index
        %get3A_352 = memref.load %arg8[%get3A_350, %get3A_351] : memref<1024x2xf32, #tpu.memory_space<smem>>
        %mul3A_353 = vector.broadcast %get3A_352 : f32 to vector<16x768xf32>
        %mul3A_354 = arith.mulf %mul3A_353, %convert_element_type3A_344 : vector<16x768xf32>
        %add3A_355 = arith.addf %mul3A_349, %mul3A_354 : vector<16x768xf32>
        %convert_element_type3A_356 = arith.truncf %add3A_355 : vector<16x768xf32> to vector<16x768xbf16>
        %swap3A_357 = arith.index_cast %select_n3A_52 : i32 to index
        %swap3A_358 = arith.constant 96 : index
        %swap3A_359 = arith.constant 0 : index
        %swap3A_360 = vector.load %arg12[%swap3A_357, %swap3A_358, %swap3A_359] : memref<2x128x768xbf16, #tpu.memory_space<vmem>>, vector<1x16x768xbf16>
        %swap3A_361 = vector.shape_cast %swap3A_360 : vector<1x16x768xbf16> to vector<16x768xbf16>
        %swap3A_362 = vector.shape_cast %convert_element_type3A_356 : vector<16x768xbf16> to vector<1x16x768xbf16>
        tpu.vector_store %arg12[%swap3A_357, %swap3A_358, %swap3A_359], %swap3A_362 {strides = array<i32>} : memref<2x128x768xbf16, #tpu.memory_space<vmem>>, vector<1x16x768xbf16>,
        %mul3A_363 = arith.constant 8 : i32
        %mul3A_364 = arith.muli %scan3A_41, %mul3A_363 : i32
        %add3A_365 = arith.constant 7 : i32
        %add3A_366 = arith.addi %mul3A_364, %add3A_365 : i32
        %mul3A_367 = arith.constant 2 : i32
        %mul3A_368 = arith.muli %mul3A_367, %add3A_366 : i32
        %get3A_369 = arith.index_cast %mul3A_368 : i32 to index
        %get3A_370 = memref.load %arg3[%get3A_369] : memref<2048xi32, #tpu.memory_space<smem>>
        %mul3A_371 = arith.constant 2 : i32
        %mul3A_372 = arith.muli %mul3A_371, %add3A_366 : i32
        %add3A_373 = arith.constant 1 : i32
        %add3A_374 = arith.addi %mul3A_372, %add3A_373 : i32
        %get3A_375 = arith.index_cast %add3A_374 : i32 to index
        %get3A_376 = memref.load %arg3[%get3A_375] : memref<2048xi32, #tpu.memory_space<smem>>
        %mul3A_377 = arith.constant 16 : i32
        %mul3A_378 = arith.muli %get3A_370, %mul3A_377 : i32
        %get3A_379 = arith.index_cast %mul3A_378 : i32 to index
        %get3A_380 = arith.constant 0 : index
        %get3A_381 = vector.load %arg11[%get3A_379, %get3A_380] : memref<36864x768xbf16, #tpu.memory_space<vmem>>, vector<16x768xbf16>
        %convert_element_type3A_382 = arith.extf %get3A_381 : vector<16x768xbf16> to vector<16x768xf32>
        %mul3A_383 = arith.constant 16 : i32
        %mul3A_384 = arith.muli %get3A_376, %mul3A_383 : i32
        %get3A_385 = arith.index_cast %mul3A_384 : i32 to index
        %get3A_386 = arith.constant 0 : index
        %get3A_387 = vector.load %arg11[%get3A_385, %get3A_386] : memref<36864x768xbf16, #tpu.memory_space<vmem>>, vector<16x768xbf16>
        %convert_element_type3A_388 = arith.extf %get3A_387 : vector<16x768xbf16> to vector<16x768xf32>
        %get3A_389 = arith.index_cast %add3A_366 : i32 to index
        %get3A_390 = arith.constant 0 : index
        %get3A_391 = memref.load %arg8[%get3A_389, %get3A_390] : memref<1024x2xf32, #tpu.memory_space<smem>>
        %mul3A_392 = vector.broadcast %get3A_391 : f32 to vector<16x768xf32>
        %mul3A_393 = arith.mulf %mul3A_392, %convert_element_type3A_382 : vector<16x768xf32>
        %get3A_394 = arith.index_cast %add3A_366 : i32 to index
        %get3A_395 = arith.constant 1 : index
        %get3A_396 = memref.load %arg8[%get3A_394, %get3A_395] : memref<1024x2xf32, #tpu.memory_space<smem>>
        %mul3A_397 = vector.broadcast %get3A_396 : f32 to vector<16x768xf32>
        %mul3A_398 = arith.mulf %mul3A_397, %convert_element_type3A_388 : vector<16x768xf32>
        %add3A_399 = arith.addf %mul3A_393, %mul3A_398 : vector<16x768xf32>
        %convert_element_type3A_400 = arith.truncf %add3A_399 : vector<16x768xf32> to vector<16x768xbf16>
        %swap3A_401 = arith.index_cast %select_n3A_52 : i32 to index
        %swap3A_402 = arith.constant 112 : index
        %swap3A_403 = arith.constant 0 : index
        %swap3A_404 = vector.load %arg12[%swap3A_401, %swap3A_402, %swap3A_403] : memref<2x128x768xbf16, #tpu.memory_space<vmem>>, vector<1x16x768xbf16>
        %swap3A_405 = vector.shape_cast %swap3A_404 : vector<1x16x768xbf16> to vector<16x768xbf16>
        %swap3A_406 = vector.shape_cast %convert_element_type3A_400 : vector<16x768xbf16> to vector<1x16x768xbf16>
        tpu.vector_store %arg12[%swap3A_401, %swap3A_402, %swap3A_403], %swap3A_406 {strides = array<i32>} : memref<2x128x768xbf16, #tpu.memory_space<vmem>>, vector<1x16x768xbf16>,
        %mul3A_407 = arith.constant 8 : i32
        %mul3A_408 = arith.muli %scan3A_41, %mul3A_407 : i32
        %mul3A_409 = arith.constant 16 : i32
        %mul3A_410 = arith.muli %mul3A_408, %mul3A_409 : i32
        %dma_start3A = tpu.memref_slice %arg14[%select_n3A_52] : memref<2x!tpu.dma_semaphore, #tpu.memory_space<semaphore_mem>> -> memref<1x!tpu.dma_semaphore, #tpu.memory_space<semaphore_mem>>
        %dma_start3A_411 = tpu.memref_squeeze %dma_start3A : memref<1x!tpu.dma_semaphore, #tpu.memory_space<semaphore_mem>> -> memref<!tpu.dma_semaphore, #tpu.memory_space<semaphore_mem>>
        %dma_start3A_412 = arith.constant 0 : i32
        %dma_start3A_413 = tpu.memref_slice %arg9[%mul3A_410, %dma_start3A_412] : memref<16384x768xbf16, #tpu.memory_space<any>> -> memref<128x768xbf16, #tpu.memory_space<any>>
        %dma_start3A_414 = arith.constant 0 : i32
        %dma_start3A_415 = arith.constant 0 : i32
        %dma_start3A_416 = tpu.memref_slice %arg12[%select_n3A_52, %dma_start3A_414, %dma_start3A_415] : memref<2x128x768xbf16, #tpu.memory_space<vmem>> -> memref<1x128x768xbf16, #tpu.memory_space<vmem>>
        %dma_start3A_417 = tpu.memref_squeeze %dma_start3A_416 : memref<1x128x768xbf16, #tpu.memory_space<vmem>> -> memref<128x768xbf16, #tpu.memory_space<vmem>>
        tpu.enqueue_dma source(%dma_start3A_417 : memref<128x768xbf16, #tpu.memory_space<vmem>>) target(%dma_start3A_413 : memref<128x768xbf16, #tpu.memory_space<any>>) target_semaphore(%dma_start3A_411 : memref<!tpu.dma_semaphore, #tpu.memory_space<semaphore_mem>>)
      }
      %scan3A_19 = arith.constant 128 : i32
      %dma_wait3A = arith.constant 0 : i32
      %dma_wait3A_20 = arith.constant 0 : i32
      %dma_wait3A_21 = tpu.memref_slice %arg14[%dma_wait3A_20] : memref<2x!tpu.dma_semaphore, #tpu.memory_space<semaphore_mem>> -> memref<1x!tpu.dma_semaphore, #tpu.memory_space<semaphore_mem>>
      %dma_wait3A_22 = tpu.memref_squeeze %dma_wait3A_21 : memref<1x!tpu.dma_semaphore, #tpu.memory_space<semaphore_mem>> -> memref<!tpu.dma_semaphore, #tpu.memory_space<semaphore_mem>>
      %dma_wait3A_23 = arith.constant 16128 : i32
      %dma_wait3A_24 = arith.constant 0 : i32
      %dma_wait3A_25 = tpu.memref_slice %arg9[%dma_wait3A_23, %dma_wait3A_24] : memref<16384x768xbf16, #tpu.memory_space<any>> -> memref<128x768xbf16, #tpu.memory_space<any>>
      %dma_wait3A_26 = arith.constant 0 : i32
      %dma_wait3A_27 = arith.constant 0 : i32
      %dma_wait3A_28 = tpu.memref_slice %arg12[%dma_wait3A, %dma_wait3A_26, %dma_wait3A_27] : memref<2x128x768xbf16, #tpu.memory_space<vmem>> -> memref<1x128x768xbf16, #tpu.memory_space<vmem>>
      %dma_wait3A_29 = tpu.memref_squeeze %dma_wait3A_28 : memref<1x128x768xbf16, #tpu.memory_space<vmem>> -> memref<128x768xbf16, #tpu.memory_space<vmem>>
      tpu.wait_dma2 semaphore(%dma_wait3A_22 : memref<!tpu.dma_semaphore, #tpu.memory_space<semaphore_mem>>) src(%dma_wait3A_29 : memref<128x768xbf16, #tpu.memory_space<vmem>>) dst(%dma_wait3A_25 : memref<128x768xbf16, #tpu.memory_space<any>>)
      %dma_wait3A_30 = arith.constant 1 : i32
      %dma_wait3A_31 = arith.constant 1 : i32
      %dma_wait3A_32 = tpu.memref_slice %arg14[%dma_wait3A_31] : memref<2x!tpu.dma_semaphore, #tpu.memory_space<semaphore_mem>> -> memref<1x!tpu.dma_semaphore, #tpu.memory_space<semaphore_mem>>
      %dma_wait3A_33 = tpu.memref_squeeze %dma_wait3A_32 : memref<1x!tpu.dma_semaphore, #tpu.memory_space<semaphore_mem>> -> memref<!tpu.dma_semaphore, #tpu.memory_space<semaphore_mem>>
      %dma_wait3A_34 = arith.constant 16256 : i32
      %dma_wait3A_35 = arith.constant 0 : i32
      %dma_wait3A_36 = tpu.memref_slice %arg9[%dma_wait3A_34, %dma_wait3A_35] : memref<16384x768xbf16, #tpu.memory_space<any>> -> memref<128x768xbf16, #tpu.memory_space<any>>
      %dma_wait3A_37 = arith.constant 0 : i32
      %dma_wait3A_38 = arith.constant 0 : i32
      %dma_wait3A_39 = tpu.memref_slice %arg12[%dma_wait3A_30, %dma_wait3A_37, %dma_wait3A_38] : memref<2x128x768xbf16, #tpu.memory_space<vmem>> -> memref<1x128x768xbf16, #tpu.memory_space<vmem>>
      %dma_wait3A_40 = tpu.memref_squeeze %dma_wait3A_39 : memref<1x128x768xbf16, #tpu.memory_space<vmem>> -> memref<128x768xbf16, #tpu.memory_space<vmem>>
      tpu.wait_dma2 semaphore(%dma_wait3A_33 : memref<!tpu.dma_semaphore, #tpu.memory_space<semaphore_mem>>) src(%dma_wait3A_40 : memref<128x768xbf16, #tpu.memory_space<vmem>>) dst(%dma_wait3A_36 : memref<128x768xbf16, #tpu.memory_space<any>>)
    } else {
    }
    return
  }
  func.func @transform_1(%arg0: i32, %arg1: memref<2304xi32, #tpu.memory_space<smem>>, %arg2: memref<72xi32, #tpu.memory_space<smem>>, %arg3: memref<2048xi32, #tpu.memory_space<smem>>, %arg4: memref<1xi32, #tpu.memory_space<smem>>) -> (i32, i32, i32) {
    %get3A = arith.index_cast %arg0 : i32 to index
    %get3A_0 = memref.load %arg2[%get3A] : memref<72xi32, #tpu.memory_space<smem>>
    %c0_i32 = arith.constant 0 : i32
    %c0_i32_1 = arith.constant 0 : i32
    %c0_i32_2 = arith.constant 0 : i32
    return %get3A_0, %c0_i32, %c0_i32_1 : i32, i32, i32
  }
  func.func @transform_2(%arg0: i32, %arg1: memref<2304xi32, #tpu.memory_space<smem>>, %arg2: memref<72xi32, #tpu.memory_space<smem>>, %arg3: memref<2048xi32, #tpu.memory_space<smem>>, %arg4: memref<1xi32, #tpu.memory_space<smem>>) -> (i32, i32) {
    %c0_i32 = arith.constant 0 : i32
    %c0_i32_0 = arith.constant 0 : i32
    %c0_i32_1 = arith.constant 0 : i32
    return %c0_i32, %c0_i32_0 : i32, i32
  }
  func.func @transform_3(%arg0: i32, %arg1: memref<2304xi32, #tpu.memory_space<smem>>, %arg2: memref<72xi32, #tpu.memory_space<smem>>, %arg3: memref<2048xi32, #tpu.memory_space<smem>>, %arg4: memref<1xi32, #tpu.memory_space<smem>>) -> (i32, i32) {
    %c0_i32 = arith.constant 0 : i32
    %c0_i32_0 = arith.constant 0 : i32
    %c0_i32_1 = arith.constant 0 : i32
    return %c0_i32, %c0_i32_0 : i32, i32
  }
}

</mosaic_0001>

<sc_bundles>
// kernel: kernel.5.cloned.1.call-start
scs
__scs_entry_jumppad:
0x0: {  	(pc) =	sbr.rel $0x88, $3  }
0x1: {  	(tag) =	ssettag $0x0;
	lr =	simm.s32 $0x1  }
0x2: {  	[smem:$0x3F9C] =	sst lr;
	_ =	strace $0xD0000000  }
0x3: {  	_ = 	snop  }
0x4: {  	_ = 	snop  }
0x5: {  	_ = 	snop  }
0x6: {  	_ = 	snop  }
0x7: {  	_ = 	snop  }
__scs_overlays_trampoline_lowered:
0x8: {  	[smem:$0x3FAB] =	sst s0  }
0x9: {  	[smem:$0x3FAC] =	sst s1  }
0xa: {  	[smem:$0x3FAD] =	sst s2  }
0xb: {  	[smem:$0x3FAE] =	sst s3  }
0xc: {  	[smem:$0x3FAF] =	sst s4  }
0xd: {  	[smem:$0x3FB0] =	sst s5  }
0xe: {  	[smem:$0x3FB1] =	sst s6  }
0xf: {  	[smem:$0x3FB2] =	sst s7  }
0x10: {  	[smem:$0x3FB3] =	sst s8  }
0x11: {  	[smem:$0x3FB4] =	sst s9;
	s0 =	simm.s32 @!p0 $0x0  }
0x12: {  	s1 =	sld [smem:$0x3F9A];
	s0 =	simm.s32 @p0 $0x1  }
0x13: {  	[smem:$0x3FB5] =	sst s0;
	s0 =	simm.s32 @!p1 $0x0  }
0x14: {  	s2 =	sld [smem:$0x3F99];
	s0 =	simm.s32 @p1 $0x1  }
0x15: {  	[smem:$0x3FB6] =	sst s0;
	s0 =	simm.s32 @!p2 $0x0  }
0x16: {  	s3 =	sld [smem:$0x3FDB];
	s0 =	simm.s32 @p2 $0x1  }
0x17: {  	s4 =	simm.s32 $0x1BF5;
	[smem:$0x3FB8] =	sst s0  }
0x18: {  	s0 =	sld [smem:$0x3F9B];
	_ =	swait.ge [sflag:s4], $0x0  }
0x19: {  	s7 =	sld [smem:$0x3F9C]  }
0x1a: {  	s8 =	sadd.s32 $0xFFFFE003, lr  }
0x1b: {  	s9 =	sadd.s32 $0xFFFFFEF7, lr;
	s5 =	simm.s32 $0xFFFFFFFF;
	p2 =	slt.u32 s8, $0xFFFFF086  }
0x1c: {  	p1 =	slt.u32 s9, $0xF7A;
	s5 =	simm.s32 @!p2 $0x0  }
0x1d: {  	s5 =	simm.s32 @p1 $0x1;
	p0 =	seq.s32 s7, s2  }
0x1e: {  	s7 =	smul.u32 @!p0 $0xF7A, s2;
	p2 =	seq.s32 @!p0 s5, $0x0  }
0x1f: {  	s9 =	smul.u32 $0xF7A, s1;
	s8 =	simm.s32 @!p0 $0x1BF5;
	p2 =	por !p2, p0  }
0x20: {  	[sflag:s8] =	ssyncset.s32 @!p0 $0xFFFFF086;
	s6 =	sadd.s32 @!p0 s3, s7;
	s7 =	simm.s32 @!p0 $0x108  }
0x21: {  	s3 =	sadd.s32 s3, s9;
	s6 =	sadd.s32 @!p0 $0x88, s6;
	s7 =	simm.s32 @p2 $0x1082  }
0x22: {  	[simem:s7], [sflag:s8] =	dma.local @!p0 [hbm:s6], $0xF7A  }
0x23: {  	s9 =	sor.u32 $0xD0000000, s2;
	s6 =	simm.s32 $0x108;
	_ =	swait.ge @!p0 [sflag:s8], $0x0  }
0x24: {  	s3 =	sadd.s32 $0x88, s3;
	s6 =	simm.s32 @!p1 $0x1082;
	[sflag:s4] =	ssyncset.s32 $0xFFFFF086  }
0x25: {  	[simem:s6], [sflag:s4] =	dma.local [hbm:s3], $0xF7A  }
0x26: {  	[smem:$0x3F9C] =	sst s1;
	(tag) =	ssettag s2;
	_ =	strace s9  }
0x27: {  	s1 =	sld [smem:$0x3FAC]  }
0x28: {  	s2 =	sld [smem:$0x3FAD]  }
0x29: {  	s4 =	sld [smem:$0x3FAF]  }
0x2a: {  	p0 =	seq.s32 s5, $0x0;
	s5 =	sld [smem:$0x3FB0]  }
0x2b: {  	s6 =	sld [smem:$0x3FB1]  }
0x2c: {  	s7 =	sld [smem:$0x3FB2]  }
0x2d: {  	s3 =	simm.s32 $0x108;
	s8 =	sld [smem:$0x3FB3]  }
0x2e: {  	s3 =	simm.s32 @!p0 $0x1082;
	s9 =	sld [smem:$0x3FB4]  }
0x2f: {  	lr =	sadd.s32 s0, s3;
	s0 =	sld [smem:$0x3FAB]  }
0x30: {  	s3 =	sld [smem:$0x3FAE]  }
0x31: {  	[smem:$0x3FB7] =	sst s10  }
0x32: {  	s10 =	sld [smem:$0x3FB5];
	_ =	sdelay $0x3  }
0x33: {  	p0 =	seq.s32 s10, $0x1;
	s10 =	sld [smem:$0x3FB7];
	_ =	sdelay $0x3  }
0x34: {  	[smem:$0x3FB7] =	sst s10  }
0x35: {  	s10 =	sld [smem:$0x3FB6];
	_ =	sdelay $0x3  }
0x36: {  	p1 =	seq.s32 s10, $0x1;
	s10 =	sld [smem:$0x3FB7];
	_ =	sdelay $0x3  }
0x37: {  	[smem:$0x3FB7] =	sst s10  }
0x38: {  	s10 =	sld [smem:$0x3FB8]  }
0x39: {  	_ = 	snop;
	(pc) =	sbr.ind lr, $3  }
0x3a: {  	_ = 	snop  }
0x3b: {  	_ = 	snop  }
0x3c: {  	p2 =	seq.s32 s10, $0x1;
	s10 =	sld [smem:$0x3FB7]  }
0x3d: {  	_ =	shalt  }
0x3e: {  	_ =	shalt  }
0x3f: {  	_ =	shalt  }
0x40: {  	_ =	shalt  }
0x41: {  	_ =	shalt  }
0x42: {  	_ =	shalt  }
0x43: {  	_ =	shalt  }
0x44: {  	_ =	shalt  }
0x45: {  	_ =	shalt  }
0x46: {  	_ =	shalt  }
0x47: {  	_ =	shalt  }
0x48: {  	_ =	shalt  }
0x49: {  	_ =	shalt  }
0x4a: {  	_ =	shalt  }
0x4b: {  	_ =	shalt  }
0x4c: {  	_ =	shalt  }
0x4d: {  	_ =	shalt  }
0x4e: {  	_ =	shalt  }
0x4f: {  	_ =	shalt  }
0x50: {  	_ =	shalt  }
0x51: {  	_ =	shalt  }
0x52: {  	_ =	shalt  }
0x53: {  	_ =	shalt  }
0x54: {  	_ =	shalt  }
0x55: {  	_ =	shalt  }
0x56: {  	_ =	shalt  }
0x57: {  	_ =	shalt  }
0x58: {  	_ =	shalt  }
0x59: {  	_ =	shalt  }
0x5a: {  	_ =	shalt  }
0x5b: {  	_ =	shalt  }
0x5c: {  	_ =	shalt  }
0x5d: {  	_ =	shalt  }
0x5e: {  	_ =	shalt  }
0x5f: {  	_ =	shalt  }
0x60: {  	_ =	shalt  }
0x61: {  	_ =	shalt  }
0x62: {  	_ =	shalt  }
0x63: {  	_ =	shalt  }
0x64: {  	_ =	shalt  }
0x65: {  	_ =	shalt  }
0x66: {  	_ =	shalt  }
0x67: {  	_ =	shalt  }
0x68: {  	_ =	shalt  }
0x69: {  	_ =	shalt  }
0x6a: {  	_ =	shalt  }
0x6b: {  	_ =	shalt  }
0x6c: {  	_ =	shalt  }
0x6d: {  	_ =	shalt  }
0x6e: {  	_ =	shalt  }
0x6f: {  	_ =	shalt  }
0x70: {  	_ =	shalt  }
0x71: {  	_ =	shalt  }
0x72: {  	_ =	shalt  }
0x73: {  	_ =	shalt  }
0x74: {  	_ =	shalt  }
0x75: {  	_ =	shalt  }
0x76: {  	_ =	shalt  }
0x77: {  	_ =	shalt  }
0x78: {  	_ =	shalt  }
0x79: {  	_ =	shalt  }
0x7a: {  	_ =	shalt  }
0x7b: {  	_ =	shalt  }
0x7c: {  	_ =	shalt  }
0x7d: {  	_ =	shalt  }
0x7e: {  	_ =	shalt  }
0x7f: {  	_ =	shalt  }
0x80: {  	_ =	shalt  }
0x81: {  	_ =	shalt  }
0x82: {  	_ =	shalt  }
0x83: {  	_ =	shalt  }
0x84: {  	_ =	shalt  }
0x85: {  	_ =	shalt  }
0x86: {  	_ =	shalt  }
0x87: {  	_ =	shalt  }
.Lfunc_end0:
.L_simem_size_0:
called_computation_lowered:
.L_overlay_start_0:
0x88: {  	s2 =	sld [smem:$0x3FD9]  }
0x89: {  	s3 =	sld [smem:$0x3FFE];
	_ =	sdelay $0x1  }
0x8a: {  	s1 =	srdreg.scid  }
0x8b: {  	s0 =	sand.u32 $0x1, s1  }
0x8c: {  	s16 =	sshll.u32 s0, $0xA;
	s2 =	sadd.s32 s3, s2  }
0x8d: {  	s2 =	sadd.s32 s2, s16  }
0x8e: {  	[smem:$0x3FC3] =	sst s2  }
0x8f: {  	_ = 	snop  }
0x90: {  	(tm) =	ssettm $0x1  }
0x91: {  	s17 =	sld [smem:$0x3FFB];
	_ =	sdelay $0x3  }
0x92: {  	_ =	strace s17  }
0x93: {  	s2 =	sld [smem:$0x3FFC];
	_ =	sdelay $0x3  }
0x94: {  	_ =	strace s2  }
0x95: {  	s2 =	sld [smem:$0x3FFD];
	_ =	sdelay $0x3  }
0x96: {  	_ =	strace s2  }
0x97: {  	_ =	strace $0x8FFFFFFF  }
0x98: {  	s18 =	sld [smem:$0x3FDB];
	_ =	sdelay $0x1  }
0x99: {  	s19 =	simm.s32 $_scs_section_size  }
0x9a: {  	s4 =	simm.s32 $_size__tile_overlayer_lowered;
	s5 =	simm.s32 $_tile_overlayer_lowered  }
0x9b: {  	s22 =	simm.s32 $0x1BFF;
	s21 =	sshll.u32 s5, $0x1;
	s2 =	sadd.s32 s19, s18  }
0x9c: {  	s6 =	simm.s32 $0x0;
	s20 =	sshll.u32 s4, $0x1;
	s4 =	sadd.s32 s21, s2  }
0x9d: {  	[timem:s6], [sflag:s22] =	dma.local [hbm:s4], s20  }
0x9e: {  	_ =	swait.ge [sflag:s22], s20  }
0x9f: {  	s3 =	ssub.s32 $0x0, s20;
	[sflag:s22] =	ssyncset.done $0x0  }
0xa0: {  	[sflag:s22] =	ssyncadd.s32 s3;
	_ =	sdelay $0x1  }
0xa1: {  	s23 =	simm.s32 $0x1B8B  }
0xa2: {  	_ =	swait.ge [sflag:s23], $0x1  }
0xa3: {  	[sflag:s23] =	ssyncset.done $0x0  }
0xa4: {  	s25 =	simm.s32 $0x1B8E;
	s24 =	sld [smem:$0x3FFE];
	[sflag:s23] =	ssyncadd.s32 $0xFFFFFFFF  }
0xa5: {  	s26 =	simm.s32 $execute0_lowered;
	[smem:$0x3FD2] =	sst s25  }
0xa6: {  	s4 =	sshll.u32 s26, $0x1;
	_ =	strace $0x80000046;
	[dreg:$0x1] =	wrdreg $0xFFFFFFFF  }
0xa7: {  	s28 =	simm.s32 $_size_execute0_lowered;
	s2 =	sadd.s32 s2, s4;
	[dreg:$0x0] =	wrdreg $0x0  }
0xa8: {  	s4 =	sshll.u32 s28, $0x1;
	[dreg:$0x2] =	wrdreg s2  }
0xa9: {  	[dreg:$0x3] =	wrdreg s4  }
0xaa: {  	[dreg:$0x4] =	wrdreg $0xC0  }
0xab: {  	_ =	task [dreg:s6], $0x5FFFF  }
0xac: {  	[dreg:$0x1] =	wrdreg $0xFFFFFFFF  }
0xad: {  	[dreg:$0x0] =	wrdreg $0x60  }
0xae: {  	[dreg:$0x2] =	wrdreg s24  }
0xaf: {  	[dreg:$0x3] =	wrdreg $0x9  }
0xb0: {  	_ =	task.clear_ibuf [dreg:s6], $0x4FFFF;
	_ =	strace $0x90000046  }
0xb1: {  	s29 =	simm.s32 $0x9;
	_ =	strace $0x80000048  }
0xb2: {  	_ =	swait.ge [sflag:s29], $0x1  }
0xb3: {  	[sflag:s29] =	ssyncadd.s32 $0xFFFFFFFF  }
0xb4: {  	_ =	strace $0x90000048  }
0xb5: {  	_ =	sfence  }
0xb6: {  	s30 =	sld [smem:$0x0];
	_ =	sdelay $0x2  }
0xb7: {  	s31 =	sshll.u32 s1, $0xD;
	s1 =	sshrl.u32 s1, $0x2  }
0xb8: {  	s3 =	sand.u32 $0x4000, s31;
	s1 =	sadd.s32 s1, s30  }
0xb9: {  	s0 =	sor.u32 s3, s0;
	s1 =	sshll.u32 s1, $0x11  }
0xba: {  	s0 =	sor.u32 s1, s0  }
0xbb: {  	s0 =	sadd.s32 $0x8F2B, s0  }
0xbc: {  	[sflag:s0] =	ssyncadd.remote.s32 $0x1  }
0xbd: {  	_ =	sfence.sel $0xFFFF  }
0xbe: {  	[dreg:$0x0] =	wrdreg $0xFFFFFFFF;
	(pc) =	sbr.abs _section_cstart, $3  }
0xbf: {  	[dreg:$0x1] =	wrdreg $0xFFFFFFFF  }
0xc0: {  	_ =	task.clear_ibuf [dreg:s6], $0x2FFFF;
	_ =	strace $0x9FFFFFFF  }
0xc1: {  	(tm) =	ssettm $0x7FFFFFFF  }
tec
execute0_lowered:
.L_overlay_start_1:
0x0: {  	(tag) =	ssettag $0x1  }
0x1: {  	v0 =	vlaneseq.u32  }
0x2: {  	v0 =	vshrl.u32 v0, $0x1  }
0x3: {  	v1 =	vimm.s32 $0x0;
	v2 =	vor.u32 $0x8, v0;
	v4 =	vor.u32 $0x18, v0  }
0x4: {  	v5 =	vor.u32 $0x20, v0;
	v6 =	vor.u32 $0x28, v0;
	v7 =	vor.u32 $0x30, v0  }
0x5: {  	v8 =	vor.u32 $0x38, v0;
	v9 =	vor.u32 $0x40, v0;
	v10 =	vor.u32 $0x48, v0  }
0x6: {  	v11 =	vor.u32 $0x50, v0;
	v12 =	vor.u32 $0x58, v0;
	v13 =	vor.u32 $0x60, v0  }
0x7: {  	v14 =	vor.u32 $0x68, v0;
	v15 =	vor.u32 $0x70, v0;
	v16 =	vor.u32 $0x78, v0  }
0x8: {  	v17 =	vor.u32 $0x80, v0;
	v18 =	vor.u32 $0x88, v0;
	v19 =	vor.u32 $0x90, v0  }
0x9: {  	v20 =	vor.u32 $0x98, v0;
	v21 =	vor.u32 $0xA0, v0;
	v22 =	vor.u32 $0xA8, v0  }
0xa: {  	v23 =	vor.u32 $0xB0, v0;
	v24 =	vor.u32 $0xB8, v0;
	v25 =	vor.u32 $0xC0, v0  }
0xb: {  	v26 =	vor.u32 $0xC8, v0;
	v27 =	vor.u32 $0xD0, v0;
	v28 =	vor.u32 $0xD8, v0  }
0xc: {  	v29 =	vor.u32 $0xE0, v0;
	v30 =	vor.u32 $0xE8, v0;
	v31 =	vor.u32 $0xF0, v0  }
0xd: {  	v32 =	vor.u32 $0xF8, v0;
	v33 =	vor.u32 $0x100, v0;
	v34 =	vor.u32 $0x108, v0  }
0xe: {  	v35 =	vor.u32 $0x110, v0;
	v36 =	vor.u32 $0x118, v0;
	v37 =	vor.u32 $0x120, v0  }
0xf: {  	v38 =	vor.u32 $0x128, v0;
	v39 =	vor.u32 $0x130, v0;
	v40 =	vor.u32 $0x138, v0  }
0x10: {  	s1 =	srdreg.scid;
	s0 =	stileid.u32;
	v41 =	vor.u32 $0x140, v0;
	v42 =	vor.u32 $0x148, v0;
	v43 =	vor.u32 $0x150, v0  }
0x11: {  	s4 =	rddreg [dreg:$0x0];
	s3 =	sand.u32 $0x1, s1;
	s31 =	sshll.u32 s0, $0x1;
	v44 =	vor.u32 $0x158, v0;
	v45 =	vor.u32 $0x160, v0;
	v46 =	vor.u32 $0x168, v0  }
0x12: {  	s2 =	simm.s32 $0x0;
	s9 =	simm.s32 $0x2;
	s5 =	sor.u32 s3, s31;
	v47 =	vor.u32 $0x170, v0;
	v48 =	vor.u32 $0x178, v0;
	v49 =	vor.u32 $0x180, v0  }
0x13: {  	s1 =	rddreg [dreg:$0x1];
	s6 =	ssub.s32 $0x2, s3;
	v50 =	vor.u32 $0x188, v0;
	v51 =	vor.u32 $0x190, v0;
	v52 =	vor.u32 $0x198, v0;
	s5 =	smul.u32 $0x48, s5  }
0x14: {  	[smem:$0x7FF] =	sst s2;
	v53 =	vor.u32 $0x1A0, v0;
	v54 =	vor.u32 $0x1A8, v0;
	s3 =	sadd.s32 $0x4600, s4;
	[tilespmem:$0x1FFE0] =	vst v2;
	v2 =	vor.u32 $0x10, v0;
	s8 =	sshrl.u32 s6, $0x1  }
0x15: {  	v55 =	vor.u32 $0x1B0, v0;
	v56 =	vor.u32 $0x1B8, v0;
	v57 =	vor.u32 $0x1C0, v0;
	[tilespmem:$0x1FFF0] =	vst v2;
	s6 =	ssub.s32 s6, s8;
	s8 =	simm.s32 $0x800;
	s7 =	sshrl.u32 s5, $0x3  }
0x16: {  	v58 =	vor.u32 $0x1C8, v0;
	v59 =	vor.u32 $0x1D0, v0;
	v60 =	vor.u32 $0x1D8, v0;
	_ =	strace $0x80000047;
	s5 =	sadd.s32 $0x800, s5;
	s4 =	sadd.s32 s7, s4  }
0x17: {  	v61 =	vor.u32 $0x1E0, v0;
	v62 =	vor.u32 $0x1E8, v0;
	v63 =	vor.u32 $0x1F0, v0;
	s6 =	smax.u32 s6, $0x1;
	s7 =	simm.s32 $0x1;
	s4 =	sadd.s32 $0x4800, s4  }
.LBB2_1:
0x18: {  	[tilespmem:s2], [sflag:$0x1] =	stream.linear.gather [hbm4b:s3+s2], $0x800, $0x38;
	[tilespmem:$0x1100] =	vst v63  }
0x19: {  	_ =	swait.ge [sflag:s7], $0x800  }
0x1a: {  	[sflag:s7] =	ssyncset.done $0x0  }
0x1b: {  	[sflag:s7] =	ssyncadd.s32 $0xFFFFF800  }
0x1c: {  	[tilespmem:$0x800] =	vst v1  }
0x1d: {  	[tilespmem:$0x810] =	vst v1  }
0x1e: {  	[tilespmem:$0x820] =	vst v1  }
0x1f: {  	[tilespmem:$0x830] =	vst v1  }
0x20: {  	[tilespmem:$0x840] =	vst v1  }
0x21: {  	[tilespmem:$0x850] =	vst v1  }
0x22: {  	[tilespmem:$0x860] =	vst v1  }
0x23: {  	[tilespmem:$0x870] =	vst v1  }
0x24: {  	[tilespmem:$0x880] =	vst v1  }
0x25: {  	[tilespmem:$0x890] =	vst v1  }
0x26: {  	[tilespmem:$0x8A0] =	vst v1  }
0x27: {  	[tilespmem:$0x8B0] =	vst v1  }
0x28: {  	[tilespmem:$0x8C0] =	vst v1  }
0x29: {  	[tilespmem:$0x8D0] =	vst v1  }
0x2a: {  	[tilespmem:$0x8E0] =	vst v1  }
0x2b: {  	[tilespmem:$0x8F0] =	vst v1  }
0x2c: {  	[tilespmem:$0x900] =	vst v1  }
0x2d: {  	[tilespmem:$0x910] =	vst v1  }
0x2e: {  	[tilespmem:$0x920] =	vst v1  }
0x2f: {  	[tilespmem:$0x930] =	vst v1  }
0x30: {  	[tilespmem:$0x940] =	vst v1  }
0x31: {  	[tilespmem:$0x950] =	vst v1  }
0x32: {  	[tilespmem:$0x960] =	vst v1  }
0x33: {  	[tilespmem:$0x970] =	vst v1  }
0x34: {  	[tilespmem:$0x980] =	vst v1  }
0x35: {  	[tilespmem:$0x990] =	vst v1  }
0x36: {  	[tilespmem:$0x9A0] =	vst v1  }
0x37: {  	[tilespmem:$0x9B0] =	vst v1  }
0x38: {  	[tilespmem:$0x9C0] =	vst v1  }
0x39: {  	[tilespmem:$0x9D0] =	vst v1  }
0x3a: {  	[tilespmem:$0x9E0] =	vst v1  }
0x3b: {  	[tilespmem:$0x9F0] =	vst v1  }
0x3c: {  	[tilespmem:$0xA00] =	vst v1  }
0x3d: {  	[tilespmem:$0xA10] =	vst v1  }
0x3e: {  	[tilespmem:$0xA20] =	vst v1  }
0x3f: {  	[tilespmem:$0xA30] =	vst v1  }
0x40: {  	[tilespmem:$0xA40] =	vst v1  }
0x41: {  	[tilespmem:$0xA50] =	vst v1  }
0x42: {  	[tilespmem:$0xA60] =	vst v1  }
0x43: {  	[tilespmem:$0xA70] =	vst v1  }
0x44: {  	[tilespmem:$0xA80] =	vst v1  }
0x45: {  	[tilespmem:$0xA90] =	vst v1  }
0x46: {  	[tilespmem:$0xAA0] =	vst v1  }
0x47: {  	[tilespmem:$0xAB0] =	vst v1  }
0x48: {  	[tilespmem:$0xAC0] =	vst v1  }
0x49: {  	[tilespmem:$0xAD0] =	vst v1  }
0x4a: {  	[tilespmem:$0xAE0] =	vst v1  }
0x4b: {  	[tilespmem:$0xAF0] =	vst v1  }
0x4c: {  	[tilespmem:$0xB00] =	vst v1  }
0x4d: {  	[tilespmem:$0xB10] =	vst v1  }
0x4e: {  	[tilespmem:$0xB20] =	vst v1  }
0x4f: {  	[tilespmem:$0xB30] =	vst v1  }
0x50: {  	[tilespmem:$0xB40] =	vst v1  }
0x51: {  	[tilespmem:$0xB50] =	vst v1  }
0x52: {  	[tilespmem:$0xB60] =	vst v1  }
0x53: {  	[tilespmem:$0xB70] =	vst v1  }
0x54: {  	[tilespmem:$0xB80] =	vst v1  }
0x55: {  	[tilespmem:$0xB90] =	vst v1  }
0x56: {  	[tilespmem:$0xBA0] =	vst v1  }
0x57: {  	[tilespmem:$0xBB0] =	vst v1  }
0x58: {  	[tilespmem:$0xBC0] =	vst v1  }
0x59: {  	[tilespmem:$0xBD0] =	vst v1  }
0x5a: {  	[tilespmem:$0xBE0] =	vst v1  }
0x5b: {  	[tilespmem:$0xBF0] =	vst v1  }
0x5c: {  	[tilespmem:$0xC00] =	vst v1  }
0x5d: {  	[tilespmem:$0xC10] =	vst v1  }
0x5e: {  	[tilespmem:$0xC20] =	vst v1  }
0x5f: {  	[tilespmem:$0xC30] =	vst v1  }
0x60: {  	[tilespmem:$0xC40] =	vst v1  }
0x61: {  	[tilespmem:$0xC50] =	vst v1  }
0x62: {  	[tilespmem:$0xC60] =	vst v1  }
0x63: {  	[tilespmem:$0xC70] =	vst v1  }
0x64: {  	[tilespmem:$0xC80] =	vst v1  }
0x65: {  	[tilespmem:$0xC90] =	vst v1  }
0x66: {  	[tilespmem:$0xCA0] =	vst v1  }
0x67: {  	[tilespmem:$0xCB0] =	vst v1  }
0x68: {  	[tilespmem:$0xCC0] =	vst v1  }
0x69: {  	[tilespmem:$0xCD0] =	vst v1  }
0x6a: {  	[tilespmem:$0xCE0] =	vst v1  }
0x6b: {  	[tilespmem:$0xCF0] =	vst v1  }
0x6c: {  	[tilespmem:$0xD00] =	vst v1  }
0x6d: {  	[tilespmem:$0xD10] =	vst v1  }
0x6e: {  	[tilespmem:$0xD20] =	vst v1  }
0x6f: {  	[tilespmem:$0xD30] =	vst v1  }
0x70: {  	[tilespmem:$0xD40] =	vst v1  }
0x71: {  	[tilespmem:$0xD50] =	vst v1  }
0x72: {  	[tilespmem:$0xD60] =	vst v1  }
0x73: {  	[tilespmem:$0xD70] =	vst v1  }
0x74: {  	[tilespmem:$0xD80] =	vst v1  }
0x75: {  	[tilespmem:$0xD90] =	vst v1  }
0x76: {  	[tilespmem:$0xDA0] =	vst v1  }
0x77: {  	[tilespmem:$0xDB0] =	vst v1  }
0x78: {  	[tilespmem:$0xDC0] =	vst v1  }
0x79: {  	[tilespmem:$0xDD0] =	vst v1  }
0x7a: {  	[tilespmem:$0xDE0] =	vst v1  }
0x7b: {  	[tilespmem:$0xDF0] =	vst v1  }
0x7c: {  	[tilespmem:$0xE00] =	vst v1  }
0x7d: {  	[tilespmem:$0xE10] =	vst v1  }
0x7e: {  	[tilespmem:$0xE20] =	vst v1  }
0x7f: {  	[tilespmem:$0xE30] =	vst v1  }
0x80: {  	[tilespmem:$0xE40] =	vst v1  }
0x81: {  	[tilespmem:$0xE50] =	vst v1  }
0x82: {  	[tilespmem:$0xE60] =	vst v1  }
0x83: {  	[tilespmem:$0xE70] =	vst v1  }
0x84: {  	[tilespmem:$0xE80] =	vst v1  }
0x85: {  	[tilespmem:$0xE90] =	vst v1  }
0x86: {  	[tilespmem:$0xEA0] =	vst v1  }
0x87: {  	[tilespmem:$0xEB0] =	vst v1  }
0x88: {  	[tilespmem:$0xEC0] =	vst v1  }
0x89: {  	[tilespmem:$0xED0] =	vst v1  }
0x8a: {  	[tilespmem:$0xEE0] =	vst v1  }
0x8b: {  	[tilespmem:$0xEF0] =	vst v1  }
0x8c: {  	[tilespmem:$0xF00] =	vst v1  }
0x8d: {  	[tilespmem:$0xF10] =	vst v1  }
0x8e: {  	[tilespmem:$0xF20] =	vst v1  }
0x8f: {  	[tilespmem:$0xF30] =	vst v1  }
0x90: {  	[tilespmem:$0xF40] =	vst v1  }
0x91: {  	[tilespmem:$0xF50] =	vst v1  }
0x92: {  	[tilespmem:$0xF60] =	vst v1  }
0x93: {  	[tilespmem:$0xF70] =	vst v1  }
0x94: {  	[tilespmem:$0xF80] =	vst v1  }
0x95: {  	[tilespmem:$0xF90] =	vst v1  }
0x96: {  	[tilespmem:$0xFA0] =	vst v1  }
0x97: {  	[tilespmem:$0xFB0] =	vst v1  }
0x98: {  	[tilespmem:$0xFC0] =	vst v1  }
0x99: {  	[tilespmem:$0xFD0] =	vst v1  }
0x9a: {  	[tilespmem:$0xFE0] =	vst v1  }
0x9b: {  	[tilespmem:$0xFF0] =	vst v1  }
0x9c: {  	[tilespmem:$0x1000] =	vst v1  }
0x9d: {  	[tilespmem:$0x1010] =	vst v1  }
0x9e: {  	[tilespmem:$0x1020] =	vst v1  }
0x9f: {  	[tilespmem:$0x1030] =	vst v1  }
0xa0: {  	[tilespmem:$0x1040] =	vst v1  }
0xa1: {  	[tilespmem:$0x1050] =	vst v1  }
0xa2: {  	[tilespmem:$0x1060] =	vst v1  }
0xa3: {  	[tilespmem:$0x1070] =	vst v1  }
0xa4: {  	[tilespmem:$0x1080] =	vst v1;
	v2 =	vld [tilespmem:$0x0]  }
0xa5: {  	[tilespmem:$0x1090] =	vst v1  }
0xa6: {  	[tilespmem:$0x10A0] =	vst v1  }
0xa7: {  	[tilespmem:$0x10B0] =	vst v1  }
0xa8: {  	[tilespmem:$0x10C0] =	vst v1  }
0xa9: {  	[tilespmem:$0x10D0] =	vst v1  }
0xaa: {  	[tilespmem:$0x10E0] =	vst v1  }
0xab: {  	[tilespmem:$0x10F0] =	vst v1  }
0xac: {  	[tilespmem:v2+s8+$0x0] =	vst.idx.msk $0xffff, v0  }
0xad: {  	v2 =	vld [tilespmem:$0x10];
	_ =	sdelay $0x2  }
0xae: {  	v3 =	vld [tilespmem:$0x1FFE0];
	_ =	sdelay $0x4  }
0xaf: {  	[tilespmem:v2+s8+$0x0] =	vst.idx.msk $0xffff, v3  }
0xb0: {  	v2 =	vld [tilespmem:$0x20];
	_ =	sdelay $0x2  }
0xb1: {  	v3 =	vld [tilespmem:$0x1FFF0];
	_ =	sdelay $0x4  }
0xb2: {  	[tilespmem:v2+s8+$0x0] =	vst.idx.msk $0xffff, v3  }
0xb3: {  	v2 =	vld [tilespmem:$0x30];
	_ =	sdelay $0x7  }
0xb4: {  	[tilespmem:v2+s8+$0x0] =	vst.idx.msk $0xffff, v4  }
0xb5: {  	v2 =	vld [tilespmem:$0x40];
	_ =	sdelay $0x7  }
0xb6: {  	[tilespmem:v2+s8+$0x0] =	vst.idx.msk $0xffff, v5  }
0xb7: {  	v2 =	vld [tilespmem:$0x50];
	_ =	sdelay $0x7  }
0xb8: {  	[tilespmem:v2+s8+$0x0] =	vst.idx.msk $0xffff, v6  }
0xb9: {  	v2 =	vld [tilespmem:$0x60];
	_ =	sdelay $0x7  }
0xba: {  	[tilespmem:v2+s8+$0x0] =	vst.idx.msk $0xffff, v7  }
0xbb: {  	v2 =	vld [tilespmem:$0x70];
	_ =	sdelay $0x7  }
0xbc: {  	[tilespmem:v2+s8+$0x0] =	vst.idx.msk $0xffff, v8  }
0xbd: {  	v2 =	vld [tilespmem:$0x80];
	_ =	sdelay $0x7  }
0xbe: {  	[tilespmem:v2+s8+$0x0] =	vst.idx.msk $0xffff, v9  }
0xbf: {  	v2 =	vld [tilespmem:$0x90];
	_ =	sdelay $0x7  }
0xc0: {  	[tilespmem:v2+s8+$0x0] =	vst.idx.msk $0xffff, v10  }
0xc1: {  	v2 =	vld [tilespmem:$0xA0];
	_ =	sdelay $0x7  }
0xc2: {  	[tilespmem:v2+s8+$0x0] =	vst.idx.msk $0xffff, v11  }
0xc3: {  	v2 =	vld [tilespmem:$0xB0];
	_ =	sdelay $0x7  }
0xc4: {  	[tilespmem:v2+s8+$0x0] =	vst.idx.msk $0xffff, v12  }
0xc5: {  	v2 =	vld [tilespmem:$0xC0];
	_ =	sdelay $0x7  }
0xc6: {  	[tilespmem:v2+s8+$0x0] =	vst.idx.msk $0xffff, v13  }
0xc7: {  	v2 =	vld [tilespmem:$0xD0];
	_ =	sdelay $0x7  }
0xc8: {  	[tilespmem:v2+s8+$0x0] =	vst.idx.msk $0xffff, v14  }
0xc9: {  	v2 =	vld [tilespmem:$0xE0];
	_ =	sdelay $0x7  }
0xca: {  	[tilespmem:v2+s8+$0x0] =	vst.idx.msk $0xffff, v15  }
0xcb: {  	v2 =	vld [tilespmem:$0xF0];
	_ =	sdelay $0x7  }
0xcc: {  	[tilespmem:v2+s8+$0x0] =	vst.idx.msk $0xffff, v16  }
0xcd: {  	v2 =	vld [tilespmem:$0x100];
	_ =	sdelay $0x7  }
0xce: {  	[tilespmem:v2+s8+$0x0] =	vst.idx.msk $0xffff, v17  }
0xcf: {  	v2 =	vld [tilespmem:$0x110];
	_ =	sdelay $0x7  }
0xd0: {  	[tilespmem:v2+s8+$0x0] =	vst.idx.msk $0xffff, v18  }
0xd1: {  	v2 =	vld [tilespmem:$0x120];
	_ =	sdelay $0x7  }
0xd2: {  	[tilespmem:v2+s8+$0x0] =	vst.idx.msk $0xffff, v19  }
0xd3: {  	v2 =	vld [tilespmem:$0x130];
	_ =	sdelay $0x7  }
0xd4: {  	[tilespmem:v2+s8+$0x0] =	vst.idx.msk $0xffff, v20  }
0xd5: {  	v2 =	vld [tilespmem:$0x140];
	_ =	sdelay $0x7  }
0xd6: {  	[tilespmem:v2+s8+$0x0] =	vst.idx.msk $0xffff, v21  }
0xd7: {  	v2 =	vld [tilespmem:$0x150];
	_ =	sdelay $0x7  }
0xd8: {  	[tilespmem:v2+s8+$0x0] =	vst.idx.msk $0xffff, v22  }
0xd9: {  	v2 =	vld [tilespmem:$0x160];
	_ =	sdelay $0x7  }
0xda: {  	[tilespmem:v2+s8+$0x0] =	vst.idx.msk $0xffff, v23  }
0xdb: {  	v2 =	vld [tilespmem:$0x170];
	_ =	sdelay $0x7  }
0xdc: {  	[tilespmem:v2+s8+$0x0] =	vst.idx.msk $0xffff, v24  }
0xdd: {  	v2 =	vld [tilespmem:$0x180];
	_ =	sdelay $0x7  }
0xde: {  	[tilespmem:v2+s8+$0x0] =	vst.idx.msk $0xffff, v25  }
0xdf: {  	v2 =	vld [tilespmem:$0x190];
	_ =	sdelay $0x7  }
0xe0: {  	[tilespmem:v2+s8+$0x0] =	vst.idx.msk $0xffff, v26  }
0xe1: {  	v2 =	vld [tilespmem:$0x1A0];
	_ =	sdelay $0x7  }
0xe2: {  	[tilespmem:v2+s8+$0x0] =	vst.idx.msk $0xffff, v27  }
0xe3: {  	v2 =	vld [tilespmem:$0x1B0];
	_ =	sdelay $0x7  }
0xe4: {  	[tilespmem:v2+s8+$0x0] =	vst.idx.msk $0xffff, v28  }
0xe5: {  	v2 =	vld [tilespmem:$0x1C0];
	_ =	sdelay $0x7  }
0xe6: {  	[tilespmem:v2+s8+$0x0] =	vst.idx.msk $0xffff, v29  }
0xe7: {  	v2 =	vld [tilespmem:$0x1D0];
	_ =	sdelay $0x7  }
0xe8: {  	[tilespmem:v2+s8+$0x0] =	vst.idx.msk $0xffff, v30  }
0xe9: {  	v2 =	vld [tilespmem:$0x1E0];
	_ =	sdelay $0x7  }
0xea: {  	[tilespmem:v2+s8+$0x0] =	vst.idx.msk $0xffff, v31  }
0xeb: {  	v2 =	vld [tilespmem:$0x1F0];
	_ =	sdelay $0x7  }
0xec: {  	[tilespmem:v2+s8+$0x0] =	vst.idx.msk $0xffff, v32  }
0xed: {  	v2 =	vld [tilespmem:$0x200];
	_ =	sdelay $0x7  }
0xee: {  	[tilespmem:v2+s8+$0x0] =	vst.idx.msk $0xffff, v33  }
0xef: {  	v2 =	vld [tilespmem:$0x210];
	_ =	sdelay $0x7  }
0xf0: {  	[tilespmem:v2+s8+$0x0] =	vst.idx.msk $0xffff, v34  }
0xf1: {  	v2 =	vld [tilespmem:$0x220];
	_ =	sdelay $0x7  }
0xf2: {  	[tilespmem:v2+s8+$0x0] =	vst.idx.msk $0xffff, v35  }
0xf3: {  	v2 =	vld [tilespmem:$0x230];
	_ =	sdelay $0x7  }
0xf4: {  	[tilespmem:v2+s8+$0x0] =	vst.idx.msk $0xffff, v36  }
0xf5: {  	v2 =	vld [tilespmem:$0x240];
	_ =	sdelay $0x7  }
0xf6: {  	[tilespmem:v2+s8+$0x0] =	vst.idx.msk $0xffff, v37  }
0xf7: {  	v2 =	vld [tilespmem:$0x250];
	_ =	sdelay $0x7  }
0xf8: {  	[tilespmem:v2+s8+$0x0] =	vst.idx.msk $0xffff, v38  }
0xf9: {  	v2 =	vld [tilespmem:$0x260];
	_ =	sdelay $0x7  }
0xfa: {  	[tilespmem:v2+s8+$0x0] =	vst.idx.msk $0xffff, v39  }
0xfb: {  	v2 =	vld [tilespmem:$0x270];
	_ =	sdelay $0x7  }
0xfc: {  	[tilespmem:v2+s8+$0x0] =	vst.idx.msk $0xffff, v40  }
0xfd: {  	v2 =	vld [tilespmem:$0x280];
	_ =	sdelay $0x7  }
0xfe: {  	[tilespmem:v2+s8+$0x0] =	vst.idx.msk $0xffff, v41  }
0xff: {  	v2 =	vld [tilespmem:$0x290];
	_ =	sdelay $0x7  }
0x100: {  	[tilespmem:v2+s8+$0x0] =	vst.idx.msk $0xffff, v42  }
0x101: {  	v2 =	vld [tilespmem:$0x2A0];
	_ =	sdelay $0x7  }
0x102: {  	[tilespmem:v2+s8+$0x0] =	vst.idx.msk $0xffff, v43  }
0x103: {  	v2 =	vld [tilespmem:$0x2B0];
	_ =	sdelay $0x7  }
0x104: {  	[tilespmem:v2+s8+$0x0] =	vst.idx.msk $0xffff, v44  }
0x105: {  	v2 =	vld [tilespmem:$0x2C0];
	_ =	sdelay $0x7  }
0x106: {  	[tilespmem:v2+s8+$0x0] =	vst.idx.msk $0xffff, v45  }
0x107: {  	v2 =	vld [tilespmem:$0x2D0];
	_ =	sdelay $0x7  }
0x108: {  	[tilespmem:v2+s8+$0x0] =	vst.idx.msk $0xffff, v46  }
0x109: {  	v2 =	vld [tilespmem:$0x2E0];
	_ =	sdelay $0x7  }
0x10a: {  	[tilespmem:v2+s8+$0x0] =	vst.idx.msk $0xffff, v47  }
0x10b: {  	v2 =	vld [tilespmem:$0x2F0];
	_ =	sdelay $0x7  }
0x10c: {  	[tilespmem:v2+s8+$0x0] =	vst.idx.msk $0xffff, v48  }
0x10d: {  	v2 =	vld [tilespmem:$0x300];
	_ =	sdelay $0x7  }
0x10e: {  	[tilespmem:v2+s8+$0x0] =	vst.idx.msk $0xffff, v49  }
0x10f: {  	v2 =	vld [tilespmem:$0x310];
	_ =	sdelay $0x7  }
0x110: {  	[tilespmem:v2+s8+$0x0] =	vst.idx.msk $0xffff, v50  }
0x111: {  	v2 =	vld [tilespmem:$0x320];
	_ =	sdelay $0x7  }
0x112: {  	[tilespmem:v2+s8+$0x0] =	vst.idx.msk $0xffff, v51  }
0x113: {  	v2 =	vld [tilespmem:$0x330];
	_ =	sdelay $0x7  }
0x114: {  	[tilespmem:v2+s8+$0x0] =	vst.idx.msk $0xffff, v52  }
0x115: {  	v2 =	vld [tilespmem:$0x340];
	_ =	sdelay $0x7  }
0x116: {  	[tilespmem:v2+s8+$0x0] =	vst.idx.msk $0xffff, v53  }
0x117: {  	v2 =	vld [tilespmem:$0x350];
	_ =	sdelay $0x7  }
0x118: {  	[tilespmem:v2+s8+$0x0] =	vst.idx.msk $0xffff, v54  }
0x119: {  	v2 =	vld [tilespmem:$0x360];
	_ =	sdelay $0x7  }
0x11a: {  	[tilespmem:v2+s8+$0x0] =	vst.idx.msk $0xffff, v55  }
0x11b: {  	v2 =	vld [tilespmem:$0x370];
	_ =	sdelay $0x7  }
0x11c: {  	[tilespmem:v2+s8+$0x0] =	vst.idx.msk $0xffff, v56  }
0x11d: {  	v2 =	vld [tilespmem:$0x380];
	_ =	sdelay $0x7  }
0x11e: {  	[tilespmem:v2+s8+$0x0] =	vst.idx.msk $0xffff, v57  }
0x11f: {  	v2 =	vld [tilespmem:$0x390];
	_ =	sdelay $0x7  }
0x120: {  	[tilespmem:v2+s8+$0x0] =	vst.idx.msk $0xffff, v58  }
0x121: {  	v2 =	vld [tilespmem:$0x3A0];
	_ =	sdelay $0x7  }
0x122: {  	[tilespmem:v2+s8+$0x0] =	vst.idx.msk $0xffff, v59  }
0x123: {  	v2 =	vld [tilespmem:$0x3B0];
	_ =	sdelay $0x7  }
0x124: {  	[tilespmem:v2+s8+$0x0] =	vst.idx.msk $0xffff, v60  }
0x125: {  	v2 =	vld [tilespmem:$0x3C0];
	_ =	sdelay $0x7  }
0x126: {  	[tilespmem:v2+s8+$0x0] =	vst.idx.msk $0xffff, v61  }
0x127: {  	v2 =	vld [tilespmem:$0x3D0];
	_ =	sdelay $0x7  }
0x128: {  	[tilespmem:v2+s8+$0x0] =	vst.idx.msk $0xffff, v62  }
0x129: {  	v2 =	vld [tilespmem:$0x3E0];
	_ =	sdelay $0x7  }
0x12a: {  	[tilespmem:v2+s8+$0x0] =	vst.idx.msk $0xffff, v63  }
0x12b: {  	v2 =	vld [tilespmem:$0x3F0];
	_ =	sdelay $0x6  }
0x12c: {  	v3 =	vor.u32 $0x1F8, v0  }
0x12d: {  	[tilespmem:v2+s8+$0x0] =	vst.idx.msk $0xffff, v3  }
0x12e: {  	v2 =	vld [tilespmem:$0x400];
	_ =	sdelay $0x6  }
0x12f: {  	v3 =	vor.u32 $0x200, v0  }
0x130: {  	[tilespmem:v2+s8+$0x0] =	vst.idx.msk $0xffff, v3  }
0x131: {  	v2 =	vld [tilespmem:$0x410];
	_ =	sdelay $0x6  }
0x132: {  	v3 =	vor.u32 $0x208, v0  }
0x133: {  	[tilespmem:v2+s8+$0x0] =	vst.idx.msk $0xffff, v3  }
0x134: {  	v2 =	vld [tilespmem:$0x420];
	_ =	sdelay $0x6  }
0x135: {  	v3 =	vor.u32 $0x210, v0  }
0x136: {  	[tilespmem:v2+s8+$0x0] =	vst.idx.msk $0xffff, v3  }
0x137: {  	v2 =	vld [tilespmem:$0x430];
	_ =	sdelay $0x6  }
0x138: {  	v3 =	vor.u32 $0x218, v0  }
0x139: {  	[tilespmem:v2+s8+$0x0] =	vst.idx.msk $0xffff, v3  }
0x13a: {  	v2 =	vld [tilespmem:$0x440];
	_ =	sdelay $0x6  }
0x13b: {  	v3 =	vor.u32 $0x220, v0  }
0x13c: {  	[tilespmem:v2+s8+$0x0] =	vst.idx.msk $0xffff, v3  }
0x13d: {  	v2 =	vld [tilespmem:$0x450];
	_ =	sdelay $0x6  }
0x13e: {  	v3 =	vor.u32 $0x228, v0  }
0x13f: {  	[tilespmem:v2+s8+$0x0] =	vst.idx.msk $0xffff, v3  }
0x140: {  	v2 =	vld [tilespmem:$0x460];
	_ =	sdelay $0x6  }
0x141: {  	v3 =	vor.u32 $0x230, v0  }
0x142: {  	[tilespmem:v2+s8+$0x0] =	vst.idx.msk $0xffff, v3  }
0x143: {  	v2 =	vld [tilespmem:$0x470];
	_ =	sdelay $0x6  }
0x144: {  	v3 =	vor.u32 $0x238, v0  }
0x145: {  	[tilespmem:v2+s8+$0x0] =	vst.idx.msk $0xffff, v3  }
0x146: {  	v2 =	vld [tilespmem:$0x480];
	_ =	sdelay $0x6  }
0x147: {  	v3 =	vor.u32 $0x240, v0  }
0x148: {  	[tilespmem:v2+s8+$0x0] =	vst.idx.msk $0xffff, v3  }
0x149: {  	v2 =	vld [tilespmem:$0x490];
	_ =	sdelay $0x6  }
0x14a: {  	v3 =	vor.u32 $0x248, v0  }
0x14b: {  	[tilespmem:v2+s8+$0x0] =	vst.idx.msk $0xffff, v3  }
0x14c: {  	v2 =	vld [tilespmem:$0x4A0];
	_ =	sdelay $0x6  }
0x14d: {  	v3 =	vor.u32 $0x250, v0  }
0x14e: {  	[tilespmem:v2+s8+$0x0] =	vst.idx.msk $0xffff, v3  }
0x14f: {  	v2 =	vld [tilespmem:$0x4B0];
	_ =	sdelay $0x6  }
0x150: {  	v3 =	vor.u32 $0x258, v0  }
0x151: {  	[tilespmem:v2+s8+$0x0] =	vst.idx.msk $0xffff, v3  }
0x152: {  	v2 =	vld [tilespmem:$0x4C0];
	_ =	sdelay $0x6  }
0x153: {  	v3 =	vor.u32 $0x260, v0  }
0x154: {  	[tilespmem:v2+s8+$0x0] =	vst.idx.msk $0xffff, v3  }
0x155: {  	v2 =	vld [tilespmem:$0x4D0];
	_ =	sdelay $0x6  }
0x156: {  	v3 =	vor.u32 $0x268, v0  }
0x157: {  	[tilespmem:v2+s8+$0x0] =	vst.idx.msk $0xffff, v3  }
0x158: {  	v2 =	vld [tilespmem:$0x4E0];
	_ =	sdelay $0x6  }
0x159: {  	v3 =	vor.u32 $0x270, v0  }
0x15a: {  	[tilespmem:v2+s8+$0x0] =	vst.idx.msk $0xffff, v3  }
0x15b: {  	v2 =	vld [tilespmem:$0x4F0];
	_ =	sdelay $0x6  }
0x15c: {  	v3 =	vor.u32 $0x278, v0  }
0x15d: {  	[tilespmem:v2+s8+$0x0] =	vst.idx.msk $0xffff, v3  }
0x15e: {  	v2 =	vld [tilespmem:$0x500];
	_ =	sdelay $0x6  }
0x15f: {  	v3 =	vor.u32 $0x280, v0  }
0x160: {  	[tilespmem:v2+s8+$0x0] =	vst.idx.msk $0xffff, v3  }
0x161: {  	v2 =	vld [tilespmem:$0x510];
	_ =	sdelay $0x6  }
0x162: {  	v3 =	vor.u32 $0x288, v0  }
0x163: {  	[tilespmem:v2+s8+$0x0] =	vst.idx.msk $0xffff, v3  }
0x164: {  	v2 =	vld [tilespmem:$0x520];
	_ =	sdelay $0x6  }
0x165: {  	v3 =	vor.u32 $0x290, v0  }
0x166: {  	[tilespmem:v2+s8+$0x0] =	vst.idx.msk $0xffff, v3  }
0x167: {  	v2 =	vld [tilespmem:$0x530];
	_ =	sdelay $0x6  }
0x168: {  	v3 =	vor.u32 $0x298, v0  }
0x169: {  	[tilespmem:v2+s8+$0x0] =	vst.idx.msk $0xffff, v3  }
0x16a: {  	v2 =	vld [tilespmem:$0x540];
	_ =	sdelay $0x6  }
0x16b: {  	v3 =	vor.u32 $0x2A0, v0  }
0x16c: {  	[tilespmem:v2+s8+$0x0] =	vst.idx.msk $0xffff, v3  }
0x16d: {  	v2 =	vld [tilespmem:$0x550];
	_ =	sdelay $0x6  }
0x16e: {  	v3 =	vor.u32 $0x2A8, v0  }
0x16f: {  	[tilespmem:v2+s8+$0x0] =	vst.idx.msk $0xffff, v3  }
0x170: {  	v2 =	vld [tilespmem:$0x560];
	_ =	sdelay $0x6  }
0x171: {  	v3 =	vor.u32 $0x2B0, v0  }
0x172: {  	[tilespmem:v2+s8+$0x0] =	vst.idx.msk $0xffff, v3  }
0x173: {  	v2 =	vld [tilespmem:$0x570];
	_ =	sdelay $0x6  }
0x174: {  	v3 =	vor.u32 $0x2B8, v0  }
0x175: {  	[tilespmem:v2+s8+$0x0] =	vst.idx.msk $0xffff, v3  }
0x176: {  	v2 =	vld [tilespmem:$0x580];
	_ =	sdelay $0x6  }
0x177: {  	v3 =	vor.u32 $0x2C0, v0  }
0x178: {  	[tilespmem:v2+s8+$0x0] =	vst.idx.msk $0xffff, v3  }
0x179: {  	v2 =	vld [tilespmem:$0x590];
	_ =	sdelay $0x6  }
0x17a: {  	v3 =	vor.u32 $0x2C8, v0  }
0x17b: {  	[tilespmem:v2+s8+$0x0] =	vst.idx.msk $0xffff, v3  }
0x17c: {  	v2 =	vld [tilespmem:$0x5A0];
	_ =	sdelay $0x6  }
0x17d: {  	v3 =	vor.u32 $0x2D0, v0  }
0x17e: {  	[tilespmem:v2+s8+$0x0] =	vst.idx.msk $0xffff, v3  }
0x17f: {  	v2 =	vld [tilespmem:$0x5B0];
	_ =	sdelay $0x6  }
0x180: {  	v3 =	vor.u32 $0x2D8, v0  }
0x181: {  	[tilespmem:v2+s8+$0x0] =	vst.idx.msk $0xffff, v3  }
0x182: {  	v2 =	vld [tilespmem:$0x5C0];
	_ =	sdelay $0x6  }
0x183: {  	v3 =	vor.u32 $0x2E0, v0  }
0x184: {  	[tilespmem:v2+s8+$0x0] =	vst.idx.msk $0xffff, v3  }
0x185: {  	v2 =	vld [tilespmem:$0x5D0];
	_ =	sdelay $0x6  }
0x186: {  	v3 =	vor.u32 $0x2E8, v0  }
0x187: {  	[tilespmem:v2+s8+$0x0] =	vst.idx.msk $0xffff, v3  }
0x188: {  	v2 =	vld [tilespmem:$0x5E0];
	_ =	sdelay $0x6  }
0x189: {  	v3 =	vor.u32 $0x2F0, v0  }
0x18a: {  	[tilespmem:v2+s8+$0x0] =	vst.idx.msk $0xffff, v3  }
0x18b: {  	v2 =	vld [tilespmem:$0x5F0];
	_ =	sdelay $0x6  }
0x18c: {  	v3 =	vor.u32 $0x2F8, v0  }
0x18d: {  	[tilespmem:v2+s8+$0x0] =	vst.idx.msk $0xffff, v3  }
0x18e: {  	v2 =	vld [tilespmem:$0x600];
	_ =	sdelay $0x6  }
0x18f: {  	v3 =	vor.u32 $0x300, v0  }
0x190: {  	[tilespmem:v2+s8+$0x0] =	vst.idx.msk $0xffff, v3  }
0x191: {  	v2 =	vld [tilespmem:$0x610];
	_ =	sdelay $0x6  }
0x192: {  	v3 =	vor.u32 $0x308, v0  }
0x193: {  	[tilespmem:v2+s8+$0x0] =	vst.idx.msk $0xffff, v3  }
0x194: {  	v2 =	vld [tilespmem:$0x620];
	_ =	sdelay $0x6  }
0x195: {  	v3 =	vor.u32 $0x310, v0  }
0x196: {  	[tilespmem:v2+s8+$0x0] =	vst.idx.msk $0xffff, v3  }
0x197: {  	v2 =	vld [tilespmem:$0x630];
	_ =	sdelay $0x6  }
0x198: {  	v3 =	vor.u32 $0x318, v0  }
0x199: {  	[tilespmem:v2+s8+$0x0] =	vst.idx.msk $0xffff, v3  }
0x19a: {  	v2 =	vld [tilespmem:$0x640];
	_ =	sdelay $0x6  }
0x19b: {  	v3 =	vor.u32 $0x320, v0  }
0x19c: {  	[tilespmem:v2+s8+$0x0] =	vst.idx.msk $0xffff, v3  }
0x19d: {  	v2 =	vld [tilespmem:$0x650];
	_ =	sdelay $0x6  }
0x19e: {  	v3 =	vor.u32 $0x328, v0  }
0x19f: {  	[tilespmem:v2+s8+$0x0] =	vst.idx.msk $0xffff, v3  }
0x1a0: {  	v2 =	vld [tilespmem:$0x660];
	_ =	sdelay $0x6  }
0x1a1: {  	v3 =	vor.u32 $0x330, v0  }
0x1a2: {  	[tilespmem:v2+s8+$0x0] =	vst.idx.msk $0xffff, v3  }
0x1a3: {  	v2 =	vld [tilespmem:$0x670];
	_ =	sdelay $0x6  }
0x1a4: {  	v3 =	vor.u32 $0x338, v0  }
0x1a5: {  	[tilespmem:v2+s8+$0x0] =	vst.idx.msk $0xffff, v3  }
0x1a6: {  	v2 =	vld [tilespmem:$0x680];
	_ =	sdelay $0x6  }
0x1a7: {  	v3 =	vor.u32 $0x340, v0  }
0x1a8: {  	[tilespmem:v2+s8+$0x0] =	vst.idx.msk $0xffff, v3  }
0x1a9: {  	v2 =	vld [tilespmem:$0x690];
	_ =	sdelay $0x6  }
0x1aa: {  	v3 =	vor.u32 $0x348, v0  }
0x1ab: {  	[tilespmem:v2+s8+$0x0] =	vst.idx.msk $0xffff, v3  }
0x1ac: {  	v2 =	vld [tilespmem:$0x6A0];
	_ =	sdelay $0x6  }
0x1ad: {  	v3 =	vor.u32 $0x350, v0  }
0x1ae: {  	[tilespmem:v2+s8+$0x0] =	vst.idx.msk $0xffff, v3  }
0x1af: {  	v2 =	vld [tilespmem:$0x6B0];
	_ =	sdelay $0x6  }
0x1b0: {  	v3 =	vor.u32 $0x358, v0  }
0x1b1: {  	[tilespmem:v2+s8+$0x0] =	vst.idx.msk $0xffff, v3  }
0x1b2: {  	v2 =	vld [tilespmem:$0x6C0];
	_ =	sdelay $0x6  }
0x1b3: {  	v3 =	vor.u32 $0x360, v0  }
0x1b4: {  	[tilespmem:v2+s8+$0x0] =	vst.idx.msk $0xffff, v3  }
0x1b5: {  	v2 =	vld [tilespmem:$0x6D0];
	_ =	sdelay $0x6  }
0x1b6: {  	v3 =	vor.u32 $0x368, v0  }
0x1b7: {  	[tilespmem:v2+s8+$0x0] =	vst.idx.msk $0xffff, v3  }
0x1b8: {  	v2 =	vld [tilespmem:$0x6E0];
	_ =	sdelay $0x6  }
0x1b9: {  	v3 =	vor.u32 $0x370, v0  }
0x1ba: {  	[tilespmem:v2+s8+$0x0] =	vst.idx.msk $0xffff, v3  }
0x1bb: {  	v2 =	vld [tilespmem:$0x6F0];
	_ =	sdelay $0x6  }
0x1bc: {  	v3 =	vor.u32 $0x378, v0  }
0x1bd: {  	[tilespmem:v2+s8+$0x0] =	vst.idx.msk $0xffff, v3  }
0x1be: {  	v2 =	vld [tilespmem:$0x700];
	_ =	sdelay $0x6  }
0x1bf: {  	v3 =	vor.u32 $0x380, v0  }
0x1c0: {  	[tilespmem:v2+s8+$0x0] =	vst.idx.msk $0xffff, v3  }
0x1c1: {  	v2 =	vld [tilespmem:$0x710];
	_ =	sdelay $0x6  }
0x1c2: {  	v3 =	vor.u32 $0x388, v0  }
0x1c3: {  	[tilespmem:v2+s8+$0x0] =	vst.idx.msk $0xffff, v3  }
0x1c4: {  	v2 =	vld [tilespmem:$0x720];
	_ =	sdelay $0x6  }
0x1c5: {  	v3 =	vor.u32 $0x390, v0  }
0x1c6: {  	[tilespmem:v2+s8+$0x0] =	vst.idx.msk $0xffff, v3  }
0x1c7: {  	v2 =	vld [tilespmem:$0x730];
	_ =	sdelay $0x6  }
0x1c8: {  	v3 =	vor.u32 $0x398, v0  }
0x1c9: {  	[tilespmem:v2+s8+$0x0] =	vst.idx.msk $0xffff, v3  }
0x1ca: {  	v2 =	vld [tilespmem:$0x740];
	_ =	sdelay $0x6  }
0x1cb: {  	v3 =	vor.u32 $0x3A0, v0  }
0x1cc: {  	[tilespmem:v2+s8+$0x0] =	vst.idx.msk $0xffff, v3  }
0x1cd: {  	v2 =	vld [tilespmem:$0x750];
	_ =	sdelay $0x6  }
0x1ce: {  	v3 =	vor.u32 $0x3A8, v0  }
0x1cf: {  	[tilespmem:v2+s8+$0x0] =	vst.idx.msk $0xffff, v3  }
0x1d0: {  	v2 =	vld [tilespmem:$0x760];
	_ =	sdelay $0x6  }
0x1d1: {  	v3 =	vor.u32 $0x3B0, v0  }
0x1d2: {  	[tilespmem:v2+s8+$0x0] =	vst.idx.msk $0xffff, v3  }
0x1d3: {  	v2 =	vld [tilespmem:$0x770];
	_ =	sdelay $0x6  }
0x1d4: {  	v3 =	vor.u32 $0x3B8, v0  }
0x1d5: {  	[tilespmem:v2+s8+$0x0] =	vst.idx.msk $0xffff, v3  }
0x1d6: {  	v2 =	vld [tilespmem:$0x780];
	_ =	sdelay $0x6  }
0x1d7: {  	v3 =	vor.u32 $0x3C0, v0  }
0x1d8: {  	[tilespmem:v2+s8+$0x0] =	vst.idx.msk $0xffff, v3  }
0x1d9: {  	v2 =	vld [tilespmem:$0x790];
	_ =	sdelay $0x6  }
0x1da: {  	v3 =	vor.u32 $0x3C8, v0  }
0x1db: {  	[tilespmem:v2+s8+$0x0] =	vst.idx.msk $0xffff, v3  }
0x1dc: {  	v2 =	vld [tilespmem:$0x7A0];
	_ =	sdelay $0x6  }
0x1dd: {  	v3 =	vor.u32 $0x3D0, v0  }
0x1de: {  	[tilespmem:v2+s8+$0x0] =	vst.idx.msk $0xffff, v3  }
0x1df: {  	v2 =	vld [tilespmem:$0x7B0];
	_ =	sdelay $0x6  }
0x1e0: {  	v3 =	vor.u32 $0x3D8, v0  }
0x1e1: {  	[tilespmem:v2+s8+$0x0] =	vst.idx.msk $0xffff, v3  }
0x1e2: {  	v2 =	vld [tilespmem:$0x7C0];
	_ =	sdelay $0x6  }
0x1e3: {  	v3 =	vor.u32 $0x3E0, v0  }
0x1e4: {  	[tilespmem:v2+s8+$0x0] =	vst.idx.msk $0xffff, v3  }
0x1e5: {  	v2 =	vld [tilespmem:$0x7D0];
	_ =	sdelay $0x6  }
0x1e6: {  	v3 =	vor.u32 $0x3E8, v0  }
0x1e7: {  	[tilespmem:v2+s8+$0x0] =	vst.idx.msk $0xffff, v3  }
0x1e8: {  	v2 =	vld [tilespmem:$0x7E0];
	_ =	sdelay $0x6  }
0x1e9: {  	v3 =	vor.u32 $0x3F0, v0  }
0x1ea: {  	[tilespmem:v2+s8+$0x0] =	vst.idx.msk $0xffff, v3  }
0x1eb: {  	v2 =	vld [tilespmem:$0x7F0];
	_ =	sdelay $0x6  }
0x1ec: {  	p0 =	sne.s32 s6, $0x1;
	v3 =	vor.u32 $0x3F8, v0  }
.Ltmp0:
0x1ed: {  	[tilespmem:v2+s8+$0x0] =	vst.idx.msk $0xffff, v3;
	(pc) =	sbr.rel @p0 .LBB2_1-.Ltmp0, $4  }
0x1ee: {  	[hbm4b:s4+s2] =	stream.linear.scatter [tilespmem:s5], [sflag:$0x2], $0x48, $0x38;
	[tilespmem:$0x1100] =	vst v63  }
0x1ef: {  	_ =	swait.ge [sflag:s9], $0x48  }
0x1f0: {  	[sflag:s9] =	ssyncset.done $0x0  }
0x1f1: {  	s6 =	sadd.s32 $0xFFFFFFFF, s6;
	[sflag:s9] =	ssyncadd.s32 $0xFFFFFFB8  }
0x1f2: {  	_ =	sfence.sel $0x180000  }
0x1f3: {  	[bflag:$0x0] =	sbarrier.arrive $0xFFFF  }
0x1f4: {  	p0 =	sne.s32 s0, $0x0;
	_ =	strace $0x90000047  }
0x1f5: {  	s0 =	sadd.s32 @!p0 $0x100000, s1;
	[bflag:$0x2] =	sbarrier.arrive $0xFFFF  }
0x1f6: {  	[sflag:s0] =	ssyncadd.tile.s32 @!p0 $0x1;
	_ =	shalt  }
.Lfunc_end2:
_tile_overlayer_lowered:
.L_overlay_start_2:
0x1f7: {  	(tag) =	ssettag $0x2  }
0x1f8: {  	s0 =	rddreg [dreg:$0x0];
	s2 =	stileid.u32  }
0x1f9: {  	s1 =	rddreg [dreg:$0x1];
	p0 =	sne.s32 s2, $0x0  }
0x1fa: {  	s3 =	rddreg [dreg:$0x2];
	[bflag:$0x3] =	sbarrier.arrive $0xFFFF;
	s2 =	simm.s32 @!p0 $0x1C02  }
0x1fb: {  	[timem:s3], [sflag:s2] =	dma.local @!p0 [hbm:s0], s1  }
0x1fc: {  	s0 =	simm.s32 @!p0 $0x2  }
0x1fd: {  	_ =	swait.ge @!p0 [sflag:s0], s1  }
0x1fe: {  	s1 =	ssub.s32 @!p0 $0x0, s1;
	[sflag:s0] =	ssyncset.done @!p0 $0x0  }
0x1ff: {  	[sflag:s0] =	ssyncadd.s32 @!p0 s1  }
0x200: {  	[bflag:$0x3] =	sbarrier.arrive $0xFFFF  }
0x201: {  	_ =	shalt  }

</sc_bundles>
